<compile_context>
chip_gen: v7x
topology: tpu7x:2x2x1
jax: 0.10.2.dev20260603
libtpu: 0.0.44.dev20260713+nightly
codegen_flags: <defaults>
</compile_context>

<pallas_src>
import jax
import jax.numpy as jnp
from jax import lax
from jax.experimental import pallas as pl
from jax.experimental.pallas import tpu as pltpu
from jax.experimental.pallas import tpu_sc as plsc

N = 10000
E = 320000
F = 128
NPAD = 8
W = 256
K = W // 128
NTILES = 16
E_PAD = 327680
NW = E_PAD // (W * NTILES)
DEGR = 10240
DCH = 2048

NHALF = N // 2
AGG_ROWS = 8192
TRASH = NHALF
TRASH_MOD = 3072

_mesh = lambda: plsc.VectorSubcoreMesh(
    core_axis_name="c", subcore_axis_name="s", num_cores=2, num_subcores=16)


def _deg_body(c2_hbm, deg_hbm, deg_sh, idx_v, ones_v, deg_v):
    c = lax.axis_index("c")
    s = lax.axis_index("s")

    def zv(i, carry):
        deg_v[pl.ds(i * 16, 16)] = jnp.zeros((16,), jnp.float32)
        return carry

    lax.fori_loop(0, DCH // 16, zv, 0)

    @pl.when(s == 0)
    def _zero():
        for i in range(DEGR // DCH):
            pltpu.sync_copy(deg_v, deg_sh.at[pl.ds(i * DCH, DCH)])

    for i in range(8):
        ones_v[pl.ds(i * 16, 16)] = jnp.full((16,), 1.0, jnp.float32)
    plsc.subcore_barrier()

    def body(k, carry):
        w = s * NW + k
        pltpu.sync_copy(c2_hbm.at[pl.ds(w * K, K)], idx_v)
        for j in range(K):
            pltpu.sync_copy(ones_v, deg_sh.at[idx_v.at[j]], add=True)
        return carry

    lax.fori_loop(0, NW, body, 0)
    plsc.subcore_barrier()

    @pl.when((s == 0) & (c == 0))
    def _out():
        for i in range(DEGR // DCH):
            pltpu.sync_copy(deg_sh.at[pl.ds(i * DCH, DCH)], deg_v)
            pltpu.sync_copy(deg_v, deg_hbm.at[pl.ds(i * DCH, DCH)])


def _deg_call(c2):
    return pl.kernel(
        _deg_body,
        out_type=jax.ShapeDtypeStruct((DEGR,), jnp.float32),
        mesh=_mesh(),
        scratch_types=[
            pltpu.VMEM_SHARED((DEGR,), jnp.float32),
            pltpu.VMEM((K, 128), jnp.int32),
            pltpu.VMEM((128,), jnp.float32),
            pltpu.VMEM((DCH,), jnp.float32),
        ],
    )(c2)


LFIX = 896
REGW = LFIX * NTILES
PV_LEN = 32 * REGW
PK = 8192
PBLK = 2048


def _part_body(r2_hbm, c2_hbm, pv_hbm, cnt_hbm,
               ps_sh, rbuf_v, cbuf_v, vstage_v, ostage_v, bounce_v, cnt_v):
    c = lax.axis_index("c")
    s = lax.axis_index("s")
    rid = c * NTILES + s
    base = c * NHALF
    sbase = s * REGW
    lanes = lax.iota(jnp.int32, 16)
    bvec = jnp.broadcast_to(sbase, (16,)) + lanes
    dumpv = jnp.full((16,), NTILES * REGW, jnp.int32) + lanes
    onev = jnp.full((16,), 1, jnp.int32)
    zerov = jnp.full((16,), 0, jnp.int32)

    def wbody(k, wpv):
        w = s * NW + k
        pltpu.sync_copy(r2_hbm.at[pl.ds(w * K, K)], rbuf_v)
        pltpu.sync_copy(c2_hbm.at[pl.ds(w * K, K)], cbuf_v)
        for j in range(K):
            for g in range(8):
                r16 = rbuf_v[j, pl.ds(g * 16, 16)]
                c16 = cbuf_v[j, pl.ds(g * 16, 16)]
                lc = c16 - base
                m = (lc >= 0) & (lc < NHALF)
                v = r16 * PK + lc
                wpc = jnp.minimum(wpv, LFIX - 1)
                off = jnp.where(m, wpc * 16 + bvec, dumpv)
                vstage_v[j, pl.ds(g * 16, 16)] = v
                ostage_v[j, pl.ds(g * 16, 16)] = off
                wpv = wpv + jnp.where(m, onev, zerov)
            pltpu.sync_copy(vstage_v.at[j], ps_sh.at[ostage_v.at[j]])
        return wpv

    wpv = lax.fori_loop(0, NW, wbody, zerov)
    wpf = jnp.minimum(wpv, LFIX)
    cnt_v[...] = wpf

    def cbody(i, carry):
        pltpu.sync_copy(ps_sh.at[pl.ds(sbase + i * PBLK, PBLK)], bounce_v)

        def pbody(p0, pvec):
            cur = bounce_v[pl.ds(p0 * 16, 16)]
            t = (pvec + lanes * 64) * PK + TRASH + ((pvec + lanes * 57) & 1023)
            bounce_v[pl.ds(p0 * 16, 16)] = jnp.where(pvec >= wpf, t, cur)
            return pvec + onev

        lax.fori_loop(0, PBLK // 16, pbody, jnp.broadcast_to(i * (PBLK // 16), (16,)))
        pltpu.sync_copy(bounce_v, pv_hbm.at[pl.ds(rid * REGW + i * PBLK, PBLK)])
        return carry

    lax.fori_loop(0, REGW // PBLK, cbody, 0)


def _part_call(r2, c2):
    return pl.kernel(
        _part_body,
        out_type=[
            jax.ShapeDtypeStruct((PV_LEN,), jnp.int32),
            jax.ShapeDtypeStruct((32, 16), jnp.int32),
        ],
        mesh=_mesh(),
        scratch_types=[
            pltpu.VMEM_SHARED((NTILES * REGW + 16,), jnp.int32),
            pltpu.VMEM((K, 128), jnp.int32),
            pltpu.VMEM((K, 128), jnp.int32),
            pltpu.VMEM((K, 128), jnp.int32),
            pltpu.VMEM((K, 128), jnp.int32),
            pltpu.VMEM((PBLK,), jnp.int32),
            pltpu.VMEM((16,), jnp.int32),
        ],
    )(r2, c2)


RZ = AGG_ROWS // NTILES
RO = 312
RO_TAIL = NHALF - RO * NTILES


CH = 128
NCHS = REGW // CH


def _prop_body(h_hbm, pv_hbm, out_hbm,
               agg_sh, pv_v, idxr_v, idxc_v, rows_v,
               sem_i, sem_g, sem_s):
    c = lax.axis_index("c")
    s = lax.axis_index("s")
    rid = c * NTILES + s
    rbase = rid * REGW
    nbase = c * NHALF

    def zv(i, carry):
        rows_v[0, i // 8, pl.ds((i % 8) * 16, 16)] = jnp.zeros((16,), jnp.float32)
        return carry

    lax.fori_loop(0, CH * 8, zv, 0)
    for i in range(RZ // CH):
        pltpu.sync_copy(rows_v.at[0], agg_sh.at[pl.ds(s * RZ + i * CH, CH)])
    plsc.subcore_barrier()

    def stage_idx(chunk, slot):
        pltpu.async_copy(pv_hbm.at[pl.ds(rbase + chunk * CH, CH)],
                         pv_v.at[slot], sem_i)

    def wait_idx2():
        for _ in range(2):
            pltpu.make_async_copy(pv_hbm.at[pl.ds(0, CH)], pv_v.at[0], sem_i).wait()

    def drain_scatter(slot):
        pltpu.make_async_copy(h_hbm.at[pl.ds(0, CH)], rows_v.at[slot], sem_s).wait()

    stage_idx(0, 0)
    stage_idx(1, 1)

    def body(g, carry):
        @pl.when(g > 0)
        def _drain():
            drain_scatter(0)
            drain_scatter(1)

        wait_idx2()

        for par in range(2):
            @pl.when(lax.rem(g, 2) == par)
            def _do(par=par):
                for b in range(2):
                    sl = 2 * par + b
                    ch = 2 * g + b
                    for v in range(8):
                        pk = pv_v[sl, pl.ds(v * 16, 16)]
                        idxr_v[sl, pl.ds(v * 16, 16)] = jnp.right_shift(pk, 13)
                        idxc_v[sl, pl.ds(v * 16, 16)] = jnp.bitwise_and(pk, PK - 1)
                    pltpu.async_copy(h_hbm.at[idxr_v.at[sl]], rows_v.at[b], sem_g)

                    @pl.when(ch + 2 < NCHS)
                    def _prefetch(ch=ch, sl=sl):
                        stage_idx(ch + 2, (sl + 2) % 4)

                for b in range(2):
                    sl = 2 * par + b
                    pltpu.make_async_copy(h_hbm.at[pl.ds(0, CH)], rows_v.at[b], sem_g).wait()
                    pltpu.async_copy(rows_v.at[b], agg_sh.at[idxc_v.at[sl]], sem_s, add=True)
        return carry

    lax.fori_loop(0, NCHS // 2, body, 0)
    drain_scatter(0)
    drain_scatter(1)
    plsc.subcore_barrier()

    pltpu.sync_copy(agg_sh.at[pl.ds(s * RO, RO)],
                    out_hbm.at[pl.ds(nbase + s * RO, RO)])

    @pl.when(s == 0)
    def _out_tail():
        t = RO * NTILES
        pltpu.sync_copy(agg_sh.at[pl.ds(t, RO_TAIL)],
                        out_hbm.at[pl.ds(nbase + t, RO_TAIL)])


def _prop_call(h, pv):
    return pl.kernel(
        _prop_body,
        out_type=jax.ShapeDtypeStruct((N, F), jnp.float32),
        mesh=_mesh(),
        scratch_types=[
            pltpu.VMEM_SHARED((AGG_ROWS, F), jnp.float32),
            pltpu.VMEM((4, 128), jnp.int32),
            pltpu.VMEM((4, 128), jnp.int32),
            pltpu.VMEM((4, 128), jnp.int32),
            pltpu.VMEM((2, CH, F), jnp.float32),
            pltpu.SemaphoreType.DMA,
            pltpu.SemaphoreType.DMA,
            pltpu.SemaphoreType.DMA,
        ],
    )(h, pv)


BN = 1000
GRID = N // BN


def _dis_of(deg):
    return jnp.where(deg > 0, lax.rsqrt(deg), 0.0)


def _layer_body(x_ref, agg_ref, rp_ref, deg_ref, wi_ref, wr_ref, b_ref,
                flag_ref, h_ref, r_ref):
    dis = _dis_of(deg_ref[...])
    prev = jnp.maximum(agg_ref[...] * dis + rp_ref[...], 0.0)
    o = jnp.where(flag_ref[0, 0] > 0, x_ref[...], prev)
    h_ref[...] = jnp.dot(o, wi_ref[...], preferred_element_type=jnp.float32) * dis
    r_ref[...] = jnp.dot(o, wr_ref[...], preferred_element_type=jnp.float32) + b_ref[...]


def _layer_call(x, agg, rp, deg2, wi, wr, b, flag):
    return pl.pallas_call(
        _layer_body,
        grid=(GRID,),
        in_specs=[
            pl.BlockSpec((BN, F), lambda i: (i, 0)),
            pl.BlockSpec((BN, F), lambda i: (i, 0)),
            pl.BlockSpec((BN, F), lambda i: (i, 0)),
            pl.BlockSpec((BN, 1), lambda i: (i, 0)),
            pl.BlockSpec((F, F), lambda i: (0, 0)),
            pl.BlockSpec((F, F), lambda i: (0, 0)),
            pl.BlockSpec((1, F), lambda i: (0, 0)),
            pl.BlockSpec((1, 1), lambda i: (0, 0)),
        ],
        out_specs=[
            pl.BlockSpec((BN, F), lambda i: (i, 0)),
            pl.BlockSpec((BN, F), lambda i: (i, 0)),
        ],
        out_shape=[
            jax.ShapeDtypeStruct((N, F), jnp.float32),
            jax.ShapeDtypeStruct((N, F), jnp.float32),
        ],
    )(x, agg, rp, deg2, wi, wr, b, flag)


def _final_body(agg_ref, rp_ref, deg_ref, out_ref):
    dis = _dis_of(deg_ref[...])
    out_ref[...] = jnp.maximum(agg_ref[...] * dis + rp_ref[...], 0.0)


def _final_call(agg, rp, deg2):
    return pl.pallas_call(
        _final_body,
        grid=(GRID,),
        in_specs=[
            pl.BlockSpec((BN, F), lambda i: (i, 0)),
            pl.BlockSpec((BN, F), lambda i: (i, 0)),
            pl.BlockSpec((BN, 1), lambda i: (i, 0)),
        ],
        out_specs=pl.BlockSpec((BN, F), lambda i: (i, 0)),
        out_shape=jax.ShapeDtypeStruct((N, F), jnp.float32),
    )(agg, rp, deg2)


def kernel(x, edge_index, w_init1, w_root1, b1, w_init2, w_root2, b2,
           w_init3, w_root3, b3):
    row = edge_index[0].astype(jnp.int32)
    col = edge_index[1].astype(jnp.int32)
    npad = E_PAD - E
    pad_r = jnp.arange(npad, dtype=jnp.int32) % 16
    pad_c = N + jnp.arange(npad, dtype=jnp.int32) % NPAD
    r2 = jnp.concatenate([row, pad_r]).reshape(-1, 128)
    c2 = jnp.concatenate([col, pad_c]).reshape(-1, 128)

    deg = _deg_call(c2)
    deg2 = deg[:N].reshape(N, 1)
    pv, cnt = _part_call(r2, c2)

    wi_s = jnp.stack([w_init1, w_init2, w_init3])
    wr_s = jnp.stack([w_root1, w_root2, w_root3])
    b_s = jnp.stack([b1, b2, b3]).reshape(3, 1, F)
    flag_s = jnp.array([1.0, 0.0, 0.0], jnp.float32).reshape(3, 1, 1)

    def step(carry, ws):
        agg, r = carry
        wi, wr, b, flag = ws
        h, r_next = _layer_call(x, agg, r, deg2, wi, wr, b, flag)
        agg_next = _prop_call(h, pv)
        return (agg_next, r_next), 0.0

    init = (jnp.zeros((N, F), jnp.float32), jnp.zeros((N, F), jnp.float32))
    (agg, r), _ = lax.scan(step, init, (wi_s, wr_s, b_s, flag_s))
    return _final_call(agg, r, deg2)

# --- scband reference (transcript-rebuilt; emitter-appended) ---
"""Pipeline reference for scband-armax-50371376447892 (READ-ONLY COPY).

The authoritative reference and input builder live on the scoring server;
editing this copy changes nothing except your own understanding.
"""

import jax, jax.numpy as jnp
import numpy as np

N = 10000
E = 320000
NFEAT = 128
NHID = 128
NCLASS = 128


def _gcn_norm(edge_index, num_nodes):
    # PyG gcn_norm with add_self_loops=False, edge_weight=ones
    row, col = edge_index[0], edge_index[1]
    ew = jnp.ones((edge_index.shape[1],), dtype=jnp.float32)
    deg = jax.ops.segment_sum(ew, col, num_segments=num_nodes)
    deg_inv_sqrt = jnp.where(deg > 0, deg ** -0.5, 0.0)
    return deg_inv_sqrt[row] * ew * deg_inv_sqrt[col]


def _arma_conv(x, edge_index, norm, w_init, w_root, b):
    # ARMAConv with num_stacks=1, num_layers=1, act=ReLU, internal dropout=0:
    # out = ReLU( A_hat @ (x W_init) + x W_root + b ); mean over singleton stack = identity
    row, col = edge_index[0], edge_index[1]
    h = x @ w_init
    msg = norm[:, None] * h[row]
    agg = jax.ops.segment_sum(msg, col, num_segments=x.shape[0])
    out = agg + x @ w_root + b
    return jax.nn.relu(out)


def setup_inputs(seed: int = 0) -> dict:
    key = jax.random.key(seed)
    ks = jax.random.split(key, 12)
    x = jax.random.normal(ks[0], (N, NFEAT), dtype=jnp.float32)
    edge_index = jax.random.randint(ks[1], (2, E), 0, N, dtype=jnp.int32)
    s1 = 1.0 / np.sqrt(NFEAT)
    s2 = 1.0 / np.sqrt(NHID)
    return {
        "x": x,
        "edge_index": edge_index,
        "w_init1": jax.random.normal(ks[2], (NFEAT, NHID), dtype=jnp.float32) * s1,
        "w_root1": jax.random.normal(ks[3], (NFEAT, NHID), dtype=jnp.float32) * s1,
        "b1": jnp.zeros((NHID,), dtype=jnp.float32),
        "w_init2": jax.random.normal(ks[4], (NHID, NHID), dtype=jnp.float32) * s2,
        "w_root2": jax.random.normal(ks[5], (NHID, NHID), dtype=jnp.float32) * s2,
        "b2": jnp.zeros((NHID,), dtype=jnp.float32),
        "w_init3": jax.random.normal(ks[6], (NHID, NCLASS), dtype=jnp.float32) * s2,
        "w_root3": jax.random.normal(ks[7], (NHID, NCLASS), dtype=jnp.float32) * s2,
        "b3": jnp.zeros((NCLASS,), dtype=jnp.float32),
    }


def reference(x, edge_index, w_init1, w_root1, b1, w_init2, w_root2, b2, w_init3, w_root3, b3):
    norm = _gcn_norm(edge_index, x.shape[0])
    # conv1 (+ outer F.relu, idempotent after internal ReLU)
    h = jax.nn.relu(_arma_conv(x, edge_index, norm, w_init1, w_root1, b1))
    # dropout (eval mode -> identity), convx[0]
    h = _arma_conv(h, edge_index, norm, w_init2, w_root2, b2)
    # dropout (eval mode -> identity), conv2
    out = _arma_conv(h, edge_index, norm, w_init3, w_root3, b3)
    return out

if __name__ == "__main__":
    import jax
    _d = setup_inputs()
    print(jax.jit(kernel)(*tuple(_d.values())))

</pallas_src>

<mosaic_0001>
#map = affine_map<(d0, d1) -> (0, 0)>
#map1 = affine_map<(d0, d1) -> (0)>
module attributes {stable_mosaic.version = 14 : i64} {
  func.func @_prop_body(%arg0: i32, %arg1: i32, %arg2: memref<10000x128xf32, #tpu.memory_space<hbm>>, %arg3: memref<458752xi32, #tpu.memory_space<hbm>>, %arg4: memref<10000x128xf32, #tpu.memory_space<hbm>>, %arg5: memref<8192x128xf32, #tpu.memory_space<vmem_shared>>, %arg6: memref<4x128xi32, #tpu.memory_space<vmem>>, %arg7: memref<4x128xi32, #tpu.memory_space<vmem>>, %arg8: memref<4x128xi32, #tpu.memory_space<vmem>>, %arg9: memref<2x128x128xf32, #tpu.memory_space<vmem>>, %arg10: memref<!tpu.dma_semaphore, #tpu.memory_space<semaphore_mem>>, %arg11: memref<!tpu.dma_semaphore, #tpu.memory_space<semaphore_mem>>, %arg12: memref<!tpu.dma_semaphore, #tpu.memory_space<semaphore_mem>>) attributes {dimension_semantics = [#tpu.dimension_semantics<core_parallel>, #tpu.dimension_semantics<subcore_parallel>], iteration_bounds = array<i64: 2, 16>, scalar_prefetch = 0 : i64, scratch_operands = 8 : i64, tpu.core_type = #tpu.core_type<sc_vector_subcore>, window_params = [{transform_indices = #map}, {transform_indices = #map1}, {transform_indices = #map}]} {
    %mul3A = arith.constant 16 : i32
    %mul3A_0 = arith.muli %arg0, %mul3A : i32
    %add3A = arith.addi %mul3A_0, %arg1 : i32
    %mul3A_1 = arith.constant 14336 : i32
    %mul3A_2 = arith.muli %add3A, %mul3A_1 : i32
    %mul3A_3 = arith.constant 5000 : i32
    %mul3A_4 = arith.muli %arg0, %mul3A_3 : i32
    %scan3A = arith.constant 0 : i32
    %scan3A_5 = arith.constant 0 : i32
    %scan3A_6 = arith.constant 1024 : i32
    %scan3A_7 = arith.addi %scan3A_5, %scan3A_6 : i32
    %scan3A_8 = arith.constant 1 : i32
    scf.for %scan3A_93 = %scan3A_5 to %scan3A_7 step %scan3A_8  : i32 {
      %broadcast_in_dim3A = arith.constant 0.000000e+00 : f32
      %broadcast_in_dim3A_94 = vector.broadcast %broadcast_in_dim3A : f32 to vector<16xf32>
      %jit3A = arith.constant 8 : i32
      %div3A = arith.divsi %scan3A_93, %jit3A : i32
      %sign3A = arith.constant 0 : i32
      %sign3A_95 = arith.cmpi sgt, %scan3A_93, %sign3A : i32
      %sign3A_96 = arith.extui %sign3A_95 : i1 to i32
      %sign3A_97 = arith.constant 0 : i32
      %sign3A_98 = arith.cmpi slt, %scan3A_93, %sign3A_97 : i32
      %sign3A_99 = arith.extui %sign3A_98 : i1 to i32
      %sign3A_100 = arith.subi %sign3A_96, %sign3A_99 : i32
      %sign3A_101 = arith.constant 0 : i32
      %sign3A_102 = arith.cmpi sgt, %jit3A, %sign3A_101 : i32
      %sign3A_103 = arith.extui %sign3A_102 : i1 to i32
      %sign3A_104 = arith.constant 0 : i32
      %sign3A_105 = arith.cmpi slt, %jit3A, %sign3A_104 : i32
      %sign3A_106 = arith.extui %sign3A_105 : i1 to i32
      %sign3A_107 = arith.subi %sign3A_103, %sign3A_106 : i32
      %ne3A = arith.cmpi ne, %sign3A_100, %sign3A_107 : i32
      %rem3A = arith.remsi %scan3A_93, %jit3A : i32
      %ne3A_108 = arith.constant 0 : i32
      %ne3A_109 = arith.cmpi ne, %rem3A, %ne3A_108 : i32
      %and3A = arith.andi %ne3A, %ne3A_109 : i1
      %sub3A = arith.constant 1 : i32
      %sub3A_110 = arith.subi %div3A, %sub3A : i32
      %select_n3A = arith.select %and3A, %sub3A_110, %div3A : i32
      %jit3A_111 = arith.constant 8 : i32
      %eq3A_112 = arith.constant 0 : i32
      %eq3A_113 = arith.cmpi eq, %jit3A_111, %eq3A_112 : i32
      %jit3A_114 = arith.constant 1 : i32
      %select_n3A_115 = arith.select %eq3A_113, %jit3A_114, %jit3A_111 : i32
      %rem3A_116 = arith.remsi %scan3A_93, %select_n3A_115 : i32
      %ne3A_117 = arith.constant 0 : i32
      %ne3A_118 = arith.cmpi ne, %rem3A_116, %ne3A_117 : i32
      %lt3A = arith.constant 0 : i32
      %lt3A_119 = arith.cmpi slt, %rem3A_116, %lt3A : i32
      %lt3A_120 = arith.constant 0 : i32
      %lt3A_121 = arith.cmpi slt, %select_n3A_115, %lt3A_120 : i32
      %ne3A_122 = arith.xori %lt3A_119, %lt3A_121 : i1
      %and3A_123 = arith.andi %ne3A_122, %ne3A_118 : i1
      %add3A_124 = arith.addi %rem3A_116, %select_n3A_115 : i32
      %select_n3A_125 = arith.select %and3A_123, %add3A_124, %rem3A_116 : i32
      %mul3A_126 = arith.constant 16 : i32
      %mul3A_127 = arith.muli %select_n3A_125, %mul3A_126 : i32
      %swap3A = arith.constant 0 : i32
      %swap3A_128 = arith.index_cast %swap3A : i32 to index
      %swap3A_129 = arith.index_cast %select_n3A : i32 to index
      %swap3A_130 = arith.index_cast %mul3A_127 : i32 to index
      %swap3A_131 = tpu.vector_load %arg9[%swap3A_128, %swap3A_129, %swap3A_130] {strides = array<i32>} : memref<2x128x128xf32, #tpu.memory_space<vmem>>, vector<1x1x16xf32>,
      %swap3A_132 = vector.shape_cast %swap3A_131 : vector<1x1x16xf32> to vector<16xf32>
      %swap3A_133 = vector.shape_cast %broadcast_in_dim3A_94 : vector<16xf32> to vector<1x1x16xf32>
      tpu.vector_store %arg9[%swap3A_128, %swap3A_129, %swap3A_130], %swap3A_133 {strides = array<i32>} : memref<2x128x128xf32, #tpu.memory_space<vmem>>, vector<1x1x16xf32>,
    }
    %scan3A_9 = arith.constant 1024 : i32
    %mul3A_10 = arith.constant 512 : i32
    %mul3A_11 = arith.muli %arg1, %mul3A_10 : i32
    %add3A_12 = arith.constant 0 : i32
    %add3A_13 = arith.addi %mul3A_11, %add3A_12 : i32
    %run_scoped3A = arith.constant 0 : i32
    "tpu.region"() ({
      %run_scoped3A_93 = tpu.sem_alloc : memref<!tpu.dma_semaphore, #tpu.memory_space<semaphore_mem>>
      %dma_start3A_94 = arith.constant 0 : i32
      %dma_start3A_95 = arith.constant 0 : i32
      %dma_start3A_96 = tpu.memref_slice %arg9[%run_scoped3A, %dma_start3A_94, %dma_start3A_95] : memref<2x128x128xf32, #tpu.memory_space<vmem>> -> memref<1x128x128xf32, #tpu.memory_space<vmem>>
      %dma_start3A_97 = tpu.memref_squeeze %dma_start3A_96 : memref<1x128x128xf32, #tpu.memory_space<vmem>> -> memref<128x128xf32, #tpu.memory_space<vmem>>
      %dma_start3A_98 = arith.constant 0 : i32
      %dma_start3A_99 = tpu.memref_slice %arg5[%add3A_13, %dma_start3A_98] : memref<8192x128xf32, #tpu.memory_space<vmem_shared>> -> memref<128x128xf32, #tpu.memory_space<vmem_shared>>
      %dma_start3A_100 = arith.constant 0 : i32
      %dma_start3A_101 = tpu.memref_slice %arg5[%add3A_13, %dma_start3A_100] : memref<8192x128xf32, #tpu.memory_space<vmem_shared>> -> memref<128x128xf32, #tpu.memory_space<vmem_shared>>
      %dma_start3A_102 = arith.constant 0 : i32
      %dma_start3A_103 = arith.constant 0 : i32
      %dma_start3A_104 = tpu.memref_slice %arg9[%run_scoped3A, %dma_start3A_102, %dma_start3A_103] : memref<2x128x128xf32, #tpu.memory_space<vmem>> -> memref<1x128x128xf32, #tpu.memory_space<vmem>>
      %dma_start3A_105 = tpu.memref_squeeze %dma_start3A_104 : memref<1x128x128xf32, #tpu.memory_space<vmem>> -> memref<128x128xf32, #tpu.memory_space<vmem>>
      tpu.enqueue_dma source(%dma_start3A_105 : memref<128x128xf32, #tpu.memory_space<vmem>>) target(%dma_start3A_101 : memref<128x128xf32, #tpu.memory_space<vmem_shared>>) target_semaphore(%run_scoped3A_93 : memref<!tpu.dma_semaphore, #tpu.memory_space<semaphore_mem>>)
      %dma_wait3A_106 = arith.constant 0 : i32
      %dma_wait3A_107 = arith.constant 0 : i32
      %dma_wait3A_108 = tpu.memref_slice %arg9[%run_scoped3A, %dma_wait3A_106, %dma_wait3A_107] : memref<2x128x128xf32, #tpu.memory_space<vmem>> -> memref<1x128x128xf32, #tpu.memory_space<vmem>>
      %dma_wait3A_109 = tpu.memref_squeeze %dma_wait3A_108 : memref<1x128x128xf32, #tpu.memory_space<vmem>> -> memref<128x128xf32, #tpu.memory_space<vmem>>
      %dma_wait3A_110 = arith.constant 0 : i32
      %dma_wait3A_111 = tpu.memref_slice %arg5[%add3A_13, %dma_wait3A_110] : memref<8192x128xf32, #tpu.memory_space<vmem_shared>> -> memref<128x128xf32, #tpu.memory_space<vmem_shared>>
      %dma_wait3A_112 = arith.constant 0 : i32
      %dma_wait3A_113 = tpu.memref_slice %arg5[%add3A_13, %dma_wait3A_112] : memref<8192x128xf32, #tpu.memory_space<vmem_shared>> -> memref<128x128xf32, #tpu.memory_space<vmem_shared>>
      %dma_wait3A_114 = arith.constant 0 : i32
      %dma_wait3A_115 = arith.constant 0 : i32
      %dma_wait3A_116 = tpu.memref_slice %arg9[%run_scoped3A, %dma_wait3A_114, %dma_wait3A_115] : memref<2x128x128xf32, #tpu.memory_space<vmem>> -> memref<1x128x128xf32, #tpu.memory_space<vmem>>
      %dma_wait3A_117 = tpu.memref_squeeze %dma_wait3A_116 : memref<1x128x128xf32, #tpu.memory_space<vmem>> -> memref<128x128xf32, #tpu.memory_space<vmem>>
      tpu.wait_dma2 semaphore(%run_scoped3A_93 : memref<!tpu.dma_semaphore, #tpu.memory_space<semaphore_mem>>) src(%dma_wait3A_117 : memref<128x128xf32, #tpu.memory_space<vmem>>) dst(%dma_wait3A_113 : memref<128x128xf32, #tpu.memory_space<vmem_shared>>)
      tpu.yield
    }) : () -> ()
    %mul3A_14 = arith.constant 512 : i32
    %mul3A_15 = arith.muli %arg1, %mul3A_14 : i32
    %add3A_16 = arith.constant 128 : i32
    %add3A_17 = arith.addi %mul3A_15, %add3A_16 : i32
    %run_scoped3A_18 = arith.constant 0 : i32
    "tpu.region"() ({
      %run_scoped3A_93 = tpu.sem_alloc : memref<!tpu.dma_semaphore, #tpu.memory_space<semaphore_mem>>
      %dma_start3A_94 = arith.constant 0 : i32
      %dma_start3A_95 = arith.constant 0 : i32
      %dma_start3A_96 = tpu.memref_slice %arg9[%run_scoped3A_18, %dma_start3A_94, %dma_start3A_95] : memref<2x128x128xf32, #tpu.memory_space<vmem>> -> memref<1x128x128xf32, #tpu.memory_space<vmem>>
      %dma_start3A_97 = tpu.memref_squeeze %dma_start3A_96 : memref<1x128x128xf32, #tpu.memory_space<vmem>> -> memref<128x128xf32, #tpu.memory_space<vmem>>
      %dma_start3A_98 = arith.constant 0 : i32
      %dma_start3A_99 = tpu.memref_slice %arg5[%add3A_17, %dma_start3A_98] : memref<8192x128xf32, #tpu.memory_space<vmem_shared>> -> memref<128x128xf32, #tpu.memory_space<vmem_shared>>
      %dma_start3A_100 = arith.constant 0 : i32
      %dma_start3A_101 = tpu.memref_slice %arg5[%add3A_17, %dma_start3A_100] : memref<8192x128xf32, #tpu.memory_space<vmem_shared>> -> memref<128x128xf32, #tpu.memory_space<vmem_shared>>
      %dma_start3A_102 = arith.constant 0 : i32
      %dma_start3A_103 = arith.constant 0 : i32
      %dma_start3A_104 = tpu.memref_slice %arg9[%run_scoped3A_18, %dma_start3A_102, %dma_start3A_103] : memref<2x128x128xf32, #tpu.memory_space<vmem>> -> memref<1x128x128xf32, #tpu.memory_space<vmem>>
      %dma_start3A_105 = tpu.memref_squeeze %dma_start3A_104 : memref<1x128x128xf32, #tpu.memory_space<vmem>> -> memref<128x128xf32, #tpu.memory_space<vmem>>
      tpu.enqueue_dma source(%dma_start3A_105 : memref<128x128xf32, #tpu.memory_space<vmem>>) target(%dma_start3A_101 : memref<128x128xf32, #tpu.memory_space<vmem_shared>>) target_semaphore(%run_scoped3A_93 : memref<!tpu.dma_semaphore, #tpu.memory_space<semaphore_mem>>)
      %dma_wait3A_106 = arith.constant 0 : i32
      %dma_wait3A_107 = arith.constant 0 : i32
      %dma_wait3A_108 = tpu.memref_slice %arg9[%run_scoped3A_18, %dma_wait3A_106, %dma_wait3A_107] : memref<2x128x128xf32, #tpu.memory_space<vmem>> -> memref<1x128x128xf32, #tpu.memory_space<vmem>>
      %dma_wait3A_109 = tpu.memref_squeeze %dma_wait3A_108 : memref<1x128x128xf32, #tpu.memory_space<vmem>> -> memref<128x128xf32, #tpu.memory_space<vmem>>
      %dma_wait3A_110 = arith.constant 0 : i32
      %dma_wait3A_111 = tpu.memref_slice %arg5[%add3A_17, %dma_wait3A_110] : memref<8192x128xf32, #tpu.memory_space<vmem_shared>> -> memref<128x128xf32, #tpu.memory_space<vmem_shared>>
      %dma_wait3A_112 = arith.constant 0 : i32
      %dma_wait3A_113 = tpu.memref_slice %arg5[%add3A_17, %dma_wait3A_112] : memref<8192x128xf32, #tpu.memory_space<vmem_shared>> -> memref<128x128xf32, #tpu.memory_space<vmem_shared>>
      %dma_wait3A_114 = arith.constant 0 : i32
      %dma_wait3A_115 = arith.constant 0 : i32
      %dma_wait3A_116 = tpu.memref_slice %arg9[%run_scoped3A_18, %dma_wait3A_114, %dma_wait3A_115] : memref<2x128x128xf32, #tpu.memory_space<vmem>> -> memref<1x128x128xf32, #tpu.memory_space<vmem>>
      %dma_wait3A_117 = tpu.memref_squeeze %dma_wait3A_116 : memref<1x128x128xf32, #tpu.memory_space<vmem>> -> memref<128x128xf32, #tpu.memory_space<vmem>>
      tpu.wait_dma2 semaphore(%run_scoped3A_93 : memref<!tpu.dma_semaphore, #tpu.memory_space<semaphore_mem>>) src(%dma_wait3A_117 : memref<128x128xf32, #tpu.memory_space<vmem>>) dst(%dma_wait3A_113 : memref<128x128xf32, #tpu.memory_space<vmem_shared>>)
      tpu.yield
    }) : () -> ()
    %mul3A_19 = arith.constant 512 : i32
    %mul3A_20 = arith.muli %arg1, %mul3A_19 : i32
    %add3A_21 = arith.constant 256 : i32
    %add3A_22 = arith.addi %mul3A_20, %add3A_21 : i32
    %run_scoped3A_23 = arith.constant 0 : i32
    "tpu.region"() ({
      %run_scoped3A_93 = tpu.sem_alloc : memref<!tpu.dma_semaphore, #tpu.memory_space<semaphore_mem>>
      %dma_start3A_94 = arith.constant 0 : i32
      %dma_start3A_95 = arith.constant 0 : i32
      %dma_start3A_96 = tpu.memref_slice %arg9[%run_scoped3A_23, %dma_start3A_94, %dma_start3A_95] : memref<2x128x128xf32, #tpu.memory_space<vmem>> -> memref<1x128x128xf32, #tpu.memory_space<vmem>>
      %dma_start3A_97 = tpu.memref_squeeze %dma_start3A_96 : memref<1x128x128xf32, #tpu.memory_space<vmem>> -> memref<128x128xf32, #tpu.memory_space<vmem>>
      %dma_start3A_98 = arith.constant 0 : i32
      %dma_start3A_99 = tpu.memref_slice %arg5[%add3A_22, %dma_start3A_98] : memref<8192x128xf32, #tpu.memory_space<vmem_shared>> -> memref<128x128xf32, #tpu.memory_space<vmem_shared>>
      %dma_start3A_100 = arith.constant 0 : i32
      %dma_start3A_101 = tpu.memref_slice %arg5[%add3A_22, %dma_start3A_100] : memref<8192x128xf32, #tpu.memory_space<vmem_shared>> -> memref<128x128xf32, #tpu.memory_space<vmem_shared>>
      %dma_start3A_102 = arith.constant 0 : i32
      %dma_start3A_103 = arith.constant 0 : i32
      %dma_start3A_104 = tpu.memref_slice %arg9[%run_scoped3A_23, %dma_start3A_102, %dma_start3A_103] : memref<2x128x128xf32, #tpu.memory_space<vmem>> -> memref<1x128x128xf32, #tpu.memory_space<vmem>>
      %dma_start3A_105 = tpu.memref_squeeze %dma_start3A_104 : memref<1x128x128xf32, #tpu.memory_space<vmem>> -> memref<128x128xf32, #tpu.memory_space<vmem>>
      tpu.enqueue_dma source(%dma_start3A_105 : memref<128x128xf32, #tpu.memory_space<vmem>>) target(%dma_start3A_101 : memref<128x128xf32, #tpu.memory_space<vmem_shared>>) target_semaphore(%run_scoped3A_93 : memref<!tpu.dma_semaphore, #tpu.memory_space<semaphore_mem>>)
      %dma_wait3A_106 = arith.constant 0 : i32
      %dma_wait3A_107 = arith.constant 0 : i32
      %dma_wait3A_108 = tpu.memref_slice %arg9[%run_scoped3A_23, %dma_wait3A_106, %dma_wait3A_107] : memref<2x128x128xf32, #tpu.memory_space<vmem>> -> memref<1x128x128xf32, #tpu.memory_space<vmem>>
      %dma_wait3A_109 = tpu.memref_squeeze %dma_wait3A_108 : memref<1x128x128xf32, #tpu.memory_space<vmem>> -> memref<128x128xf32, #tpu.memory_space<vmem>>
      %dma_wait3A_110 = arith.constant 0 : i32
      %dma_wait3A_111 = tpu.memref_slice %arg5[%add3A_22, %dma_wait3A_110] : memref<8192x128xf32, #tpu.memory_space<vmem_shared>> -> memref<128x128xf32, #tpu.memory_space<vmem_shared>>
      %dma_wait3A_112 = arith.constant 0 : i32
      %dma_wait3A_113 = tpu.memref_slice %arg5[%add3A_22, %dma_wait3A_112] : memref<8192x128xf32, #tpu.memory_space<vmem_shared>> -> memref<128x128xf32, #tpu.memory_space<vmem_shared>>
      %dma_wait3A_114 = arith.constant 0 : i32
      %dma_wait3A_115 = arith.constant 0 : i32
      %dma_wait3A_116 = tpu.memref_slice %arg9[%run_scoped3A_23, %dma_wait3A_114, %dma_wait3A_115] : memref<2x128x128xf32, #tpu.memory_space<vmem>> -> memref<1x128x128xf32, #tpu.memory_space<vmem>>
      %dma_wait3A_117 = tpu.memref_squeeze %dma_wait3A_116 : memref<1x128x128xf32, #tpu.memory_space<vmem>> -> memref<128x128xf32, #tpu.memory_space<vmem>>
      tpu.wait_dma2 semaphore(%run_scoped3A_93 : memref<!tpu.dma_semaphore, #tpu.memory_space<semaphore_mem>>) src(%dma_wait3A_117 : memref<128x128xf32, #tpu.memory_space<vmem>>) dst(%dma_wait3A_113 : memref<128x128xf32, #tpu.memory_space<vmem_shared>>)
      tpu.yield
    }) : () -> ()
    %mul3A_24 = arith.constant 512 : i32
    %mul3A_25 = arith.muli %arg1, %mul3A_24 : i32
    %add3A_26 = arith.constant 384 : i32
    %add3A_27 = arith.addi %mul3A_25, %add3A_26 : i32
    %run_scoped3A_28 = arith.constant 0 : i32
    "tpu.region"() ({
      %run_scoped3A_93 = tpu.sem_alloc : memref<!tpu.dma_semaphore, #tpu.memory_space<semaphore_mem>>
      %dma_start3A_94 = arith.constant 0 : i32
      %dma_start3A_95 = arith.constant 0 : i32
      %dma_start3A_96 = tpu.memref_slice %arg9[%run_scoped3A_28, %dma_start3A_94, %dma_start3A_95] : memref<2x128x128xf32, #tpu.memory_space<vmem>> -> memref<1x128x128xf32, #tpu.memory_space<vmem>>
      %dma_start3A_97 = tpu.memref_squeeze %dma_start3A_96 : memref<1x128x128xf32, #tpu.memory_space<vmem>> -> memref<128x128xf32, #tpu.memory_space<vmem>>
      %dma_start3A_98 = arith.constant 0 : i32
      %dma_start3A_99 = tpu.memref_slice %arg5[%add3A_27, %dma_start3A_98] : memref<8192x128xf32, #tpu.memory_space<vmem_shared>> -> memref<128x128xf32, #tpu.memory_space<vmem_shared>>
      %dma_start3A_100 = arith.constant 0 : i32
      %dma_start3A_101 = tpu.memref_slice %arg5[%add3A_27, %dma_start3A_100] : memref<8192x128xf32, #tpu.memory_space<vmem_shared>> -> memref<128x128xf32, #tpu.memory_space<vmem_shared>>
      %dma_start3A_102 = arith.constant 0 : i32
      %dma_start3A_103 = arith.constant 0 : i32
      %dma_start3A_104 = tpu.memref_slice %arg9[%run_scoped3A_28, %dma_start3A_102, %dma_start3A_103] : memref<2x128x128xf32, #tpu.memory_space<vmem>> -> memref<1x128x128xf32, #tpu.memory_space<vmem>>
      %dma_start3A_105 = tpu.memref_squeeze %dma_start3A_104 : memref<1x128x128xf32, #tpu.memory_space<vmem>> -> memref<128x128xf32, #tpu.memory_space<vmem>>
      tpu.enqueue_dma source(%dma_start3A_105 : memref<128x128xf32, #tpu.memory_space<vmem>>) target(%dma_start3A_101 : memref<128x128xf32, #tpu.memory_space<vmem_shared>>) target_semaphore(%run_scoped3A_93 : memref<!tpu.dma_semaphore, #tpu.memory_space<semaphore_mem>>)
      %dma_wait3A_106 = arith.constant 0 : i32
      %dma_wait3A_107 = arith.constant 0 : i32
      %dma_wait3A_108 = tpu.memref_slice %arg9[%run_scoped3A_28, %dma_wait3A_106, %dma_wait3A_107] : memref<2x128x128xf32, #tpu.memory_space<vmem>> -> memref<1x128x128xf32, #tpu.memory_space<vmem>>
      %dma_wait3A_109 = tpu.memref_squeeze %dma_wait3A_108 : memref<1x128x128xf32, #tpu.memory_space<vmem>> -> memref<128x128xf32, #tpu.memory_space<vmem>>
      %dma_wait3A_110 = arith.constant 0 : i32
      %dma_wait3A_111 = tpu.memref_slice %arg5[%add3A_27, %dma_wait3A_110] : memref<8192x128xf32, #tpu.memory_space<vmem_shared>> -> memref<128x128xf32, #tpu.memory_space<vmem_shared>>
      %dma_wait3A_112 = arith.constant 0 : i32
      %dma_wait3A_113 = tpu.memref_slice %arg5[%add3A_27, %dma_wait3A_112] : memref<8192x128xf32, #tpu.memory_space<vmem_shared>> -> memref<128x128xf32, #tpu.memory_space<vmem_shared>>
      %dma_wait3A_114 = arith.constant 0 : i32
      %dma_wait3A_115 = arith.constant 0 : i32
      %dma_wait3A_116 = tpu.memref_slice %arg9[%run_scoped3A_28, %dma_wait3A_114, %dma_wait3A_115] : memref<2x128x128xf32, #tpu.memory_space<vmem>> -> memref<1x128x128xf32, #tpu.memory_space<vmem>>
      %dma_wait3A_117 = tpu.memref_squeeze %dma_wait3A_116 : memref<1x128x128xf32, #tpu.memory_space<vmem>> -> memref<128x128xf32, #tpu.memory_space<vmem>>
      tpu.wait_dma2 semaphore(%run_scoped3A_93 : memref<!tpu.dma_semaphore, #tpu.memory_space<semaphore_mem>>) src(%dma_wait3A_117 : memref<128x128xf32, #tpu.memory_space<vmem>>) dst(%dma_wait3A_113 : memref<128x128xf32, #tpu.memory_space<vmem_shared>>)
      tpu.yield
    }) : () -> ()
    %barrier3A = arith.constant 0 : index
    tpu.barrier barrier_id(%barrier3A)
    %add3A_29 = arith.constant 0 : i32
    %add3A_30 = arith.addi %mul3A_2, %add3A_29 : i32
    %dma_start3A = arith.constant 0 : i32
    %dma_start3A_31 = arith.constant 0 : i32
    %dma_start3A_32 = tpu.memref_slice %arg6[%dma_start3A, %dma_start3A_31] : memref<4x128xi32, #tpu.memory_space<vmem>> -> memref<1x128xi32, #tpu.memory_space<vmem>>
    %dma_start3A_33 = tpu.memref_squeeze %dma_start3A_32 : memref<1x128xi32, #tpu.memory_space<vmem>> -> memref<128xi32, #tpu.memory_space<vmem>>
    %dma_start3A_34 = tpu.memref_slice %arg3[%add3A_30] : memref<458752xi32, #tpu.memory_space<hbm>> -> memref<128xi32, #tpu.memory_space<hbm>>
    %dma_start3A_35 = arith.constant 0 : i32
    %dma_start3A_36 = tpu.memref_slice %arg6[%dma_start3A, %dma_start3A_35] : memref<4x128xi32, #tpu.memory_space<vmem>> -> memref<1x128xi32, #tpu.memory_space<vmem>>
    %dma_start3A_37 = tpu.memref_squeeze %dma_start3A_36 : memref<1x128xi32, #tpu.memory_space<vmem>> -> memref<128xi32, #tpu.memory_space<vmem>>
    %dma_start3A_38 = tpu.memref_slice %arg3[%add3A_30] : memref<458752xi32, #tpu.memory_space<hbm>> -> memref<128xi32, #tpu.memory_space<hbm>>
    tpu.enqueue_dma source(%dma_start3A_38 : memref<128xi32, #tpu.memory_space<hbm>>) target(%dma_start3A_37 : memref<128xi32, #tpu.memory_space<vmem>>) target_semaphore(%arg10 : memref<!tpu.dma_semaphore, #tpu.memory_space<semaphore_mem>>)
    %add3A_39 = arith.constant 128 : i32
    %add3A_40 = arith.addi %mul3A_2, %add3A_39 : i32
    %dma_start3A_41 = arith.constant 1 : i32
    %dma_start3A_42 = arith.constant 0 : i32
    %dma_start3A_43 = tpu.memref_slice %arg6[%dma_start3A_41, %dma_start3A_42] : memref<4x128xi32, #tpu.memory_space<vmem>> -> memref<1x128xi32, #tpu.memory_space<vmem>>
    %dma_start3A_44 = tpu.memref_squeeze %dma_start3A_43 : memref<1x128xi32, #tpu.memory_space<vmem>> -> memref<128xi32, #tpu.memory_space<vmem>>
    %dma_start3A_45 = tpu.memref_slice %arg3[%add3A_40] : memref<458752xi32, #tpu.memory_space<hbm>> -> memref<128xi32, #tpu.memory_space<hbm>>
    %dma_start3A_46 = arith.constant 0 : i32
    %dma_start3A_47 = tpu.memref_slice %arg6[%dma_start3A_41, %dma_start3A_46] : memref<4x128xi32, #tpu.memory_space<vmem>> -> memref<1x128xi32, #tpu.memory_space<vmem>>
    %dma_start3A_48 = tpu.memref_squeeze %dma_start3A_47 : memref<1x128xi32, #tpu.memory_space<vmem>> -> memref<128xi32, #tpu.memory_space<vmem>>
    %dma_start3A_49 = tpu.memref_slice %arg3[%add3A_40] : memref<458752xi32, #tpu.memory_space<hbm>> -> memref<128xi32, #tpu.memory_space<hbm>>
    tpu.enqueue_dma source(%dma_start3A_49 : memref<128xi32, #tpu.memory_space<hbm>>) target(%dma_start3A_48 : memref<128xi32, #tpu.memory_space<vmem>>) target_semaphore(%arg10 : memref<!tpu.dma_semaphore, #tpu.memory_space<semaphore_mem>>)
    %scan3A_50 = arith.constant 0 : i32
    %scan3A_51 = arith.constant 0 : i32
    %scan3A_52 = arith.constant 56 : i32
    %scan3A_53 = arith.addi %scan3A_51, %scan3A_52 : i32
    %scan3A_54 = arith.constant 1 : i32
    scf.for %scan3A_93 = %scan3A_51 to %scan3A_53 step %scan3A_54  : i32 {
      %gt3A = arith.constant 0 : i32
      %gt3A_94 = arith.cmpi sgt, %scan3A_93, %gt3A : i32
      %convert_element_type3A_95 = arith.extui %gt3A_94 : i1 to i32
      %cond3A_96 = arith.constant 0 : i32
      %cond3A_97 = arith.cmpi ne, %convert_element_type3A_95, %cond3A_96 : i32
      scf.if %cond3A_97 {
        %dma_wait3A_133 = arith.constant 0 : i32
        %dma_wait3A_134 = arith.constant 0 : i32
        %dma_wait3A_135 = arith.constant 0 : i32
        %dma_wait3A_136 = tpu.memref_slice %arg9[%dma_wait3A_133, %dma_wait3A_134, %dma_wait3A_135] : memref<2x128x128xf32, #tpu.memory_space<vmem>> -> memref<1x128x128xf32, #tpu.memory_space<vmem>>
        %dma_wait3A_137 = tpu.memref_squeeze %dma_wait3A_136 : memref<1x128x128xf32, #tpu.memory_space<vmem>> -> memref<128x128xf32, #tpu.memory_space<vmem>>
        %dma_wait3A_138 = arith.constant 0 : i32
        %dma_wait3A_139 = arith.constant 0 : i32
        %dma_wait3A_140 = tpu.memref_slice %arg2[%dma_wait3A_138, %dma_wait3A_139] : memref<10000x128xf32, #tpu.memory_space<hbm>> -> memref<128x128xf32, #tpu.memory_space<hbm>>
        %dma_wait3A_141 = arith.constant 0 : i32
        %dma_wait3A_142 = arith.constant 0 : i32
        %dma_wait3A_143 = tpu.memref_slice %arg9[%dma_wait3A_133, %dma_wait3A_141, %dma_wait3A_142] : memref<2x128x128xf32, #tpu.memory_space<vmem>> -> memref<1x128x128xf32, #tpu.memory_space<vmem>>
        %dma_wait3A_144 = tpu.memref_squeeze %dma_wait3A_143 : memref<1x128x128xf32, #tpu.memory_space<vmem>> -> memref<128x128xf32, #tpu.memory_space<vmem>>
        %dma_wait3A_145 = arith.constant 0 : i32
        %dma_wait3A_146 = arith.constant 0 : i32
        %dma_wait3A_147 = tpu.memref_slice %arg2[%dma_wait3A_145, %dma_wait3A_146] : memref<10000x128xf32, #tpu.memory_space<hbm>> -> memref<128x128xf32, #tpu.memory_space<hbm>>
        tpu.wait_dma2 semaphore(%arg12 : memref<!tpu.dma_semaphore, #tpu.memory_space<semaphore_mem>>) src(%dma_wait3A_147 : memref<128x128xf32, #tpu.memory_space<hbm>>) dst(%dma_wait3A_144 : memref<128x128xf32, #tpu.memory_space<vmem>>)
        %dma_wait3A_148 = arith.constant 1 : i32
        %dma_wait3A_149 = arith.constant 0 : i32
        %dma_wait3A_150 = arith.constant 0 : i32
        %dma_wait3A_151 = tpu.memref_slice %arg9[%dma_wait3A_148, %dma_wait3A_149, %dma_wait3A_150] : memref<2x128x128xf32, #tpu.memory_space<vmem>> -> memref<1x128x128xf32, #tpu.memory_space<vmem>>
        %dma_wait3A_152 = tpu.memref_squeeze %dma_wait3A_151 : memref<1x128x128xf32, #tpu.memory_space<vmem>> -> memref<128x128xf32, #tpu.memory_space<vmem>>
        %dma_wait3A_153 = arith.constant 0 : i32
        %dma_wait3A_154 = arith.constant 0 : i32
        %dma_wait3A_155 = tpu.memref_slice %arg2[%dma_wait3A_153, %dma_wait3A_154] : memref<10000x128xf32, #tpu.memory_space<hbm>> -> memref<128x128xf32, #tpu.memory_space<hbm>>
        %dma_wait3A_156 = arith.constant 0 : i32
        %dma_wait3A_157 = arith.constant 0 : i32
        %dma_wait3A_158 = tpu.memref_slice %arg9[%dma_wait3A_148, %dma_wait3A_156, %dma_wait3A_157] : memref<2x128x128xf32, #tpu.memory_space<vmem>> -> memref<1x128x128xf32, #tpu.memory_space<vmem>>
        %dma_wait3A_159 = tpu.memref_squeeze %dma_wait3A_158 : memref<1x128x128xf32, #tpu.memory_space<vmem>> -> memref<128x128xf32, #tpu.memory_space<vmem>>
        %dma_wait3A_160 = arith.constant 0 : i32
        %dma_wait3A_161 = arith.constant 0 : i32
        %dma_wait3A_162 = tpu.memref_slice %arg2[%dma_wait3A_160, %dma_wait3A_161] : memref<10000x128xf32, #tpu.memory_space<hbm>> -> memref<128x128xf32, #tpu.memory_space<hbm>>
        tpu.wait_dma2 semaphore(%arg12 : memref<!tpu.dma_semaphore, #tpu.memory_space<semaphore_mem>>) src(%dma_wait3A_162 : memref<128x128xf32, #tpu.memory_space<hbm>>) dst(%dma_wait3A_159 : memref<128x128xf32, #tpu.memory_space<vmem>>)
      } else {
      }
      %dma_wait3A_98 = arith.constant 0 : i32
      %dma_wait3A_99 = arith.constant 0 : i32
      %dma_wait3A_100 = tpu.memref_slice %arg6[%dma_wait3A_98, %dma_wait3A_99] : memref<4x128xi32, #tpu.memory_space<vmem>> -> memref<1x128xi32, #tpu.memory_space<vmem>>
      %dma_wait3A_101 = tpu.memref_squeeze %dma_wait3A_100 : memref<1x128xi32, #tpu.memory_space<vmem>> -> memref<128xi32, #tpu.memory_space<vmem>>
      %dma_wait3A_102 = arith.constant 0 : i32
      %dma_wait3A_103 = tpu.memref_slice %arg3[%dma_wait3A_102] : memref<458752xi32, #tpu.memory_space<hbm>> -> memref<128xi32, #tpu.memory_space<hbm>>
      %dma_wait3A_104 = arith.constant 0 : i32
      %dma_wait3A_105 = tpu.memref_slice %arg6[%dma_wait3A_98, %dma_wait3A_104] : memref<4x128xi32, #tpu.memory_space<vmem>> -> memref<1x128xi32, #tpu.memory_space<vmem>>
      %dma_wait3A_106 = tpu.memref_squeeze %dma_wait3A_105 : memref<1x128xi32, #tpu.memory_space<vmem>> -> memref<128xi32, #tpu.memory_space<vmem>>
      %dma_wait3A_107 = arith.constant 0 : i32
      %dma_wait3A_108 = tpu.memref_slice %arg3[%dma_wait3A_107] : memref<458752xi32, #tpu.memory_space<hbm>> -> memref<128xi32, #tpu.memory_space<hbm>>
      tpu.wait_dma2 semaphore(%arg10 : memref<!tpu.dma_semaphore, #tpu.memory_space<semaphore_mem>>) src(%dma_wait3A_108 : memref<128xi32, #tpu.memory_space<hbm>>) dst(%dma_wait3A_106 : memref<128xi32, #tpu.memory_space<vmem>>)
      %dma_wait3A_109 = arith.constant 0 : i32
      %dma_wait3A_110 = arith.constant 0 : i32
      %dma_wait3A_111 = tpu.memref_slice %arg6[%dma_wait3A_109, %dma_wait3A_110] : memref<4x128xi32, #tpu.memory_space<vmem>> -> memref<1x128xi32, #tpu.memory_space<vmem>>
      %dma_wait3A_112 = tpu.memref_squeeze %dma_wait3A_111 : memref<1x128xi32, #tpu.memory_space<vmem>> -> memref<128xi32, #tpu.memory_space<vmem>>
      %dma_wait3A_113 = arith.constant 0 : i32
      %dma_wait3A_114 = tpu.memref_slice %arg3[%dma_wait3A_113] : memref<458752xi32, #tpu.memory_space<hbm>> -> memref<128xi32, #tpu.memory_space<hbm>>
      %dma_wait3A_115 = arith.constant 0 : i32
      %dma_wait3A_116 = tpu.memref_slice %arg6[%dma_wait3A_109, %dma_wait3A_115] : memref<4x128xi32, #tpu.memory_space<vmem>> -> memref<1x128xi32, #tpu.memory_space<vmem>>
      %dma_wait3A_117 = tpu.memref_squeeze %dma_wait3A_116 : memref<1x128xi32, #tpu.memory_space<vmem>> -> memref<128xi32, #tpu.memory_space<vmem>>
      %dma_wait3A_118 = arith.constant 0 : i32
      %dma_wait3A_119 = tpu.memref_slice %arg3[%dma_wait3A_118] : memref<458752xi32, #tpu.memory_space<hbm>> -> memref<128xi32, #tpu.memory_space<hbm>>
      tpu.wait_dma2 semaphore(%arg10 : memref<!tpu.dma_semaphore, #tpu.memory_space<semaphore_mem>>) src(%dma_wait3A_119 : memref<128xi32, #tpu.memory_space<hbm>>) dst(%dma_wait3A_117 : memref<128xi32, #tpu.memory_space<vmem>>)
      %rem3A = arith.constant 2 : i32
      %rem3A_120 = arith.remsi %scan3A_93, %rem3A : i32
      %eq3A_121 = arith.constant 0 : i32
      %eq3A_122 = arith.cmpi eq, %rem3A_120, %eq3A_121 : i32
      %convert_element_type3A_123 = arith.extui %eq3A_122 : i1 to i32
      %cond3A_124 = arith.constant 0 : i32
      %cond3A_125 = arith.cmpi ne, %convert_element_type3A_123, %cond3A_124 : i32
      scf.if %cond3A_125 {
        %mul3A_133 = arith.constant 2 : i32
        %mul3A_134 = arith.muli %mul3A_133, %scan3A_93 : i32
        %add3A_135 = arith.constant 0 : i32
        %add3A_136 = arith.addi %mul3A_134, %add3A_135 : i32
        %get3A = arith.constant 0 : i32
        %get3A_137 = arith.index_cast %get3A : i32 to index
        %get3A_138 = arith.constant 0 : index
        %get3A_139 = tpu.vector_load %arg6[%get3A_137, %get3A_138] {strides = array<i32>} : memref<4x128xi32, #tpu.memory_space<vmem>>, vector<1x16xi32>,
        %get3A_140 = vector.shape_cast %get3A_139 : vector<1x16xi32> to vector<16xi32>
        %shift_right_arithmetic3A = arith.constant 13 : i32
        %shift_right_arithmetic3A_141 = vector.broadcast %shift_right_arithmetic3A : i32 to vector<16xi32>
        %shift_right_arithmetic3A_142 = arith.shrsi %get3A_140, %shift_right_arithmetic3A_141 : vector<16xi32>
        %swap3A = arith.constant 0 : i32
        %swap3A_143 = arith.index_cast %swap3A : i32 to index
        %swap3A_144 = arith.constant 0 : index
        %swap3A_145 = tpu.vector_load %arg7[%swap3A_143, %swap3A_144] {strides = array<i32>} : memref<4x128xi32, #tpu.memory_space<vmem>>, vector<1x16xi32>,
        %swap3A_146 = vector.shape_cast %swap3A_145 : vector<1x16xi32> to vector<16xi32>
        %swap3A_147 = vector.shape_cast %shift_right_arithmetic3A_142 : vector<16xi32> to vector<1x16xi32>
        tpu.vector_store %arg7[%swap3A_143, %swap3A_144], %swap3A_147 {strides = array<i32>} : memref<4x128xi32, #tpu.memory_space<vmem>>, vector<1x16xi32>,
        %and3A = arith.constant 8191 : i32
        %and3A_148 = vector.broadcast %and3A : i32 to vector<16xi32>
        %and3A_149 = arith.andi %get3A_140, %and3A_148 : vector<16xi32>
        %swap3A_150 = arith.constant 0 : i32
        %swap3A_151 = arith.index_cast %swap3A_150 : i32 to index
        %swap3A_152 = arith.constant 0 : index
        %swap3A_153 = tpu.vector_load %arg8[%swap3A_151, %swap3A_152] {strides = array<i32>} : memref<4x128xi32, #tpu.memory_space<vmem>>, vector<1x16xi32>,
        %swap3A_154 = vector.shape_cast %swap3A_153 : vector<1x16xi32> to vector<16xi32>
        %swap3A_155 = vector.shape_cast %and3A_149 : vector<16xi32> to vector<1x16xi32>
        tpu.vector_store %arg8[%swap3A_151, %swap3A_152], %swap3A_155 {strides = array<i32>} : memref<4x128xi32, #tpu.memory_space<vmem>>, vector<1x16xi32>,
        %get3A_156 = arith.constant 0 : i32
        %get3A_157 = arith.index_cast %get3A_156 : i32 to index
        %get3A_158 = arith.constant 16 : index
        %get3A_159 = tpu.vector_load %arg6[%get3A_157, %get3A_158] {strides = array<i32>} : memref<4x128xi32, #tpu.memory_space<vmem>>, vector<1x16xi32>,
        %get3A_160 = vector.shape_cast %get3A_159 : vector<1x16xi32> to vector<16xi32>
        %shift_right_arithmetic3A_161 = arith.constant 13 : i32
        %shift_right_arithmetic3A_162 = vector.broadcast %shift_right_arithmetic3A_161 : i32 to vector<16xi32>
        %shift_right_arithmetic3A_163 = arith.shrsi %get3A_160, %shift_right_arithmetic3A_162 : vector<16xi32>
        %swap3A_164 = arith.constant 0 : i32
        %swap3A_165 = arith.index_cast %swap3A_164 : i32 to index
        %swap3A_166 = arith.constant 16 : index
        %swap3A_167 = tpu.vector_load %arg7[%swap3A_165, %swap3A_166] {strides = array<i32>} : memref<4x128xi32, #tpu.memory_space<vmem>>, vector<1x16xi32>,
        %swap3A_168 = vector.shape_cast %swap3A_167 : vector<1x16xi32> to vector<16xi32>
        %swap3A_169 = vector.shape_cast %shift_right_arithmetic3A_163 : vector<16xi32> to vector<1x16xi32>
        tpu.vector_store %arg7[%swap3A_165, %swap3A_166], %swap3A_169 {strides = array<i32>} : memref<4x128xi32, #tpu.memory_space<vmem>>, vector<1x16xi32>,
        %and3A_170 = arith.constant 8191 : i32
        %and3A_171 = vector.broadcast %and3A_170 : i32 to vector<16xi32>
        %and3A_172 = arith.andi %get3A_160, %and3A_171 : vector<16xi32>
        %swap3A_173 = arith.constant 0 : i32
        %swap3A_174 = arith.index_cast %swap3A_173 : i32 to index
        %swap3A_175 = arith.constant 16 : index
        %swap3A_176 = tpu.vector_load %arg8[%swap3A_174, %swap3A_175] {strides = array<i32>} : memref<4x128xi32, #tpu.memory_space<vmem>>, vector<1x16xi32>,
        %swap3A_177 = vector.shape_cast %swap3A_176 : vector<1x16xi32> to vector<16xi32>
        %swap3A_178 = vector.shape_cast %and3A_172 : vector<16xi32> to vector<1x16xi32>
        tpu.vector_store %arg8[%swap3A_174, %swap3A_175], %swap3A_178 {strides = array<i32>} : memref<4x128xi32, #tpu.memory_space<vmem>>, vector<1x16xi32>,
        %get3A_179 = arith.constant 0 : i32
        %get3A_180 = arith.index_cast %get3A_179 : i32 to index
        %get3A_181 = arith.constant 32 : index
        %get3A_182 = tpu.vector_load %arg6[%get3A_180, %get3A_181] {strides = array<i32>} : memref<4x128xi32, #tpu.memory_space<vmem>>, vector<1x16xi32>,
        %get3A_183 = vector.shape_cast %get3A_182 : vector<1x16xi32> to vector<16xi32>
        %shift_right_arithmetic3A_184 = arith.constant 13 : i32
        %shift_right_arithmetic3A_185 = vector.broadcast %shift_right_arithmetic3A_184 : i32 to vector<16xi32>
        %shift_right_arithmetic3A_186 = arith.shrsi %get3A_183, %shift_right_arithmetic3A_185 : vector<16xi32>
        %swap3A_187 = arith.constant 0 : i32
        %swap3A_188 = arith.index_cast %swap3A_187 : i32 to index
        %swap3A_189 = arith.constant 32 : index
        %swap3A_190 = tpu.vector_load %arg7[%swap3A_188, %swap3A_189] {strides = array<i32>} : memref<4x128xi32, #tpu.memory_space<vmem>>, vector<1x16xi32>,
        %swap3A_191 = vector.shape_cast %swap3A_190 : vector<1x16xi32> to vector<16xi32>
        %swap3A_192 = vector.shape_cast %shift_right_arithmetic3A_186 : vector<16xi32> to vector<1x16xi32>
        tpu.vector_store %arg7[%swap3A_188, %swap3A_189], %swap3A_192 {strides = array<i32>} : memref<4x128xi32, #tpu.memory_space<vmem>>, vector<1x16xi32>,
        %and3A_193 = arith.constant 8191 : i32
        %and3A_194 = vector.broadcast %and3A_193 : i32 to vector<16xi32>
        %and3A_195 = arith.andi %get3A_183, %and3A_194 : vector<16xi32>
        %swap3A_196 = arith.constant 0 : i32
        %swap3A_197 = arith.index_cast %swap3A_196 : i32 to index
        %swap3A_198 = arith.constant 32 : index
        %swap3A_199 = tpu.vector_load %arg8[%swap3A_197, %swap3A_198] {strides = array<i32>} : memref<4x128xi32, #tpu.memory_space<vmem>>, vector<1x16xi32>,
        %swap3A_200 = vector.shape_cast %swap3A_199 : vector<1x16xi32> to vector<16xi32>
        %swap3A_201 = vector.shape_cast %and3A_195 : vector<16xi32> to vector<1x16xi32>
        tpu.vector_store %arg8[%swap3A_197, %swap3A_198], %swap3A_201 {strides = array<i32>} : memref<4x128xi32, #tpu.memory_space<vmem>>, vector<1x16xi32>,
        %get3A_202 = arith.constant 0 : i32
        %get3A_203 = arith.index_cast %get3A_202 : i32 to index
        %get3A_204 = arith.constant 48 : index
        %get3A_205 = tpu.vector_load %arg6[%get3A_203, %get3A_204] {strides = array<i32>} : memref<4x128xi32, #tpu.memory_space<vmem>>, vector<1x16xi32>,
        %get3A_206 = vector.shape_cast %get3A_205 : vector<1x16xi32> to vector<16xi32>
        %shift_right_arithmetic3A_207 = arith.constant 13 : i32
        %shift_right_arithmetic3A_208 = vector.broadcast %shift_right_arithmetic3A_207 : i32 to vector<16xi32>
        %shift_right_arithmetic3A_209 = arith.shrsi %get3A_206, %shift_right_arithmetic3A_208 : vector<16xi32>
        %swap3A_210 = arith.constant 0 : i32
        %swap3A_211 = arith.index_cast %swap3A_210 : i32 to index
        %swap3A_212 = arith.constant 48 : index
        %swap3A_213 = tpu.vector_load %arg7[%swap3A_211, %swap3A_212] {strides = array<i32>} : memref<4x128xi32, #tpu.memory_space<vmem>>, vector<1x16xi32>,
        %swap3A_214 = vector.shape_cast %swap3A_213 : vector<1x16xi32> to vector<16xi32>
        %swap3A_215 = vector.shape_cast %shift_right_arithmetic3A_209 : vector<16xi32> to vector<1x16xi32>
        tpu.vector_store %arg7[%swap3A_211, %swap3A_212], %swap3A_215 {strides = array<i32>} : memref<4x128xi32, #tpu.memory_space<vmem>>, vector<1x16xi32>,
        %and3A_216 = arith.constant 8191 : i32
        %and3A_217 = vector.broadcast %and3A_216 : i32 to vector<16xi32>
        %and3A_218 = arith.andi %get3A_206, %and3A_217 : vector<16xi32>
        %swap3A_219 = arith.constant 0 : i32
        %swap3A_220 = arith.index_cast %swap3A_219 : i32 to index
        %swap3A_221 = arith.constant 48 : index
        %swap3A_222 = tpu.vector_load %arg8[%swap3A_220, %swap3A_221] {strides = array<i32>} : memref<4x128xi32, #tpu.memory_space<vmem>>, vector<1x16xi32>,
        %swap3A_223 = vector.shape_cast %swap3A_222 : vector<1x16xi32> to vector<16xi32>
        %swap3A_224 = vector.shape_cast %and3A_218 : vector<16xi32> to vector<1x16xi32>
        tpu.vector_store %arg8[%swap3A_220, %swap3A_221], %swap3A_224 {strides = array<i32>} : memref<4x128xi32, #tpu.memory_space<vmem>>, vector<1x16xi32>,
        %get3A_225 = arith.constant 0 : i32
        %get3A_226 = arith.index_cast %get3A_225 : i32 to index
        %get3A_227 = arith.constant 64 : index
        %get3A_228 = tpu.vector_load %arg6[%get3A_226, %get3A_227] {strides = array<i32>} : memref<4x128xi32, #tpu.memory_space<vmem>>, vector<1x16xi32>,
        %get3A_229 = vector.shape_cast %get3A_228 : vector<1x16xi32> to vector<16xi32>
        %shift_right_arithmetic3A_230 = arith.constant 13 : i32
        %shift_right_arithmetic3A_231 = vector.broadcast %shift_right_arithmetic3A_230 : i32 to vector<16xi32>
        %shift_right_arithmetic3A_232 = arith.shrsi %get3A_229, %shift_right_arithmetic3A_231 : vector<16xi32>
        %swap3A_233 = arith.constant 0 : i32
        %swap3A_234 = arith.index_cast %swap3A_233 : i32 to index
        %swap3A_235 = arith.constant 64 : index
        %swap3A_236 = tpu.vector_load %arg7[%swap3A_234, %swap3A_235] {strides = array<i32>} : memref<4x128xi32, #tpu.memory_space<vmem>>, vector<1x16xi32>,
        %swap3A_237 = vector.shape_cast %swap3A_236 : vector<1x16xi32> to vector<16xi32>
        %swap3A_238 = vector.shape_cast %shift_right_arithmetic3A_232 : vector<16xi32> to vector<1x16xi32>
        tpu.vector_store %arg7[%swap3A_234, %swap3A_235], %swap3A_238 {strides = array<i32>} : memref<4x128xi32, #tpu.memory_space<vmem>>, vector<1x16xi32>,
        %and3A_239 = arith.constant 8191 : i32
        %and3A_240 = vector.broadcast %and3A_239 : i32 to vector<16xi32>
        %and3A_241 = arith.andi %get3A_229, %and3A_240 : vector<16xi32>
        %swap3A_242 = arith.constant 0 : i32
        %swap3A_243 = arith.index_cast %swap3A_242 : i32 to index
        %swap3A_244 = arith.constant 64 : index
        %swap3A_245 = tpu.vector_load %arg8[%swap3A_243, %swap3A_244] {strides = array<i32>} : memref<4x128xi32, #tpu.memory_space<vmem>>, vector<1x16xi32>,
        %swap3A_246 = vector.shape_cast %swap3A_245 : vector<1x16xi32> to vector<16xi32>
        %swap3A_247 = vector.shape_cast %and3A_241 : vector<16xi32> to vector<1x16xi32>
        tpu.vector_store %arg8[%swap3A_243, %swap3A_244], %swap3A_247 {strides = array<i32>} : memref<4x128xi32, #tpu.memory_space<vmem>>, vector<1x16xi32>,
        %get3A_248 = arith.constant 0 : i32
        %get3A_249 = arith.index_cast %get3A_248 : i32 to index
        %get3A_250 = arith.constant 80 : index
        %get3A_251 = tpu.vector_load %arg6[%get3A_249, %get3A_250] {strides = array<i32>} : memref<4x128xi32, #tpu.memory_space<vmem>>, vector<1x16xi32>,
        %get3A_252 = vector.shape_cast %get3A_251 : vector<1x16xi32> to vector<16xi32>
        %shift_right_arithmetic3A_253 = arith.constant 13 : i32
        %shift_right_arithmetic3A_254 = vector.broadcast %shift_right_arithmetic3A_253 : i32 to vector<16xi32>
        %shift_right_arithmetic3A_255 = arith.shrsi %get3A_252, %shift_right_arithmetic3A_254 : vector<16xi32>
        %swap3A_256 = arith.constant 0 : i32
        %swap3A_257 = arith.index_cast %swap3A_256 : i32 to index
        %swap3A_258 = arith.constant 80 : index
        %swap3A_259 = tpu.vector_load %arg7[%swap3A_257, %swap3A_258] {strides = array<i32>} : memref<4x128xi32, #tpu.memory_space<vmem>>, vector<1x16xi32>,
        %swap3A_260 = vector.shape_cast %swap3A_259 : vector<1x16xi32> to vector<16xi32>
        %swap3A_261 = vector.shape_cast %shift_right_arithmetic3A_255 : vector<16xi32> to vector<1x16xi32>
        tpu.vector_store %arg7[%swap3A_257, %swap3A_258], %swap3A_261 {strides = array<i32>} : memref<4x128xi32, #tpu.memory_space<vmem>>, vector<1x16xi32>,
        %and3A_262 = arith.constant 8191 : i32
        %and3A_263 = vector.broadcast %and3A_262 : i32 to vector<16xi32>
        %and3A_264 = arith.andi %get3A_252, %and3A_263 : vector<16xi32>
        %swap3A_265 = arith.constant 0 : i32
        %swap3A_266 = arith.index_cast %swap3A_265 : i32 to index
        %swap3A_267 = arith.constant 80 : index
        %swap3A_268 = tpu.vector_load %arg8[%swap3A_266, %swap3A_267] {strides = array<i32>} : memref<4x128xi32, #tpu.memory_space<vmem>>, vector<1x16xi32>,
        %swap3A_269 = vector.shape_cast %swap3A_268 : vector<1x16xi32> to vector<16xi32>
        %swap3A_270 = vector.shape_cast %and3A_264 : vector<16xi32> to vector<1x16xi32>
        tpu.vector_store %arg8[%swap3A_266, %swap3A_267], %swap3A_270 {strides = array<i32>} : memref<4x128xi32, #tpu.memory_space<vmem>>, vector<1x16xi32>,
        %get3A_271 = arith.constant 0 : i32
        %get3A_272 = arith.index_cast %get3A_271 : i32 to index
        %get3A_273 = arith.constant 96 : index
        %get3A_274 = tpu.vector_load %arg6[%get3A_272, %get3A_273] {strides = array<i32>} : memref<4x128xi32, #tpu.memory_space<vmem>>, vector<1x16xi32>,
        %get3A_275 = vector.shape_cast %get3A_274 : vector<1x16xi32> to vector<16xi32>
        %shift_right_arithmetic3A_276 = arith.constant 13 : i32
        %shift_right_arithmetic3A_277 = vector.broadcast %shift_right_arithmetic3A_276 : i32 to vector<16xi32>
        %shift_right_arithmetic3A_278 = arith.shrsi %get3A_275, %shift_right_arithmetic3A_277 : vector<16xi32>
        %swap3A_279 = arith.constant 0 : i32
        %swap3A_280 = arith.index_cast %swap3A_279 : i32 to index
        %swap3A_281 = arith.constant 96 : index
        %swap3A_282 = tpu.vector_load %arg7[%swap3A_280, %swap3A_281] {strides = array<i32>} : memref<4x128xi32, #tpu.memory_space<vmem>>, vector<1x16xi32>,
        %swap3A_283 = vector.shape_cast %swap3A_282 : vector<1x16xi32> to vector<16xi32>
        %swap3A_284 = vector.shape_cast %shift_right_arithmetic3A_278 : vector<16xi32> to vector<1x16xi32>
        tpu.vector_store %arg7[%swap3A_280, %swap3A_281], %swap3A_284 {strides = array<i32>} : memref<4x128xi32, #tpu.memory_space<vmem>>, vector<1x16xi32>,
        %and3A_285 = arith.constant 8191 : i32
        %and3A_286 = vector.broadcast %and3A_285 : i32 to vector<16xi32>
        %and3A_287 = arith.andi %get3A_275, %and3A_286 : vector<16xi32>
        %swap3A_288 = arith.constant 0 : i32
        %swap3A_289 = arith.index_cast %swap3A_288 : i32 to index
        %swap3A_290 = arith.constant 96 : index
        %swap3A_291 = tpu.vector_load %arg8[%swap3A_289, %swap3A_290] {strides = array<i32>} : memref<4x128xi32, #tpu.memory_space<vmem>>, vector<1x16xi32>,
        %swap3A_292 = vector.shape_cast %swap3A_291 : vector<1x16xi32> to vector<16xi32>
        %swap3A_293 = vector.shape_cast %and3A_287 : vector<16xi32> to vector<1x16xi32>
        tpu.vector_store %arg8[%swap3A_289, %swap3A_290], %swap3A_293 {strides = array<i32>} : memref<4x128xi32, #tpu.memory_space<vmem>>, vector<1x16xi32>,
        %get3A_294 = arith.constant 0 : i32
        %get3A_295 = arith.index_cast %get3A_294 : i32 to index
        %get3A_296 = arith.constant 112 : index
        %get3A_297 = tpu.vector_load %arg6[%get3A_295, %get3A_296] {strides = array<i32>} : memref<4x128xi32, #tpu.memory_space<vmem>>, vector<1x16xi32>,
        %get3A_298 = vector.shape_cast %get3A_297 : vector<1x16xi32> to vector<16xi32>
        %shift_right_arithmetic3A_299 = arith.constant 13 : i32
        %shift_right_arithmetic3A_300 = vector.broadcast %shift_right_arithmetic3A_299 : i32 to vector<16xi32>
        %shift_right_arithmetic3A_301 = arith.shrsi %get3A_298, %shift_right_arithmetic3A_300 : vector<16xi32>
        %swap3A_302 = arith.constant 0 : i32
        %swap3A_303 = arith.index_cast %swap3A_302 : i32 to index
        %swap3A_304 = arith.constant 112 : index
        %swap3A_305 = tpu.vector_load %arg7[%swap3A_303, %swap3A_304] {strides = array<i32>} : memref<4x128xi32, #tpu.memory_space<vmem>>, vector<1x16xi32>,
        %swap3A_306 = vector.shape_cast %swap3A_305 : vector<1x16xi32> to vector<16xi32>
        %swap3A_307 = vector.shape_cast %shift_right_arithmetic3A_301 : vector<16xi32> to vector<1x16xi32>
        tpu.vector_store %arg7[%swap3A_303, %swap3A_304], %swap3A_307 {strides = array<i32>} : memref<4x128xi32, #tpu.memory_space<vmem>>, vector<1x16xi32>,
        %and3A_308 = arith.constant 8191 : i32
        %and3A_309 = vector.broadcast %and3A_308 : i32 to vector<16xi32>
        %and3A_310 = arith.andi %get3A_298, %and3A_309 : vector<16xi32>
        %swap3A_311 = arith.constant 0 : i32
        %swap3A_312 = arith.index_cast %swap3A_311 : i32 to index
        %swap3A_313 = arith.constant 112 : index
        %swap3A_314 = tpu.vector_load %arg8[%swap3A_312, %swap3A_313] {strides = array<i32>} : memref<4x128xi32, #tpu.memory_space<vmem>>, vector<1x16xi32>,
        %swap3A_315 = vector.shape_cast %swap3A_314 : vector<1x16xi32> to vector<16xi32>
        %swap3A_316 = vector.shape_cast %and3A_310 : vector<16xi32> to vector<1x16xi32>
        tpu.vector_store %arg8[%swap3A_312, %swap3A_313], %swap3A_316 {strides = array<i32>} : memref<4x128xi32, #tpu.memory_space<vmem>>, vector<1x16xi32>,
        %dma_start3A_317 = arith.constant 0 : i32
        %dma_start3A_318 = arith.constant 0 : i32
        %dma_start3A_319 = arith.constant 0 : i32
        %dma_start3A_320 = arith.constant 0 : i32
        %dma_start3A_321 = tpu.memref_slice %arg9[%dma_start3A_318, %dma_start3A_319, %dma_start3A_320] : memref<2x128x128xf32, #tpu.memory_space<vmem>> -> memref<1x128x128xf32, #tpu.memory_space<vmem>>
        %dma_start3A_322 = tpu.memref_squeeze %dma_start3A_321 : memref<1x128x128xf32, #tpu.memory_space<vmem>> -> memref<128x128xf32, #tpu.memory_space<vmem>>
        %dma_start3A_323 = arith.constant 0 : i32
        %dma_start3A_324 = tpu.memref_slice %arg7[%dma_start3A_317, %dma_start3A_323] : memref<4x128xi32, #tpu.memory_space<vmem>> -> memref<1x128xi32, #tpu.memory_space<vmem>>
        %dma_start3A_325 = tpu.memref_squeeze %dma_start3A_324 : memref<1x128xi32, #tpu.memory_space<vmem>> -> memref<128xi32, #tpu.memory_space<vmem>>
        %dma_start3A_326 = arith.constant 0 : i32
        %dma_start3A_327 = arith.constant 0 : i32
        %dma_start3A_328 = tpu.memref_slice %arg2[%dma_start3A_326, %dma_start3A_327] : memref<10000x128xf32, #tpu.memory_space<hbm>> -> memref<10000x128xf32, #tpu.memory_space<hbm>>
        tpu.enqueue_indirect_dma source(%dma_start3A_328 : memref<10000x128xf32, #tpu.memory_space<hbm>>) target(%dma_start3A_322 : memref<128x128xf32, #tpu.memory_space<vmem>>) offsets(%dma_start3A_325 : memref<128xi32, #tpu.memory_space<vmem>>) semaphore(%arg11 : memref<!tpu.dma_semaphore, #tpu.memory_space<semaphore_mem>>)
        %add3A_329 = arith.constant 2 : i32
        %add3A_330 = arith.addi %add3A_136, %add3A_329 : i32
        %lt3A = arith.constant 112 : i32
        %lt3A_331 = arith.cmpi slt, %add3A_330, %lt3A : i32
        %convert_element_type3A_332 = arith.extui %lt3A_331 : i1 to i32
        %cond3A_333 = arith.constant 0 : i32
        %cond3A_334 = arith.cmpi ne, %convert_element_type3A_332, %cond3A_333 : i32
        scf.if %cond3A_334 {
          %add3A_596 = arith.constant 2 : i32
          %add3A_597 = arith.addi %add3A_136, %add3A_596 : i32
          %mul3A_598 = arith.constant 128 : i32
          %mul3A_599 = arith.muli %add3A_597, %mul3A_598 : i32
          %add3A_600 = arith.addi %mul3A_2, %mul3A_599 : i32
          %dma_start3A_601 = arith.constant 2 : i32
          %dma_start3A_602 = arith.constant 0 : i32
          %dma_start3A_603 = tpu.memref_slice %arg6[%dma_start3A_601, %dma_start3A_602] : memref<4x128xi32, #tpu.memory_space<vmem>> -> memref<1x128xi32, #tpu.memory_space<vmem>>
          %dma_start3A_604 = tpu.memref_squeeze %dma_start3A_603 : memref<1x128xi32, #tpu.memory_space<vmem>> -> memref<128xi32, #tpu.memory_space<vmem>>
          %dma_start3A_605 = tpu.memref_slice %arg3[%add3A_600] : memref<458752xi32, #tpu.memory_space<hbm>> -> memref<128xi32, #tpu.memory_space<hbm>>
          %dma_start3A_606 = arith.constant 0 : i32
          %dma_start3A_607 = tpu.memref_slice %arg6[%dma_start3A_601, %dma_start3A_606] : memref<4x128xi32, #tpu.memory_space<vmem>> -> memref<1x128xi32, #tpu.memory_space<vmem>>
          %dma_start3A_608 = tpu.memref_squeeze %dma_start3A_607 : memref<1x128xi32, #tpu.memory_space<vmem>> -> memref<128xi32, #tpu.memory_space<vmem>>
          %dma_start3A_609 = tpu.memref_slice %arg3[%add3A_600] : memref<458752xi32, #tpu.memory_space<hbm>> -> memref<128xi32, #tpu.memory_space<hbm>>
          tpu.enqueue_dma source(%dma_start3A_609 : memref<128xi32, #tpu.memory_space<hbm>>) target(%dma_start3A_608 : memref<128xi32, #tpu.memory_space<vmem>>) target_semaphore(%arg10 : memref<!tpu.dma_semaphore, #tpu.memory_space<semaphore_mem>>)
        } else {
        }
        %mul3A_335 = arith.constant 2 : i32
        %mul3A_336 = arith.muli %mul3A_335, %scan3A_93 : i32
        %add3A_337 = arith.constant 1 : i32
        %add3A_338 = arith.addi %mul3A_336, %add3A_337 : i32
        %get3A_339 = arith.constant 1 : i32
        %get3A_340 = arith.index_cast %get3A_339 : i32 to index
        %get3A_341 = arith.constant 0 : index
        %get3A_342 = tpu.vector_load %arg6[%get3A_340, %get3A_341] {strides = array<i32>} : memref<4x128xi32, #tpu.memory_space<vmem>>, vector<1x16xi32>,
        %get3A_343 = vector.shape_cast %get3A_342 : vector<1x16xi32> to vector<16xi32>
        %shift_right_arithmetic3A_344 = arith.constant 13 : i32
        %shift_right_arithmetic3A_345 = vector.broadcast %shift_right_arithmetic3A_344 : i32 to vector<16xi32>
        %shift_right_arithmetic3A_346 = arith.shrsi %get3A_343, %shift_right_arithmetic3A_345 : vector<16xi32>
        %swap3A_347 = arith.constant 1 : i32
        %swap3A_348 = arith.index_cast %swap3A_347 : i32 to index
        %swap3A_349 = arith.constant 0 : index
        %swap3A_350 = tpu.vector_load %arg7[%swap3A_348, %swap3A_349] {strides = array<i32>} : memref<4x128xi32, #tpu.memory_space<vmem>>, vector<1x16xi32>,
        %swap3A_351 = vector.shape_cast %swap3A_350 : vector<1x16xi32> to vector<16xi32>
        %swap3A_352 = vector.shape_cast %shift_right_arithmetic3A_346 : vector<16xi32> to vector<1x16xi32>
        tpu.vector_store %arg7[%swap3A_348, %swap3A_349], %swap3A_352 {strides = array<i32>} : memref<4x128xi32, #tpu.memory_space<vmem>>, vector<1x16xi32>,
        %and3A_353 = arith.constant 8191 : i32
        %and3A_354 = vector.broadcast %and3A_353 : i32 to vector<16xi32>
        %and3A_355 = arith.andi %get3A_343, %and3A_354 : vector<16xi32>
        %swap3A_356 = arith.constant 1 : i32
        %swap3A_357 = arith.index_cast %swap3A_356 : i32 to index
        %swap3A_358 = arith.constant 0 : index
        %swap3A_359 = tpu.vector_load %arg8[%swap3A_357, %swap3A_358] {strides = array<i32>} : memref<4x128xi32, #tpu.memory_space<vmem>>, vector<1x16xi32>,
        %swap3A_360 = vector.shape_cast %swap3A_359 : vector<1x16xi32> to vector<16xi32>
        %swap3A_361 = vector.shape_cast %and3A_355 : vector<16xi32> to vector<1x16xi32>
        tpu.vector_store %arg8[%swap3A_357, %swap3A_358], %swap3A_361 {strides = array<i32>} : memref<4x128xi32, #tpu.memory_space<vmem>>, vector<1x16xi32>,
        %get3A_362 = arith.constant 1 : i32
        %get3A_363 = arith.index_cast %get3A_362 : i32 to index
        %get3A_364 = arith.constant 16 : index
        %get3A_365 = tpu.vector_load %arg6[%get3A_363, %get3A_364] {strides = array<i32>} : memref<4x128xi32, #tpu.memory_space<vmem>>, vector<1x16xi32>,
        %get3A_366 = vector.shape_cast %get3A_365 : vector<1x16xi32> to vector<16xi32>
        %shift_right_arithmetic3A_367 = arith.constant 13 : i32
        %shift_right_arithmetic3A_368 = vector.broadcast %shift_right_arithmetic3A_367 : i32 to vector<16xi32>
        %shift_right_arithmetic3A_369 = arith.shrsi %get3A_366, %shift_right_arithmetic3A_368 : vector<16xi32>
        %swap3A_370 = arith.constant 1 : i32
        %swap3A_371 = arith.index_cast %swap3A_370 : i32 to index
        %swap3A_372 = arith.constant 16 : index
        %swap3A_373 = tpu.vector_load %arg7[%swap3A_371, %swap3A_372] {strides = array<i32>} : memref<4x128xi32, #tpu.memory_space<vmem>>, vector<1x16xi32>,
        %swap3A_374 = vector.shape_cast %swap3A_373 : vector<1x16xi32> to vector<16xi32>
        %swap3A_375 = vector.shape_cast %shift_right_arithmetic3A_369 : vector<16xi32> to vector<1x16xi32>
        tpu.vector_store %arg7[%swap3A_371, %swap3A_372], %swap3A_375 {strides = array<i32>} : memref<4x128xi32, #tpu.memory_space<vmem>>, vector<1x16xi32>,
        %and3A_376 = arith.constant 8191 : i32
        %and3A_377 = vector.broadcast %and3A_376 : i32 to vector<16xi32>
        %and3A_378 = arith.andi %get3A_366, %and3A_377 : vector<16xi32>
        %swap3A_379 = arith.constant 1 : i32
        %swap3A_380 = arith.index_cast %swap3A_379 : i32 to index
        %swap3A_381 = arith.constant 16 : index
        %swap3A_382 = tpu.vector_load %arg8[%swap3A_380, %swap3A_381] {strides = array<i32>} : memref<4x128xi32, #tpu.memory_space<vmem>>, vector<1x16xi32>,
        %swap3A_383 = vector.shape_cast %swap3A_382 : vector<1x16xi32> to vector<16xi32>
        %swap3A_384 = vector.shape_cast %and3A_378 : vector<16xi32> to vector<1x16xi32>
        tpu.vector_store %arg8[%swap3A_380, %swap3A_381], %swap3A_384 {strides = array<i32>} : memref<4x128xi32, #tpu.memory_space<vmem>>, vector<1x16xi32>,
        %get3A_385 = arith.constant 1 : i32
        %get3A_386 = arith.index_cast %get3A_385 : i32 to index
        %get3A_387 = arith.constant 32 : index
        %get3A_388 = tpu.vector_load %arg6[%get3A_386, %get3A_387] {strides = array<i32>} : memref<4x128xi32, #tpu.memory_space<vmem>>, vector<1x16xi32>,
        %get3A_389 = vector.shape_cast %get3A_388 : vector<1x16xi32> to vector<16xi32>
        %shift_right_arithmetic3A_390 = arith.constant 13 : i32
        %shift_right_arithmetic3A_391 = vector.broadcast %shift_right_arithmetic3A_390 : i32 to vector<16xi32>
        %shift_right_arithmetic3A_392 = arith.shrsi %get3A_389, %shift_right_arithmetic3A_391 : vector<16xi32>
        %swap3A_393 = arith.constant 1 : i32
        %swap3A_394 = arith.index_cast %swap3A_393 : i32 to index
        %swap3A_395 = arith.constant 32 : index
        %swap3A_396 = tpu.vector_load %arg7[%swap3A_394, %swap3A_395] {strides = array<i32>} : memref<4x128xi32, #tpu.memory_space<vmem>>, vector<1x16xi32>,
        %swap3A_397 = vector.shape_cast %swap3A_396 : vector<1x16xi32> to vector<16xi32>
        %swap3A_398 = vector.shape_cast %shift_right_arithmetic3A_392 : vector<16xi32> to vector<1x16xi32>
        tpu.vector_store %arg7[%swap3A_394, %swap3A_395], %swap3A_398 {strides = array<i32>} : memref<4x128xi32, #tpu.memory_space<vmem>>, vector<1x16xi32>,
        %and3A_399 = arith.constant 8191 : i32
        %and3A_400 = vector.broadcast %and3A_399 : i32 to vector<16xi32>
        %and3A_401 = arith.andi %get3A_389, %and3A_400 : vector<16xi32>
        %swap3A_402 = arith.constant 1 : i32
        %swap3A_403 = arith.index_cast %swap3A_402 : i32 to index
        %swap3A_404 = arith.constant 32 : index
        %swap3A_405 = tpu.vector_load %arg8[%swap3A_403, %swap3A_404] {strides = array<i32>} : memref<4x128xi32, #tpu.memory_space<vmem>>, vector<1x16xi32>,
        %swap3A_406 = vector.shape_cast %swap3A_405 : vector<1x16xi32> to vector<16xi32>
        %swap3A_407 = vector.shape_cast %and3A_401 : vector<16xi32> to vector<1x16xi32>
        tpu.vector_store %arg8[%swap3A_403, %swap3A_404], %swap3A_407 {strides = array<i32>} : memref<4x128xi32, #tpu.memory_space<vmem>>, vector<1x16xi32>,
        %get3A_408 = arith.constant 1 : i32
        %get3A_409 = arith.index_cast %get3A_408 : i32 to index
        %get3A_410 = arith.constant 48 : index
        %get3A_411 = tpu.vector_load %arg6[%get3A_409, %get3A_410] {strides = array<i32>} : memref<4x128xi32, #tpu.memory_space<vmem>>, vector<1x16xi32>,
        %get3A_412 = vector.shape_cast %get3A_411 : vector<1x16xi32> to vector<16xi32>
        %shift_right_arithmetic3A_413 = arith.constant 13 : i32
        %shift_right_arithmetic3A_414 = vector.broadcast %shift_right_arithmetic3A_413 : i32 to vector<16xi32>
        %shift_right_arithmetic3A_415 = arith.shrsi %get3A_412, %shift_right_arithmetic3A_414 : vector<16xi32>
        %swap3A_416 = arith.constant 1 : i32
        %swap3A_417 = arith.index_cast %swap3A_416 : i32 to index
        %swap3A_418 = arith.constant 48 : index
        %swap3A_419 = tpu.vector_load %arg7[%swap3A_417, %swap3A_418] {strides = array<i32>} : memref<4x128xi32, #tpu.memory_space<vmem>>, vector<1x16xi32>,
        %swap3A_420 = vector.shape_cast %swap3A_419 : vector<1x16xi32> to vector<16xi32>
        %swap3A_421 = vector.shape_cast %shift_right_arithmetic3A_415 : vector<16xi32> to vector<1x16xi32>
        tpu.vector_store %arg7[%swap3A_417, %swap3A_418], %swap3A_421 {strides = array<i32>} : memref<4x128xi32, #tpu.memory_space<vmem>>, vector<1x16xi32>,
        %and3A_422 = arith.constant 8191 : i32
        %and3A_423 = vector.broadcast %and3A_422 : i32 to vector<16xi32>
        %and3A_424 = arith.andi %get3A_412, %and3A_423 : vector<16xi32>
        %swap3A_425 = arith.constant 1 : i32
        %swap3A_426 = arith.index_cast %swap3A_425 : i32 to index
        %swap3A_427 = arith.constant 48 : index
        %swap3A_428 = tpu.vector_load %arg8[%swap3A_426, %swap3A_427] {strides = array<i32>} : memref<4x128xi32, #tpu.memory_space<vmem>>, vector<1x16xi32>,
        %swap3A_429 = vector.shape_cast %swap3A_428 : vector<1x16xi32> to vector<16xi32>
        %swap3A_430 = vector.shape_cast %and3A_424 : vector<16xi32> to vector<1x16xi32>
        tpu.vector_store %arg8[%swap3A_426, %swap3A_427], %swap3A_430 {strides = array<i32>} : memref<4x128xi32, #tpu.memory_space<vmem>>, vector<1x16xi32>,
        %get3A_431 = arith.constant 1 : i32
        %get3A_432 = arith.index_cast %get3A_431 : i32 to index
        %get3A_433 = arith.constant 64 : index
        %get3A_434 = tpu.vector_load %arg6[%get3A_432, %get3A_433] {strides = array<i32>} : memref<4x128xi32, #tpu.memory_space<vmem>>, vector<1x16xi32>,
        %get3A_435 = vector.shape_cast %get3A_434 : vector<1x16xi32> to vector<16xi32>
        %shift_right_arithmetic3A_436 = arith.constant 13 : i32
        %shift_right_arithmetic3A_437 = vector.broadcast %shift_right_arithmetic3A_436 : i32 to vector<16xi32>
        %shift_right_arithmetic3A_438 = arith.shrsi %get3A_435, %shift_right_arithmetic3A_437 : vector<16xi32>
        %swap3A_439 = arith.constant 1 : i32
        %swap3A_440 = arith.index_cast %swap3A_439 : i32 to index
        %swap3A_441 = arith.constant 64 : index
        %swap3A_442 = tpu.vector_load %arg7[%swap3A_440, %swap3A_441] {strides = array<i32>} : memref<4x128xi32, #tpu.memory_space<vmem>>, vector<1x16xi32>,
        %swap3A_443 = vector.shape_cast %swap3A_442 : vector<1x16xi32> to vector<16xi32>
        %swap3A_444 = vector.shape_cast %shift_right_arithmetic3A_438 : vector<16xi32> to vector<1x16xi32>
        tpu.vector_store %arg7[%swap3A_440, %swap3A_441], %swap3A_444 {strides = array<i32>} : memref<4x128xi32, #tpu.memory_space<vmem>>, vector<1x16xi32>,
        %and3A_445 = arith.constant 8191 : i32
        %and3A_446 = vector.broadcast %and3A_445 : i32 to vector<16xi32>
        %and3A_447 = arith.andi %get3A_435, %and3A_446 : vector<16xi32>
        %swap3A_448 = arith.constant 1 : i32
        %swap3A_449 = arith.index_cast %swap3A_448 : i32 to index
        %swap3A_450 = arith.constant 64 : index
        %swap3A_451 = tpu.vector_load %arg8[%swap3A_449, %swap3A_450] {strides = array<i32>} : memref<4x128xi32, #tpu.memory_space<vmem>>, vector<1x16xi32>,
        %swap3A_452 = vector.shape_cast %swap3A_451 : vector<1x16xi32> to vector<16xi32>
        %swap3A_453 = vector.shape_cast %and3A_447 : vector<16xi32> to vector<1x16xi32>
        tpu.vector_store %arg8[%swap3A_449, %swap3A_450], %swap3A_453 {strides = array<i32>} : memref<4x128xi32, #tpu.memory_space<vmem>>, vector<1x16xi32>,
        %get3A_454 = arith.constant 1 : i32
        %get3A_455 = arith.index_cast %get3A_454 : i32 to index
        %get3A_456 = arith.constant 80 : index
        %get3A_457 = tpu.vector_load %arg6[%get3A_455, %get3A_456] {strides = array<i32>} : memref<4x128xi32, #tpu.memory_space<vmem>>, vector<1x16xi32>,
        %get3A_458 = vector.shape_cast %get3A_457 : vector<1x16xi32> to vector<16xi32>
        %shift_right_arithmetic3A_459 = arith.constant 13 : i32
        %shift_right_arithmetic3A_460 = vector.broadcast %shift_right_arithmetic3A_459 : i32 to vector<16xi32>
        %shift_right_arithmetic3A_461 = arith.shrsi %get3A_458, %shift_right_arithmetic3A_460 : vector<16xi32>
        %swap3A_462 = arith.constant 1 : i32
        %swap3A_463 = arith.index_cast %swap3A_462 : i32 to index
        %swap3A_464 = arith.constant 80 : index
        %swap3A_465 = tpu.vector_load %arg7[%swap3A_463, %swap3A_464] {strides = array<i32>} : memref<4x128xi32, #tpu.memory_space<vmem>>, vector<1x16xi32>,
        %swap3A_466 = vector.shape_cast %swap3A_465 : vector<1x16xi32> to vector<16xi32>
        %swap3A_467 = vector.shape_cast %shift_right_arithmetic3A_461 : vector<16xi32> to vector<1x16xi32>
        tpu.vector_store %arg7[%swap3A_463, %swap3A_464], %swap3A_467 {strides = array<i32>} : memref<4x128xi32, #tpu.memory_space<vmem>>, vector<1x16xi32>,
        %and3A_468 = arith.constant 8191 : i32
        %and3A_469 = vector.broadcast %and3A_468 : i32 to vector<16xi32>
        %and3A_470 = arith.andi %get3A_458, %and3A_469 : vector<16xi32>
        %swap3A_471 = arith.constant 1 : i32
        %swap3A_472 = arith.index_cast %swap3A_471 : i32 to index
        %swap3A_473 = arith.constant 80 : index
        %swap3A_474 = tpu.vector_load %arg8[%swap3A_472, %swap3A_473] {strides = array<i32>} : memref<4x128xi32, #tpu.memory_space<vmem>>, vector<1x16xi32>,
        %swap3A_475 = vector.shape_cast %swap3A_474 : vector<1x16xi32> to vector<16xi32>
        %swap3A_476 = vector.shape_cast %and3A_470 : vector<16xi32> to vector<1x16xi32>
        tpu.vector_store %arg8[%swap3A_472, %swap3A_473], %swap3A_476 {strides = array<i32>} : memref<4x128xi32, #tpu.memory_space<vmem>>, vector<1x16xi32>,
        %get3A_477 = arith.constant 1 : i32
        %get3A_478 = arith.index_cast %get3A_477 : i32 to index
        %get3A_479 = arith.constant 96 : index
        %get3A_480 = tpu.vector_load %arg6[%get3A_478, %get3A_479] {strides = array<i32>} : memref<4x128xi32, #tpu.memory_space<vmem>>, vector<1x16xi32>,
        %get3A_481 = vector.shape_cast %get3A_480 : vector<1x16xi32> to vector<16xi32>
        %shift_right_arithmetic3A_482 = arith.constant 13 : i32
        %shift_right_arithmetic3A_483 = vector.broadcast %shift_right_arithmetic3A_482 : i32 to vector<16xi32>
        %shift_right_arithmetic3A_484 = arith.shrsi %get3A_481, %shift_right_arithmetic3A_483 : vector<16xi32>
        %swap3A_485 = arith.constant 1 : i32
        %swap3A_486 = arith.index_cast %swap3A_485 : i32 to index
        %swap3A_487 = arith.constant 96 : index
        %swap3A_488 = tpu.vector_load %arg7[%swap3A_486, %swap3A_487] {strides = array<i32>} : memref<4x128xi32, #tpu.memory_space<vmem>>, vector<1x16xi32>,
        %swap3A_489 = vector.shape_cast %swap3A_488 : vector<1x16xi32> to vector<16xi32>
        %swap3A_490 = vector.shape_cast %shift_right_arithmetic3A_484 : vector<16xi32> to vector<1x16xi32>
        tpu.vector_store %arg7[%swap3A_486, %swap3A_487], %swap3A_490 {strides = array<i32>} : memref<4x128xi32, #tpu.memory_space<vmem>>, vector<1x16xi32>,
        %and3A_491 = arith.constant 8191 : i32
        %and3A_492 = vector.broadcast %and3A_491 : i32 to vector<16xi32>
        %and3A_493 = arith.andi %get3A_481, %and3A_492 : vector<16xi32>
        %swap3A_494 = arith.constant 1 : i32
        %swap3A_495 = arith.index_cast %swap3A_494 : i32 to index
        %swap3A_496 = arith.constant 96 : index
        %swap3A_497 = tpu.vector_load %arg8[%swap3A_495, %swap3A_496] {strides = array<i32>} : memref<4x128xi32, #tpu.memory_space<vmem>>, vector<1x16xi32>,
        %swap3A_498 = vector.shape_cast %swap3A_497 : vector<1x16xi32> to vector<16xi32>
        %swap3A_499 = vector.shape_cast %and3A_493 : vector<16xi32> to vector<1x16xi32>
        tpu.vector_store %arg8[%swap3A_495, %swap3A_496], %swap3A_499 {strides = array<i32>} : memref<4x128xi32, #tpu.memory_space<vmem>>, vector<1x16xi32>,
        %get3A_500 = arith.constant 1 : i32
        %get3A_501 = arith.index_cast %get3A_500 : i32 to index
        %get3A_502 = arith.constant 112 : index
        %get3A_503 = tpu.vector_load %arg6[%get3A_501, %get3A_502] {strides = array<i32>} : memref<4x128xi32, #tpu.memory_space<vmem>>, vector<1x16xi32>,
        %get3A_504 = vector.shape_cast %get3A_503 : vector<1x16xi32> to vector<16xi32>
        %shift_right_arithmetic3A_505 = arith.constant 13 : i32
        %shift_right_arithmetic3A_506 = vector.broadcast %shift_right_arithmetic3A_505 : i32 to vector<16xi32>
        %shift_right_arithmetic3A_507 = arith.shrsi %get3A_504, %shift_right_arithmetic3A_506 : vector<16xi32>
        %swap3A_508 = arith.constant 1 : i32
        %swap3A_509 = arith.index_cast %swap3A_508 : i32 to index
        %swap3A_510 = arith.constant 112 : index
        %swap3A_511 = tpu.vector_load %arg7[%swap3A_509, %swap3A_510] {strides = array<i32>} : memref<4x128xi32, #tpu.memory_space<vmem>>, vector<1x16xi32>,
        %swap3A_512 = vector.shape_cast %swap3A_511 : vector<1x16xi32> to vector<16xi32>
        %swap3A_513 = vector.shape_cast %shift_right_arithmetic3A_507 : vector<16xi32> to vector<1x16xi32>
        tpu.vector_store %arg7[%swap3A_509, %swap3A_510], %swap3A_513 {strides = array<i32>} : memref<4x128xi32, #tpu.memory_space<vmem>>, vector<1x16xi32>,
        %and3A_514 = arith.constant 8191 : i32
        %and3A_515 = vector.broadcast %and3A_514 : i32 to vector<16xi32>
        %and3A_516 = arith.andi %get3A_504, %and3A_515 : vector<16xi32>
        %swap3A_517 = arith.constant 1 : i32
        %swap3A_518 = arith.index_cast %swap3A_517 : i32 to index
        %swap3A_519 = arith.constant 112 : index
        %swap3A_520 = tpu.vector_load %arg8[%swap3A_518, %swap3A_519] {strides = array<i32>} : memref<4x128xi32, #tpu.memory_space<vmem>>, vector<1x16xi32>,
        %swap3A_521 = vector.shape_cast %swap3A_520 : vector<1x16xi32> to vector<16xi32>
        %swap3A_522 = vector.shape_cast %and3A_516 : vector<16xi32> to vector<1x16xi32>
        tpu.vector_store %arg8[%swap3A_518, %swap3A_519], %swap3A_522 {strides = array<i32>} : memref<4x128xi32, #tpu.memory_space<vmem>>, vector<1x16xi32>,
        %dma_start3A_523 = arith.constant 1 : i32
        %dma_start3A_524 = arith.constant 1 : i32
        %dma_start3A_525 = arith.constant 0 : i32
        %dma_start3A_526 = arith.constant 0 : i32
        %dma_start3A_527 = tpu.memref_slice %arg9[%dma_start3A_524, %dma_start3A_525, %dma_start3A_526] : memref<2x128x128xf32, #tpu.memory_space<vmem>> -> memref<1x128x128xf32, #tpu.memory_space<vmem>>
        %dma_start3A_528 = tpu.memref_squeeze %dma_start3A_527 : memref<1x128x128xf32, #tpu.memory_space<vmem>> -> memref<128x128xf32, #tpu.memory_space<vmem>>
        %dma_start3A_529 = arith.constant 0 : i32
        %dma_start3A_530 = tpu.memref_slice %arg7[%dma_start3A_523, %dma_start3A_529] : memref<4x128xi32, #tpu.memory_space<vmem>> -> memref<1x128xi32, #tpu.memory_space<vmem>>
        %dma_start3A_531 = tpu.memref_squeeze %dma_start3A_530 : memref<1x128xi32, #tpu.memory_space<vmem>> -> memref<128xi32, #tpu.memory_space<vmem>>
        %dma_start3A_532 = arith.constant 0 : i32
        %dma_start3A_533 = arith.constant 0 : i32
        %dma_start3A_534 = tpu.memref_slice %arg2[%dma_start3A_532, %dma_start3A_533] : memref<10000x128xf32, #tpu.memory_space<hbm>> -> memref<10000x128xf32, #tpu.memory_space<hbm>>
        tpu.enqueue_indirect_dma source(%dma_start3A_534 : memref<10000x128xf32, #tpu.memory_space<hbm>>) target(%dma_start3A_528 : memref<128x128xf32, #tpu.memory_space<vmem>>) offsets(%dma_start3A_531 : memref<128xi32, #tpu.memory_space<vmem>>) semaphore(%arg11 : memref<!tpu.dma_semaphore, #tpu.memory_space<semaphore_mem>>)
        %add3A_535 = arith.constant 2 : i32
        %add3A_536 = arith.addi %add3A_338, %add3A_535 : i32
        %lt3A_537 = arith.constant 112 : i32
        %lt3A_538 = arith.cmpi slt, %add3A_536, %lt3A_537 : i32
        %convert_element_type3A_539 = arith.extui %lt3A_538 : i1 to i32
        %cond3A_540 = arith.constant 0 : i32
        %cond3A_541 = arith.cmpi ne, %convert_element_type3A_539, %cond3A_540 : i32
        scf.if %cond3A_541 {
          %add3A_596 = arith.constant 2 : i32
          %add3A_597 = arith.addi %add3A_338, %add3A_596 : i32
          %mul3A_598 = arith.constant 128 : i32
          %mul3A_599 = arith.muli %add3A_597, %mul3A_598 : i32
          %add3A_600 = arith.addi %mul3A_2, %mul3A_599 : i32
          %dma_start3A_601 = arith.constant 3 : i32
          %dma_start3A_602 = arith.constant 0 : i32
          %dma_start3A_603 = tpu.memref_slice %arg6[%dma_start3A_601, %dma_start3A_602] : memref<4x128xi32, #tpu.memory_space<vmem>> -> memref<1x128xi32, #tpu.memory_space<vmem>>
          %dma_start3A_604 = tpu.memref_squeeze %dma_start3A_603 : memref<1x128xi32, #tpu.memory_space<vmem>> -> memref<128xi32, #tpu.memory_space<vmem>>
          %dma_start3A_605 = tpu.memref_slice %arg3[%add3A_600] : memref<458752xi32, #tpu.memory_space<hbm>> -> memref<128xi32, #tpu.memory_space<hbm>>
          %dma_start3A_606 = arith.constant 0 : i32
          %dma_start3A_607 = tpu.memref_slice %arg6[%dma_start3A_601, %dma_start3A_606] : memref<4x128xi32, #tpu.memory_space<vmem>> -> memref<1x128xi32, #tpu.memory_space<vmem>>
          %dma_start3A_608 = tpu.memref_squeeze %dma_start3A_607 : memref<1x128xi32, #tpu.memory_space<vmem>> -> memref<128xi32, #tpu.memory_space<vmem>>
          %dma_start3A_609 = tpu.memref_slice %arg3[%add3A_600] : memref<458752xi32, #tpu.memory_space<hbm>> -> memref<128xi32, #tpu.memory_space<hbm>>
          tpu.enqueue_dma source(%dma_start3A_609 : memref<128xi32, #tpu.memory_space<hbm>>) target(%dma_start3A_608 : memref<128xi32, #tpu.memory_space<vmem>>) target_semaphore(%arg10 : memref<!tpu.dma_semaphore, #tpu.memory_space<semaphore_mem>>)
        } else {
        }
        %dma_wait3A_542 = arith.constant 0 : i32
        %dma_wait3A_543 = arith.constant 0 : i32
        %dma_wait3A_544 = arith.constant 0 : i32
        %dma_wait3A_545 = tpu.memref_slice %arg9[%dma_wait3A_542, %dma_wait3A_543, %dma_wait3A_544] : memref<2x128x128xf32, #tpu.memory_space<vmem>> -> memref<1x128x128xf32, #tpu.memory_space<vmem>>
        %dma_wait3A_546 = tpu.memref_squeeze %dma_wait3A_545 : memref<1x128x128xf32, #tpu.memory_space<vmem>> -> memref<128x128xf32, #tpu.memory_space<vmem>>
        %dma_wait3A_547 = arith.constant 0 : i32
        %dma_wait3A_548 = arith.constant 0 : i32
        %dma_wait3A_549 = tpu.memref_slice %arg2[%dma_wait3A_547, %dma_wait3A_548] : memref<10000x128xf32, #tpu.memory_space<hbm>> -> memref<128x128xf32, #tpu.memory_space<hbm>>
        %dma_wait3A_550 = arith.constant 0 : i32
        %dma_wait3A_551 = arith.constant 0 : i32
        %dma_wait3A_552 = tpu.memref_slice %arg9[%dma_wait3A_542, %dma_wait3A_550, %dma_wait3A_551] : memref<2x128x128xf32, #tpu.memory_space<vmem>> -> memref<1x128x128xf32, #tpu.memory_space<vmem>>
        %dma_wait3A_553 = tpu.memref_squeeze %dma_wait3A_552 : memref<1x128x128xf32, #tpu.memory_space<vmem>> -> memref<128x128xf32, #tpu.memory_space<vmem>>
        %dma_wait3A_554 = arith.constant 0 : i32
        %dma_wait3A_555 = arith.constant 0 : i32
        %dma_wait3A_556 = tpu.memref_slice %arg2[%dma_wait3A_554, %dma_wait3A_555] : memref<10000x128xf32, #tpu.memory_space<hbm>> -> memref<128x128xf32, #tpu.memory_space<hbm>>
        tpu.wait_dma2 semaphore(%arg11 : memref<!tpu.dma_semaphore, #tpu.memory_space<semaphore_mem>>) src(%dma_wait3A_556 : memref<128x128xf32, #tpu.memory_space<hbm>>) dst(%dma_wait3A_553 : memref<128x128xf32, #tpu.memory_space<vmem>>)
        %dma_start3A_557 = arith.constant 0 : i32
        %dma_start3A_558 = arith.constant 0 : i32
        %dma_start3A_559 = arith.constant 0 : i32
        %dma_start3A_560 = arith.constant 0 : i32
        %dma_start3A_561 = tpu.memref_slice %arg9[%dma_start3A_557, %dma_start3A_559, %dma_start3A_560] : memref<2x128x128xf32, #tpu.memory_space<vmem>> -> memref<1x128x128xf32, #tpu.memory_space<vmem>>
        %dma_start3A_562 = tpu.memref_squeeze %dma_start3A_561 : memref<1x128x128xf32, #tpu.memory_space<vmem>> -> memref<128x128xf32, #tpu.memory_space<vmem>>
        %dma_start3A_563 = arith.constant 0 : i32
        %dma_start3A_564 = tpu.memref_slice %arg8[%dma_start3A_558, %dma_start3A_563] : memref<4x128xi32, #tpu.memory_space<vmem>> -> memref<1x128xi32, #tpu.memory_space<vmem>>
        %dma_start3A_565 = tpu.memref_squeeze %dma_start3A_564 : memref<1x128xi32, #tpu.memory_space<vmem>> -> memref<128xi32, #tpu.memory_space<vmem>>
        %dma_start3A_566 = arith.constant 0 : i32
        %dma_start3A_567 = arith.constant 0 : i32
        %dma_start3A_568 = tpu.memref_slice %arg5[%dma_start3A_566, %dma_start3A_567] : memref<8192x128xf32, #tpu.memory_space<vmem_shared>> -> memref<8192x128xf32, #tpu.memory_space<vmem_shared>>
        tpu.enqueue_indirect_dma source(%dma_start3A_562 : memref<128x128xf32, #tpu.memory_space<vmem>>) target(%dma_start3A_568 : memref<8192x128xf32, #tpu.memory_space<vmem_shared>>) offsets(%dma_start3A_565 : memref<128xi32, #tpu.memory_space<vmem>>) semaphore(%arg12 : memref<!tpu.dma_semaphore, #tpu.memory_space<semaphore_mem>>) {add = true}
        %dma_wait3A_569 = arith.constant 1 : i32
        %dma_wait3A_570 = arith.constant 0 : i32
        %dma_wait3A_571 = arith.constant 0 : i32
        %dma_wait3A_572 = tpu.memref_slice %arg9[%dma_wait3A_569, %dma_wait3A_570, %dma_wait3A_571] : memref<2x128x128xf32, #tpu.memory_space<vmem>> -> memref<1x128x128xf32, #tpu.memory_space<vmem>>
        %dma_wait3A_573 = tpu.memref_squeeze %dma_wait3A_572 : memref<1x128x128xf32, #tpu.memory_space<vmem>> -> memref<128x128xf32, #tpu.memory_space<vmem>>
        %dma_wait3A_574 = arith.constant 0 : i32
        %dma_wait3A_575 = arith.constant 0 : i32
        %dma_wait3A_576 = tpu.memref_slice %arg2[%dma_wait3A_574, %dma_wait3A_575] : memref<10000x128xf32, #tpu.memory_space<hbm>> -> memref<128x128xf32, #tpu.memory_space<hbm>>
        %dma_wait3A_577 = arith.constant 0 : i32
        %dma_wait3A_578 = arith.constant 0 : i32
        %dma_wait3A_579 = tpu.memref_slice %arg9[%dma_wait3A_569, %dma_wait3A_577, %dma_wait3A_578] : memref<2x128x128xf32, #tpu.memory_space<vmem>> -> memref<1x128x128xf32, #tpu.memory_space<vmem>>
        %dma_wait3A_580 = tpu.memref_squeeze %dma_wait3A_579 : memref<1x128x128xf32, #tpu.memory_space<vmem>> -> memref<128x128xf32, #tpu.memory_space<vmem>>
        %dma_wait3A_581 = arith.constant 0 : i32
        %dma_wait3A_582 = arith.constant 0 : i32
        %dma_wait3A_583 = tpu.memref_slice %arg2[%dma_wait3A_581, %dma_wait3A_582] : memref<10000x128xf32, #tpu.memory_space<hbm>> -> memref<128x128xf32, #tpu.memory_space<hbm>>
        tpu.wait_dma2 semaphore(%arg11 : memref<!tpu.dma_semaphore, #tpu.memory_space<semaphore_mem>>) src(%dma_wait3A_583 : memref<128x128xf32, #tpu.memory_space<hbm>>) dst(%dma_wait3A_580 : memref<128x128xf32, #tpu.memory_space<vmem>>)
        %dma_start3A_584 = arith.constant 1 : i32
        %dma_start3A_585 = arith.constant 1 : i32
        %dma_start3A_586 = arith.constant 0 : i32
        %dma_start3A_587 = arith.constant 0 : i32
        %dma_start3A_588 = tpu.memref_slice %arg9[%dma_start3A_584, %dma_start3A_586, %dma_start3A_587] : memref<2x128x128xf32, #tpu.memory_space<vmem>> -> memref<1x128x128xf32, #tpu.memory_space<vmem>>
        %dma_start3A_589 = tpu.memref_squeeze %dma_start3A_588 : memref<1x128x128xf32, #tpu.memory_space<vmem>> -> memref<128x128xf32, #tpu.memory_space<vmem>>
        %dma_start3A_590 = arith.constant 0 : i32
        %dma_start3A_591 = tpu.memref_slice %arg8[%dma_start3A_585, %dma_start3A_590] : memref<4x128xi32, #tpu.memory_space<vmem>> -> memref<1x128xi32, #tpu.memory_space<vmem>>
        %dma_start3A_592 = tpu.memref_squeeze %dma_start3A_591 : memref<1x128xi32, #tpu.memory_space<vmem>> -> memref<128xi32, #tpu.memory_space<vmem>>
        %dma_start3A_593 = arith.constant 0 : i32
        %dma_start3A_594 = arith.constant 0 : i32
        %dma_start3A_595 = tpu.memref_slice %arg5[%dma_start3A_593, %dma_start3A_594] : memref<8192x128xf32, #tpu.memory_space<vmem_shared>> -> memref<8192x128xf32, #tpu.memory_space<vmem_shared>>
        tpu.enqueue_indirect_dma source(%dma_start3A_589 : memref<128x128xf32, #tpu.memory_space<vmem>>) target(%dma_start3A_595 : memref<8192x128xf32, #tpu.memory_space<vmem_shared>>) offsets(%dma_start3A_592 : memref<128xi32, #tpu.memory_space<vmem>>) semaphore(%arg12 : memref<!tpu.dma_semaphore, #tpu.memory_space<semaphore_mem>>) {add = true}
      } else {
      }
      %rem3A_126 = arith.constant 2 : i32
      %rem3A_127 = arith.remsi %scan3A_93, %rem3A_126 : i32
      %eq3A_128 = arith.constant 1 : i32
      %eq3A_129 = arith.cmpi eq, %rem3A_127, %eq3A_128 : i32
      %convert_element_type3A_130 = arith.extui %eq3A_129 : i1 to i32
      %cond3A_131 = arith.constant 0 : i32
      %cond3A_132 = arith.cmpi ne, %convert_element_type3A_130, %cond3A_131 : i32
      scf.if %cond3A_132 {
        %mul3A_133 = arith.constant 2 : i32
        %mul3A_134 = arith.muli %mul3A_133, %scan3A_93 : i32
        %add3A_135 = arith.constant 0 : i32
        %add3A_136 = arith.addi %mul3A_134, %add3A_135 : i32
        %get3A = arith.constant 2 : i32
        %get3A_137 = arith.index_cast %get3A : i32 to index
        %get3A_138 = arith.constant 0 : index
        %get3A_139 = tpu.vector_load %arg6[%get3A_137, %get3A_138] {strides = array<i32>} : memref<4x128xi32, #tpu.memory_space<vmem>>, vector<1x16xi32>,
        %get3A_140 = vector.shape_cast %get3A_139 : vector<1x16xi32> to vector<16xi32>
        %shift_right_arithmetic3A = arith.constant 13 : i32
        %shift_right_arithmetic3A_141 = vector.broadcast %shift_right_arithmetic3A : i32 to vector<16xi32>
        %shift_right_arithmetic3A_142 = arith.shrsi %get3A_140, %shift_right_arithmetic3A_141 : vector<16xi32>
        %swap3A = arith.constant 2 : i32
        %swap3A_143 = arith.index_cast %swap3A : i32 to index
        %swap3A_144 = arith.constant 0 : index
        %swap3A_145 = tpu.vector_load %arg7[%swap3A_143, %swap3A_144] {strides = array<i32>} : memref<4x128xi32, #tpu.memory_space<vmem>>, vector<1x16xi32>,
        %swap3A_146 = vector.shape_cast %swap3A_145 : vector<1x16xi32> to vector<16xi32>
        %swap3A_147 = vector.shape_cast %shift_right_arithmetic3A_142 : vector<16xi32> to vector<1x16xi32>
        tpu.vector_store %arg7[%swap3A_143, %swap3A_144], %swap3A_147 {strides = array<i32>} : memref<4x128xi32, #tpu.memory_space<vmem>>, vector<1x16xi32>,
        %and3A = arith.constant 8191 : i32
        %and3A_148 = vector.broadcast %and3A : i32 to vector<16xi32>
        %and3A_149 = arith.andi %get3A_140, %and3A_148 : vector<16xi32>
        %swap3A_150 = arith.constant 2 : i32
        %swap3A_151 = arith.index_cast %swap3A_150 : i32 to index
        %swap3A_152 = arith.constant 0 : index
        %swap3A_153 = tpu.vector_load %arg8[%swap3A_151, %swap3A_152] {strides = array<i32>} : memref<4x128xi32, #tpu.memory_space<vmem>>, vector<1x16xi32>,
        %swap3A_154 = vector.shape_cast %swap3A_153 : vector<1x16xi32> to vector<16xi32>
        %swap3A_155 = vector.shape_cast %and3A_149 : vector<16xi32> to vector<1x16xi32>
        tpu.vector_store %arg8[%swap3A_151, %swap3A_152], %swap3A_155 {strides = array<i32>} : memref<4x128xi32, #tpu.memory_space<vmem>>, vector<1x16xi32>,
        %get3A_156 = arith.constant 2 : i32
        %get3A_157 = arith.index_cast %get3A_156 : i32 to index
        %get3A_158 = arith.constant 16 : index
        %get3A_159 = tpu.vector_load %arg6[%get3A_157, %get3A_158] {strides = array<i32>} : memref<4x128xi32, #tpu.memory_space<vmem>>, vector<1x16xi32>,
        %get3A_160 = vector.shape_cast %get3A_159 : vector<1x16xi32> to vector<16xi32>
        %shift_right_arithmetic3A_161 = arith.constant 13 : i32
        %shift_right_arithmetic3A_162 = vector.broadcast %shift_right_arithmetic3A_161 : i32 to vector<16xi32>
        %shift_right_arithmetic3A_163 = arith.shrsi %get3A_160, %shift_right_arithmetic3A_162 : vector<16xi32>
        %swap3A_164 = arith.constant 2 : i32
        %swap3A_165 = arith.index_cast %swap3A_164 : i32 to index
        %swap3A_166 = arith.constant 16 : index
        %swap3A_167 = tpu.vector_load %arg7[%swap3A_165, %swap3A_166] {strides = array<i32>} : memref<4x128xi32, #tpu.memory_space<vmem>>, vector<1x16xi32>,
        %swap3A_168 = vector.shape_cast %swap3A_167 : vector<1x16xi32> to vector<16xi32>
        %swap3A_169 = vector.shape_cast %shift_right_arithmetic3A_163 : vector<16xi32> to vector<1x16xi32>
        tpu.vector_store %arg7[%swap3A_165, %swap3A_166], %swap3A_169 {strides = array<i32>} : memref<4x128xi32, #tpu.memory_space<vmem>>, vector<1x16xi32>,
        %and3A_170 = arith.constant 8191 : i32
        %and3A_171 = vector.broadcast %and3A_170 : i32 to vector<16xi32>
        %and3A_172 = arith.andi %get3A_160, %and3A_171 : vector<16xi32>
        %swap3A_173 = arith.constant 2 : i32
        %swap3A_174 = arith.index_cast %swap3A_173 : i32 to index
        %swap3A_175 = arith.constant 16 : index
        %swap3A_176 = tpu.vector_load %arg8[%swap3A_174, %swap3A_175] {strides = array<i32>} : memref<4x128xi32, #tpu.memory_space<vmem>>, vector<1x16xi32>,
        %swap3A_177 = vector.shape_cast %swap3A_176 : vector<1x16xi32> to vector<16xi32>
        %swap3A_178 = vector.shape_cast %and3A_172 : vector<16xi32> to vector<1x16xi32>
        tpu.vector_store %arg8[%swap3A_174, %swap3A_175], %swap3A_178 {strides = array<i32>} : memref<4x128xi32, #tpu.memory_space<vmem>>, vector<1x16xi32>,
        %get3A_179 = arith.constant 2 : i32
        %get3A_180 = arith.index_cast %get3A_179 : i32 to index
        %get3A_181 = arith.constant 32 : index
        %get3A_182 = tpu.vector_load %arg6[%get3A_180, %get3A_181] {strides = array<i32>} : memref<4x128xi32, #tpu.memory_space<vmem>>, vector<1x16xi32>,
        %get3A_183 = vector.shape_cast %get3A_182 : vector<1x16xi32> to vector<16xi32>
        %shift_right_arithmetic3A_184 = arith.constant 13 : i32
        %shift_right_arithmetic3A_185 = vector.broadcast %shift_right_arithmetic3A_184 : i32 to vector<16xi32>
        %shift_right_arithmetic3A_186 = arith.shrsi %get3A_183, %shift_right_arithmetic3A_185 : vector<16xi32>
        %swap3A_187 = arith.constant 2 : i32
        %swap3A_188 = arith.index_cast %swap3A_187 : i32 to index
        %swap3A_189 = arith.constant 32 : index
        %swap3A_190 = tpu.vector_load %arg7[%swap3A_188, %swap3A_189] {strides = array<i32>} : memref<4x128xi32, #tpu.memory_space<vmem>>, vector<1x16xi32>,
        %swap3A_191 = vector.shape_cast %swap3A_190 : vector<1x16xi32> to vector<16xi32>
        %swap3A_192 = vector.shape_cast %shift_right_arithmetic3A_186 : vector<16xi32> to vector<1x16xi32>
        tpu.vector_store %arg7[%swap3A_188, %swap3A_189], %swap3A_192 {strides = array<i32>} : memref<4x128xi32, #tpu.memory_space<vmem>>, vector<1x16xi32>,
        %and3A_193 = arith.constant 8191 : i32
        %and3A_194 = vector.broadcast %and3A_193 : i32 to vector<16xi32>
        %and3A_195 = arith.andi %get3A_183, %and3A_194 : vector<16xi32>
        %swap3A_196 = arith.constant 2 : i32
        %swap3A_197 = arith.index_cast %swap3A_196 : i32 to index
        %swap3A_198 = arith.constant 32 : index
        %swap3A_199 = tpu.vector_load %arg8[%swap3A_197, %swap3A_198] {strides = array<i32>} : memref<4x128xi32, #tpu.memory_space<vmem>>, vector<1x16xi32>,
        %swap3A_200 = vector.shape_cast %swap3A_199 : vector<1x16xi32> to vector<16xi32>
        %swap3A_201 = vector.shape_cast %and3A_195 : vector<16xi32> to vector<1x16xi32>
        tpu.vector_store %arg8[%swap3A_197, %swap3A_198], %swap3A_201 {strides = array<i32>} : memref<4x128xi32, #tpu.memory_space<vmem>>, vector<1x16xi32>,
        %get3A_202 = arith.constant 2 : i32
        %get3A_203 = arith.index_cast %get3A_202 : i32 to index
        %get3A_204 = arith.constant 48 : index
        %get3A_205 = tpu.vector_load %arg6[%get3A_203, %get3A_204] {strides = array<i32>} : memref<4x128xi32, #tpu.memory_space<vmem>>, vector<1x16xi32>,
        %get3A_206 = vector.shape_cast %get3A_205 : vector<1x16xi32> to vector<16xi32>
        %shift_right_arithmetic3A_207 = arith.constant 13 : i32
        %shift_right_arithmetic3A_208 = vector.broadcast %shift_right_arithmetic3A_207 : i32 to vector<16xi32>
        %shift_right_arithmetic3A_209 = arith.shrsi %get3A_206, %shift_right_arithmetic3A_208 : vector<16xi32>
        %swap3A_210 = arith.constant 2 : i32
        %swap3A_211 = arith.index_cast %swap3A_210 : i32 to index
        %swap3A_212 = arith.constant 48 : index
        %swap3A_213 = tpu.vector_load %arg7[%swap3A_211, %swap3A_212] {strides = array<i32>} : memref<4x128xi32, #tpu.memory_space<vmem>>, vector<1x16xi32>,
        %swap3A_214 = vector.shape_cast %swap3A_213 : vector<1x16xi32> to vector<16xi32>
        %swap3A_215 = vector.shape_cast %shift_right_arithmetic3A_209 : vector<16xi32> to vector<1x16xi32>
        tpu.vector_store %arg7[%swap3A_211, %swap3A_212], %swap3A_215 {strides = array<i32>} : memref<4x128xi32, #tpu.memory_space<vmem>>, vector<1x16xi32>,
        %and3A_216 = arith.constant 8191 : i32
        %and3A_217 = vector.broadcast %and3A_216 : i32 to vector<16xi32>
        %and3A_218 = arith.andi %get3A_206, %and3A_217 : vector<16xi32>
        %swap3A_219 = arith.constant 2 : i32
        %swap3A_220 = arith.index_cast %swap3A_219 : i32 to index
        %swap3A_221 = arith.constant 48 : index
        %swap3A_222 = tpu.vector_load %arg8[%swap3A_220, %swap3A_221] {strides = array<i32>} : memref<4x128xi32, #tpu.memory_space<vmem>>, vector<1x16xi32>,
        %swap3A_223 = vector.shape_cast %swap3A_222 : vector<1x16xi32> to vector<16xi32>
        %swap3A_224 = vector.shape_cast %and3A_218 : vector<16xi32> to vector<1x16xi32>
        tpu.vector_store %arg8[%swap3A_220, %swap3A_221], %swap3A_224 {strides = array<i32>} : memref<4x128xi32, #tpu.memory_space<vmem>>, vector<1x16xi32>,
        %get3A_225 = arith.constant 2 : i32
        %get3A_226 = arith.index_cast %get3A_225 : i32 to index
        %get3A_227 = arith.constant 64 : index
        %get3A_228 = tpu.vector_load %arg6[%get3A_226, %get3A_227] {strides = array<i32>} : memref<4x128xi32, #tpu.memory_space<vmem>>, vector<1x16xi32>,
        %get3A_229 = vector.shape_cast %get3A_228 : vector<1x16xi32> to vector<16xi32>
        %shift_right_arithmetic3A_230 = arith.constant 13 : i32
        %shift_right_arithmetic3A_231 = vector.broadcast %shift_right_arithmetic3A_230 : i32 to vector<16xi32>
        %shift_right_arithmetic3A_232 = arith.shrsi %get3A_229, %shift_right_arithmetic3A_231 : vector<16xi32>
        %swap3A_233 = arith.constant 2 : i32
        %swap3A_234 = arith.index_cast %swap3A_233 : i32 to index
        %swap3A_235 = arith.constant 64 : index
        %swap3A_236 = tpu.vector_load %arg7[%swap3A_234, %swap3A_235] {strides = array<i32>} : memref<4x128xi32, #tpu.memory_space<vmem>>, vector<1x16xi32>,
        %swap3A_237 = vector.shape_cast %swap3A_236 : vector<1x16xi32> to vector<16xi32>
        %swap3A_238 = vector.shape_cast %shift_right_arithmetic3A_232 : vector<16xi32> to vector<1x16xi32>
        tpu.vector_store %arg7[%swap3A_234, %swap3A_235], %swap3A_238 {strides = array<i32>} : memref<4x128xi32, #tpu.memory_space<vmem>>, vector<1x16xi32>,
        %and3A_239 = arith.constant 8191 : i32
        %and3A_240 = vector.broadcast %and3A_239 : i32 to vector<16xi32>
        %and3A_241 = arith.andi %get3A_229, %and3A_240 : vector<16xi32>
        %swap3A_242 = arith.constant 2 : i32
        %swap3A_243 = arith.index_cast %swap3A_242 : i32 to index
        %swap3A_244 = arith.constant 64 : index
        %swap3A_245 = tpu.vector_load %arg8[%swap3A_243, %swap3A_244] {strides = array<i32>} : memref<4x128xi32, #tpu.memory_space<vmem>>, vector<1x16xi32>,
        %swap3A_246 = vector.shape_cast %swap3A_245 : vector<1x16xi32> to vector<16xi32>
        %swap3A_247 = vector.shape_cast %and3A_241 : vector<16xi32> to vector<1x16xi32>
        tpu.vector_store %arg8[%swap3A_243, %swap3A_244], %swap3A_247 {strides = array<i32>} : memref<4x128xi32, #tpu.memory_space<vmem>>, vector<1x16xi32>,
        %get3A_248 = arith.constant 2 : i32
        %get3A_249 = arith.index_cast %get3A_248 : i32 to index
        %get3A_250 = arith.constant 80 : index
        %get3A_251 = tpu.vector_load %arg6[%get3A_249, %get3A_250] {strides = array<i32>} : memref<4x128xi32, #tpu.memory_space<vmem>>, vector<1x16xi32>,
        %get3A_252 = vector.shape_cast %get3A_251 : vector<1x16xi32> to vector<16xi32>
        %shift_right_arithmetic3A_253 = arith.constant 13 : i32
        %shift_right_arithmetic3A_254 = vector.broadcast %shift_right_arithmetic3A_253 : i32 to vector<16xi32>
        %shift_right_arithmetic3A_255 = arith.shrsi %get3A_252, %shift_right_arithmetic3A_254 : vector<16xi32>
        %swap3A_256 = arith.constant 2 : i32
        %swap3A_257 = arith.index_cast %swap3A_256 : i32 to index
        %swap3A_258 = arith.constant 80 : index
        %swap3A_259 = tpu.vector_load %arg7[%swap3A_257, %swap3A_258] {strides = array<i32>} : memref<4x128xi32, #tpu.memory_space<vmem>>, vector<1x16xi32>,
        %swap3A_260 = vector.shape_cast %swap3A_259 : vector<1x16xi32> to vector<16xi32>
        %swap3A_261 = vector.shape_cast %shift_right_arithmetic3A_255 : vector<16xi32> to vector<1x16xi32>
        tpu.vector_store %arg7[%swap3A_257, %swap3A_258], %swap3A_261 {strides = array<i32>} : memref<4x128xi32, #tpu.memory_space<vmem>>, vector<1x16xi32>,
        %and3A_262 = arith.constant 8191 : i32
        %and3A_263 = vector.broadcast %and3A_262 : i32 to vector<16xi32>
        %and3A_264 = arith.andi %get3A_252, %and3A_263 : vector<16xi32>
        %swap3A_265 = arith.constant 2 : i32
        %swap3A_266 = arith.index_cast %swap3A_265 : i32 to index
        %swap3A_267 = arith.constant 80 : index
        %swap3A_268 = tpu.vector_load %arg8[%swap3A_266, %swap3A_267] {strides = array<i32>} : memref<4x128xi32, #tpu.memory_space<vmem>>, vector<1x16xi32>,
        %swap3A_269 = vector.shape_cast %swap3A_268 : vector<1x16xi32> to vector<16xi32>
        %swap3A_270 = vector.shape_cast %and3A_264 : vector<16xi32> to vector<1x16xi32>
        tpu.vector_store %arg8[%swap3A_266, %swap3A_267], %swap3A_270 {strides = array<i32>} : memref<4x128xi32, #tpu.memory_space<vmem>>, vector<1x16xi32>,
        %get3A_271 = arith.constant 2 : i32
        %get3A_272 = arith.index_cast %get3A_271 : i32 to index
        %get3A_273 = arith.constant 96 : index
        %get3A_274 = tpu.vector_load %arg6[%get3A_272, %get3A_273] {strides = array<i32>} : memref<4x128xi32, #tpu.memory_space<vmem>>, vector<1x16xi32>,
        %get3A_275 = vector.shape_cast %get3A_274 : vector<1x16xi32> to vector<16xi32>
        %shift_right_arithmetic3A_276 = arith.constant 13 : i32
        %shift_right_arithmetic3A_277 = vector.broadcast %shift_right_arithmetic3A_276 : i32 to vector<16xi32>
        %shift_right_arithmetic3A_278 = arith.shrsi %get3A_275, %shift_right_arithmetic3A_277 : vector<16xi32>
        %swap3A_279 = arith.constant 2 : i32
        %swap3A_280 = arith.index_cast %swap3A_279 : i32 to index
        %swap3A_281 = arith.constant 96 : index
        %swap3A_282 = tpu.vector_load %arg7[%swap3A_280, %swap3A_281] {strides = array<i32>} : memref<4x128xi32, #tpu.memory_space<vmem>>, vector<1x16xi32>,
        %swap3A_283 = vector.shape_cast %swap3A_282 : vector<1x16xi32> to vector<16xi32>
        %swap3A_284 = vector.shape_cast %shift_right_arithmetic3A_278 : vector<16xi32> to vector<1x16xi32>
        tpu.vector_store %arg7[%swap3A_280, %swap3A_281], %swap3A_284 {strides = array<i32>} : memref<4x128xi32, #tpu.memory_space<vmem>>, vector<1x16xi32>,
        %and3A_285 = arith.constant 8191 : i32
        %and3A_286 = vector.broadcast %and3A_285 : i32 to vector<16xi32>
        %and3A_287 = arith.andi %get3A_275, %and3A_286 : vector<16xi32>
        %swap3A_288 = arith.constant 2 : i32
        %swap3A_289 = arith.index_cast %swap3A_288 : i32 to index
        %swap3A_290 = arith.constant 96 : index
        %swap3A_291 = tpu.vector_load %arg8[%swap3A_289, %swap3A_290] {strides = array<i32>} : memref<4x128xi32, #tpu.memory_space<vmem>>, vector<1x16xi32>,
        %swap3A_292 = vector.shape_cast %swap3A_291 : vector<1x16xi32> to vector<16xi32>
        %swap3A_293 = vector.shape_cast %and3A_287 : vector<16xi32> to vector<1x16xi32>
        tpu.vector_store %arg8[%swap3A_289, %swap3A_290], %swap3A_293 {strides = array<i32>} : memref<4x128xi32, #tpu.memory_space<vmem>>, vector<1x16xi32>,
        %get3A_294 = arith.constant 2 : i32
        %get3A_295 = arith.index_cast %get3A_294 : i32 to index
        %get3A_296 = arith.constant 112 : index
        %get3A_297 = tpu.vector_load %arg6[%get3A_295, %get3A_296] {strides = array<i32>} : memref<4x128xi32, #tpu.memory_space<vmem>>, vector<1x16xi32>,
        %get3A_298 = vector.shape_cast %get3A_297 : vector<1x16xi32> to vector<16xi32>
        %shift_right_arithmetic3A_299 = arith.constant 13 : i32
        %shift_right_arithmetic3A_300 = vector.broadcast %shift_right_arithmetic3A_299 : i32 to vector<16xi32>
        %shift_right_arithmetic3A_301 = arith.shrsi %get3A_298, %shift_right_arithmetic3A_300 : vector<16xi32>
        %swap3A_302 = arith.constant 2 : i32
        %swap3A_303 = arith.index_cast %swap3A_302 : i32 to index
        %swap3A_304 = arith.constant 112 : index
        %swap3A_305 = tpu.vector_load %arg7[%swap3A_303, %swap3A_304] {strides = array<i32>} : memref<4x128xi32, #tpu.memory_space<vmem>>, vector<1x16xi32>,
        %swap3A_306 = vector.shape_cast %swap3A_305 : vector<1x16xi32> to vector<16xi32>
        %swap3A_307 = vector.shape_cast %shift_right_arithmetic3A_301 : vector<16xi32> to vector<1x16xi32>
        tpu.vector_store %arg7[%swap3A_303, %swap3A_304], %swap3A_307 {strides = array<i32>} : memref<4x128xi32, #tpu.memory_space<vmem>>, vector<1x16xi32>,
        %and3A_308 = arith.constant 8191 : i32
        %and3A_309 = vector.broadcast %and3A_308 : i32 to vector<16xi32>
        %and3A_310 = arith.andi %get3A_298, %and3A_309 : vector<16xi32>
        %swap3A_311 = arith.constant 2 : i32
        %swap3A_312 = arith.index_cast %swap3A_311 : i32 to index
        %swap3A_313 = arith.constant 112 : index
        %swap3A_314 = tpu.vector_load %arg8[%swap3A_312, %swap3A_313] {strides = array<i32>} : memref<4x128xi32, #tpu.memory_space<vmem>>, vector<1x16xi32>,
        %swap3A_315 = vector.shape_cast %swap3A_314 : vector<1x16xi32> to vector<16xi32>
        %swap3A_316 = vector.shape_cast %and3A_310 : vector<16xi32> to vector<1x16xi32>
        tpu.vector_store %arg8[%swap3A_312, %swap3A_313], %swap3A_316 {strides = array<i32>} : memref<4x128xi32, #tpu.memory_space<vmem>>, vector<1x16xi32>,
        %dma_start3A_317 = arith.constant 2 : i32
        %dma_start3A_318 = arith.constant 0 : i32
        %dma_start3A_319 = arith.constant 0 : i32
        %dma_start3A_320 = arith.constant 0 : i32
        %dma_start3A_321 = tpu.memref_slice %arg9[%dma_start3A_318, %dma_start3A_319, %dma_start3A_320] : memref<2x128x128xf32, #tpu.memory_space<vmem>> -> memref<1x128x128xf32, #tpu.memory_space<vmem>>
        %dma_start3A_322 = tpu.memref_squeeze %dma_start3A_321 : memref<1x128x128xf32, #tpu.memory_space<vmem>> -> memref<128x128xf32, #tpu.memory_space<vmem>>
        %dma_start3A_323 = arith.constant 0 : i32
        %dma_start3A_324 = tpu.memref_slice %arg7[%dma_start3A_317, %dma_start3A_323] : memref<4x128xi32, #tpu.memory_space<vmem>> -> memref<1x128xi32, #tpu.memory_space<vmem>>
        %dma_start3A_325 = tpu.memref_squeeze %dma_start3A_324 : memref<1x128xi32, #tpu.memory_space<vmem>> -> memref<128xi32, #tpu.memory_space<vmem>>
        %dma_start3A_326 = arith.constant 0 : i32
        %dma_start3A_327 = arith.constant 0 : i32
        %dma_start3A_328 = tpu.memref_slice %arg2[%dma_start3A_326, %dma_start3A_327] : memref<10000x128xf32, #tpu.memory_space<hbm>> -> memref<10000x128xf32, #tpu.memory_space<hbm>>
        tpu.enqueue_indirect_dma source(%dma_start3A_328 : memref<10000x128xf32, #tpu.memory_space<hbm>>) target(%dma_start3A_322 : memref<128x128xf32, #tpu.memory_space<vmem>>) offsets(%dma_start3A_325 : memref<128xi32, #tpu.memory_space<vmem>>) semaphore(%arg11 : memref<!tpu.dma_semaphore, #tpu.memory_space<semaphore_mem>>)
        %add3A_329 = arith.constant 2 : i32
        %add3A_330 = arith.addi %add3A_136, %add3A_329 : i32
        %lt3A = arith.constant 112 : i32
        %lt3A_331 = arith.cmpi slt, %add3A_330, %lt3A : i32
        %convert_element_type3A_332 = arith.extui %lt3A_331 : i1 to i32
        %cond3A_333 = arith.constant 0 : i32
        %cond3A_334 = arith.cmpi ne, %convert_element_type3A_332, %cond3A_333 : i32
        scf.if %cond3A_334 {
          %add3A_596 = arith.constant 2 : i32
          %add3A_597 = arith.addi %add3A_136, %add3A_596 : i32
          %mul3A_598 = arith.constant 128 : i32
          %mul3A_599 = arith.muli %add3A_597, %mul3A_598 : i32
          %add3A_600 = arith.addi %mul3A_2, %mul3A_599 : i32
          %dma_start3A_601 = arith.constant 0 : i32
          %dma_start3A_602 = arith.constant 0 : i32
          %dma_start3A_603 = tpu.memref_slice %arg6[%dma_start3A_601, %dma_start3A_602] : memref<4x128xi32, #tpu.memory_space<vmem>> -> memref<1x128xi32, #tpu.memory_space<vmem>>
          %dma_start3A_604 = tpu.memref_squeeze %dma_start3A_603 : memref<1x128xi32, #tpu.memory_space<vmem>> -> memref<128xi32, #tpu.memory_space<vmem>>
          %dma_start3A_605 = tpu.memref_slice %arg3[%add3A_600] : memref<458752xi32, #tpu.memory_space<hbm>> -> memref<128xi32, #tpu.memory_space<hbm>>
          %dma_start3A_606 = arith.constant 0 : i32
          %dma_start3A_607 = tpu.memref_slice %arg6[%dma_start3A_601, %dma_start3A_606] : memref<4x128xi32, #tpu.memory_space<vmem>> -> memref<1x128xi32, #tpu.memory_space<vmem>>
          %dma_start3A_608 = tpu.memref_squeeze %dma_start3A_607 : memref<1x128xi32, #tpu.memory_space<vmem>> -> memref<128xi32, #tpu.memory_space<vmem>>
          %dma_start3A_609 = tpu.memref_slice %arg3[%add3A_600] : memref<458752xi32, #tpu.memory_space<hbm>> -> memref<128xi32, #tpu.memory_space<hbm>>
          tpu.enqueue_dma source(%dma_start3A_609 : memref<128xi32, #tpu.memory_space<hbm>>) target(%dma_start3A_608 : memref<128xi32, #tpu.memory_space<vmem>>) target_semaphore(%arg10 : memref<!tpu.dma_semaphore, #tpu.memory_space<semaphore_mem>>)
        } else {
        }
        %mul3A_335 = arith.constant 2 : i32
        %mul3A_336 = arith.muli %mul3A_335, %scan3A_93 : i32
        %add3A_337 = arith.constant 1 : i32
        %add3A_338 = arith.addi %mul3A_336, %add3A_337 : i32
        %get3A_339 = arith.constant 3 : i32
        %get3A_340 = arith.index_cast %get3A_339 : i32 to index
        %get3A_341 = arith.constant 0 : index
        %get3A_342 = tpu.vector_load %arg6[%get3A_340, %get3A_341] {strides = array<i32>} : memref<4x128xi32, #tpu.memory_space<vmem>>, vector<1x16xi32>,
        %get3A_343 = vector.shape_cast %get3A_342 : vector<1x16xi32> to vector<16xi32>
        %shift_right_arithmetic3A_344 = arith.constant 13 : i32
        %shift_right_arithmetic3A_345 = vector.broadcast %shift_right_arithmetic3A_344 : i32 to vector<16xi32>
        %shift_right_arithmetic3A_346 = arith.shrsi %get3A_343, %shift_right_arithmetic3A_345 : vector<16xi32>
        %swap3A_347 = arith.constant 3 : i32
        %swap3A_348 = arith.index_cast %swap3A_347 : i32 to index
        %swap3A_349 = arith.constant 0 : index
        %swap3A_350 = tpu.vector_load %arg7[%swap3A_348, %swap3A_349] {strides = array<i32>} : memref<4x128xi32, #tpu.memory_space<vmem>>, vector<1x16xi32>,
        %swap3A_351 = vector.shape_cast %swap3A_350 : vector<1x16xi32> to vector<16xi32>
        %swap3A_352 = vector.shape_cast %shift_right_arithmetic3A_346 : vector<16xi32> to vector<1x16xi32>
        tpu.vector_store %arg7[%swap3A_348, %swap3A_349], %swap3A_352 {strides = array<i32>} : memref<4x128xi32, #tpu.memory_space<vmem>>, vector<1x16xi32>,
        %and3A_353 = arith.constant 8191 : i32
        %and3A_354 = vector.broadcast %and3A_353 : i32 to vector<16xi32>
        %and3A_355 = arith.andi %get3A_343, %and3A_354 : vector<16xi32>
        %swap3A_356 = arith.constant 3 : i32
        %swap3A_357 = arith.index_cast %swap3A_356 : i32 to index
        %swap3A_358 = arith.constant 0 : index
        %swap3A_359 = tpu.vector_load %arg8[%swap3A_357, %swap3A_358] {strides = array<i32>} : memref<4x128xi32, #tpu.memory_space<vmem>>, vector<1x16xi32>,
        %swap3A_360 = vector.shape_cast %swap3A_359 : vector<1x16xi32> to vector<16xi32>
        %swap3A_361 = vector.shape_cast %and3A_355 : vector<16xi32> to vector<1x16xi32>
        tpu.vector_store %arg8[%swap3A_357, %swap3A_358], %swap3A_361 {strides = array<i32>} : memref<4x128xi32, #tpu.memory_space<vmem>>, vector<1x16xi32>,
        %get3A_362 = arith.constant 3 : i32
        %get3A_363 = arith.index_cast %get3A_362 : i32 to index
        %get3A_364 = arith.constant 16 : index
        %get3A_365 = tpu.vector_load %arg6[%get3A_363, %get3A_364] {strides = array<i32>} : memref<4x128xi32, #tpu.memory_space<vmem>>, vector<1x16xi32>,
        %get3A_366 = vector.shape_cast %get3A_365 : vector<1x16xi32> to vector<16xi32>
        %shift_right_arithmetic3A_367 = arith.constant 13 : i32
        %shift_right_arithmetic3A_368 = vector.broadcast %shift_right_arithmetic3A_367 : i32 to vector<16xi32>
        %shift_right_arithmetic3A_369 = arith.shrsi %get3A_366, %shift_right_arithmetic3A_368 : vector<16xi32>
        %swap3A_370 = arith.constant 3 : i32
        %swap3A_371 = arith.index_cast %swap3A_370 : i32 to index
        %swap3A_372 = arith.constant 16 : index
        %swap3A_373 = tpu.vector_load %arg7[%swap3A_371, %swap3A_372] {strides = array<i32>} : memref<4x128xi32, #tpu.memory_space<vmem>>, vector<1x16xi32>,
        %swap3A_374 = vector.shape_cast %swap3A_373 : vector<1x16xi32> to vector<16xi32>
        %swap3A_375 = vector.shape_cast %shift_right_arithmetic3A_369 : vector<16xi32> to vector<1x16xi32>
        tpu.vector_store %arg7[%swap3A_371, %swap3A_372], %swap3A_375 {strides = array<i32>} : memref<4x128xi32, #tpu.memory_space<vmem>>, vector<1x16xi32>,
        %and3A_376 = arith.constant 8191 : i32
        %and3A_377 = vector.broadcast %and3A_376 : i32 to vector<16xi32>
        %and3A_378 = arith.andi %get3A_366, %and3A_377 : vector<16xi32>
        %swap3A_379 = arith.constant 3 : i32
        %swap3A_380 = arith.index_cast %swap3A_379 : i32 to index
        %swap3A_381 = arith.constant 16 : index
        %swap3A_382 = tpu.vector_load %arg8[%swap3A_380, %swap3A_381] {strides = array<i32>} : memref<4x128xi32, #tpu.memory_space<vmem>>, vector<1x16xi32>,
        %swap3A_383 = vector.shape_cast %swap3A_382 : vector<1x16xi32> to vector<16xi32>
        %swap3A_384 = vector.shape_cast %and3A_378 : vector<16xi32> to vector<1x16xi32>
        tpu.vector_store %arg8[%swap3A_380, %swap3A_381], %swap3A_384 {strides = array<i32>} : memref<4x128xi32, #tpu.memory_space<vmem>>, vector<1x16xi32>,
        %get3A_385 = arith.constant 3 : i32
        %get3A_386 = arith.index_cast %get3A_385 : i32 to index
        %get3A_387 = arith.constant 32 : index
        %get3A_388 = tpu.vector_load %arg6[%get3A_386, %get3A_387] {strides = array<i32>} : memref<4x128xi32, #tpu.memory_space<vmem>>, vector<1x16xi32>,
        %get3A_389 = vector.shape_cast %get3A_388 : vector<1x16xi32> to vector<16xi32>
        %shift_right_arithmetic3A_390 = arith.constant 13 : i32
        %shift_right_arithmetic3A_391 = vector.broadcast %shift_right_arithmetic3A_390 : i32 to vector<16xi32>
        %shift_right_arithmetic3A_392 = arith.shrsi %get3A_389, %shift_right_arithmetic3A_391 : vector<16xi32>
        %swap3A_393 = arith.constant 3 : i32
        %swap3A_394 = arith.index_cast %swap3A_393 : i32 to index
        %swap3A_395 = arith.constant 32 : index
        %swap3A_396 = tpu.vector_load %arg7[%swap3A_394, %swap3A_395] {strides = array<i32>} : memref<4x128xi32, #tpu.memory_space<vmem>>, vector<1x16xi32>,
        %swap3A_397 = vector.shape_cast %swap3A_396 : vector<1x16xi32> to vector<16xi32>
        %swap3A_398 = vector.shape_cast %shift_right_arithmetic3A_392 : vector<16xi32> to vector<1x16xi32>
        tpu.vector_store %arg7[%swap3A_394, %swap3A_395], %swap3A_398 {strides = array<i32>} : memref<4x128xi32, #tpu.memory_space<vmem>>, vector<1x16xi32>,
        %and3A_399 = arith.constant 8191 : i32
        %and3A_400 = vector.broadcast %and3A_399 : i32 to vector<16xi32>
        %and3A_401 = arith.andi %get3A_389, %and3A_400 : vector<16xi32>
        %swap3A_402 = arith.constant 3 : i32
        %swap3A_403 = arith.index_cast %swap3A_402 : i32 to index
        %swap3A_404 = arith.constant 32 : index
        %swap3A_405 = tpu.vector_load %arg8[%swap3A_403, %swap3A_404] {strides = array<i32>} : memref<4x128xi32, #tpu.memory_space<vmem>>, vector<1x16xi32>,
        %swap3A_406 = vector.shape_cast %swap3A_405 : vector<1x16xi32> to vector<16xi32>
        %swap3A_407 = vector.shape_cast %and3A_401 : vector<16xi32> to vector<1x16xi32>
        tpu.vector_store %arg8[%swap3A_403, %swap3A_404], %swap3A_407 {strides = array<i32>} : memref<4x128xi32, #tpu.memory_space<vmem>>, vector<1x16xi32>,
        %get3A_408 = arith.constant 3 : i32
        %get3A_409 = arith.index_cast %get3A_408 : i32 to index
        %get3A_410 = arith.constant 48 : index
        %get3A_411 = tpu.vector_load %arg6[%get3A_409, %get3A_410] {strides = array<i32>} : memref<4x128xi32, #tpu.memory_space<vmem>>, vector<1x16xi32>,
        %get3A_412 = vector.shape_cast %get3A_411 : vector<1x16xi32> to vector<16xi32>
        %shift_right_arithmetic3A_413 = arith.constant 13 : i32
        %shift_right_arithmetic3A_414 = vector.broadcast %shift_right_arithmetic3A_413 : i32 to vector<16xi32>
        %shift_right_arithmetic3A_415 = arith.shrsi %get3A_412, %shift_right_arithmetic3A_414 : vector<16xi32>
        %swap3A_416 = arith.constant 3 : i32
        %swap3A_417 = arith.index_cast %swap3A_416 : i32 to index
        %swap3A_418 = arith.constant 48 : index
        %swap3A_419 = tpu.vector_load %arg7[%swap3A_417, %swap3A_418] {strides = array<i32>} : memref<4x128xi32, #tpu.memory_space<vmem>>, vector<1x16xi32>,
        %swap3A_420 = vector.shape_cast %swap3A_419 : vector<1x16xi32> to vector<16xi32>
        %swap3A_421 = vector.shape_cast %shift_right_arithmetic3A_415 : vector<16xi32> to vector<1x16xi32>
        tpu.vector_store %arg7[%swap3A_417, %swap3A_418], %swap3A_421 {strides = array<i32>} : memref<4x128xi32, #tpu.memory_space<vmem>>, vector<1x16xi32>,
        %and3A_422 = arith.constant 8191 : i32
        %and3A_423 = vector.broadcast %and3A_422 : i32 to vector<16xi32>
        %and3A_424 = arith.andi %get3A_412, %and3A_423 : vector<16xi32>
        %swap3A_425 = arith.constant 3 : i32
        %swap3A_426 = arith.index_cast %swap3A_425 : i32 to index
        %swap3A_427 = arith.constant 48 : index
        %swap3A_428 = tpu.vector_load %arg8[%swap3A_426, %swap3A_427] {strides = array<i32>} : memref<4x128xi32, #tpu.memory_space<vmem>>, vector<1x16xi32>,
        %swap3A_429 = vector.shape_cast %swap3A_428 : vector<1x16xi32> to vector<16xi32>
        %swap3A_430 = vector.shape_cast %and3A_424 : vector<16xi32> to vector<1x16xi32>
        tpu.vector_store %arg8[%swap3A_426, %swap3A_427], %swap3A_430 {strides = array<i32>} : memref<4x128xi32, #tpu.memory_space<vmem>>, vector<1x16xi32>,
        %get3A_431 = arith.constant 3 : i32
        %get3A_432 = arith.index_cast %get3A_431 : i32 to index
        %get3A_433 = arith.constant 64 : index
        %get3A_434 = tpu.vector_load %arg6[%get3A_432, %get3A_433] {strides = array<i32>} : memref<4x128xi32, #tpu.memory_space<vmem>>, vector<1x16xi32>,
        %get3A_435 = vector.shape_cast %get3A_434 : vector<1x16xi32> to vector<16xi32>
        %shift_right_arithmetic3A_436 = arith.constant 13 : i32
        %shift_right_arithmetic3A_437 = vector.broadcast %shift_right_arithmetic3A_436 : i32 to vector<16xi32>
        %shift_right_arithmetic3A_438 = arith.shrsi %get3A_435, %shift_right_arithmetic3A_437 : vector<16xi32>
        %swap3A_439 = arith.constant 3 : i32
        %swap3A_440 = arith.index_cast %swap3A_439 : i32 to index
        %swap3A_441 = arith.constant 64 : index
        %swap3A_442 = tpu.vector_load %arg7[%swap3A_440, %swap3A_441] {strides = array<i32>} : memref<4x128xi32, #tpu.memory_space<vmem>>, vector<1x16xi32>,
        %swap3A_443 = vector.shape_cast %swap3A_442 : vector<1x16xi32> to vector<16xi32>
        %swap3A_444 = vector.shape_cast %shift_right_arithmetic3A_438 : vector<16xi32> to vector<1x16xi32>
        tpu.vector_store %arg7[%swap3A_440, %swap3A_441], %swap3A_444 {strides = array<i32>} : memref<4x128xi32, #tpu.memory_space<vmem>>, vector<1x16xi32>,
        %and3A_445 = arith.constant 8191 : i32
        %and3A_446 = vector.broadcast %and3A_445 : i32 to vector<16xi32>
        %and3A_447 = arith.andi %get3A_435, %and3A_446 : vector<16xi32>
        %swap3A_448 = arith.constant 3 : i32
        %swap3A_449 = arith.index_cast %swap3A_448 : i32 to index
        %swap3A_450 = arith.constant 64 : index
        %swap3A_451 = tpu.vector_load %arg8[%swap3A_449, %swap3A_450] {strides = array<i32>} : memref<4x128xi32, #tpu.memory_space<vmem>>, vector<1x16xi32>,
        %swap3A_452 = vector.shape_cast %swap3A_451 : vector<1x16xi32> to vector<16xi32>
        %swap3A_453 = vector.shape_cast %and3A_447 : vector<16xi32> to vector<1x16xi32>
        tpu.vector_store %arg8[%swap3A_449, %swap3A_450], %swap3A_453 {strides = array<i32>} : memref<4x128xi32, #tpu.memory_space<vmem>>, vector<1x16xi32>,
        %get3A_454 = arith.constant 3 : i32
        %get3A_455 = arith.index_cast %get3A_454 : i32 to index
        %get3A_456 = arith.constant 80 : index
        %get3A_457 = tpu.vector_load %arg6[%get3A_455, %get3A_456] {strides = array<i32>} : memref<4x128xi32, #tpu.memory_space<vmem>>, vector<1x16xi32>,
        %get3A_458 = vector.shape_cast %get3A_457 : vector<1x16xi32> to vector<16xi32>
        %shift_right_arithmetic3A_459 = arith.constant 13 : i32
        %shift_right_arithmetic3A_460 = vector.broadcast %shift_right_arithmetic3A_459 : i32 to vector<16xi32>
        %shift_right_arithmetic3A_461 = arith.shrsi %get3A_458, %shift_right_arithmetic3A_460 : vector<16xi32>
        %swap3A_462 = arith.constant 3 : i32
        %swap3A_463 = arith.index_cast %swap3A_462 : i32 to index
        %swap3A_464 = arith.constant 80 : index
        %swap3A_465 = tpu.vector_load %arg7[%swap3A_463, %swap3A_464] {strides = array<i32>} : memref<4x128xi32, #tpu.memory_space<vmem>>, vector<1x16xi32>,
        %swap3A_466 = vector.shape_cast %swap3A_465 : vector<1x16xi32> to vector<16xi32>
        %swap3A_467 = vector.shape_cast %shift_right_arithmetic3A_461 : vector<16xi32> to vector<1x16xi32>
        tpu.vector_store %arg7[%swap3A_463, %swap3A_464], %swap3A_467 {strides = array<i32>} : memref<4x128xi32, #tpu.memory_space<vmem>>, vector<1x16xi32>,
        %and3A_468 = arith.constant 8191 : i32
        %and3A_469 = vector.broadcast %and3A_468 : i32 to vector<16xi32>
        %and3A_470 = arith.andi %get3A_458, %and3A_469 : vector<16xi32>
        %swap3A_471 = arith.constant 3 : i32
        %swap3A_472 = arith.index_cast %swap3A_471 : i32 to index
        %swap3A_473 = arith.constant 80 : index
        %swap3A_474 = tpu.vector_load %arg8[%swap3A_472, %swap3A_473] {strides = array<i32>} : memref<4x128xi32, #tpu.memory_space<vmem>>, vector<1x16xi32>,
        %swap3A_475 = vector.shape_cast %swap3A_474 : vector<1x16xi32> to vector<16xi32>
        %swap3A_476 = vector.shape_cast %and3A_470 : vector<16xi32> to vector<1x16xi32>
        tpu.vector_store %arg8[%swap3A_472, %swap3A_473], %swap3A_476 {strides = array<i32>} : memref<4x128xi32, #tpu.memory_space<vmem>>, vector<1x16xi32>,
        %get3A_477 = arith.constant 3 : i32
        %get3A_478 = arith.index_cast %get3A_477 : i32 to index
        %get3A_479 = arith.constant 96 : index
        %get3A_480 = tpu.vector_load %arg6[%get3A_478, %get3A_479] {strides = array<i32>} : memref<4x128xi32, #tpu.memory_space<vmem>>, vector<1x16xi32>,
        %get3A_481 = vector.shape_cast %get3A_480 : vector<1x16xi32> to vector<16xi32>
        %shift_right_arithmetic3A_482 = arith.constant 13 : i32
        %shift_right_arithmetic3A_483 = vector.broadcast %shift_right_arithmetic3A_482 : i32 to vector<16xi32>
        %shift_right_arithmetic3A_484 = arith.shrsi %get3A_481, %shift_right_arithmetic3A_483 : vector<16xi32>
        %swap3A_485 = arith.constant 3 : i32
        %swap3A_486 = arith.index_cast %swap3A_485 : i32 to index
        %swap3A_487 = arith.constant 96 : index
        %swap3A_488 = tpu.vector_load %arg7[%swap3A_486, %swap3A_487] {strides = array<i32>} : memref<4x128xi32, #tpu.memory_space<vmem>>, vector<1x16xi32>,
        %swap3A_489 = vector.shape_cast %swap3A_488 : vector<1x16xi32> to vector<16xi32>
        %swap3A_490 = vector.shape_cast %shift_right_arithmetic3A_484 : vector<16xi32> to vector<1x16xi32>
        tpu.vector_store %arg7[%swap3A_486, %swap3A_487], %swap3A_490 {strides = array<i32>} : memref<4x128xi32, #tpu.memory_space<vmem>>, vector<1x16xi32>,
        %and3A_491 = arith.constant 8191 : i32
        %and3A_492 = vector.broadcast %and3A_491 : i32 to vector<16xi32>
        %and3A_493 = arith.andi %get3A_481, %and3A_492 : vector<16xi32>
        %swap3A_494 = arith.constant 3 : i32
        %swap3A_495 = arith.index_cast %swap3A_494 : i32 to index
        %swap3A_496 = arith.constant 96 : index
        %swap3A_497 = tpu.vector_load %arg8[%swap3A_495, %swap3A_496] {strides = array<i32>} : memref<4x128xi32, #tpu.memory_space<vmem>>, vector<1x16xi32>,
        %swap3A_498 = vector.shape_cast %swap3A_497 : vector<1x16xi32> to vector<16xi32>
        %swap3A_499 = vector.shape_cast %and3A_493 : vector<16xi32> to vector<1x16xi32>
        tpu.vector_store %arg8[%swap3A_495, %swap3A_496], %swap3A_499 {strides = array<i32>} : memref<4x128xi32, #tpu.memory_space<vmem>>, vector<1x16xi32>,
        %get3A_500 = arith.constant 3 : i32
        %get3A_501 = arith.index_cast %get3A_500 : i32 to index
        %get3A_502 = arith.constant 112 : index
        %get3A_503 = tpu.vector_load %arg6[%get3A_501, %get3A_502] {strides = array<i32>} : memref<4x128xi32, #tpu.memory_space<vmem>>, vector<1x16xi32>,
        %get3A_504 = vector.shape_cast %get3A_503 : vector<1x16xi32> to vector<16xi32>
        %shift_right_arithmetic3A_505 = arith.constant 13 : i32
        %shift_right_arithmetic3A_506 = vector.broadcast %shift_right_arithmetic3A_505 : i32 to vector<16xi32>
        %shift_right_arithmetic3A_507 = arith.shrsi %get3A_504, %shift_right_arithmetic3A_506 : vector<16xi32>
        %swap3A_508 = arith.constant 3 : i32
        %swap3A_509 = arith.index_cast %swap3A_508 : i32 to index
        %swap3A_510 = arith.constant 112 : index
        %swap3A_511 = tpu.vector_load %arg7[%swap3A_509, %swap3A_510] {strides = array<i32>} : memref<4x128xi32, #tpu.memory_space<vmem>>, vector<1x16xi32>,
        %swap3A_512 = vector.shape_cast %swap3A_511 : vector<1x16xi32> to vector<16xi32>
        %swap3A_513 = vector.shape_cast %shift_right_arithmetic3A_507 : vector<16xi32> to vector<1x16xi32>
        tpu.vector_store %arg7[%swap3A_509, %swap3A_510], %swap3A_513 {strides = array<i32>} : memref<4x128xi32, #tpu.memory_space<vmem>>, vector<1x16xi32>,
        %and3A_514 = arith.constant 8191 : i32
        %and3A_515 = vector.broadcast %and3A_514 : i32 to vector<16xi32>
        %and3A_516 = arith.andi %get3A_504, %and3A_515 : vector<16xi32>
        %swap3A_517 = arith.constant 3 : i32
        %swap3A_518 = arith.index_cast %swap3A_517 : i32 to index
        %swap3A_519 = arith.constant 112 : index
        %swap3A_520 = tpu.vector_load %arg8[%swap3A_518, %swap3A_519] {strides = array<i32>} : memref<4x128xi32, #tpu.memory_space<vmem>>, vector<1x16xi32>,
        %swap3A_521 = vector.shape_cast %swap3A_520 : vector<1x16xi32> to vector<16xi32>
        %swap3A_522 = vector.shape_cast %and3A_516 : vector<16xi32> to vector<1x16xi32>
        tpu.vector_store %arg8[%swap3A_518, %swap3A_519], %swap3A_522 {strides = array<i32>} : memref<4x128xi32, #tpu.memory_space<vmem>>, vector<1x16xi32>,
        %dma_start3A_523 = arith.constant 3 : i32
        %dma_start3A_524 = arith.constant 1 : i32
        %dma_start3A_525 = arith.constant 0 : i32
        %dma_start3A_526 = arith.constant 0 : i32
        %dma_start3A_527 = tpu.memref_slice %arg9[%dma_start3A_524, %dma_start3A_525, %dma_start3A_526] : memref<2x128x128xf32, #tpu.memory_space<vmem>> -> memref<1x128x128xf32, #tpu.memory_space<vmem>>
        %dma_start3A_528 = tpu.memref_squeeze %dma_start3A_527 : memref<1x128x128xf32, #tpu.memory_space<vmem>> -> memref<128x128xf32, #tpu.memory_space<vmem>>
        %dma_start3A_529 = arith.constant 0 : i32
        %dma_start3A_530 = tpu.memref_slice %arg7[%dma_start3A_523, %dma_start3A_529] : memref<4x128xi32, #tpu.memory_space<vmem>> -> memref<1x128xi32, #tpu.memory_space<vmem>>
        %dma_start3A_531 = tpu.memref_squeeze %dma_start3A_530 : memref<1x128xi32, #tpu.memory_space<vmem>> -> memref<128xi32, #tpu.memory_space<vmem>>
        %dma_start3A_532 = arith.constant 0 : i32
        %dma_start3A_533 = arith.constant 0 : i32
        %dma_start3A_534 = tpu.memref_slice %arg2[%dma_start3A_532, %dma_start3A_533] : memref<10000x128xf32, #tpu.memory_space<hbm>> -> memref<10000x128xf32, #tpu.memory_space<hbm>>
        tpu.enqueue_indirect_dma source(%dma_start3A_534 : memref<10000x128xf32, #tpu.memory_space<hbm>>) target(%dma_start3A_528 : memref<128x128xf32, #tpu.memory_space<vmem>>) offsets(%dma_start3A_531 : memref<128xi32, #tpu.memory_space<vmem>>) semaphore(%arg11 : memref<!tpu.dma_semaphore, #tpu.memory_space<semaphore_mem>>)
        %add3A_535 = arith.constant 2 : i32
        %add3A_536 = arith.addi %add3A_338, %add3A_535 : i32
        %lt3A_537 = arith.constant 112 : i32
        %lt3A_538 = arith.cmpi slt, %add3A_536, %lt3A_537 : i32
        %convert_element_type3A_539 = arith.extui %lt3A_538 : i1 to i32
        %cond3A_540 = arith.constant 0 : i32
        %cond3A_541 = arith.cmpi ne, %convert_element_type3A_539, %cond3A_540 : i32
        scf.if %cond3A_541 {
          %add3A_596 = arith.constant 2 : i32
          %add3A_597 = arith.addi %add3A_338, %add3A_596 : i32
          %mul3A_598 = arith.constant 128 : i32
          %mul3A_599 = arith.muli %add3A_597, %mul3A_598 : i32
          %add3A_600 = arith.addi %mul3A_2, %mul3A_599 : i32
          %dma_start3A_601 = arith.constant 1 : i32
          %dma_start3A_602 = arith.constant 0 : i32
          %dma_start3A_603 = tpu.memref_slice %arg6[%dma_start3A_601, %dma_start3A_602] : memref<4x128xi32, #tpu.memory_space<vmem>> -> memref<1x128xi32, #tpu.memory_space<vmem>>
          %dma_start3A_604 = tpu.memref_squeeze %dma_start3A_603 : memref<1x128xi32, #tpu.memory_space<vmem>> -> memref<128xi32, #tpu.memory_space<vmem>>
          %dma_start3A_605 = tpu.memref_slice %arg3[%add3A_600] : memref<458752xi32, #tpu.memory_space<hbm>> -> memref<128xi32, #tpu.memory_space<hbm>>
          %dma_start3A_606 = arith.constant 0 : i32
          %dma_start3A_607 = tpu.memref_slice %arg6[%dma_start3A_601, %dma_start3A_606] : memref<4x128xi32, #tpu.memory_space<vmem>> -> memref<1x128xi32, #tpu.memory_space<vmem>>
          %dma_start3A_608 = tpu.memref_squeeze %dma_start3A_607 : memref<1x128xi32, #tpu.memory_space<vmem>> -> memref<128xi32, #tpu.memory_space<vmem>>
          %dma_start3A_609 = tpu.memref_slice %arg3[%add3A_600] : memref<458752xi32, #tpu.memory_space<hbm>> -> memref<128xi32, #tpu.memory_space<hbm>>
          tpu.enqueue_dma source(%dma_start3A_609 : memref<128xi32, #tpu.memory_space<hbm>>) target(%dma_start3A_608 : memref<128xi32, #tpu.memory_space<vmem>>) target_semaphore(%arg10 : memref<!tpu.dma_semaphore, #tpu.memory_space<semaphore_mem>>)
        } else {
        }
        %dma_wait3A_542 = arith.constant 0 : i32
        %dma_wait3A_543 = arith.constant 0 : i32
        %dma_wait3A_544 = arith.constant 0 : i32
        %dma_wait3A_545 = tpu.memref_slice %arg9[%dma_wait3A_542, %dma_wait3A_543, %dma_wait3A_544] : memref<2x128x128xf32, #tpu.memory_space<vmem>> -> memref<1x128x128xf32, #tpu.memory_space<vmem>>
        %dma_wait3A_546 = tpu.memref_squeeze %dma_wait3A_545 : memref<1x128x128xf32, #tpu.memory_space<vmem>> -> memref<128x128xf32, #tpu.memory_space<vmem>>
        %dma_wait3A_547 = arith.constant 0 : i32
        %dma_wait3A_548 = arith.constant 0 : i32
        %dma_wait3A_549 = tpu.memref_slice %arg2[%dma_wait3A_547, %dma_wait3A_548] : memref<10000x128xf32, #tpu.memory_space<hbm>> -> memref<128x128xf32, #tpu.memory_space<hbm>>
        %dma_wait3A_550 = arith.constant 0 : i32
        %dma_wait3A_551 = arith.constant 0 : i32
        %dma_wait3A_552 = tpu.memref_slice %arg9[%dma_wait3A_542, %dma_wait3A_550, %dma_wait3A_551] : memref<2x128x128xf32, #tpu.memory_space<vmem>> -> memref<1x128x128xf32, #tpu.memory_space<vmem>>
        %dma_wait3A_553 = tpu.memref_squeeze %dma_wait3A_552 : memref<1x128x128xf32, #tpu.memory_space<vmem>> -> memref<128x128xf32, #tpu.memory_space<vmem>>
        %dma_wait3A_554 = arith.constant 0 : i32
        %dma_wait3A_555 = arith.constant 0 : i32
        %dma_wait3A_556 = tpu.memref_slice %arg2[%dma_wait3A_554, %dma_wait3A_555] : memref<10000x128xf32, #tpu.memory_space<hbm>> -> memref<128x128xf32, #tpu.memory_space<hbm>>
        tpu.wait_dma2 semaphore(%arg11 : memref<!tpu.dma_semaphore, #tpu.memory_space<semaphore_mem>>) src(%dma_wait3A_556 : memref<128x128xf32, #tpu.memory_space<hbm>>) dst(%dma_wait3A_553 : memref<128x128xf32, #tpu.memory_space<vmem>>)
        %dma_start3A_557 = arith.constant 0 : i32
        %dma_start3A_558 = arith.constant 2 : i32
        %dma_start3A_559 = arith.constant 0 : i32
        %dma_start3A_560 = arith.constant 0 : i32
        %dma_start3A_561 = tpu.memref_slice %arg9[%dma_start3A_557, %dma_start3A_559, %dma_start3A_560] : memref<2x128x128xf32, #tpu.memory_space<vmem>> -> memref<1x128x128xf32, #tpu.memory_space<vmem>>
        %dma_start3A_562 = tpu.memref_squeeze %dma_start3A_561 : memref<1x128x128xf32, #tpu.memory_space<vmem>> -> memref<128x128xf32, #tpu.memory_space<vmem>>
        %dma_start3A_563 = arith.constant 0 : i32
        %dma_start3A_564 = tpu.memref_slice %arg8[%dma_start3A_558, %dma_start3A_563] : memref<4x128xi32, #tpu.memory_space<vmem>> -> memref<1x128xi32, #tpu.memory_space<vmem>>
        %dma_start3A_565 = tpu.memref_squeeze %dma_start3A_564 : memref<1x128xi32, #tpu.memory_space<vmem>> -> memref<128xi32, #tpu.memory_space<vmem>>
        %dma_start3A_566 = arith.constant 0 : i32
        %dma_start3A_567 = arith.constant 0 : i32
        %dma_start3A_568 = tpu.memref_slice %arg5[%dma_start3A_566, %dma_start3A_567] : memref<8192x128xf32, #tpu.memory_space<vmem_shared>> -> memref<8192x128xf32, #tpu.memory_space<vmem_shared>>
        tpu.enqueue_indirect_dma source(%dma_start3A_562 : memref<128x128xf32, #tpu.memory_space<vmem>>) target(%dma_start3A_568 : memref<8192x128xf32, #tpu.memory_space<vmem_shared>>) offsets(%dma_start3A_565 : memref<128xi32, #tpu.memory_space<vmem>>) semaphore(%arg12 : memref<!tpu.dma_semaphore, #tpu.memory_space<semaphore_mem>>) {add = true}
        %dma_wait3A_569 = arith.constant 1 : i32
        %dma_wait3A_570 = arith.constant 0 : i32
        %dma_wait3A_571 = arith.constant 0 : i32
        %dma_wait3A_572 = tpu.memref_slice %arg9[%dma_wait3A_569, %dma_wait3A_570, %dma_wait3A_571] : memref<2x128x128xf32, #tpu.memory_space<vmem>> -> memref<1x128x128xf32, #tpu.memory_space<vmem>>
        %dma_wait3A_573 = tpu.memref_squeeze %dma_wait3A_572 : memref<1x128x128xf32, #tpu.memory_space<vmem>> -> memref<128x128xf32, #tpu.memory_space<vmem>>
        %dma_wait3A_574 = arith.constant 0 : i32
        %dma_wait3A_575 = arith.constant 0 : i32
        %dma_wait3A_576 = tpu.memref_slice %arg2[%dma_wait3A_574, %dma_wait3A_575] : memref<10000x128xf32, #tpu.memory_space<hbm>> -> memref<128x128xf32, #tpu.memory_space<hbm>>
        %dma_wait3A_577 = arith.constant 0 : i32
        %dma_wait3A_578 = arith.constant 0 : i32
        %dma_wait3A_579 = tpu.memref_slice %arg9[%dma_wait3A_569, %dma_wait3A_577, %dma_wait3A_578] : memref<2x128x128xf32, #tpu.memory_space<vmem>> -> memref<1x128x128xf32, #tpu.memory_space<vmem>>
        %dma_wait3A_580 = tpu.memref_squeeze %dma_wait3A_579 : memref<1x128x128xf32, #tpu.memory_space<vmem>> -> memref<128x128xf32, #tpu.memory_space<vmem>>
        %dma_wait3A_581 = arith.constant 0 : i32
        %dma_wait3A_582 = arith.constant 0 : i32
        %dma_wait3A_583 = tpu.memref_slice %arg2[%dma_wait3A_581, %dma_wait3A_582] : memref<10000x128xf32, #tpu.memory_space<hbm>> -> memref<128x128xf32, #tpu.memory_space<hbm>>
        tpu.wait_dma2 semaphore(%arg11 : memref<!tpu.dma_semaphore, #tpu.memory_space<semaphore_mem>>) src(%dma_wait3A_583 : memref<128x128xf32, #tpu.memory_space<hbm>>) dst(%dma_wait3A_580 : memref<128x128xf32, #tpu.memory_space<vmem>>)
        %dma_start3A_584 = arith.constant 1 : i32
        %dma_start3A_585 = arith.constant 3 : i32
        %dma_start3A_586 = arith.constant 0 : i32
        %dma_start3A_587 = arith.constant 0 : i32
        %dma_start3A_588 = tpu.memref_slice %arg9[%dma_start3A_584, %dma_start3A_586, %dma_start3A_587] : memref<2x128x128xf32, #tpu.memory_space<vmem>> -> memref<1x128x128xf32, #tpu.memory_space<vmem>>
        %dma_start3A_589 = tpu.memref_squeeze %dma_start3A_588 : memref<1x128x128xf32, #tpu.memory_space<vmem>> -> memref<128x128xf32, #tpu.memory_space<vmem>>
        %dma_start3A_590 = arith.constant 0 : i32
        %dma_start3A_591 = tpu.memref_slice %arg8[%dma_start3A_585, %dma_start3A_590] : memref<4x128xi32, #tpu.memory_space<vmem>> -> memref<1x128xi32, #tpu.memory_space<vmem>>
        %dma_start3A_592 = tpu.memref_squeeze %dma_start3A_591 : memref<1x128xi32, #tpu.memory_space<vmem>> -> memref<128xi32, #tpu.memory_space<vmem>>
        %dma_start3A_593 = arith.constant 0 : i32
        %dma_start3A_594 = arith.constant 0 : i32
        %dma_start3A_595 = tpu.memref_slice %arg5[%dma_start3A_593, %dma_start3A_594] : memref<8192x128xf32, #tpu.memory_space<vmem_shared>> -> memref<8192x128xf32, #tpu.memory_space<vmem_shared>>
        tpu.enqueue_indirect_dma source(%dma_start3A_589 : memref<128x128xf32, #tpu.memory_space<vmem>>) target(%dma_start3A_595 : memref<8192x128xf32, #tpu.memory_space<vmem_shared>>) offsets(%dma_start3A_592 : memref<128xi32, #tpu.memory_space<vmem>>) semaphore(%arg12 : memref<!tpu.dma_semaphore, #tpu.memory_space<semaphore_mem>>) {add = true}
      } else {
      }
    }
    %scan3A_55 = arith.constant 56 : i32
    %dma_wait3A = arith.constant 0 : i32
    %dma_wait3A_56 = arith.constant 0 : i32
    %dma_wait3A_57 = arith.constant 0 : i32
    %dma_wait3A_58 = tpu.memref_slice %arg9[%dma_wait3A, %dma_wait3A_56, %dma_wait3A_57] : memref<2x128x128xf32, #tpu.memory_space<vmem>> -> memref<1x128x128xf32, #tpu.memory_space<vmem>>
    %dma_wait3A_59 = tpu.memref_squeeze %dma_wait3A_58 : memref<1x128x128xf32, #tpu.memory_space<vmem>> -> memref<128x128xf32, #tpu.memory_space<vmem>>
    %dma_wait3A_60 = arith.constant 0 : i32
    %dma_wait3A_61 = arith.constant 0 : i32
    %dma_wait3A_62 = tpu.memref_slice %arg2[%dma_wait3A_60, %dma_wait3A_61] : memref<10000x128xf32, #tpu.memory_space<hbm>> -> memref<128x128xf32, #tpu.memory_space<hbm>>
    %dma_wait3A_63 = arith.constant 0 : i32
    %dma_wait3A_64 = arith.constant 0 : i32
    %dma_wait3A_65 = tpu.memref_slice %arg9[%dma_wait3A, %dma_wait3A_63, %dma_wait3A_64] : memref<2x128x128xf32, #tpu.memory_space<vmem>> -> memref<1x128x128xf32, #tpu.memory_space<vmem>>
    %dma_wait3A_66 = tpu.memref_squeeze %dma_wait3A_65 : memref<1x128x128xf32, #tpu.memory_space<vmem>> -> memref<128x128xf32, #tpu.memory_space<vmem>>
    %dma_wait3A_67 = arith.constant 0 : i32
    %dma_wait3A_68 = arith.constant 0 : i32
    %dma_wait3A_69 = tpu.memref_slice %arg2[%dma_wait3A_67, %dma_wait3A_68] : memref<10000x128xf32, #tpu.memory_space<hbm>> -> memref<128x128xf32, #tpu.memory_space<hbm>>
    tpu.wait_dma2 semaphore(%arg12 : memref<!tpu.dma_semaphore, #tpu.memory_space<semaphore_mem>>) src(%dma_wait3A_69 : memref<128x128xf32, #tpu.memory_space<hbm>>) dst(%dma_wait3A_66 : memref<128x128xf32, #tpu.memory_space<vmem>>)
    %dma_wait3A_70 = arith.constant 1 : i32
    %dma_wait3A_71 = arith.constant 0 : i32
    %dma_wait3A_72 = arith.constant 0 : i32
    %dma_wait3A_73 = tpu.memref_slice %arg9[%dma_wait3A_70, %dma_wait3A_71, %dma_wait3A_72] : memref<2x128x128xf32, #tpu.memory_space<vmem>> -> memref<1x128x128xf32, #tpu.memory_space<vmem>>
    %dma_wait3A_74 = tpu.memref_squeeze %dma_wait3A_73 : memref<1x128x128xf32, #tpu.memory_space<vmem>> -> memref<128x128xf32, #tpu.memory_space<vmem>>
    %dma_wait3A_75 = arith.constant 0 : i32
    %dma_wait3A_76 = arith.constant 0 : i32
    %dma_wait3A_77 = tpu.memref_slice %arg2[%dma_wait3A_75, %dma_wait3A_76] : memref<10000x128xf32, #tpu.memory_space<hbm>> -> memref<128x128xf32, #tpu.memory_space<hbm>>
    %dma_wait3A_78 = arith.constant 0 : i32
    %dma_wait3A_79 = arith.constant 0 : i32
    %dma_wait3A_80 = tpu.memref_slice %arg9[%dma_wait3A_70, %dma_wait3A_78, %dma_wait3A_79] : memref<2x128x128xf32, #tpu.memory_space<vmem>> -> memref<1x128x128xf32, #tpu.memory_space<vmem>>
    %dma_wait3A_81 = tpu.memref_squeeze %dma_wait3A_80 : memref<1x128x128xf32, #tpu.memory_space<vmem>> -> memref<128x128xf32, #tpu.memory_space<vmem>>
    %dma_wait3A_82 = arith.constant 0 : i32
    %dma_wait3A_83 = arith.constant 0 : i32
    %dma_wait3A_84 = tpu.memref_slice %arg2[%dma_wait3A_82, %dma_wait3A_83] : memref<10000x128xf32, #tpu.memory_space<hbm>> -> memref<128x128xf32, #tpu.memory_space<hbm>>
    tpu.wait_dma2 semaphore(%arg12 : memref<!tpu.dma_semaphore, #tpu.memory_space<semaphore_mem>>) src(%dma_wait3A_84 : memref<128x128xf32, #tpu.memory_space<hbm>>) dst(%dma_wait3A_81 : memref<128x128xf32, #tpu.memory_space<vmem>>)
    %barrier3A_85 = arith.constant 0 : index
    tpu.barrier barrier_id(%barrier3A_85)
    %mul3A_86 = arith.constant 312 : i32
    %mul3A_87 = arith.muli %arg1, %mul3A_86 : i32
    %mul3A_88 = arith.constant 312 : i32
    %mul3A_89 = arith.muli %arg1, %mul3A_88 : i32
    %add3A_90 = arith.addi %mul3A_4, %mul3A_89 : i32
    "tpu.region"() ({
      %run_scoped3A_93 = tpu.sem_alloc : memref<!tpu.dma_semaphore, #tpu.memory_space<semaphore_mem>>
      %dma_start3A_94 = arith.constant 0 : i32
      %dma_start3A_95 = tpu.memref_slice %arg4[%add3A_90, %dma_start3A_94] : memref<10000x128xf32, #tpu.memory_space<hbm>> -> memref<312x128xf32, #tpu.memory_space<hbm>>
      %dma_start3A_96 = arith.constant 0 : i32
      %dma_start3A_97 = tpu.memref_slice %arg5[%mul3A_87, %dma_start3A_96] : memref<8192x128xf32, #tpu.memory_space<vmem_shared>> -> memref<312x128xf32, #tpu.memory_space<vmem_shared>>
      tpu.enqueue_dma source(%dma_start3A_97 : memref<312x128xf32, #tpu.memory_space<vmem_shared>>) target(%dma_start3A_95 : memref<312x128xf32, #tpu.memory_space<hbm>>) target_semaphore(%run_scoped3A_93 : memref<!tpu.dma_semaphore, #tpu.memory_space<semaphore_mem>>)
      %dma_wait3A_98 = arith.constant 0 : i32
      %dma_wait3A_99 = tpu.memref_slice %arg4[%add3A_90, %dma_wait3A_98] : memref<10000x128xf32, #tpu.memory_space<hbm>> -> memref<312x128xf32, #tpu.memory_space<hbm>>
      %dma_wait3A_100 = arith.constant 0 : i32
      %dma_wait3A_101 = tpu.memref_slice %arg5[%mul3A_87, %dma_wait3A_100] : memref<8192x128xf32, #tpu.memory_space<vmem_shared>> -> memref<312x128xf32, #tpu.memory_space<vmem_shared>>
      tpu.wait_dma2 semaphore(%run_scoped3A_93 : memref<!tpu.dma_semaphore, #tpu.memory_space<semaphore_mem>>) src(%dma_wait3A_101 : memref<312x128xf32, #tpu.memory_space<vmem_shared>>) dst(%dma_wait3A_99 : memref<312x128xf32, #tpu.memory_space<hbm>>)
      tpu.yield
    }) : () -> ()
    %eq3A = arith.constant 0 : i32
    %eq3A_91 = arith.cmpi eq, %arg1, %eq3A : i32
    %convert_element_type3A = arith.extui %eq3A_91 : i1 to i32
    %cond3A = arith.constant 0 : i32
    %cond3A_92 = arith.cmpi ne, %convert_element_type3A, %cond3A : i32
    scf.if %cond3A_92 {
      %add3A_93 = arith.constant 4992 : i32
      %add3A_94 = arith.addi %mul3A_4, %add3A_93 : i32
      "tpu.region"() ({
        %run_scoped3A_95 = tpu.sem_alloc : memref<!tpu.dma_semaphore, #tpu.memory_space<semaphore_mem>>
        %dma_start3A_96 = arith.constant 0 : i32
        %dma_start3A_97 = tpu.memref_slice %arg4[%add3A_94, %dma_start3A_96] : memref<10000x128xf32, #tpu.memory_space<hbm>> -> memref<8x128xf32, #tpu.memory_space<hbm>>
        %dma_start3A_98 = arith.constant 4992 : i32
        %dma_start3A_99 = arith.constant 0 : i32
        %dma_start3A_100 = tpu.memref_slice %arg5[%dma_start3A_98, %dma_start3A_99] : memref<8192x128xf32, #tpu.memory_space<vmem_shared>> -> memref<8x128xf32, #tpu.memory_space<vmem_shared>>
        tpu.enqueue_dma source(%dma_start3A_100 : memref<8x128xf32, #tpu.memory_space<vmem_shared>>) target(%dma_start3A_97 : memref<8x128xf32, #tpu.memory_space<hbm>>) target_semaphore(%run_scoped3A_95 : memref<!tpu.dma_semaphore, #tpu.memory_space<semaphore_mem>>)
        %dma_wait3A_101 = arith.constant 0 : i32
        %dma_wait3A_102 = tpu.memref_slice %arg4[%add3A_94, %dma_wait3A_101] : memref<10000x128xf32, #tpu.memory_space<hbm>> -> memref<8x128xf32, #tpu.memory_space<hbm>>
        %dma_wait3A_103 = arith.constant 4992 : i32
        %dma_wait3A_104 = arith.constant 0 : i32
        %dma_wait3A_105 = tpu.memref_slice %arg5[%dma_wait3A_103, %dma_wait3A_104] : memref<8192x128xf32, #tpu.memory_space<vmem_shared>> -> memref<8x128xf32, #tpu.memory_space<vmem_shared>>
        tpu.wait_dma2 semaphore(%run_scoped3A_95 : memref<!tpu.dma_semaphore, #tpu.memory_space<semaphore_mem>>) src(%dma_wait3A_105 : memref<8x128xf32, #tpu.memory_space<vmem_shared>>) dst(%dma_wait3A_102 : memref<8x128xf32, #tpu.memory_space<hbm>>)
        tpu.yield
      }) : () -> ()
    } else {
    }
    return
  }
}

#map = affine_map<(d0, d1) -> (0, 0)>
#map1 = affine_map<(d0, d1) -> (0)>
module attributes {stable_mosaic.version = 14 : i64} {
  func.func @_deg_body(%arg0: i32, %arg1: i32, %arg2: memref<2560x128xi32, #tpu.memory_space<hbm>>, %arg3: memref<10240xf32, #tpu.memory_space<hbm>>, %arg4: memref<10240xf32, #tpu.memory_space<vmem_shared>>, %arg5: memref<2x128xi32, #tpu.memory_space<vmem>>, %arg6: memref<128xf32, #tpu.memory_space<vmem>>, %arg7: memref<2048xf32, #tpu.memory_space<vmem>>) attributes {dimension_semantics = [#tpu.dimension_semantics<core_parallel>, #tpu.dimension_semantics<subcore_parallel>], iteration_bounds = array<i64: 2, 16>, scalar_prefetch = 0 : i64, scratch_operands = 4 : i64, tpu.core_type = #tpu.core_type<sc_vector_subcore>, window_params = [{transform_indices = #map}, {transform_indices = #map1}]} {
    %scan3A = arith.constant 0 : i32
    %scan3A_0 = arith.constant 0 : i32
    %scan3A_1 = arith.constant 128 : i32
    %scan3A_2 = arith.addi %scan3A_0, %scan3A_1 : i32
    %scan3A_3 = arith.constant 1 : i32
    scf.for %scan3A_67 = %scan3A_0 to %scan3A_2 step %scan3A_3  : i32 {
      %broadcast_in_dim3A_68 = arith.constant 0.000000e+00 : f32
      %broadcast_in_dim3A_69 = vector.broadcast %broadcast_in_dim3A_68 : f32 to vector<16xf32>
      %mul3A = arith.constant 16 : i32
      %mul3A_70 = arith.muli %scan3A_67, %mul3A : i32
      %swap3A_71 = arith.index_cast %mul3A_70 : i32 to index
      %swap3A_72 = tpu.vector_load %arg7[%swap3A_71] {strides = array<i32>} : memref<2048xf32, #tpu.memory_space<vmem>>, vector<16xf32>,
      %swap3A_73 = vector.shape_cast %swap3A_72 : vector<16xf32> to vector<16xf32>
      %swap3A_74 = vector.shape_cast %broadcast_in_dim3A_69 : vector<16xf32> to vector<16xf32>
      tpu.vector_store %arg7[%swap3A_71], %swap3A_74 {strides = array<i32>} : memref<2048xf32, #tpu.memory_space<vmem>>, vector<16xf32>,
    }
    %scan3A_4 = arith.constant 128 : i32
    %eq3A = arith.constant 0 : i32
    %eq3A_5 = arith.cmpi eq, %arg1, %eq3A : i32
    %convert_element_type3A = arith.extui %eq3A_5 : i1 to i32
    %cond3A = arith.constant 0 : i32
    %cond3A_6 = arith.cmpi ne, %convert_element_type3A, %cond3A : i32
    scf.if %cond3A_6 {
      "tpu.region"() ({
        %run_scoped3A = tpu.sem_alloc : memref<!tpu.dma_semaphore, #tpu.memory_space<semaphore_mem>>
        %dma_start3A = arith.constant 0 : i32
        %dma_start3A_67 = tpu.memref_slice %arg4[%dma_start3A] : memref<10240xf32, #tpu.memory_space<vmem_shared>> -> memref<2048xf32, #tpu.memory_space<vmem_shared>>
        %dma_start3A_68 = arith.constant 0 : i32
        %dma_start3A_69 = tpu.memref_slice %arg4[%dma_start3A_68] : memref<10240xf32, #tpu.memory_space<vmem_shared>> -> memref<2048xf32, #tpu.memory_space<vmem_shared>>
        tpu.enqueue_dma source(%arg7 : memref<2048xf32, #tpu.memory_space<vmem>>) target(%dma_start3A_69 : memref<2048xf32, #tpu.memory_space<vmem_shared>>) target_semaphore(%run_scoped3A : memref<!tpu.dma_semaphore, #tpu.memory_space<semaphore_mem>>)
        %dma_wait3A = arith.constant 0 : i32
        %dma_wait3A_70 = tpu.memref_slice %arg4[%dma_wait3A] : memref<10240xf32, #tpu.memory_space<vmem_shared>> -> memref<2048xf32, #tpu.memory_space<vmem_shared>>
        %dma_wait3A_71 = arith.constant 0 : i32
        %dma_wait3A_72 = tpu.memref_slice %arg4[%dma_wait3A_71] : memref<10240xf32, #tpu.memory_space<vmem_shared>> -> memref<2048xf32, #tpu.memory_space<vmem_shared>>
        tpu.wait_dma2 semaphore(%run_scoped3A : memref<!tpu.dma_semaphore, #tpu.memory_space<semaphore_mem>>) src(%arg7 : memref<2048xf32, #tpu.memory_space<vmem>>) dst(%dma_wait3A_72 : memref<2048xf32, #tpu.memory_space<vmem_shared>>)
        tpu.yield
      }) : () -> ()
      "tpu.region"() ({
        %run_scoped3A = tpu.sem_alloc : memref<!tpu.dma_semaphore, #tpu.memory_space<semaphore_mem>>
        %dma_start3A = arith.constant 2048 : i32
        %dma_start3A_67 = tpu.memref_slice %arg4[%dma_start3A] : memref<10240xf32, #tpu.memory_space<vmem_shared>> -> memref<2048xf32, #tpu.memory_space<vmem_shared>>
        %dma_start3A_68 = arith.constant 2048 : i32
        %dma_start3A_69 = tpu.memref_slice %arg4[%dma_start3A_68] : memref<10240xf32, #tpu.memory_space<vmem_shared>> -> memref<2048xf32, #tpu.memory_space<vmem_shared>>
        tpu.enqueue_dma source(%arg7 : memref<2048xf32, #tpu.memory_space<vmem>>) target(%dma_start3A_69 : memref<2048xf32, #tpu.memory_space<vmem_shared>>) target_semaphore(%run_scoped3A : memref<!tpu.dma_semaphore, #tpu.memory_space<semaphore_mem>>)
        %dma_wait3A = arith.constant 2048 : i32
        %dma_wait3A_70 = tpu.memref_slice %arg4[%dma_wait3A] : memref<10240xf32, #tpu.memory_space<vmem_shared>> -> memref<2048xf32, #tpu.memory_space<vmem_shared>>
        %dma_wait3A_71 = arith.constant 2048 : i32
        %dma_wait3A_72 = tpu.memref_slice %arg4[%dma_wait3A_71] : memref<10240xf32, #tpu.memory_space<vmem_shared>> -> memref<2048xf32, #tpu.memory_space<vmem_shared>>
        tpu.wait_dma2 semaphore(%run_scoped3A : memref<!tpu.dma_semaphore, #tpu.memory_space<semaphore_mem>>) src(%arg7 : memref<2048xf32, #tpu.memory_space<vmem>>) dst(%dma_wait3A_72 : memref<2048xf32, #tpu.memory_space<vmem_shared>>)
        tpu.yield
      }) : () -> ()
      "tpu.region"() ({
        %run_scoped3A = tpu.sem_alloc : memref<!tpu.dma_semaphore, #tpu.memory_space<semaphore_mem>>
        %dma_start3A = arith.constant 4096 : i32
        %dma_start3A_67 = tpu.memref_slice %arg4[%dma_start3A] : memref<10240xf32, #tpu.memory_space<vmem_shared>> -> memref<2048xf32, #tpu.memory_space<vmem_shared>>
        %dma_start3A_68 = arith.constant 4096 : i32
        %dma_start3A_69 = tpu.memref_slice %arg4[%dma_start3A_68] : memref<10240xf32, #tpu.memory_space<vmem_shared>> -> memref<2048xf32, #tpu.memory_space<vmem_shared>>
        tpu.enqueue_dma source(%arg7 : memref<2048xf32, #tpu.memory_space<vmem>>) target(%dma_start3A_69 : memref<2048xf32, #tpu.memory_space<vmem_shared>>) target_semaphore(%run_scoped3A : memref<!tpu.dma_semaphore, #tpu.memory_space<semaphore_mem>>)
        %dma_wait3A = arith.constant 4096 : i32
        %dma_wait3A_70 = tpu.memref_slice %arg4[%dma_wait3A] : memref<10240xf32, #tpu.memory_space<vmem_shared>> -> memref<2048xf32, #tpu.memory_space<vmem_shared>>
        %dma_wait3A_71 = arith.constant 4096 : i32
        %dma_wait3A_72 = tpu.memref_slice %arg4[%dma_wait3A_71] : memref<10240xf32, #tpu.memory_space<vmem_shared>> -> memref<2048xf32, #tpu.memory_space<vmem_shared>>
        tpu.wait_dma2 semaphore(%run_scoped3A : memref<!tpu.dma_semaphore, #tpu.memory_space<semaphore_mem>>) src(%arg7 : memref<2048xf32, #tpu.memory_space<vmem>>) dst(%dma_wait3A_72 : memref<2048xf32, #tpu.memory_space<vmem_shared>>)
        tpu.yield
      }) : () -> ()
      "tpu.region"() ({
        %run_scoped3A = tpu.sem_alloc : memref<!tpu.dma_semaphore, #tpu.memory_space<semaphore_mem>>
        %dma_start3A = arith.constant 6144 : i32
        %dma_start3A_67 = tpu.memref_slice %arg4[%dma_start3A] : memref<10240xf32, #tpu.memory_space<vmem_shared>> -> memref<2048xf32, #tpu.memory_space<vmem_shared>>
        %dma_start3A_68 = arith.constant 6144 : i32
        %dma_start3A_69 = tpu.memref_slice %arg4[%dma_start3A_68] : memref<10240xf32, #tpu.memory_space<vmem_shared>> -> memref<2048xf32, #tpu.memory_space<vmem_shared>>
        tpu.enqueue_dma source(%arg7 : memref<2048xf32, #tpu.memory_space<vmem>>) target(%dma_start3A_69 : memref<2048xf32, #tpu.memory_space<vmem_shared>>) target_semaphore(%run_scoped3A : memref<!tpu.dma_semaphore, #tpu.memory_space<semaphore_mem>>)
        %dma_wait3A = arith.constant 6144 : i32
        %dma_wait3A_70 = tpu.memref_slice %arg4[%dma_wait3A] : memref<10240xf32, #tpu.memory_space<vmem_shared>> -> memref<2048xf32, #tpu.memory_space<vmem_shared>>
        %dma_wait3A_71 = arith.constant 6144 : i32
        %dma_wait3A_72 = tpu.memref_slice %arg4[%dma_wait3A_71] : memref<10240xf32, #tpu.memory_space<vmem_shared>> -> memref<2048xf32, #tpu.memory_space<vmem_shared>>
        tpu.wait_dma2 semaphore(%run_scoped3A : memref<!tpu.dma_semaphore, #tpu.memory_space<semaphore_mem>>) src(%arg7 : memref<2048xf32, #tpu.memory_space<vmem>>) dst(%dma_wait3A_72 : memref<2048xf32, #tpu.memory_space<vmem_shared>>)
        tpu.yield
      }) : () -> ()
      "tpu.region"() ({
        %run_scoped3A = tpu.sem_alloc : memref<!tpu.dma_semaphore, #tpu.memory_space<semaphore_mem>>
        %dma_start3A = arith.constant 8192 : i32
        %dma_start3A_67 = tpu.memref_slice %arg4[%dma_start3A] : memref<10240xf32, #tpu.memory_space<vmem_shared>> -> memref<2048xf32, #tpu.memory_space<vmem_shared>>
        %dma_start3A_68 = arith.constant 8192 : i32
        %dma_start3A_69 = tpu.memref_slice %arg4[%dma_start3A_68] : memref<10240xf32, #tpu.memory_space<vmem_shared>> -> memref<2048xf32, #tpu.memory_space<vmem_shared>>
        tpu.enqueue_dma source(%arg7 : memref<2048xf32, #tpu.memory_space<vmem>>) target(%dma_start3A_69 : memref<2048xf32, #tpu.memory_space<vmem_shared>>) target_semaphore(%run_scoped3A : memref<!tpu.dma_semaphore, #tpu.memory_space<semaphore_mem>>)
        %dma_wait3A = arith.constant 8192 : i32
        %dma_wait3A_70 = tpu.memref_slice %arg4[%dma_wait3A] : memref<10240xf32, #tpu.memory_space<vmem_shared>> -> memref<2048xf32, #tpu.memory_space<vmem_shared>>
        %dma_wait3A_71 = arith.constant 8192 : i32
        %dma_wait3A_72 = tpu.memref_slice %arg4[%dma_wait3A_71] : memref<10240xf32, #tpu.memory_space<vmem_shared>> -> memref<2048xf32, #tpu.memory_space<vmem_shared>>
        tpu.wait_dma2 semaphore(%run_scoped3A : memref<!tpu.dma_semaphore, #tpu.memory_space<semaphore_mem>>) src(%arg7 : memref<2048xf32, #tpu.memory_space<vmem>>) dst(%dma_wait3A_72 : memref<2048xf32, #tpu.memory_space<vmem_shared>>)
        tpu.yield
      }) : () -> ()
    } else {
    }
    %broadcast_in_dim3A = arith.constant 1.000000e+00 : f32
    %broadcast_in_dim3A_7 = vector.broadcast %broadcast_in_dim3A : f32 to vector<16xf32>
    %swap3A = arith.constant 0 : index
    %swap3A_8 = tpu.vector_load %arg6[%swap3A] {strides = array<i32>} : memref<128xf32, #tpu.memory_space<vmem>>, vector<16xf32>,
    %swap3A_9 = vector.shape_cast %swap3A_8 : vector<16xf32> to vector<16xf32>
    %swap3A_10 = vector.shape_cast %broadcast_in_dim3A_7 : vector<16xf32> to vector<16xf32>
    tpu.vector_store %arg6[%swap3A], %swap3A_10 {strides = array<i32>} : memref<128xf32, #tpu.memory_space<vmem>>, vector<16xf32>,
    %broadcast_in_dim3A_11 = arith.constant 1.000000e+00 : f32
    %broadcast_in_dim3A_12 = vector.broadcast %broadcast_in_dim3A_11 : f32 to vector<16xf32>
    %swap3A_13 = arith.constant 16 : index
    %swap3A_14 = tpu.vector_load %arg6[%swap3A_13] {strides = array<i32>} : memref<128xf32, #tpu.memory_space<vmem>>, vector<16xf32>,
    %swap3A_15 = vector.shape_cast %swap3A_14 : vector<16xf32> to vector<16xf32>
    %swap3A_16 = vector.shape_cast %broadcast_in_dim3A_12 : vector<16xf32> to vector<16xf32>
    tpu.vector_store %arg6[%swap3A_13], %swap3A_16 {strides = array<i32>} : memref<128xf32, #tpu.memory_space<vmem>>, vector<16xf32>,
    %broadcast_in_dim3A_17 = arith.constant 1.000000e+00 : f32
    %broadcast_in_dim3A_18 = vector.broadcast %broadcast_in_dim3A_17 : f32 to vector<16xf32>
    %swap3A_19 = arith.constant 32 : index
    %swap3A_20 = tpu.vector_load %arg6[%swap3A_19] {strides = array<i32>} : memref<128xf32, #tpu.memory_space<vmem>>, vector<16xf32>,
    %swap3A_21 = vector.shape_cast %swap3A_20 : vector<16xf32> to vector<16xf32>
    %swap3A_22 = vector.shape_cast %broadcast_in_dim3A_18 : vector<16xf32> to vector<16xf32>
    tpu.vector_store %arg6[%swap3A_19], %swap3A_22 {strides = array<i32>} : memref<128xf32, #tpu.memory_space<vmem>>, vector<16xf32>,
    %broadcast_in_dim3A_23 = arith.constant 1.000000e+00 : f32
    %broadcast_in_dim3A_24 = vector.broadcast %broadcast_in_dim3A_23 : f32 to vector<16xf32>
    %swap3A_25 = arith.constant 48 : index
    %swap3A_26 = tpu.vector_load %arg6[%swap3A_25] {strides = array<i32>} : memref<128xf32, #tpu.memory_space<vmem>>, vector<16xf32>,
    %swap3A_27 = vector.shape_cast %swap3A_26 : vector<16xf32> to vector<16xf32>
    %swap3A_28 = vector.shape_cast %broadcast_in_dim3A_24 : vector<16xf32> to vector<16xf32>
    tpu.vector_store %arg6[%swap3A_25], %swap3A_28 {strides = array<i32>} : memref<128xf32, #tpu.memory_space<vmem>>, vector<16xf32>,
    %broadcast_in_dim3A_29 = arith.constant 1.000000e+00 : f32
    %broadcast_in_dim3A_30 = vector.broadcast %broadcast_in_dim3A_29 : f32 to vector<16xf32>
    %swap3A_31 = arith.constant 64 : index
    %swap3A_32 = tpu.vector_load %arg6[%swap3A_31] {strides = array<i32>} : memref<128xf32, #tpu.memory_space<vmem>>, vector<16xf32>,
    %swap3A_33 = vector.shape_cast %swap3A_32 : vector<16xf32> to vector<16xf32>
    %swap3A_34 = vector.shape_cast %broadcast_in_dim3A_30 : vector<16xf32> to vector<16xf32>
    tpu.vector_store %arg6[%swap3A_31], %swap3A_34 {strides = array<i32>} : memref<128xf32, #tpu.memory_space<vmem>>, vector<16xf32>,
    %broadcast_in_dim3A_35 = arith.constant 1.000000e+00 : f32
    %broadcast_in_dim3A_36 = vector.broadcast %broadcast_in_dim3A_35 : f32 to vector<16xf32>
    %swap3A_37 = arith.constant 80 : index
    %swap3A_38 = tpu.vector_load %arg6[%swap3A_37] {strides = array<i32>} : memref<128xf32, #tpu.memory_space<vmem>>, vector<16xf32>,
    %swap3A_39 = vector.shape_cast %swap3A_38 : vector<16xf32> to vector<16xf32>
    %swap3A_40 = vector.shape_cast %broadcast_in_dim3A_36 : vector<16xf32> to vector<16xf32>
    tpu.vector_store %arg6[%swap3A_37], %swap3A_40 {strides = array<i32>} : memref<128xf32, #tpu.memory_space<vmem>>, vector<16xf32>,
    %broadcast_in_dim3A_41 = arith.constant 1.000000e+00 : f32
    %broadcast_in_dim3A_42 = vector.broadcast %broadcast_in_dim3A_41 : f32 to vector<16xf32>
    %swap3A_43 = arith.constant 96 : index
    %swap3A_44 = tpu.vector_load %arg6[%swap3A_43] {strides = array<i32>} : memref<128xf32, #tpu.memory_space<vmem>>, vector<16xf32>,
    %swap3A_45 = vector.shape_cast %swap3A_44 : vector<16xf32> to vector<16xf32>
    %swap3A_46 = vector.shape_cast %broadcast_in_dim3A_42 : vector<16xf32> to vector<16xf32>
    tpu.vector_store %arg6[%swap3A_43], %swap3A_46 {strides = array<i32>} : memref<128xf32, #tpu.memory_space<vmem>>, vector<16xf32>,
    %broadcast_in_dim3A_47 = arith.constant 1.000000e+00 : f32
    %broadcast_in_dim3A_48 = vector.broadcast %broadcast_in_dim3A_47 : f32 to vector<16xf32>
    %swap3A_49 = arith.constant 112 : index
    %swap3A_50 = tpu.vector_load %arg6[%swap3A_49] {strides = array<i32>} : memref<128xf32, #tpu.memory_space<vmem>>, vector<16xf32>,
    %swap3A_51 = vector.shape_cast %swap3A_50 : vector<16xf32> to vector<16xf32>
    %swap3A_52 = vector.shape_cast %broadcast_in_dim3A_48 : vector<16xf32> to vector<16xf32>
    tpu.vector_store %arg6[%swap3A_49], %swap3A_52 {strides = array<i32>} : memref<128xf32, #tpu.memory_space<vmem>>, vector<16xf32>,
    %barrier3A = arith.constant 0 : index
    tpu.barrier barrier_id(%barrier3A)
    %scan3A_53 = arith.constant 0 : i32
    %scan3A_54 = arith.constant 0 : i32
    %scan3A_55 = arith.constant 80 : i32
    %scan3A_56 = arith.addi %scan3A_54, %scan3A_55 : i32
    %scan3A_57 = arith.constant 1 : i32
    scf.for %scan3A_67 = %scan3A_54 to %scan3A_56 step %scan3A_57  : i32 {
      %mul3A = arith.constant 80 : i32
      %mul3A_68 = arith.muli %arg1, %mul3A : i32
      %add3A = arith.addi %mul3A_68, %scan3A_67 : i32
      %mul3A_69 = arith.constant 2 : i32
      %mul3A_70 = arith.muli %add3A, %mul3A_69 : i32
      "tpu.region"() ({
        %run_scoped3A_72 = tpu.sem_alloc : memref<!tpu.dma_semaphore, #tpu.memory_space<semaphore_mem>>
        %dma_start3A = arith.constant 0 : i32
        %dma_start3A_73 = tpu.memref_slice %arg2[%mul3A_70, %dma_start3A] : memref<2560x128xi32, #tpu.memory_space<hbm>> -> memref<2x128xi32, #tpu.memory_space<hbm>>
        %dma_start3A_74 = arith.constant 0 : i32
        %dma_start3A_75 = tpu.memref_slice %arg2[%mul3A_70, %dma_start3A_74] : memref<2560x128xi32, #tpu.memory_space<hbm>> -> memref<2x128xi32, #tpu.memory_space<hbm>>
        tpu.enqueue_dma source(%dma_start3A_75 : memref<2x128xi32, #tpu.memory_space<hbm>>) target(%arg5 : memref<2x128xi32, #tpu.memory_space<vmem>>) target_semaphore(%run_scoped3A_72 : memref<!tpu.dma_semaphore, #tpu.memory_space<semaphore_mem>>)
        %dma_wait3A = arith.constant 0 : i32
        %dma_wait3A_76 = tpu.memref_slice %arg2[%mul3A_70, %dma_wait3A] : memref<2560x128xi32, #tpu.memory_space<hbm>> -> memref<2x128xi32, #tpu.memory_space<hbm>>
        %dma_wait3A_77 = arith.constant 0 : i32
        %dma_wait3A_78 = tpu.memref_slice %arg2[%mul3A_70, %dma_wait3A_77] : memref<2560x128xi32, #tpu.memory_space<hbm>> -> memref<2x128xi32, #tpu.memory_space<hbm>>
        tpu.wait_dma2 semaphore(%run_scoped3A_72 : memref<!tpu.dma_semaphore, #tpu.memory_space<semaphore_mem>>) src(%dma_wait3A_78 : memref<2x128xi32, #tpu.memory_space<hbm>>) dst(%arg5 : memref<2x128xi32, #tpu.memory_space<vmem>>)
        tpu.yield
      }) : () -> ()
      %run_scoped3A = arith.constant 0 : i32
      "tpu.region"() ({
        %run_scoped3A_72 = tpu.sem_alloc : memref<!tpu.dma_semaphore, #tpu.memory_space<semaphore_mem>>
        %dma_start3A = arith.constant 0 : i32
        %dma_start3A_73 = tpu.memref_slice %arg5[%run_scoped3A, %dma_start3A] : memref<2x128xi32, #tpu.memory_space<vmem>> -> memref<1x128xi32, #tpu.memory_space<vmem>>
        %dma_start3A_74 = tpu.memref_squeeze %dma_start3A_73 : memref<1x128xi32, #tpu.memory_space<vmem>> -> memref<128xi32, #tpu.memory_space<vmem>>
        %dma_start3A_75 = arith.constant 0 : i32
        %dma_start3A_76 = tpu.memref_slice %arg4[%dma_start3A_75] : memref<10240xf32, #tpu.memory_space<vmem_shared>> -> memref<10240xf32, #tpu.memory_space<vmem_shared>>
        tpu.enqueue_indirect_dma source(%arg6 : memref<128xf32, #tpu.memory_space<vmem>>) target(%dma_start3A_76 : memref<10240xf32, #tpu.memory_space<vmem_shared>>) offsets(%dma_start3A_74 : memref<128xi32, #tpu.memory_space<vmem>>) semaphore(%run_scoped3A_72 : memref<!tpu.dma_semaphore, #tpu.memory_space<semaphore_mem>>) {add = true}
        %dma_wait3A = arith.constant 0 : i32
        %dma_wait3A_77 = tpu.memref_slice %arg5[%run_scoped3A, %dma_wait3A] : memref<2x128xi32, #tpu.memory_space<vmem>> -> memref<1x128xi32, #tpu.memory_space<vmem>>
        %dma_wait3A_78 = tpu.memref_squeeze %dma_wait3A_77 : memref<1x128xi32, #tpu.memory_space<vmem>> -> memref<128xi32, #tpu.memory_space<vmem>>
        %dma_wait3A_79 = arith.constant 0 : i32
        %dma_wait3A_80 = tpu.memref_slice %arg4[%dma_wait3A_79] : memref<10240xf32, #tpu.memory_space<vmem_shared>> -> memref<10240xf32, #tpu.memory_space<vmem_shared>>
        tpu.wait_indirect_dma semaphore(%run_scoped3A_72 : memref<!tpu.dma_semaphore, #tpu.memory_space<semaphore_mem>>) src(%arg6 : memref<128xf32, #tpu.memory_space<vmem>>) dst(%dma_wait3A_80 : memref<10240xf32, #tpu.memory_space<vmem_shared>>)
        tpu.yield
      }) : () -> ()
      %run_scoped3A_71 = arith.constant 1 : i32
      "tpu.region"() ({
        %run_scoped3A_72 = tpu.sem_alloc : memref<!tpu.dma_semaphore, #tpu.memory_space<semaphore_mem>>
        %dma_start3A = arith.constant 0 : i32
        %dma_start3A_73 = tpu.memref_slice %arg5[%run_scoped3A_71, %dma_start3A] : memref<2x128xi32, #tpu.memory_space<vmem>> -> memref<1x128xi32, #tpu.memory_space<vmem>>
        %dma_start3A_74 = tpu.memref_squeeze %dma_start3A_73 : memref<1x128xi32, #tpu.memory_space<vmem>> -> memref<128xi32, #tpu.memory_space<vmem>>
        %dma_start3A_75 = arith.constant 0 : i32
        %dma_start3A_76 = tpu.memref_slice %arg4[%dma_start3A_75] : memref<10240xf32, #tpu.memory_space<vmem_shared>> -> memref<10240xf32, #tpu.memory_space<vmem_shared>>
        tpu.enqueue_indirect_dma source(%arg6 : memref<128xf32, #tpu.memory_space<vmem>>) target(%dma_start3A_76 : memref<10240xf32, #tpu.memory_space<vmem_shared>>) offsets(%dma_start3A_74 : memref<128xi32, #tpu.memory_space<vmem>>) semaphore(%run_scoped3A_72 : memref<!tpu.dma_semaphore, #tpu.memory_space<semaphore_mem>>) {add = true}
        %dma_wait3A = arith.constant 0 : i32
        %dma_wait3A_77 = tpu.memref_slice %arg5[%run_scoped3A_71, %dma_wait3A] : memref<2x128xi32, #tpu.memory_space<vmem>> -> memref<1x128xi32, #tpu.memory_space<vmem>>
        %dma_wait3A_78 = tpu.memref_squeeze %dma_wait3A_77 : memref<1x128xi32, #tpu.memory_space<vmem>> -> memref<128xi32, #tpu.memory_space<vmem>>
        %dma_wait3A_79 = arith.constant 0 : i32
        %dma_wait3A_80 = tpu.memref_slice %arg4[%dma_wait3A_79] : memref<10240xf32, #tpu.memory_space<vmem_shared>> -> memref<10240xf32, #tpu.memory_space<vmem_shared>>
        tpu.wait_indirect_dma semaphore(%run_scoped3A_72 : memref<!tpu.dma_semaphore, #tpu.memory_space<semaphore_mem>>) src(%arg6 : memref<128xf32, #tpu.memory_space<vmem>>) dst(%dma_wait3A_80 : memref<10240xf32, #tpu.memory_space<vmem_shared>>)
        tpu.yield
      }) : () -> ()
    }
    %scan3A_58 = arith.constant 80 : i32
    %barrier3A_59 = arith.constant 0 : index
    tpu.barrier barrier_id(%barrier3A_59)
    %eq3A_60 = arith.constant 0 : i32
    %eq3A_61 = arith.cmpi eq, %arg1, %eq3A_60 : i32
    %eq3A_62 = arith.constant 0 : i32
    %eq3A_63 = arith.cmpi eq, %arg0, %eq3A_62 : i32
    %and3A = arith.andi %eq3A_61, %eq3A_63 : i1
    %convert_element_type3A_64 = arith.extui %and3A : i1 to i32
    %cond3A_65 = arith.constant 0 : i32
    %cond3A_66 = arith.cmpi ne, %convert_element_type3A_64, %cond3A_65 : i32
    scf.if %cond3A_66 {
      "tpu.region"() ({
        %run_scoped3A = tpu.sem_alloc : memref<!tpu.dma_semaphore, #tpu.memory_space<semaphore_mem>>
        %dma_start3A = arith.constant 0 : i32
        %dma_start3A_67 = tpu.memref_slice %arg4[%dma_start3A] : memref<10240xf32, #tpu.memory_space<vmem_shared>> -> memref<2048xf32, #tpu.memory_space<vmem_shared>>
        %dma_start3A_68 = arith.constant 0 : i32
        %dma_start3A_69 = tpu.memref_slice %arg4[%dma_start3A_68] : memref<10240xf32, #tpu.memory_space<vmem_shared>> -> memref<2048xf32, #tpu.memory_space<vmem_shared>>
        tpu.enqueue_dma source(%dma_start3A_69 : memref<2048xf32, #tpu.memory_space<vmem_shared>>) target(%arg7 : memref<2048xf32, #tpu.memory_space<vmem>>) target_semaphore(%run_scoped3A : memref<!tpu.dma_semaphore, #tpu.memory_space<semaphore_mem>>)
        %dma_wait3A = arith.constant 0 : i32
        %dma_wait3A_70 = tpu.memref_slice %arg4[%dma_wait3A] : memref<10240xf32, #tpu.memory_space<vmem_shared>> -> memref<2048xf32, #tpu.memory_space<vmem_shared>>
        %dma_wait3A_71 = arith.constant 0 : i32
        %dma_wait3A_72 = tpu.memref_slice %arg4[%dma_wait3A_71] : memref<10240xf32, #tpu.memory_space<vmem_shared>> -> memref<2048xf32, #tpu.memory_space<vmem_shared>>
        tpu.wait_dma2 semaphore(%run_scoped3A : memref<!tpu.dma_semaphore, #tpu.memory_space<semaphore_mem>>) src(%dma_wait3A_72 : memref<2048xf32, #tpu.memory_space<vmem_shared>>) dst(%arg7 : memref<2048xf32, #tpu.memory_space<vmem>>)
        tpu.yield
      }) : () -> ()
      "tpu.region"() ({
        %run_scoped3A = tpu.sem_alloc : memref<!tpu.dma_semaphore, #tpu.memory_space<semaphore_mem>>
        %dma_start3A = arith.constant 0 : i32
        %dma_start3A_67 = tpu.memref_slice %arg3[%dma_start3A] : memref<10240xf32, #tpu.memory_space<hbm>> -> memref<2048xf32, #tpu.memory_space<hbm>>
        %dma_start3A_68 = arith.constant 0 : i32
        %dma_start3A_69 = tpu.memref_slice %arg3[%dma_start3A_68] : memref<10240xf32, #tpu.memory_space<hbm>> -> memref<2048xf32, #tpu.memory_space<hbm>>
        tpu.enqueue_dma source(%arg7 : memref<2048xf32, #tpu.memory_space<vmem>>) target(%dma_start3A_69 : memref<2048xf32, #tpu.memory_space<hbm>>) target_semaphore(%run_scoped3A : memref<!tpu.dma_semaphore, #tpu.memory_space<semaphore_mem>>)
        %dma_wait3A = arith.constant 0 : i32
        %dma_wait3A_70 = tpu.memref_slice %arg3[%dma_wait3A] : memref<10240xf32, #tpu.memory_space<hbm>> -> memref<2048xf32, #tpu.memory_space<hbm>>
        %dma_wait3A_71 = arith.constant 0 : i32
        %dma_wait3A_72 = tpu.memref_slice %arg3[%dma_wait3A_71] : memref<10240xf32, #tpu.memory_space<hbm>> -> memref<2048xf32, #tpu.memory_space<hbm>>
        tpu.wait_dma2 semaphore(%run_scoped3A : memref<!tpu.dma_semaphore, #tpu.memory_space<semaphore_mem>>) src(%arg7 : memref<2048xf32, #tpu.memory_space<vmem>>) dst(%dma_wait3A_72 : memref<2048xf32, #tpu.memory_space<hbm>>)
        tpu.yield
      }) : () -> ()
      "tpu.region"() ({
        %run_scoped3A = tpu.sem_alloc : memref<!tpu.dma_semaphore, #tpu.memory_space<semaphore_mem>>
        %dma_start3A = arith.constant 2048 : i32
        %dma_start3A_67 = tpu.memref_slice %arg4[%dma_start3A] : memref<10240xf32, #tpu.memory_space<vmem_shared>> -> memref<2048xf32, #tpu.memory_space<vmem_shared>>
        %dma_start3A_68 = arith.constant 2048 : i32
        %dma_start3A_69 = tpu.memref_slice %arg4[%dma_start3A_68] : memref<10240xf32, #tpu.memory_space<vmem_shared>> -> memref<2048xf32, #tpu.memory_space<vmem_shared>>
        tpu.enqueue_dma source(%dma_start3A_69 : memref<2048xf32, #tpu.memory_space<vmem_shared>>) target(%arg7 : memref<2048xf32, #tpu.memory_space<vmem>>) target_semaphore(%run_scoped3A : memref<!tpu.dma_semaphore, #tpu.memory_space<semaphore_mem>>)
        %dma_wait3A = arith.constant 2048 : i32
        %dma_wait3A_70 = tpu.memref_slice %arg4[%dma_wait3A] : memref<10240xf32, #tpu.memory_space<vmem_shared>> -> memref<2048xf32, #tpu.memory_space<vmem_shared>>
        %dma_wait3A_71 = arith.constant 2048 : i32
        %dma_wait3A_72 = tpu.memref_slice %arg4[%dma_wait3A_71] : memref<10240xf32, #tpu.memory_space<vmem_shared>> -> memref<2048xf32, #tpu.memory_space<vmem_shared>>
        tpu.wait_dma2 semaphore(%run_scoped3A : memref<!tpu.dma_semaphore, #tpu.memory_space<semaphore_mem>>) src(%dma_wait3A_72 : memref<2048xf32, #tpu.memory_space<vmem_shared>>) dst(%arg7 : memref<2048xf32, #tpu.memory_space<vmem>>)
        tpu.yield
      }) : () -> ()
      "tpu.region"() ({
        %run_scoped3A = tpu.sem_alloc : memref<!tpu.dma_semaphore, #tpu.memory_space<semaphore_mem>>
        %dma_start3A = arith.constant 2048 : i32
        %dma_start3A_67 = tpu.memref_slice %arg3[%dma_start3A] : memref<10240xf32, #tpu.memory_space<hbm>> -> memref<2048xf32, #tpu.memory_space<hbm>>
        %dma_start3A_68 = arith.constant 2048 : i32
        %dma_start3A_69 = tpu.memref_slice %arg3[%dma_start3A_68] : memref<10240xf32, #tpu.memory_space<hbm>> -> memref<2048xf32, #tpu.memory_space<hbm>>
        tpu.enqueue_dma source(%arg7 : memref<2048xf32, #tpu.memory_space<vmem>>) target(%dma_start3A_69 : memref<2048xf32, #tpu.memory_space<hbm>>) target_semaphore(%run_scoped3A : memref<!tpu.dma_semaphore, #tpu.memory_space<semaphore_mem>>)
        %dma_wait3A = arith.constant 2048 : i32
        %dma_wait3A_70 = tpu.memref_slice %arg3[%dma_wait3A] : memref<10240xf32, #tpu.memory_space<hbm>> -> memref<2048xf32, #tpu.memory_space<hbm>>
        %dma_wait3A_71 = arith.constant 2048 : i32
        %dma_wait3A_72 = tpu.memref_slice %arg3[%dma_wait3A_71] : memref<10240xf32, #tpu.memory_space<hbm>> -> memref<2048xf32, #tpu.memory_space<hbm>>
        tpu.wait_dma2 semaphore(%run_scoped3A : memref<!tpu.dma_semaphore, #tpu.memory_space<semaphore_mem>>) src(%arg7 : memref<2048xf32, #tpu.memory_space<vmem>>) dst(%dma_wait3A_72 : memref<2048xf32, #tpu.memory_space<hbm>>)
        tpu.yield
      }) : () -> ()
      "tpu.region"() ({
        %run_scoped3A = tpu.sem_alloc : memref<!tpu.dma_semaphore, #tpu.memory_space<semaphore_mem>>
        %dma_start3A = arith.constant 4096 : i32
        %dma_start3A_67 = tpu.memref_slice %arg4[%dma_start3A] : memref<10240xf32, #tpu.memory_space<vmem_shared>> -> memref<2048xf32, #tpu.memory_space<vmem_shared>>
        %dma_start3A_68 = arith.constant 4096 : i32
        %dma_start3A_69 = tpu.memref_slice %arg4[%dma_start3A_68] : memref<10240xf32, #tpu.memory_space<vmem_shared>> -> memref<2048xf32, #tpu.memory_space<vmem_shared>>
        tpu.enqueue_dma source(%dma_start3A_69 : memref<2048xf32, #tpu.memory_space<vmem_shared>>) target(%arg7 : memref<2048xf32, #tpu.memory_space<vmem>>) target_semaphore(%run_scoped3A : memref<!tpu.dma_semaphore, #tpu.memory_space<semaphore_mem>>)
        %dma_wait3A = arith.constant 4096 : i32
        %dma_wait3A_70 = tpu.memref_slice %arg4[%dma_wait3A] : memref<10240xf32, #tpu.memory_space<vmem_shared>> -> memref<2048xf32, #tpu.memory_space<vmem_shared>>
        %dma_wait3A_71 = arith.constant 4096 : i32
        %dma_wait3A_72 = tpu.memref_slice %arg4[%dma_wait3A_71] : memref<10240xf32, #tpu.memory_space<vmem_shared>> -> memref<2048xf32, #tpu.memory_space<vmem_shared>>
        tpu.wait_dma2 semaphore(%run_scoped3A : memref<!tpu.dma_semaphore, #tpu.memory_space<semaphore_mem>>) src(%dma_wait3A_72 : memref<2048xf32, #tpu.memory_space<vmem_shared>>) dst(%arg7 : memref<2048xf32, #tpu.memory_space<vmem>>)
        tpu.yield
      }) : () -> ()
      "tpu.region"() ({
        %run_scoped3A = tpu.sem_alloc : memref<!tpu.dma_semaphore, #tpu.memory_space<semaphore_mem>>
        %dma_start3A = arith.constant 4096 : i32
        %dma_start3A_67 = tpu.memref_slice %arg3[%dma_start3A] : memref<10240xf32, #tpu.memory_space<hbm>> -> memref<2048xf32, #tpu.memory_space<hbm>>
        %dma_start3A_68 = arith.constant 4096 : i32
        %dma_start3A_69 = tpu.memref_slice %arg3[%dma_start3A_68] : memref<10240xf32, #tpu.memory_space<hbm>> -> memref<2048xf32, #tpu.memory_space<hbm>>
        tpu.enqueue_dma source(%arg7 : memref<2048xf32, #tpu.memory_space<vmem>>) target(%dma_start3A_69 : memref<2048xf32, #tpu.memory_space<hbm>>) target_semaphore(%run_scoped3A : memref<!tpu.dma_semaphore, #tpu.memory_space<semaphore_mem>>)
        %dma_wait3A = arith.constant 4096 : i32
        %dma_wait3A_70 = tpu.memref_slice %arg3[%dma_wait3A] : memref<10240xf32, #tpu.memory_space<hbm>> -> memref<2048xf32, #tpu.memory_space<hbm>>
        %dma_wait3A_71 = arith.constant 4096 : i32
        %dma_wait3A_72 = tpu.memref_slice %arg3[%dma_wait3A_71] : memref<10240xf32, #tpu.memory_space<hbm>> -> memref<2048xf32, #tpu.memory_space<hbm>>
        tpu.wait_dma2 semaphore(%run_scoped3A : memref<!tpu.dma_semaphore, #tpu.memory_space<semaphore_mem>>) src(%arg7 : memref<2048xf32, #tpu.memory_space<vmem>>) dst(%dma_wait3A_72 : memref<2048xf32, #tpu.memory_space<hbm>>)
        tpu.yield
      }) : () -> ()
      "tpu.region"() ({
        %run_scoped3A = tpu.sem_alloc : memref<!tpu.dma_semaphore, #tpu.memory_space<semaphore_mem>>
        %dma_start3A = arith.constant 6144 : i32
        %dma_start3A_67 = tpu.memref_slice %arg4[%dma_start3A] : memref<10240xf32, #tpu.memory_space<vmem_shared>> -> memref<2048xf32, #tpu.memory_space<vmem_shared>>
        %dma_start3A_68 = arith.constant 6144 : i32
        %dma_start3A_69 = tpu.memref_slice %arg4[%dma_start3A_68] : memref<10240xf32, #tpu.memory_space<vmem_shared>> -> memref<2048xf32, #tpu.memory_space<vmem_shared>>
        tpu.enqueue_dma source(%dma_start3A_69 : memref<2048xf32, #tpu.memory_space<vmem_shared>>) target(%arg7 : memref<2048xf32, #tpu.memory_space<vmem>>) target_semaphore(%run_scoped3A : memref<!tpu.dma_semaphore, #tpu.memory_space<semaphore_mem>>)
        %dma_wait3A = arith.constant 6144 : i32
        %dma_wait3A_70 = tpu.memref_slice %arg4[%dma_wait3A] : memref<10240xf32, #tpu.memory_space<vmem_shared>> -> memref<2048xf32, #tpu.memory_space<vmem_shared>>
        %dma_wait3A_71 = arith.constant 6144 : i32
        %dma_wait3A_72 = tpu.memref_slice %arg4[%dma_wait3A_71] : memref<10240xf32, #tpu.memory_space<vmem_shared>> -> memref<2048xf32, #tpu.memory_space<vmem_shared>>
        tpu.wait_dma2 semaphore(%run_scoped3A : memref<!tpu.dma_semaphore, #tpu.memory_space<semaphore_mem>>) src(%dma_wait3A_72 : memref<2048xf32, #tpu.memory_space<vmem_shared>>) dst(%arg7 : memref<2048xf32, #tpu.memory_space<vmem>>)
        tpu.yield
      }) : () -> ()
      "tpu.region"() ({
        %run_scoped3A = tpu.sem_alloc : memref<!tpu.dma_semaphore, #tpu.memory_space<semaphore_mem>>
        %dma_start3A = arith.constant 6144 : i32
        %dma_start3A_67 = tpu.memref_slice %arg3[%dma_start3A] : memref<10240xf32, #tpu.memory_space<hbm>> -> memref<2048xf32, #tpu.memory_space<hbm>>
        %dma_start3A_68 = arith.constant 6144 : i32
        %dma_start3A_69 = tpu.memref_slice %arg3[%dma_start3A_68] : memref<10240xf32, #tpu.memory_space<hbm>> -> memref<2048xf32, #tpu.memory_space<hbm>>
        tpu.enqueue_dma source(%arg7 : memref<2048xf32, #tpu.memory_space<vmem>>) target(%dma_start3A_69 : memref<2048xf32, #tpu.memory_space<hbm>>) target_semaphore(%run_scoped3A : memref<!tpu.dma_semaphore, #tpu.memory_space<semaphore_mem>>)
        %dma_wait3A = arith.constant 6144 : i32
        %dma_wait3A_70 = tpu.memref_slice %arg3[%dma_wait3A] : memref<10240xf32, #tpu.memory_space<hbm>> -> memref<2048xf32, #tpu.memory_space<hbm>>
        %dma_wait3A_71 = arith.constant 6144 : i32
        %dma_wait3A_72 = tpu.memref_slice %arg3[%dma_wait3A_71] : memref<10240xf32, #tpu.memory_space<hbm>> -> memref<2048xf32, #tpu.memory_space<hbm>>
        tpu.wait_dma2 semaphore(%run_scoped3A : memref<!tpu.dma_semaphore, #tpu.memory_space<semaphore_mem>>) src(%arg7 : memref<2048xf32, #tpu.memory_space<vmem>>) dst(%dma_wait3A_72 : memref<2048xf32, #tpu.memory_space<hbm>>)
        tpu.yield
      }) : () -> ()
      "tpu.region"() ({
        %run_scoped3A = tpu.sem_alloc : memref<!tpu.dma_semaphore, #tpu.memory_space<semaphore_mem>>
        %dma_start3A = arith.constant 8192 : i32
        %dma_start3A_67 = tpu.memref_slice %arg4[%dma_start3A] : memref<10240xf32, #tpu.memory_space<vmem_shared>> -> memref<2048xf32, #tpu.memory_space<vmem_shared>>
        %dma_start3A_68 = arith.constant 8192 : i32
        %dma_start3A_69 = tpu.memref_slice %arg4[%dma_start3A_68] : memref<10240xf32, #tpu.memory_space<vmem_shared>> -> memref<2048xf32, #tpu.memory_space<vmem_shared>>
        tpu.enqueue_dma source(%dma_start3A_69 : memref<2048xf32, #tpu.memory_space<vmem_shared>>) target(%arg7 : memref<2048xf32, #tpu.memory_space<vmem>>) target_semaphore(%run_scoped3A : memref<!tpu.dma_semaphore, #tpu.memory_space<semaphore_mem>>)
        %dma_wait3A = arith.constant 8192 : i32
        %dma_wait3A_70 = tpu.memref_slice %arg4[%dma_wait3A] : memref<10240xf32, #tpu.memory_space<vmem_shared>> -> memref<2048xf32, #tpu.memory_space<vmem_shared>>
        %dma_wait3A_71 = arith.constant 8192 : i32
        %dma_wait3A_72 = tpu.memref_slice %arg4[%dma_wait3A_71] : memref<10240xf32, #tpu.memory_space<vmem_shared>> -> memref<2048xf32, #tpu.memory_space<vmem_shared>>
        tpu.wait_dma2 semaphore(%run_scoped3A : memref<!tpu.dma_semaphore, #tpu.memory_space<semaphore_mem>>) src(%dma_wait3A_72 : memref<2048xf32, #tpu.memory_space<vmem_shared>>) dst(%arg7 : memref<2048xf32, #tpu.memory_space<vmem>>)
        tpu.yield
      }) : () -> ()
      "tpu.region"() ({
        %run_scoped3A = tpu.sem_alloc : memref<!tpu.dma_semaphore, #tpu.memory_space<semaphore_mem>>
        %dma_start3A = arith.constant 8192 : i32
        %dma_start3A_67 = tpu.memref_slice %arg3[%dma_start3A] : memref<10240xf32, #tpu.memory_space<hbm>> -> memref<2048xf32, #tpu.memory_space<hbm>>
        %dma_start3A_68 = arith.constant 8192 : i32
        %dma_start3A_69 = tpu.memref_slice %arg3[%dma_start3A_68] : memref<10240xf32, #tpu.memory_space<hbm>> -> memref<2048xf32, #tpu.memory_space<hbm>>
        tpu.enqueue_dma source(%arg7 : memref<2048xf32, #tpu.memory_space<vmem>>) target(%dma_start3A_69 : memref<2048xf32, #tpu.memory_space<hbm>>) target_semaphore(%run_scoped3A : memref<!tpu.dma_semaphore, #tpu.memory_space<semaphore_mem>>)
        %dma_wait3A = arith.constant 8192 : i32
        %dma_wait3A_70 = tpu.memref_slice %arg3[%dma_wait3A] : memref<10240xf32, #tpu.memory_space<hbm>> -> memref<2048xf32, #tpu.memory_space<hbm>>
        %dma_wait3A_71 = arith.constant 8192 : i32
        %dma_wait3A_72 = tpu.memref_slice %arg3[%dma_wait3A_71] : memref<10240xf32, #tpu.memory_space<hbm>> -> memref<2048xf32, #tpu.memory_space<hbm>>
        tpu.wait_dma2 semaphore(%run_scoped3A : memref<!tpu.dma_semaphore, #tpu.memory_space<semaphore_mem>>) src(%arg7 : memref<2048xf32, #tpu.memory_space<vmem>>) dst(%dma_wait3A_72 : memref<2048xf32, #tpu.memory_space<hbm>>)
        tpu.yield
      }) : () -> ()
    } else {
    }
    return
  }
}

#map = affine_map<(d0, d1) -> (0, 0)>
#map1 = affine_map<(d0, d1) -> (0)>
module attributes {stable_mosaic.version = 14 : i64} {
  func.func @_part_body(%arg0: i32, %arg1: i32, %arg2: memref<2560x128xi32, #tpu.memory_space<hbm>>, %arg3: memref<2560x128xi32, #tpu.memory_space<hbm>>, %arg4: memref<458752xi32, #tpu.memory_space<hbm>>, %arg5: memref<32x16xi32, #tpu.memory_space<hbm>>, %arg6: memref<229392xi32, #tpu.memory_space<vmem_shared>>, %arg7: memref<2x128xi32, #tpu.memory_space<vmem>>, %arg8: memref<2x128xi32, #tpu.memory_space<vmem>>, %arg9: memref<2x128xi32, #tpu.memory_space<vmem>>, %arg10: memref<2x128xi32, #tpu.memory_space<vmem>>, %arg11: memref<2048xi32, #tpu.memory_space<vmem>>, %arg12: memref<16xi32, #tpu.memory_space<vmem>>) attributes {dimension_semantics = [#tpu.dimension_semantics<core_parallel>, #tpu.dimension_semantics<subcore_parallel>], iteration_bounds = array<i64: 2, 16>, scalar_prefetch = 0 : i64, scratch_operands = 7 : i64, tpu.core_type = #tpu.core_type<sc_vector_subcore>, window_params = [{transform_indices = #map}, {transform_indices = #map}, {transform_indices = #map1}, {transform_indices = #map}]} {
    %mul3A = arith.constant 16 : i32
    %mul3A_0 = arith.muli %arg0, %mul3A : i32
    %add3A = arith.addi %mul3A_0, %arg1 : i32
    %mul3A_1 = arith.constant 5000 : i32
    %mul3A_2 = arith.muli %arg0, %mul3A_1 : i32
    %mul3A_3 = arith.constant 14336 : i32
    %mul3A_4 = arith.muli %arg1, %mul3A_3 : i32
    %iota3A = tpu.iota {dimensions = array<i32: 0>} : vector<16xi32>
    %broadcast_in_dim3A = vector.broadcast %mul3A_4 : i32 to vector<16xi32>
    %add3A_5 = arith.addi %broadcast_in_dim3A, %iota3A : vector<16xi32>
    %broadcast_in_dim3A_6 = arith.constant 229376 : i32
    %broadcast_in_dim3A_7 = vector.broadcast %broadcast_in_dim3A_6 : i32 to vector<16xi32>
    %add3A_8 = arith.addi %broadcast_in_dim3A_7, %iota3A : vector<16xi32>
    %broadcast_in_dim3A_9 = arith.constant 1 : i32
    %broadcast_in_dim3A_10 = vector.broadcast %broadcast_in_dim3A_9 : i32 to vector<16xi32>
    %broadcast_in_dim3A_11 = arith.constant 0 : i32
    %broadcast_in_dim3A_12 = vector.broadcast %broadcast_in_dim3A_11 : i32 to vector<16xi32>
    %scan3A = arith.constant 0 : i32
    %scan3A_13 = arith.constant 80 : i32
    %scan3A_14 = arith.addi %scan3A, %scan3A_13 : i32
    %scan3A_15 = arith.constant 1 : i32
    %scan3A_16 = scf.for %scan3A_29 = %scan3A to %scan3A_14 step %scan3A_15 iter_args(%scan3A_30 = %broadcast_in_dim3A_12) -> (vector<16xi32>)  : i32 {
      %mul3A_31 = arith.constant 80 : i32
      %mul3A_32 = arith.muli %arg1, %mul3A_31 : i32
      %add3A_33 = arith.addi %mul3A_32, %scan3A_29 : i32
      %mul3A_34 = arith.constant 2 : i32
      %mul3A_35 = arith.muli %add3A_33, %mul3A_34 : i32
      "tpu.region"() ({
        %run_scoped3A_755 = tpu.sem_alloc : memref<!tpu.dma_semaphore, #tpu.memory_space<semaphore_mem>>
        %dma_start3A = arith.constant 0 : i32
        %dma_start3A_756 = tpu.memref_slice %arg2[%mul3A_35, %dma_start3A] : memref<2560x128xi32, #tpu.memory_space<hbm>> -> memref<2x128xi32, #tpu.memory_space<hbm>>
        %dma_start3A_757 = arith.constant 0 : i32
        %dma_start3A_758 = tpu.memref_slice %arg2[%mul3A_35, %dma_start3A_757] : memref<2560x128xi32, #tpu.memory_space<hbm>> -> memref<2x128xi32, #tpu.memory_space<hbm>>
        tpu.enqueue_dma source(%dma_start3A_758 : memref<2x128xi32, #tpu.memory_space<hbm>>) target(%arg7 : memref<2x128xi32, #tpu.memory_space<vmem>>) target_semaphore(%run_scoped3A_755 : memref<!tpu.dma_semaphore, #tpu.memory_space<semaphore_mem>>)
        %dma_wait3A = arith.constant 0 : i32
        %dma_wait3A_759 = tpu.memref_slice %arg2[%mul3A_35, %dma_wait3A] : memref<2560x128xi32, #tpu.memory_space<hbm>> -> memref<2x128xi32, #tpu.memory_space<hbm>>
        %dma_wait3A_760 = arith.constant 0 : i32
        %dma_wait3A_761 = tpu.memref_slice %arg2[%mul3A_35, %dma_wait3A_760] : memref<2560x128xi32, #tpu.memory_space<hbm>> -> memref<2x128xi32, #tpu.memory_space<hbm>>
        tpu.wait_dma2 semaphore(%run_scoped3A_755 : memref<!tpu.dma_semaphore, #tpu.memory_space<semaphore_mem>>) src(%dma_wait3A_761 : memref<2x128xi32, #tpu.memory_space<hbm>>) dst(%arg7 : memref<2x128xi32, #tpu.memory_space<vmem>>)
        tpu.yield
      }) : () -> ()
      %mul3A_36 = arith.constant 2 : i32
      %mul3A_37 = arith.muli %add3A_33, %mul3A_36 : i32
      "tpu.region"() ({
        %run_scoped3A_755 = tpu.sem_alloc : memref<!tpu.dma_semaphore, #tpu.memory_space<semaphore_mem>>
        %dma_start3A = arith.constant 0 : i32
        %dma_start3A_756 = tpu.memref_slice %arg3[%mul3A_37, %dma_start3A] : memref<2560x128xi32, #tpu.memory_space<hbm>> -> memref<2x128xi32, #tpu.memory_space<hbm>>
        %dma_start3A_757 = arith.constant 0 : i32
        %dma_start3A_758 = tpu.memref_slice %arg3[%mul3A_37, %dma_start3A_757] : memref<2560x128xi32, #tpu.memory_space<hbm>> -> memref<2x128xi32, #tpu.memory_space<hbm>>
        tpu.enqueue_dma source(%dma_start3A_758 : memref<2x128xi32, #tpu.memory_space<hbm>>) target(%arg8 : memref<2x128xi32, #tpu.memory_space<vmem>>) target_semaphore(%run_scoped3A_755 : memref<!tpu.dma_semaphore, #tpu.memory_space<semaphore_mem>>)
        %dma_wait3A = arith.constant 0 : i32
        %dma_wait3A_759 = tpu.memref_slice %arg3[%mul3A_37, %dma_wait3A] : memref<2560x128xi32, #tpu.memory_space<hbm>> -> memref<2x128xi32, #tpu.memory_space<hbm>>
        %dma_wait3A_760 = arith.constant 0 : i32
        %dma_wait3A_761 = tpu.memref_slice %arg3[%mul3A_37, %dma_wait3A_760] : memref<2560x128xi32, #tpu.memory_space<hbm>> -> memref<2x128xi32, #tpu.memory_space<hbm>>
        tpu.wait_dma2 semaphore(%run_scoped3A_755 : memref<!tpu.dma_semaphore, #tpu.memory_space<semaphore_mem>>) src(%dma_wait3A_761 : memref<2x128xi32, #tpu.memory_space<hbm>>) dst(%arg8 : memref<2x128xi32, #tpu.memory_space<vmem>>)
        tpu.yield
      }) : () -> ()
      %get3A = arith.constant 0 : i32
      %get3A_38 = arith.index_cast %get3A : i32 to index
      %get3A_39 = arith.constant 0 : index
      %get3A_40 = tpu.vector_load %arg7[%get3A_38, %get3A_39] {strides = array<i32>} : memref<2x128xi32, #tpu.memory_space<vmem>>, vector<1x16xi32>,
      %get3A_41 = vector.shape_cast %get3A_40 : vector<1x16xi32> to vector<16xi32>
      %get3A_42 = arith.constant 0 : i32
      %get3A_43 = arith.index_cast %get3A_42 : i32 to index
      %get3A_44 = arith.constant 0 : index
      %get3A_45 = tpu.vector_load %arg8[%get3A_43, %get3A_44] {strides = array<i32>} : memref<2x128xi32, #tpu.memory_space<vmem>>, vector<1x16xi32>,
      %get3A_46 = vector.shape_cast %get3A_45 : vector<1x16xi32> to vector<16xi32>
      %sub3A = vector.broadcast %mul3A_2 : i32 to vector<16xi32>
      %sub3A_47 = arith.subi %get3A_46, %sub3A : vector<16xi32>
      %ge3A = arith.constant 0 : i32
      %ge3A_48 = vector.broadcast %ge3A : i32 to vector<16xi32>
      %ge3A_49 = arith.cmpi sge, %sub3A_47, %ge3A_48 : vector<16xi32>
      %lt3A = arith.constant 5000 : i32
      %lt3A_50 = vector.broadcast %lt3A : i32 to vector<16xi32>
      %lt3A_51 = arith.cmpi slt, %sub3A_47, %lt3A_50 : vector<16xi32>
      %and3A = arith.andi %ge3A_49, %lt3A_51 : vector<16xi1>
      %mul3A_52 = arith.constant 8192 : i32
      %mul3A_53 = vector.broadcast %mul3A_52 : i32 to vector<16xi32>
      %mul3A_54 = arith.muli %get3A_41, %mul3A_53 : vector<16xi32>
      %add3A_55 = arith.addi %mul3A_54, %sub3A_47 : vector<16xi32>
      %min3A_56 = arith.constant 895 : i32
      %min3A_57 = vector.broadcast %min3A_56 : i32 to vector<16xi32>
      %min3A_58 = arith.minsi %scan3A_30, %min3A_57 : vector<16xi32>
      %mul3A_59 = arith.constant 16 : i32
      %mul3A_60 = vector.broadcast %mul3A_59 : i32 to vector<16xi32>
      %mul3A_61 = arith.muli %min3A_58, %mul3A_60 : vector<16xi32>
      %add3A_62 = arith.addi %mul3A_61, %add3A_5 : vector<16xi32>
      %select_n3A = arith.select %and3A, %add3A_62, %add3A_8 : vector<16xi1>, vector<16xi32>
      %swap3A_63 = arith.constant 0 : i32
      %swap3A_64 = arith.index_cast %swap3A_63 : i32 to index
      %swap3A_65 = arith.constant 0 : index
      %swap3A_66 = tpu.vector_load %arg9[%swap3A_64, %swap3A_65] {strides = array<i32>} : memref<2x128xi32, #tpu.memory_space<vmem>>, vector<1x16xi32>,
      %swap3A_67 = vector.shape_cast %swap3A_66 : vector<1x16xi32> to vector<16xi32>
      %swap3A_68 = vector.shape_cast %add3A_55 : vector<16xi32> to vector<1x16xi32>
      tpu.vector_store %arg9[%swap3A_64, %swap3A_65], %swap3A_68 {strides = array<i32>} : memref<2x128xi32, #tpu.memory_space<vmem>>, vector<1x16xi32>,
      %swap3A_69 = arith.constant 0 : i32
      %swap3A_70 = arith.index_cast %swap3A_69 : i32 to index
      %swap3A_71 = arith.constant 0 : index
      %swap3A_72 = tpu.vector_load %arg10[%swap3A_70, %swap3A_71] {strides = array<i32>} : memref<2x128xi32, #tpu.memory_space<vmem>>, vector<1x16xi32>,
      %swap3A_73 = vector.shape_cast %swap3A_72 : vector<1x16xi32> to vector<16xi32>
      %swap3A_74 = vector.shape_cast %select_n3A : vector<16xi32> to vector<1x16xi32>
      tpu.vector_store %arg10[%swap3A_70, %swap3A_71], %swap3A_74 {strides = array<i32>} : memref<2x128xi32, #tpu.memory_space<vmem>>, vector<1x16xi32>,
      %select_n3A_75 = arith.select %and3A, %broadcast_in_dim3A_10, %broadcast_in_dim3A_12 : vector<16xi1>, vector<16xi32>
      %add3A_76 = arith.addi %scan3A_30, %select_n3A_75 : vector<16xi32>
      %get3A_77 = arith.constant 0 : i32
      %get3A_78 = arith.index_cast %get3A_77 : i32 to index
      %get3A_79 = arith.constant 16 : index
      %get3A_80 = tpu.vector_load %arg7[%get3A_78, %get3A_79] {strides = array<i32>} : memref<2x128xi32, #tpu.memory_space<vmem>>, vector<1x16xi32>,
      %get3A_81 = vector.shape_cast %get3A_80 : vector<1x16xi32> to vector<16xi32>
      %get3A_82 = arith.constant 0 : i32
      %get3A_83 = arith.index_cast %get3A_82 : i32 to index
      %get3A_84 = arith.constant 16 : index
      %get3A_85 = tpu.vector_load %arg8[%get3A_83, %get3A_84] {strides = array<i32>} : memref<2x128xi32, #tpu.memory_space<vmem>>, vector<1x16xi32>,
      %get3A_86 = vector.shape_cast %get3A_85 : vector<1x16xi32> to vector<16xi32>
      %sub3A_87 = vector.broadcast %mul3A_2 : i32 to vector<16xi32>
      %sub3A_88 = arith.subi %get3A_86, %sub3A_87 : vector<16xi32>
      %ge3A_89 = arith.constant 0 : i32
      %ge3A_90 = vector.broadcast %ge3A_89 : i32 to vector<16xi32>
      %ge3A_91 = arith.cmpi sge, %sub3A_88, %ge3A_90 : vector<16xi32>
      %lt3A_92 = arith.constant 5000 : i32
      %lt3A_93 = vector.broadcast %lt3A_92 : i32 to vector<16xi32>
      %lt3A_94 = arith.cmpi slt, %sub3A_88, %lt3A_93 : vector<16xi32>
      %and3A_95 = arith.andi %ge3A_91, %lt3A_94 : vector<16xi1>
      %mul3A_96 = arith.constant 8192 : i32
      %mul3A_97 = vector.broadcast %mul3A_96 : i32 to vector<16xi32>
      %mul3A_98 = arith.muli %get3A_81, %mul3A_97 : vector<16xi32>
      %add3A_99 = arith.addi %mul3A_98, %sub3A_88 : vector<16xi32>
      %min3A_100 = arith.constant 895 : i32
      %min3A_101 = vector.broadcast %min3A_100 : i32 to vector<16xi32>
      %min3A_102 = arith.minsi %add3A_76, %min3A_101 : vector<16xi32>
      %mul3A_103 = arith.constant 16 : i32
      %mul3A_104 = vector.broadcast %mul3A_103 : i32 to vector<16xi32>
      %mul3A_105 = arith.muli %min3A_102, %mul3A_104 : vector<16xi32>
      %add3A_106 = arith.addi %mul3A_105, %add3A_5 : vector<16xi32>
      %select_n3A_107 = arith.select %and3A_95, %add3A_106, %add3A_8 : vector<16xi1>, vector<16xi32>
      %swap3A_108 = arith.constant 0 : i32
      %swap3A_109 = arith.index_cast %swap3A_108 : i32 to index
      %swap3A_110 = arith.constant 16 : index
      %swap3A_111 = tpu.vector_load %arg9[%swap3A_109, %swap3A_110] {strides = array<i32>} : memref<2x128xi32, #tpu.memory_space<vmem>>, vector<1x16xi32>,
      %swap3A_112 = vector.shape_cast %swap3A_111 : vector<1x16xi32> to vector<16xi32>
      %swap3A_113 = vector.shape_cast %add3A_99 : vector<16xi32> to vector<1x16xi32>
      tpu.vector_store %arg9[%swap3A_109, %swap3A_110], %swap3A_113 {strides = array<i32>} : memref<2x128xi32, #tpu.memory_space<vmem>>, vector<1x16xi32>,
      %swap3A_114 = arith.constant 0 : i32
      %swap3A_115 = arith.index_cast %swap3A_114 : i32 to index
      %swap3A_116 = arith.constant 16 : index
      %swap3A_117 = tpu.vector_load %arg10[%swap3A_115, %swap3A_116] {strides = array<i32>} : memref<2x128xi32, #tpu.memory_space<vmem>>, vector<1x16xi32>,
      %swap3A_118 = vector.shape_cast %swap3A_117 : vector<1x16xi32> to vector<16xi32>
      %swap3A_119 = vector.shape_cast %select_n3A_107 : vector<16xi32> to vector<1x16xi32>
      tpu.vector_store %arg10[%swap3A_115, %swap3A_116], %swap3A_119 {strides = array<i32>} : memref<2x128xi32, #tpu.memory_space<vmem>>, vector<1x16xi32>,
      %select_n3A_120 = arith.select %and3A_95, %broadcast_in_dim3A_10, %broadcast_in_dim3A_12 : vector<16xi1>, vector<16xi32>
      %add3A_121 = arith.addi %add3A_76, %select_n3A_120 : vector<16xi32>
      %get3A_122 = arith.constant 0 : i32
      %get3A_123 = arith.index_cast %get3A_122 : i32 to index
      %get3A_124 = arith.constant 32 : index
      %get3A_125 = tpu.vector_load %arg7[%get3A_123, %get3A_124] {strides = array<i32>} : memref<2x128xi32, #tpu.memory_space<vmem>>, vector<1x16xi32>,
      %get3A_126 = vector.shape_cast %get3A_125 : vector<1x16xi32> to vector<16xi32>
      %get3A_127 = arith.constant 0 : i32
      %get3A_128 = arith.index_cast %get3A_127 : i32 to index
      %get3A_129 = arith.constant 32 : index
      %get3A_130 = tpu.vector_load %arg8[%get3A_128, %get3A_129] {strides = array<i32>} : memref<2x128xi32, #tpu.memory_space<vmem>>, vector<1x16xi32>,
      %get3A_131 = vector.shape_cast %get3A_130 : vector<1x16xi32> to vector<16xi32>
      %sub3A_132 = vector.broadcast %mul3A_2 : i32 to vector<16xi32>
      %sub3A_133 = arith.subi %get3A_131, %sub3A_132 : vector<16xi32>
      %ge3A_134 = arith.constant 0 : i32
      %ge3A_135 = vector.broadcast %ge3A_134 : i32 to vector<16xi32>
      %ge3A_136 = arith.cmpi sge, %sub3A_133, %ge3A_135 : vector<16xi32>
      %lt3A_137 = arith.constant 5000 : i32
      %lt3A_138 = vector.broadcast %lt3A_137 : i32 to vector<16xi32>
      %lt3A_139 = arith.cmpi slt, %sub3A_133, %lt3A_138 : vector<16xi32>
      %and3A_140 = arith.andi %ge3A_136, %lt3A_139 : vector<16xi1>
      %mul3A_141 = arith.constant 8192 : i32
      %mul3A_142 = vector.broadcast %mul3A_141 : i32 to vector<16xi32>
      %mul3A_143 = arith.muli %get3A_126, %mul3A_142 : vector<16xi32>
      %add3A_144 = arith.addi %mul3A_143, %sub3A_133 : vector<16xi32>
      %min3A_145 = arith.constant 895 : i32
      %min3A_146 = vector.broadcast %min3A_145 : i32 to vector<16xi32>
      %min3A_147 = arith.minsi %add3A_121, %min3A_146 : vector<16xi32>
      %mul3A_148 = arith.constant 16 : i32
      %mul3A_149 = vector.broadcast %mul3A_148 : i32 to vector<16xi32>
      %mul3A_150 = arith.muli %min3A_147, %mul3A_149 : vector<16xi32>
      %add3A_151 = arith.addi %mul3A_150, %add3A_5 : vector<16xi32>
      %select_n3A_152 = arith.select %and3A_140, %add3A_151, %add3A_8 : vector<16xi1>, vector<16xi32>
      %swap3A_153 = arith.constant 0 : i32
      %swap3A_154 = arith.index_cast %swap3A_153 : i32 to index
      %swap3A_155 = arith.constant 32 : index
      %swap3A_156 = tpu.vector_load %arg9[%swap3A_154, %swap3A_155] {strides = array<i32>} : memref<2x128xi32, #tpu.memory_space<vmem>>, vector<1x16xi32>,
      %swap3A_157 = vector.shape_cast %swap3A_156 : vector<1x16xi32> to vector<16xi32>
      %swap3A_158 = vector.shape_cast %add3A_144 : vector<16xi32> to vector<1x16xi32>
      tpu.vector_store %arg9[%swap3A_154, %swap3A_155], %swap3A_158 {strides = array<i32>} : memref<2x128xi32, #tpu.memory_space<vmem>>, vector<1x16xi32>,
      %swap3A_159 = arith.constant 0 : i32
      %swap3A_160 = arith.index_cast %swap3A_159 : i32 to index
      %swap3A_161 = arith.constant 32 : index
      %swap3A_162 = tpu.vector_load %arg10[%swap3A_160, %swap3A_161] {strides = array<i32>} : memref<2x128xi32, #tpu.memory_space<vmem>>, vector<1x16xi32>,
      %swap3A_163 = vector.shape_cast %swap3A_162 : vector<1x16xi32> to vector<16xi32>
      %swap3A_164 = vector.shape_cast %select_n3A_152 : vector<16xi32> to vector<1x16xi32>
      tpu.vector_store %arg10[%swap3A_160, %swap3A_161], %swap3A_164 {strides = array<i32>} : memref<2x128xi32, #tpu.memory_space<vmem>>, vector<1x16xi32>,
      %select_n3A_165 = arith.select %and3A_140, %broadcast_in_dim3A_10, %broadcast_in_dim3A_12 : vector<16xi1>, vector<16xi32>
      %add3A_166 = arith.addi %add3A_121, %select_n3A_165 : vector<16xi32>
      %get3A_167 = arith.constant 0 : i32
      %get3A_168 = arith.index_cast %get3A_167 : i32 to index
      %get3A_169 = arith.constant 48 : index
      %get3A_170 = tpu.vector_load %arg7[%get3A_168, %get3A_169] {strides = array<i32>} : memref<2x128xi32, #tpu.memory_space<vmem>>, vector<1x16xi32>,
      %get3A_171 = vector.shape_cast %get3A_170 : vector<1x16xi32> to vector<16xi32>
      %get3A_172 = arith.constant 0 : i32
      %get3A_173 = arith.index_cast %get3A_172 : i32 to index
      %get3A_174 = arith.constant 48 : index
      %get3A_175 = tpu.vector_load %arg8[%get3A_173, %get3A_174] {strides = array<i32>} : memref<2x128xi32, #tpu.memory_space<vmem>>, vector<1x16xi32>,
      %get3A_176 = vector.shape_cast %get3A_175 : vector<1x16xi32> to vector<16xi32>
      %sub3A_177 = vector.broadcast %mul3A_2 : i32 to vector<16xi32>
      %sub3A_178 = arith.subi %get3A_176, %sub3A_177 : vector<16xi32>
      %ge3A_179 = arith.constant 0 : i32
      %ge3A_180 = vector.broadcast %ge3A_179 : i32 to vector<16xi32>
      %ge3A_181 = arith.cmpi sge, %sub3A_178, %ge3A_180 : vector<16xi32>
      %lt3A_182 = arith.constant 5000 : i32
      %lt3A_183 = vector.broadcast %lt3A_182 : i32 to vector<16xi32>
      %lt3A_184 = arith.cmpi slt, %sub3A_178, %lt3A_183 : vector<16xi32>
      %and3A_185 = arith.andi %ge3A_181, %lt3A_184 : vector<16xi1>
      %mul3A_186 = arith.constant 8192 : i32
      %mul3A_187 = vector.broadcast %mul3A_186 : i32 to vector<16xi32>
      %mul3A_188 = arith.muli %get3A_171, %mul3A_187 : vector<16xi32>
      %add3A_189 = arith.addi %mul3A_188, %sub3A_178 : vector<16xi32>
      %min3A_190 = arith.constant 895 : i32
      %min3A_191 = vector.broadcast %min3A_190 : i32 to vector<16xi32>
      %min3A_192 = arith.minsi %add3A_166, %min3A_191 : vector<16xi32>
      %mul3A_193 = arith.constant 16 : i32
      %mul3A_194 = vector.broadcast %mul3A_193 : i32 to vector<16xi32>
      %mul3A_195 = arith.muli %min3A_192, %mul3A_194 : vector<16xi32>
      %add3A_196 = arith.addi %mul3A_195, %add3A_5 : vector<16xi32>
      %select_n3A_197 = arith.select %and3A_185, %add3A_196, %add3A_8 : vector<16xi1>, vector<16xi32>
      %swap3A_198 = arith.constant 0 : i32
      %swap3A_199 = arith.index_cast %swap3A_198 : i32 to index
      %swap3A_200 = arith.constant 48 : index
      %swap3A_201 = tpu.vector_load %arg9[%swap3A_199, %swap3A_200] {strides = array<i32>} : memref<2x128xi32, #tpu.memory_space<vmem>>, vector<1x16xi32>,
      %swap3A_202 = vector.shape_cast %swap3A_201 : vector<1x16xi32> to vector<16xi32>
      %swap3A_203 = vector.shape_cast %add3A_189 : vector<16xi32> to vector<1x16xi32>
      tpu.vector_store %arg9[%swap3A_199, %swap3A_200], %swap3A_203 {strides = array<i32>} : memref<2x128xi32, #tpu.memory_space<vmem>>, vector<1x16xi32>,
      %swap3A_204 = arith.constant 0 : i32
      %swap3A_205 = arith.index_cast %swap3A_204 : i32 to index
      %swap3A_206 = arith.constant 48 : index
      %swap3A_207 = tpu.vector_load %arg10[%swap3A_205, %swap3A_206] {strides = array<i32>} : memref<2x128xi32, #tpu.memory_space<vmem>>, vector<1x16xi32>,
      %swap3A_208 = vector.shape_cast %swap3A_207 : vector<1x16xi32> to vector<16xi32>
      %swap3A_209 = vector.shape_cast %select_n3A_197 : vector<16xi32> to vector<1x16xi32>
      tpu.vector_store %arg10[%swap3A_205, %swap3A_206], %swap3A_209 {strides = array<i32>} : memref<2x128xi32, #tpu.memory_space<vmem>>, vector<1x16xi32>,
      %select_n3A_210 = arith.select %and3A_185, %broadcast_in_dim3A_10, %broadcast_in_dim3A_12 : vector<16xi1>, vector<16xi32>
      %add3A_211 = arith.addi %add3A_166, %select_n3A_210 : vector<16xi32>
      %get3A_212 = arith.constant 0 : i32
      %get3A_213 = arith.index_cast %get3A_212 : i32 to index
      %get3A_214 = arith.constant 64 : index
      %get3A_215 = tpu.vector_load %arg7[%get3A_213, %get3A_214] {strides = array<i32>} : memref<2x128xi32, #tpu.memory_space<vmem>>, vector<1x16xi32>,
      %get3A_216 = vector.shape_cast %get3A_215 : vector<1x16xi32> to vector<16xi32>
      %get3A_217 = arith.constant 0 : i32
      %get3A_218 = arith.index_cast %get3A_217 : i32 to index
      %get3A_219 = arith.constant 64 : index
      %get3A_220 = tpu.vector_load %arg8[%get3A_218, %get3A_219] {strides = array<i32>} : memref<2x128xi32, #tpu.memory_space<vmem>>, vector<1x16xi32>,
      %get3A_221 = vector.shape_cast %get3A_220 : vector<1x16xi32> to vector<16xi32>
      %sub3A_222 = vector.broadcast %mul3A_2 : i32 to vector<16xi32>
      %sub3A_223 = arith.subi %get3A_221, %sub3A_222 : vector<16xi32>
      %ge3A_224 = arith.constant 0 : i32
      %ge3A_225 = vector.broadcast %ge3A_224 : i32 to vector<16xi32>
      %ge3A_226 = arith.cmpi sge, %sub3A_223, %ge3A_225 : vector<16xi32>
      %lt3A_227 = arith.constant 5000 : i32
      %lt3A_228 = vector.broadcast %lt3A_227 : i32 to vector<16xi32>
      %lt3A_229 = arith.cmpi slt, %sub3A_223, %lt3A_228 : vector<16xi32>
      %and3A_230 = arith.andi %ge3A_226, %lt3A_229 : vector<16xi1>
      %mul3A_231 = arith.constant 8192 : i32
      %mul3A_232 = vector.broadcast %mul3A_231 : i32 to vector<16xi32>
      %mul3A_233 = arith.muli %get3A_216, %mul3A_232 : vector<16xi32>
      %add3A_234 = arith.addi %mul3A_233, %sub3A_223 : vector<16xi32>
      %min3A_235 = arith.constant 895 : i32
      %min3A_236 = vector.broadcast %min3A_235 : i32 to vector<16xi32>
      %min3A_237 = arith.minsi %add3A_211, %min3A_236 : vector<16xi32>
      %mul3A_238 = arith.constant 16 : i32
      %mul3A_239 = vector.broadcast %mul3A_238 : i32 to vector<16xi32>
      %mul3A_240 = arith.muli %min3A_237, %mul3A_239 : vector<16xi32>
      %add3A_241 = arith.addi %mul3A_240, %add3A_5 : vector<16xi32>
      %select_n3A_242 = arith.select %and3A_230, %add3A_241, %add3A_8 : vector<16xi1>, vector<16xi32>
      %swap3A_243 = arith.constant 0 : i32
      %swap3A_244 = arith.index_cast %swap3A_243 : i32 to index
      %swap3A_245 = arith.constant 64 : index
      %swap3A_246 = tpu.vector_load %arg9[%swap3A_244, %swap3A_245] {strides = array<i32>} : memref<2x128xi32, #tpu.memory_space<vmem>>, vector<1x16xi32>,
      %swap3A_247 = vector.shape_cast %swap3A_246 : vector<1x16xi32> to vector<16xi32>
      %swap3A_248 = vector.shape_cast %add3A_234 : vector<16xi32> to vector<1x16xi32>
      tpu.vector_store %arg9[%swap3A_244, %swap3A_245], %swap3A_248 {strides = array<i32>} : memref<2x128xi32, #tpu.memory_space<vmem>>, vector<1x16xi32>,
      %swap3A_249 = arith.constant 0 : i32
      %swap3A_250 = arith.index_cast %swap3A_249 : i32 to index
      %swap3A_251 = arith.constant 64 : index
      %swap3A_252 = tpu.vector_load %arg10[%swap3A_250, %swap3A_251] {strides = array<i32>} : memref<2x128xi32, #tpu.memory_space<vmem>>, vector<1x16xi32>,
      %swap3A_253 = vector.shape_cast %swap3A_252 : vector<1x16xi32> to vector<16xi32>
      %swap3A_254 = vector.shape_cast %select_n3A_242 : vector<16xi32> to vector<1x16xi32>
      tpu.vector_store %arg10[%swap3A_250, %swap3A_251], %swap3A_254 {strides = array<i32>} : memref<2x128xi32, #tpu.memory_space<vmem>>, vector<1x16xi32>,
      %select_n3A_255 = arith.select %and3A_230, %broadcast_in_dim3A_10, %broadcast_in_dim3A_12 : vector<16xi1>, vector<16xi32>
      %add3A_256 = arith.addi %add3A_211, %select_n3A_255 : vector<16xi32>
      %get3A_257 = arith.constant 0 : i32
      %get3A_258 = arith.index_cast %get3A_257 : i32 to index
      %get3A_259 = arith.constant 80 : index
      %get3A_260 = tpu.vector_load %arg7[%get3A_258, %get3A_259] {strides = array<i32>} : memref<2x128xi32, #tpu.memory_space<vmem>>, vector<1x16xi32>,
      %get3A_261 = vector.shape_cast %get3A_260 : vector<1x16xi32> to vector<16xi32>
      %get3A_262 = arith.constant 0 : i32
      %get3A_263 = arith.index_cast %get3A_262 : i32 to index
      %get3A_264 = arith.constant 80 : index
      %get3A_265 = tpu.vector_load %arg8[%get3A_263, %get3A_264] {strides = array<i32>} : memref<2x128xi32, #tpu.memory_space<vmem>>, vector<1x16xi32>,
      %get3A_266 = vector.shape_cast %get3A_265 : vector<1x16xi32> to vector<16xi32>
      %sub3A_267 = vector.broadcast %mul3A_2 : i32 to vector<16xi32>
      %sub3A_268 = arith.subi %get3A_266, %sub3A_267 : vector<16xi32>
      %ge3A_269 = arith.constant 0 : i32
      %ge3A_270 = vector.broadcast %ge3A_269 : i32 to vector<16xi32>
      %ge3A_271 = arith.cmpi sge, %sub3A_268, %ge3A_270 : vector<16xi32>
      %lt3A_272 = arith.constant 5000 : i32
      %lt3A_273 = vector.broadcast %lt3A_272 : i32 to vector<16xi32>
      %lt3A_274 = arith.cmpi slt, %sub3A_268, %lt3A_273 : vector<16xi32>
      %and3A_275 = arith.andi %ge3A_271, %lt3A_274 : vector<16xi1>
      %mul3A_276 = arith.constant 8192 : i32
      %mul3A_277 = vector.broadcast %mul3A_276 : i32 to vector<16xi32>
      %mul3A_278 = arith.muli %get3A_261, %mul3A_277 : vector<16xi32>
      %add3A_279 = arith.addi %mul3A_278, %sub3A_268 : vector<16xi32>
      %min3A_280 = arith.constant 895 : i32
      %min3A_281 = vector.broadcast %min3A_280 : i32 to vector<16xi32>
      %min3A_282 = arith.minsi %add3A_256, %min3A_281 : vector<16xi32>
      %mul3A_283 = arith.constant 16 : i32
      %mul3A_284 = vector.broadcast %mul3A_283 : i32 to vector<16xi32>
      %mul3A_285 = arith.muli %min3A_282, %mul3A_284 : vector<16xi32>
      %add3A_286 = arith.addi %mul3A_285, %add3A_5 : vector<16xi32>
      %select_n3A_287 = arith.select %and3A_275, %add3A_286, %add3A_8 : vector<16xi1>, vector<16xi32>
      %swap3A_288 = arith.constant 0 : i32
      %swap3A_289 = arith.index_cast %swap3A_288 : i32 to index
      %swap3A_290 = arith.constant 80 : index
      %swap3A_291 = tpu.vector_load %arg9[%swap3A_289, %swap3A_290] {strides = array<i32>} : memref<2x128xi32, #tpu.memory_space<vmem>>, vector<1x16xi32>,
      %swap3A_292 = vector.shape_cast %swap3A_291 : vector<1x16xi32> to vector<16xi32>
      %swap3A_293 = vector.shape_cast %add3A_279 : vector<16xi32> to vector<1x16xi32>
      tpu.vector_store %arg9[%swap3A_289, %swap3A_290], %swap3A_293 {strides = array<i32>} : memref<2x128xi32, #tpu.memory_space<vmem>>, vector<1x16xi32>,
      %swap3A_294 = arith.constant 0 : i32
      %swap3A_295 = arith.index_cast %swap3A_294 : i32 to index
      %swap3A_296 = arith.constant 80 : index
      %swap3A_297 = tpu.vector_load %arg10[%swap3A_295, %swap3A_296] {strides = array<i32>} : memref<2x128xi32, #tpu.memory_space<vmem>>, vector<1x16xi32>,
      %swap3A_298 = vector.shape_cast %swap3A_297 : vector<1x16xi32> to vector<16xi32>
      %swap3A_299 = vector.shape_cast %select_n3A_287 : vector<16xi32> to vector<1x16xi32>
      tpu.vector_store %arg10[%swap3A_295, %swap3A_296], %swap3A_299 {strides = array<i32>} : memref<2x128xi32, #tpu.memory_space<vmem>>, vector<1x16xi32>,
      %select_n3A_300 = arith.select %and3A_275, %broadcast_in_dim3A_10, %broadcast_in_dim3A_12 : vector<16xi1>, vector<16xi32>
      %add3A_301 = arith.addi %add3A_256, %select_n3A_300 : vector<16xi32>
      %get3A_302 = arith.constant 0 : i32
      %get3A_303 = arith.index_cast %get3A_302 : i32 to index
      %get3A_304 = arith.constant 96 : index
      %get3A_305 = tpu.vector_load %arg7[%get3A_303, %get3A_304] {strides = array<i32>} : memref<2x128xi32, #tpu.memory_space<vmem>>, vector<1x16xi32>,
      %get3A_306 = vector.shape_cast %get3A_305 : vector<1x16xi32> to vector<16xi32>
      %get3A_307 = arith.constant 0 : i32
      %get3A_308 = arith.index_cast %get3A_307 : i32 to index
      %get3A_309 = arith.constant 96 : index
      %get3A_310 = tpu.vector_load %arg8[%get3A_308, %get3A_309] {strides = array<i32>} : memref<2x128xi32, #tpu.memory_space<vmem>>, vector<1x16xi32>,
      %get3A_311 = vector.shape_cast %get3A_310 : vector<1x16xi32> to vector<16xi32>
      %sub3A_312 = vector.broadcast %mul3A_2 : i32 to vector<16xi32>
      %sub3A_313 = arith.subi %get3A_311, %sub3A_312 : vector<16xi32>
      %ge3A_314 = arith.constant 0 : i32
      %ge3A_315 = vector.broadcast %ge3A_314 : i32 to vector<16xi32>
      %ge3A_316 = arith.cmpi sge, %sub3A_313, %ge3A_315 : vector<16xi32>
      %lt3A_317 = arith.constant 5000 : i32
      %lt3A_318 = vector.broadcast %lt3A_317 : i32 to vector<16xi32>
      %lt3A_319 = arith.cmpi slt, %sub3A_313, %lt3A_318 : vector<16xi32>
      %and3A_320 = arith.andi %ge3A_316, %lt3A_319 : vector<16xi1>
      %mul3A_321 = arith.constant 8192 : i32
      %mul3A_322 = vector.broadcast %mul3A_321 : i32 to vector<16xi32>
      %mul3A_323 = arith.muli %get3A_306, %mul3A_322 : vector<16xi32>
      %add3A_324 = arith.addi %mul3A_323, %sub3A_313 : vector<16xi32>
      %min3A_325 = arith.constant 895 : i32
      %min3A_326 = vector.broadcast %min3A_325 : i32 to vector<16xi32>
      %min3A_327 = arith.minsi %add3A_301, %min3A_326 : vector<16xi32>
      %mul3A_328 = arith.constant 16 : i32
      %mul3A_329 = vector.broadcast %mul3A_328 : i32 to vector<16xi32>
      %mul3A_330 = arith.muli %min3A_327, %mul3A_329 : vector<16xi32>
      %add3A_331 = arith.addi %mul3A_330, %add3A_5 : vector<16xi32>
      %select_n3A_332 = arith.select %and3A_320, %add3A_331, %add3A_8 : vector<16xi1>, vector<16xi32>
      %swap3A_333 = arith.constant 0 : i32
      %swap3A_334 = arith.index_cast %swap3A_333 : i32 to index
      %swap3A_335 = arith.constant 96 : index
      %swap3A_336 = tpu.vector_load %arg9[%swap3A_334, %swap3A_335] {strides = array<i32>} : memref<2x128xi32, #tpu.memory_space<vmem>>, vector<1x16xi32>,
      %swap3A_337 = vector.shape_cast %swap3A_336 : vector<1x16xi32> to vector<16xi32>
      %swap3A_338 = vector.shape_cast %add3A_324 : vector<16xi32> to vector<1x16xi32>
      tpu.vector_store %arg9[%swap3A_334, %swap3A_335], %swap3A_338 {strides = array<i32>} : memref<2x128xi32, #tpu.memory_space<vmem>>, vector<1x16xi32>,
      %swap3A_339 = arith.constant 0 : i32
      %swap3A_340 = arith.index_cast %swap3A_339 : i32 to index
      %swap3A_341 = arith.constant 96 : index
      %swap3A_342 = tpu.vector_load %arg10[%swap3A_340, %swap3A_341] {strides = array<i32>} : memref<2x128xi32, #tpu.memory_space<vmem>>, vector<1x16xi32>,
      %swap3A_343 = vector.shape_cast %swap3A_342 : vector<1x16xi32> to vector<16xi32>
      %swap3A_344 = vector.shape_cast %select_n3A_332 : vector<16xi32> to vector<1x16xi32>
      tpu.vector_store %arg10[%swap3A_340, %swap3A_341], %swap3A_344 {strides = array<i32>} : memref<2x128xi32, #tpu.memory_space<vmem>>, vector<1x16xi32>,
      %select_n3A_345 = arith.select %and3A_320, %broadcast_in_dim3A_10, %broadcast_in_dim3A_12 : vector<16xi1>, vector<16xi32>
      %add3A_346 = arith.addi %add3A_301, %select_n3A_345 : vector<16xi32>
      %get3A_347 = arith.constant 0 : i32
      %get3A_348 = arith.index_cast %get3A_347 : i32 to index
      %get3A_349 = arith.constant 112 : index
      %get3A_350 = tpu.vector_load %arg7[%get3A_348, %get3A_349] {strides = array<i32>} : memref<2x128xi32, #tpu.memory_space<vmem>>, vector<1x16xi32>,
      %get3A_351 = vector.shape_cast %get3A_350 : vector<1x16xi32> to vector<16xi32>
      %get3A_352 = arith.constant 0 : i32
      %get3A_353 = arith.index_cast %get3A_352 : i32 to index
      %get3A_354 = arith.constant 112 : index
      %get3A_355 = tpu.vector_load %arg8[%get3A_353, %get3A_354] {strides = array<i32>} : memref<2x128xi32, #tpu.memory_space<vmem>>, vector<1x16xi32>,
      %get3A_356 = vector.shape_cast %get3A_355 : vector<1x16xi32> to vector<16xi32>
      %sub3A_357 = vector.broadcast %mul3A_2 : i32 to vector<16xi32>
      %sub3A_358 = arith.subi %get3A_356, %sub3A_357 : vector<16xi32>
      %ge3A_359 = arith.constant 0 : i32
      %ge3A_360 = vector.broadcast %ge3A_359 : i32 to vector<16xi32>
      %ge3A_361 = arith.cmpi sge, %sub3A_358, %ge3A_360 : vector<16xi32>
      %lt3A_362 = arith.constant 5000 : i32
      %lt3A_363 = vector.broadcast %lt3A_362 : i32 to vector<16xi32>
      %lt3A_364 = arith.cmpi slt, %sub3A_358, %lt3A_363 : vector<16xi32>
      %and3A_365 = arith.andi %ge3A_361, %lt3A_364 : vector<16xi1>
      %mul3A_366 = arith.constant 8192 : i32
      %mul3A_367 = vector.broadcast %mul3A_366 : i32 to vector<16xi32>
      %mul3A_368 = arith.muli %get3A_351, %mul3A_367 : vector<16xi32>
      %add3A_369 = arith.addi %mul3A_368, %sub3A_358 : vector<16xi32>
      %min3A_370 = arith.constant 895 : i32
      %min3A_371 = vector.broadcast %min3A_370 : i32 to vector<16xi32>
      %min3A_372 = arith.minsi %add3A_346, %min3A_371 : vector<16xi32>
      %mul3A_373 = arith.constant 16 : i32
      %mul3A_374 = vector.broadcast %mul3A_373 : i32 to vector<16xi32>
      %mul3A_375 = arith.muli %min3A_372, %mul3A_374 : vector<16xi32>
      %add3A_376 = arith.addi %mul3A_375, %add3A_5 : vector<16xi32>
      %select_n3A_377 = arith.select %and3A_365, %add3A_376, %add3A_8 : vector<16xi1>, vector<16xi32>
      %swap3A_378 = arith.constant 0 : i32
      %swap3A_379 = arith.index_cast %swap3A_378 : i32 to index
      %swap3A_380 = arith.constant 112 : index
      %swap3A_381 = tpu.vector_load %arg9[%swap3A_379, %swap3A_380] {strides = array<i32>} : memref<2x128xi32, #tpu.memory_space<vmem>>, vector<1x16xi32>,
      %swap3A_382 = vector.shape_cast %swap3A_381 : vector<1x16xi32> to vector<16xi32>
      %swap3A_383 = vector.shape_cast %add3A_369 : vector<16xi32> to vector<1x16xi32>
      tpu.vector_store %arg9[%swap3A_379, %swap3A_380], %swap3A_383 {strides = array<i32>} : memref<2x128xi32, #tpu.memory_space<vmem>>, vector<1x16xi32>,
      %swap3A_384 = arith.constant 0 : i32
      %swap3A_385 = arith.index_cast %swap3A_384 : i32 to index
      %swap3A_386 = arith.constant 112 : index
      %swap3A_387 = tpu.vector_load %arg10[%swap3A_385, %swap3A_386] {strides = array<i32>} : memref<2x128xi32, #tpu.memory_space<vmem>>, vector<1x16xi32>,
      %swap3A_388 = vector.shape_cast %swap3A_387 : vector<1x16xi32> to vector<16xi32>
      %swap3A_389 = vector.shape_cast %select_n3A_377 : vector<16xi32> to vector<1x16xi32>
      tpu.vector_store %arg10[%swap3A_385, %swap3A_386], %swap3A_389 {strides = array<i32>} : memref<2x128xi32, #tpu.memory_space<vmem>>, vector<1x16xi32>,
      %select_n3A_390 = arith.select %and3A_365, %broadcast_in_dim3A_10, %broadcast_in_dim3A_12 : vector<16xi1>, vector<16xi32>
      %add3A_391 = arith.addi %add3A_346, %select_n3A_390 : vector<16xi32>
      %run_scoped3A = arith.constant 0 : i32
      %run_scoped3A_392 = arith.constant 0 : i32
      "tpu.region"() ({
        %run_scoped3A_755 = tpu.sem_alloc : memref<!tpu.dma_semaphore, #tpu.memory_space<semaphore_mem>>
        %dma_start3A = arith.constant 0 : i32
        %dma_start3A_756 = tpu.memref_slice %arg9[%run_scoped3A, %dma_start3A] : memref<2x128xi32, #tpu.memory_space<vmem>> -> memref<1x128xi32, #tpu.memory_space<vmem>>
        %dma_start3A_757 = tpu.memref_squeeze %dma_start3A_756 : memref<1x128xi32, #tpu.memory_space<vmem>> -> memref<128xi32, #tpu.memory_space<vmem>>
        %dma_start3A_758 = arith.constant 0 : i32
        %dma_start3A_759 = tpu.memref_slice %arg10[%run_scoped3A_392, %dma_start3A_758] : memref<2x128xi32, #tpu.memory_space<vmem>> -> memref<1x128xi32, #tpu.memory_space<vmem>>
        %dma_start3A_760 = tpu.memref_squeeze %dma_start3A_759 : memref<1x128xi32, #tpu.memory_space<vmem>> -> memref<128xi32, #tpu.memory_space<vmem>>
        %dma_start3A_761 = arith.constant 0 : i32
        %dma_start3A_762 = tpu.memref_slice %arg6[%dma_start3A_761] : memref<229392xi32, #tpu.memory_space<vmem_shared>> -> memref<229392xi32, #tpu.memory_space<vmem_shared>>
        tpu.enqueue_indirect_dma source(%dma_start3A_757 : memref<128xi32, #tpu.memory_space<vmem>>) target(%dma_start3A_762 : memref<229392xi32, #tpu.memory_space<vmem_shared>>) offsets(%dma_start3A_760 : memref<128xi32, #tpu.memory_space<vmem>>) semaphore(%run_scoped3A_755 : memref<!tpu.dma_semaphore, #tpu.memory_space<semaphore_mem>>)
        %dma_wait3A = arith.constant 0 : i32
        %dma_wait3A_763 = tpu.memref_slice %arg9[%run_scoped3A, %dma_wait3A] : memref<2x128xi32, #tpu.memory_space<vmem>> -> memref<1x128xi32, #tpu.memory_space<vmem>>
        %dma_wait3A_764 = tpu.memref_squeeze %dma_wait3A_763 : memref<1x128xi32, #tpu.memory_space<vmem>> -> memref<128xi32, #tpu.memory_space<vmem>>
        %dma_wait3A_765 = arith.constant 0 : i32
        %dma_wait3A_766 = tpu.memref_slice %arg10[%run_scoped3A_392, %dma_wait3A_765] : memref<2x128xi32, #tpu.memory_space<vmem>> -> memref<1x128xi32, #tpu.memory_space<vmem>>
        %dma_wait3A_767 = tpu.memref_squeeze %dma_wait3A_766 : memref<1x128xi32, #tpu.memory_space<vmem>> -> memref<128xi32, #tpu.memory_space<vmem>>
        %dma_wait3A_768 = arith.constant 0 : i32
        %dma_wait3A_769 = tpu.memref_slice %arg6[%dma_wait3A_768] : memref<229392xi32, #tpu.memory_space<vmem_shared>> -> memref<229392xi32, #tpu.memory_space<vmem_shared>>
        tpu.wait_indirect_dma semaphore(%run_scoped3A_755 : memref<!tpu.dma_semaphore, #tpu.memory_space<semaphore_mem>>) src(%dma_wait3A_764 : memref<128xi32, #tpu.memory_space<vmem>>) dst(%dma_wait3A_769 : memref<229392xi32, #tpu.memory_space<vmem_shared>>)
        tpu.yield
      }) : () -> ()
      %get3A_393 = arith.constant 1 : i32
      %get3A_394 = arith.index_cast %get3A_393 : i32 to index
      %get3A_395 = arith.constant 0 : index
      %get3A_396 = tpu.vector_load %arg7[%get3A_394, %get3A_395] {strides = array<i32>} : memref<2x128xi32, #tpu.memory_space<vmem>>, vector<1x16xi32>,
      %get3A_397 = vector.shape_cast %get3A_396 : vector<1x16xi32> to vector<16xi32>
      %get3A_398 = arith.constant 1 : i32
      %get3A_399 = arith.index_cast %get3A_398 : i32 to index
      %get3A_400 = arith.constant 0 : index
      %get3A_401 = tpu.vector_load %arg8[%get3A_399, %get3A_400] {strides = array<i32>} : memref<2x128xi32, #tpu.memory_space<vmem>>, vector<1x16xi32>,
      %get3A_402 = vector.shape_cast %get3A_401 : vector<1x16xi32> to vector<16xi32>
      %sub3A_403 = vector.broadcast %mul3A_2 : i32 to vector<16xi32>
      %sub3A_404 = arith.subi %get3A_402, %sub3A_403 : vector<16xi32>
      %ge3A_405 = arith.constant 0 : i32
      %ge3A_406 = vector.broadcast %ge3A_405 : i32 to vector<16xi32>
      %ge3A_407 = arith.cmpi sge, %sub3A_404, %ge3A_406 : vector<16xi32>
      %lt3A_408 = arith.constant 5000 : i32
      %lt3A_409 = vector.broadcast %lt3A_408 : i32 to vector<16xi32>
      %lt3A_410 = arith.cmpi slt, %sub3A_404, %lt3A_409 : vector<16xi32>
      %and3A_411 = arith.andi %ge3A_407, %lt3A_410 : vector<16xi1>
      %mul3A_412 = arith.constant 8192 : i32
      %mul3A_413 = vector.broadcast %mul3A_412 : i32 to vector<16xi32>
      %mul3A_414 = arith.muli %get3A_397, %mul3A_413 : vector<16xi32>
      %add3A_415 = arith.addi %mul3A_414, %sub3A_404 : vector<16xi32>
      %min3A_416 = arith.constant 895 : i32
      %min3A_417 = vector.broadcast %min3A_416 : i32 to vector<16xi32>
      %min3A_418 = arith.minsi %add3A_391, %min3A_417 : vector<16xi32>
      %mul3A_419 = arith.constant 16 : i32
      %mul3A_420 = vector.broadcast %mul3A_419 : i32 to vector<16xi32>
      %mul3A_421 = arith.muli %min3A_418, %mul3A_420 : vector<16xi32>
      %add3A_422 = arith.addi %mul3A_421, %add3A_5 : vector<16xi32>
      %select_n3A_423 = arith.select %and3A_411, %add3A_422, %add3A_8 : vector<16xi1>, vector<16xi32>
      %swap3A_424 = arith.constant 1 : i32
      %swap3A_425 = arith.index_cast %swap3A_424 : i32 to index
      %swap3A_426 = arith.constant 0 : index
      %swap3A_427 = tpu.vector_load %arg9[%swap3A_425, %swap3A_426] {strides = array<i32>} : memref<2x128xi32, #tpu.memory_space<vmem>>, vector<1x16xi32>,
      %swap3A_428 = vector.shape_cast %swap3A_427 : vector<1x16xi32> to vector<16xi32>
      %swap3A_429 = vector.shape_cast %add3A_415 : vector<16xi32> to vector<1x16xi32>
      tpu.vector_store %arg9[%swap3A_425, %swap3A_426], %swap3A_429 {strides = array<i32>} : memref<2x128xi32, #tpu.memory_space<vmem>>, vector<1x16xi32>,
      %swap3A_430 = arith.constant 1 : i32
      %swap3A_431 = arith.index_cast %swap3A_430 : i32 to index
      %swap3A_432 = arith.constant 0 : index
      %swap3A_433 = tpu.vector_load %arg10[%swap3A_431, %swap3A_432] {strides = array<i32>} : memref<2x128xi32, #tpu.memory_space<vmem>>, vector<1x16xi32>,
      %swap3A_434 = vector.shape_cast %swap3A_433 : vector<1x16xi32> to vector<16xi32>
      %swap3A_435 = vector.shape_cast %select_n3A_423 : vector<16xi32> to vector<1x16xi32>
      tpu.vector_store %arg10[%swap3A_431, %swap3A_432], %swap3A_435 {strides = array<i32>} : memref<2x128xi32, #tpu.memory_space<vmem>>, vector<1x16xi32>,
      %select_n3A_436 = arith.select %and3A_411, %broadcast_in_dim3A_10, %broadcast_in_dim3A_12 : vector<16xi1>, vector<16xi32>
      %add3A_437 = arith.addi %add3A_391, %select_n3A_436 : vector<16xi32>
      %get3A_438 = arith.constant 1 : i32
      %get3A_439 = arith.index_cast %get3A_438 : i32 to index
      %get3A_440 = arith.constant 16 : index
      %get3A_441 = tpu.vector_load %arg7[%get3A_439, %get3A_440] {strides = array<i32>} : memref<2x128xi32, #tpu.memory_space<vmem>>, vector<1x16xi32>,
      %get3A_442 = vector.shape_cast %get3A_441 : vector<1x16xi32> to vector<16xi32>
      %get3A_443 = arith.constant 1 : i32
      %get3A_444 = arith.index_cast %get3A_443 : i32 to index
      %get3A_445 = arith.constant 16 : index
      %get3A_446 = tpu.vector_load %arg8[%get3A_444, %get3A_445] {strides = array<i32>} : memref<2x128xi32, #tpu.memory_space<vmem>>, vector<1x16xi32>,
      %get3A_447 = vector.shape_cast %get3A_446 : vector<1x16xi32> to vector<16xi32>
      %sub3A_448 = vector.broadcast %mul3A_2 : i32 to vector<16xi32>
      %sub3A_449 = arith.subi %get3A_447, %sub3A_448 : vector<16xi32>
      %ge3A_450 = arith.constant 0 : i32
      %ge3A_451 = vector.broadcast %ge3A_450 : i32 to vector<16xi32>
      %ge3A_452 = arith.cmpi sge, %sub3A_449, %ge3A_451 : vector<16xi32>
      %lt3A_453 = arith.constant 5000 : i32
      %lt3A_454 = vector.broadcast %lt3A_453 : i32 to vector<16xi32>
      %lt3A_455 = arith.cmpi slt, %sub3A_449, %lt3A_454 : vector<16xi32>
      %and3A_456 = arith.andi %ge3A_452, %lt3A_455 : vector<16xi1>
      %mul3A_457 = arith.constant 8192 : i32
      %mul3A_458 = vector.broadcast %mul3A_457 : i32 to vector<16xi32>
      %mul3A_459 = arith.muli %get3A_442, %mul3A_458 : vector<16xi32>
      %add3A_460 = arith.addi %mul3A_459, %sub3A_449 : vector<16xi32>
      %min3A_461 = arith.constant 895 : i32
      %min3A_462 = vector.broadcast %min3A_461 : i32 to vector<16xi32>
      %min3A_463 = arith.minsi %add3A_437, %min3A_462 : vector<16xi32>
      %mul3A_464 = arith.constant 16 : i32
      %mul3A_465 = vector.broadcast %mul3A_464 : i32 to vector<16xi32>
      %mul3A_466 = arith.muli %min3A_463, %mul3A_465 : vector<16xi32>
      %add3A_467 = arith.addi %mul3A_466, %add3A_5 : vector<16xi32>
      %select_n3A_468 = arith.select %and3A_456, %add3A_467, %add3A_8 : vector<16xi1>, vector<16xi32>
      %swap3A_469 = arith.constant 1 : i32
      %swap3A_470 = arith.index_cast %swap3A_469 : i32 to index
      %swap3A_471 = arith.constant 16 : index
      %swap3A_472 = tpu.vector_load %arg9[%swap3A_470, %swap3A_471] {strides = array<i32>} : memref<2x128xi32, #tpu.memory_space<vmem>>, vector<1x16xi32>,
      %swap3A_473 = vector.shape_cast %swap3A_472 : vector<1x16xi32> to vector<16xi32>
      %swap3A_474 = vector.shape_cast %add3A_460 : vector<16xi32> to vector<1x16xi32>
      tpu.vector_store %arg9[%swap3A_470, %swap3A_471], %swap3A_474 {strides = array<i32>} : memref<2x128xi32, #tpu.memory_space<vmem>>, vector<1x16xi32>,
      %swap3A_475 = arith.constant 1 : i32
      %swap3A_476 = arith.index_cast %swap3A_475 : i32 to index
      %swap3A_477 = arith.constant 16 : index
      %swap3A_478 = tpu.vector_load %arg10[%swap3A_476, %swap3A_477] {strides = array<i32>} : memref<2x128xi32, #tpu.memory_space<vmem>>, vector<1x16xi32>,
      %swap3A_479 = vector.shape_cast %swap3A_478 : vector<1x16xi32> to vector<16xi32>
      %swap3A_480 = vector.shape_cast %select_n3A_468 : vector<16xi32> to vector<1x16xi32>
      tpu.vector_store %arg10[%swap3A_476, %swap3A_477], %swap3A_480 {strides = array<i32>} : memref<2x128xi32, #tpu.memory_space<vmem>>, vector<1x16xi32>,
      %select_n3A_481 = arith.select %and3A_456, %broadcast_in_dim3A_10, %broadcast_in_dim3A_12 : vector<16xi1>, vector<16xi32>
      %add3A_482 = arith.addi %add3A_437, %select_n3A_481 : vector<16xi32>
      %get3A_483 = arith.constant 1 : i32
      %get3A_484 = arith.index_cast %get3A_483 : i32 to index
      %get3A_485 = arith.constant 32 : index
      %get3A_486 = tpu.vector_load %arg7[%get3A_484, %get3A_485] {strides = array<i32>} : memref<2x128xi32, #tpu.memory_space<vmem>>, vector<1x16xi32>,
      %get3A_487 = vector.shape_cast %get3A_486 : vector<1x16xi32> to vector<16xi32>
      %get3A_488 = arith.constant 1 : i32
      %get3A_489 = arith.index_cast %get3A_488 : i32 to index
      %get3A_490 = arith.constant 32 : index
      %get3A_491 = tpu.vector_load %arg8[%get3A_489, %get3A_490] {strides = array<i32>} : memref<2x128xi32, #tpu.memory_space<vmem>>, vector<1x16xi32>,
      %get3A_492 = vector.shape_cast %get3A_491 : vector<1x16xi32> to vector<16xi32>
      %sub3A_493 = vector.broadcast %mul3A_2 : i32 to vector<16xi32>
      %sub3A_494 = arith.subi %get3A_492, %sub3A_493 : vector<16xi32>
      %ge3A_495 = arith.constant 0 : i32
      %ge3A_496 = vector.broadcast %ge3A_495 : i32 to vector<16xi32>
      %ge3A_497 = arith.cmpi sge, %sub3A_494, %ge3A_496 : vector<16xi32>
      %lt3A_498 = arith.constant 5000 : i32
      %lt3A_499 = vector.broadcast %lt3A_498 : i32 to vector<16xi32>
      %lt3A_500 = arith.cmpi slt, %sub3A_494, %lt3A_499 : vector<16xi32>
      %and3A_501 = arith.andi %ge3A_497, %lt3A_500 : vector<16xi1>
      %mul3A_502 = arith.constant 8192 : i32
      %mul3A_503 = vector.broadcast %mul3A_502 : i32 to vector<16xi32>
      %mul3A_504 = arith.muli %get3A_487, %mul3A_503 : vector<16xi32>
      %add3A_505 = arith.addi %mul3A_504, %sub3A_494 : vector<16xi32>
      %min3A_506 = arith.constant 895 : i32
      %min3A_507 = vector.broadcast %min3A_506 : i32 to vector<16xi32>
      %min3A_508 = arith.minsi %add3A_482, %min3A_507 : vector<16xi32>
      %mul3A_509 = arith.constant 16 : i32
      %mul3A_510 = vector.broadcast %mul3A_509 : i32 to vector<16xi32>
      %mul3A_511 = arith.muli %min3A_508, %mul3A_510 : vector<16xi32>
      %add3A_512 = arith.addi %mul3A_511, %add3A_5 : vector<16xi32>
      %select_n3A_513 = arith.select %and3A_501, %add3A_512, %add3A_8 : vector<16xi1>, vector<16xi32>
      %swap3A_514 = arith.constant 1 : i32
      %swap3A_515 = arith.index_cast %swap3A_514 : i32 to index
      %swap3A_516 = arith.constant 32 : index
      %swap3A_517 = tpu.vector_load %arg9[%swap3A_515, %swap3A_516] {strides = array<i32>} : memref<2x128xi32, #tpu.memory_space<vmem>>, vector<1x16xi32>,
      %swap3A_518 = vector.shape_cast %swap3A_517 : vector<1x16xi32> to vector<16xi32>
      %swap3A_519 = vector.shape_cast %add3A_505 : vector<16xi32> to vector<1x16xi32>
      tpu.vector_store %arg9[%swap3A_515, %swap3A_516], %swap3A_519 {strides = array<i32>} : memref<2x128xi32, #tpu.memory_space<vmem>>, vector<1x16xi32>,
      %swap3A_520 = arith.constant 1 : i32
      %swap3A_521 = arith.index_cast %swap3A_520 : i32 to index
      %swap3A_522 = arith.constant 32 : index
      %swap3A_523 = tpu.vector_load %arg10[%swap3A_521, %swap3A_522] {strides = array<i32>} : memref<2x128xi32, #tpu.memory_space<vmem>>, vector<1x16xi32>,
      %swap3A_524 = vector.shape_cast %swap3A_523 : vector<1x16xi32> to vector<16xi32>
      %swap3A_525 = vector.shape_cast %select_n3A_513 : vector<16xi32> to vector<1x16xi32>
      tpu.vector_store %arg10[%swap3A_521, %swap3A_522], %swap3A_525 {strides = array<i32>} : memref<2x128xi32, #tpu.memory_space<vmem>>, vector<1x16xi32>,
      %select_n3A_526 = arith.select %and3A_501, %broadcast_in_dim3A_10, %broadcast_in_dim3A_12 : vector<16xi1>, vector<16xi32>
      %add3A_527 = arith.addi %add3A_482, %select_n3A_526 : vector<16xi32>
      %get3A_528 = arith.constant 1 : i32
      %get3A_529 = arith.index_cast %get3A_528 : i32 to index
      %get3A_530 = arith.constant 48 : index
      %get3A_531 = tpu.vector_load %arg7[%get3A_529, %get3A_530] {strides = array<i32>} : memref<2x128xi32, #tpu.memory_space<vmem>>, vector<1x16xi32>,
      %get3A_532 = vector.shape_cast %get3A_531 : vector<1x16xi32> to vector<16xi32>
      %get3A_533 = arith.constant 1 : i32
      %get3A_534 = arith.index_cast %get3A_533 : i32 to index
      %get3A_535 = arith.constant 48 : index
      %get3A_536 = tpu.vector_load %arg8[%get3A_534, %get3A_535] {strides = array<i32>} : memref<2x128xi32, #tpu.memory_space<vmem>>, vector<1x16xi32>,
      %get3A_537 = vector.shape_cast %get3A_536 : vector<1x16xi32> to vector<16xi32>
      %sub3A_538 = vector.broadcast %mul3A_2 : i32 to vector<16xi32>
      %sub3A_539 = arith.subi %get3A_537, %sub3A_538 : vector<16xi32>
      %ge3A_540 = arith.constant 0 : i32
      %ge3A_541 = vector.broadcast %ge3A_540 : i32 to vector<16xi32>
      %ge3A_542 = arith.cmpi sge, %sub3A_539, %ge3A_541 : vector<16xi32>
      %lt3A_543 = arith.constant 5000 : i32
      %lt3A_544 = vector.broadcast %lt3A_543 : i32 to vector<16xi32>
      %lt3A_545 = arith.cmpi slt, %sub3A_539, %lt3A_544 : vector<16xi32>
      %and3A_546 = arith.andi %ge3A_542, %lt3A_545 : vector<16xi1>
      %mul3A_547 = arith.constant 8192 : i32
      %mul3A_548 = vector.broadcast %mul3A_547 : i32 to vector<16xi32>
      %mul3A_549 = arith.muli %get3A_532, %mul3A_548 : vector<16xi32>
      %add3A_550 = arith.addi %mul3A_549, %sub3A_539 : vector<16xi32>
      %min3A_551 = arith.constant 895 : i32
      %min3A_552 = vector.broadcast %min3A_551 : i32 to vector<16xi32>
      %min3A_553 = arith.minsi %add3A_527, %min3A_552 : vector<16xi32>
      %mul3A_554 = arith.constant 16 : i32
      %mul3A_555 = vector.broadcast %mul3A_554 : i32 to vector<16xi32>
      %mul3A_556 = arith.muli %min3A_553, %mul3A_555 : vector<16xi32>
      %add3A_557 = arith.addi %mul3A_556, %add3A_5 : vector<16xi32>
      %select_n3A_558 = arith.select %and3A_546, %add3A_557, %add3A_8 : vector<16xi1>, vector<16xi32>
      %swap3A_559 = arith.constant 1 : i32
      %swap3A_560 = arith.index_cast %swap3A_559 : i32 to index
      %swap3A_561 = arith.constant 48 : index
      %swap3A_562 = tpu.vector_load %arg9[%swap3A_560, %swap3A_561] {strides = array<i32>} : memref<2x128xi32, #tpu.memory_space<vmem>>, vector<1x16xi32>,
      %swap3A_563 = vector.shape_cast %swap3A_562 : vector<1x16xi32> to vector<16xi32>
      %swap3A_564 = vector.shape_cast %add3A_550 : vector<16xi32> to vector<1x16xi32>
      tpu.vector_store %arg9[%swap3A_560, %swap3A_561], %swap3A_564 {strides = array<i32>} : memref<2x128xi32, #tpu.memory_space<vmem>>, vector<1x16xi32>,
      %swap3A_565 = arith.constant 1 : i32
      %swap3A_566 = arith.index_cast %swap3A_565 : i32 to index
      %swap3A_567 = arith.constant 48 : index
      %swap3A_568 = tpu.vector_load %arg10[%swap3A_566, %swap3A_567] {strides = array<i32>} : memref<2x128xi32, #tpu.memory_space<vmem>>, vector<1x16xi32>,
      %swap3A_569 = vector.shape_cast %swap3A_568 : vector<1x16xi32> to vector<16xi32>
      %swap3A_570 = vector.shape_cast %select_n3A_558 : vector<16xi32> to vector<1x16xi32>
      tpu.vector_store %arg10[%swap3A_566, %swap3A_567], %swap3A_570 {strides = array<i32>} : memref<2x128xi32, #tpu.memory_space<vmem>>, vector<1x16xi32>,
      %select_n3A_571 = arith.select %and3A_546, %broadcast_in_dim3A_10, %broadcast_in_dim3A_12 : vector<16xi1>, vector<16xi32>
      %add3A_572 = arith.addi %add3A_527, %select_n3A_571 : vector<16xi32>
      %get3A_573 = arith.constant 1 : i32
      %get3A_574 = arith.index_cast %get3A_573 : i32 to index
      %get3A_575 = arith.constant 64 : index
      %get3A_576 = tpu.vector_load %arg7[%get3A_574, %get3A_575] {strides = array<i32>} : memref<2x128xi32, #tpu.memory_space<vmem>>, vector<1x16xi32>,
      %get3A_577 = vector.shape_cast %get3A_576 : vector<1x16xi32> to vector<16xi32>
      %get3A_578 = arith.constant 1 : i32
      %get3A_579 = arith.index_cast %get3A_578 : i32 to index
      %get3A_580 = arith.constant 64 : index
      %get3A_581 = tpu.vector_load %arg8[%get3A_579, %get3A_580] {strides = array<i32>} : memref<2x128xi32, #tpu.memory_space<vmem>>, vector<1x16xi32>,
      %get3A_582 = vector.shape_cast %get3A_581 : vector<1x16xi32> to vector<16xi32>
      %sub3A_583 = vector.broadcast %mul3A_2 : i32 to vector<16xi32>
      %sub3A_584 = arith.subi %get3A_582, %sub3A_583 : vector<16xi32>
      %ge3A_585 = arith.constant 0 : i32
      %ge3A_586 = vector.broadcast %ge3A_585 : i32 to vector<16xi32>
      %ge3A_587 = arith.cmpi sge, %sub3A_584, %ge3A_586 : vector<16xi32>
      %lt3A_588 = arith.constant 5000 : i32
      %lt3A_589 = vector.broadcast %lt3A_588 : i32 to vector<16xi32>
      %lt3A_590 = arith.cmpi slt, %sub3A_584, %lt3A_589 : vector<16xi32>
      %and3A_591 = arith.andi %ge3A_587, %lt3A_590 : vector<16xi1>
      %mul3A_592 = arith.constant 8192 : i32
      %mul3A_593 = vector.broadcast %mul3A_592 : i32 to vector<16xi32>
      %mul3A_594 = arith.muli %get3A_577, %mul3A_593 : vector<16xi32>
      %add3A_595 = arith.addi %mul3A_594, %sub3A_584 : vector<16xi32>
      %min3A_596 = arith.constant 895 : i32
      %min3A_597 = vector.broadcast %min3A_596 : i32 to vector<16xi32>
      %min3A_598 = arith.minsi %add3A_572, %min3A_597 : vector<16xi32>
      %mul3A_599 = arith.constant 16 : i32
      %mul3A_600 = vector.broadcast %mul3A_599 : i32 to vector<16xi32>
      %mul3A_601 = arith.muli %min3A_598, %mul3A_600 : vector<16xi32>
      %add3A_602 = arith.addi %mul3A_601, %add3A_5 : vector<16xi32>
      %select_n3A_603 = arith.select %and3A_591, %add3A_602, %add3A_8 : vector<16xi1>, vector<16xi32>
      %swap3A_604 = arith.constant 1 : i32
      %swap3A_605 = arith.index_cast %swap3A_604 : i32 to index
      %swap3A_606 = arith.constant 64 : index
      %swap3A_607 = tpu.vector_load %arg9[%swap3A_605, %swap3A_606] {strides = array<i32>} : memref<2x128xi32, #tpu.memory_space<vmem>>, vector<1x16xi32>,
      %swap3A_608 = vector.shape_cast %swap3A_607 : vector<1x16xi32> to vector<16xi32>
      %swap3A_609 = vector.shape_cast %add3A_595 : vector<16xi32> to vector<1x16xi32>
      tpu.vector_store %arg9[%swap3A_605, %swap3A_606], %swap3A_609 {strides = array<i32>} : memref<2x128xi32, #tpu.memory_space<vmem>>, vector<1x16xi32>,
      %swap3A_610 = arith.constant 1 : i32
      %swap3A_611 = arith.index_cast %swap3A_610 : i32 to index
      %swap3A_612 = arith.constant 64 : index
      %swap3A_613 = tpu.vector_load %arg10[%swap3A_611, %swap3A_612] {strides = array<i32>} : memref<2x128xi32, #tpu.memory_space<vmem>>, vector<1x16xi32>,
      %swap3A_614 = vector.shape_cast %swap3A_613 : vector<1x16xi32> to vector<16xi32>
      %swap3A_615 = vector.shape_cast %select_n3A_603 : vector<16xi32> to vector<1x16xi32>
      tpu.vector_store %arg10[%swap3A_611, %swap3A_612], %swap3A_615 {strides = array<i32>} : memref<2x128xi32, #tpu.memory_space<vmem>>, vector<1x16xi32>,
      %select_n3A_616 = arith.select %and3A_591, %broadcast_in_dim3A_10, %broadcast_in_dim3A_12 : vector<16xi1>, vector<16xi32>
      %add3A_617 = arith.addi %add3A_572, %select_n3A_616 : vector<16xi32>
      %get3A_618 = arith.constant 1 : i32
      %get3A_619 = arith.index_cast %get3A_618 : i32 to index
      %get3A_620 = arith.constant 80 : index
      %get3A_621 = tpu.vector_load %arg7[%get3A_619, %get3A_620] {strides = array<i32>} : memref<2x128xi32, #tpu.memory_space<vmem>>, vector<1x16xi32>,
      %get3A_622 = vector.shape_cast %get3A_621 : vector<1x16xi32> to vector<16xi32>
      %get3A_623 = arith.constant 1 : i32
      %get3A_624 = arith.index_cast %get3A_623 : i32 to index
      %get3A_625 = arith.constant 80 : index
      %get3A_626 = tpu.vector_load %arg8[%get3A_624, %get3A_625] {strides = array<i32>} : memref<2x128xi32, #tpu.memory_space<vmem>>, vector<1x16xi32>,
      %get3A_627 = vector.shape_cast %get3A_626 : vector<1x16xi32> to vector<16xi32>
      %sub3A_628 = vector.broadcast %mul3A_2 : i32 to vector<16xi32>
      %sub3A_629 = arith.subi %get3A_627, %sub3A_628 : vector<16xi32>
      %ge3A_630 = arith.constant 0 : i32
      %ge3A_631 = vector.broadcast %ge3A_630 : i32 to vector<16xi32>
      %ge3A_632 = arith.cmpi sge, %sub3A_629, %ge3A_631 : vector<16xi32>
      %lt3A_633 = arith.constant 5000 : i32
      %lt3A_634 = vector.broadcast %lt3A_633 : i32 to vector<16xi32>
      %lt3A_635 = arith.cmpi slt, %sub3A_629, %lt3A_634 : vector<16xi32>
      %and3A_636 = arith.andi %ge3A_632, %lt3A_635 : vector<16xi1>
      %mul3A_637 = arith.constant 8192 : i32
      %mul3A_638 = vector.broadcast %mul3A_637 : i32 to vector<16xi32>
      %mul3A_639 = arith.muli %get3A_622, %mul3A_638 : vector<16xi32>
      %add3A_640 = arith.addi %mul3A_639, %sub3A_629 : vector<16xi32>
      %min3A_641 = arith.constant 895 : i32
      %min3A_642 = vector.broadcast %min3A_641 : i32 to vector<16xi32>
      %min3A_643 = arith.minsi %add3A_617, %min3A_642 : vector<16xi32>
      %mul3A_644 = arith.constant 16 : i32
      %mul3A_645 = vector.broadcast %mul3A_644 : i32 to vector<16xi32>
      %mul3A_646 = arith.muli %min3A_643, %mul3A_645 : vector<16xi32>
      %add3A_647 = arith.addi %mul3A_646, %add3A_5 : vector<16xi32>
      %select_n3A_648 = arith.select %and3A_636, %add3A_647, %add3A_8 : vector<16xi1>, vector<16xi32>
      %swap3A_649 = arith.constant 1 : i32
      %swap3A_650 = arith.index_cast %swap3A_649 : i32 to index
      %swap3A_651 = arith.constant 80 : index
      %swap3A_652 = tpu.vector_load %arg9[%swap3A_650, %swap3A_651] {strides = array<i32>} : memref<2x128xi32, #tpu.memory_space<vmem>>, vector<1x16xi32>,
      %swap3A_653 = vector.shape_cast %swap3A_652 : vector<1x16xi32> to vector<16xi32>
      %swap3A_654 = vector.shape_cast %add3A_640 : vector<16xi32> to vector<1x16xi32>
      tpu.vector_store %arg9[%swap3A_650, %swap3A_651], %swap3A_654 {strides = array<i32>} : memref<2x128xi32, #tpu.memory_space<vmem>>, vector<1x16xi32>,
      %swap3A_655 = arith.constant 1 : i32
      %swap3A_656 = arith.index_cast %swap3A_655 : i32 to index
      %swap3A_657 = arith.constant 80 : index
      %swap3A_658 = tpu.vector_load %arg10[%swap3A_656, %swap3A_657] {strides = array<i32>} : memref<2x128xi32, #tpu.memory_space<vmem>>, vector<1x16xi32>,
      %swap3A_659 = vector.shape_cast %swap3A_658 : vector<1x16xi32> to vector<16xi32>
      %swap3A_660 = vector.shape_cast %select_n3A_648 : vector<16xi32> to vector<1x16xi32>
      tpu.vector_store %arg10[%swap3A_656, %swap3A_657], %swap3A_660 {strides = array<i32>} : memref<2x128xi32, #tpu.memory_space<vmem>>, vector<1x16xi32>,
      %select_n3A_661 = arith.select %and3A_636, %broadcast_in_dim3A_10, %broadcast_in_dim3A_12 : vector<16xi1>, vector<16xi32>
      %add3A_662 = arith.addi %add3A_617, %select_n3A_661 : vector<16xi32>
      %get3A_663 = arith.constant 1 : i32
      %get3A_664 = arith.index_cast %get3A_663 : i32 to index
      %get3A_665 = arith.constant 96 : index
      %get3A_666 = tpu.vector_load %arg7[%get3A_664, %get3A_665] {strides = array<i32>} : memref<2x128xi32, #tpu.memory_space<vmem>>, vector<1x16xi32>,
      %get3A_667 = vector.shape_cast %get3A_666 : vector<1x16xi32> to vector<16xi32>
      %get3A_668 = arith.constant 1 : i32
      %get3A_669 = arith.index_cast %get3A_668 : i32 to index
      %get3A_670 = arith.constant 96 : index
      %get3A_671 = tpu.vector_load %arg8[%get3A_669, %get3A_670] {strides = array<i32>} : memref<2x128xi32, #tpu.memory_space<vmem>>, vector<1x16xi32>,
      %get3A_672 = vector.shape_cast %get3A_671 : vector<1x16xi32> to vector<16xi32>
      %sub3A_673 = vector.broadcast %mul3A_2 : i32 to vector<16xi32>
      %sub3A_674 = arith.subi %get3A_672, %sub3A_673 : vector<16xi32>
      %ge3A_675 = arith.constant 0 : i32
      %ge3A_676 = vector.broadcast %ge3A_675 : i32 to vector<16xi32>
      %ge3A_677 = arith.cmpi sge, %sub3A_674, %ge3A_676 : vector<16xi32>
      %lt3A_678 = arith.constant 5000 : i32
      %lt3A_679 = vector.broadcast %lt3A_678 : i32 to vector<16xi32>
      %lt3A_680 = arith.cmpi slt, %sub3A_674, %lt3A_679 : vector<16xi32>
      %and3A_681 = arith.andi %ge3A_677, %lt3A_680 : vector<16xi1>
      %mul3A_682 = arith.constant 8192 : i32
      %mul3A_683 = vector.broadcast %mul3A_682 : i32 to vector<16xi32>
      %mul3A_684 = arith.muli %get3A_667, %mul3A_683 : vector<16xi32>
      %add3A_685 = arith.addi %mul3A_684, %sub3A_674 : vector<16xi32>
      %min3A_686 = arith.constant 895 : i32
      %min3A_687 = vector.broadcast %min3A_686 : i32 to vector<16xi32>
      %min3A_688 = arith.minsi %add3A_662, %min3A_687 : vector<16xi32>
      %mul3A_689 = arith.constant 16 : i32
      %mul3A_690 = vector.broadcast %mul3A_689 : i32 to vector<16xi32>
      %mul3A_691 = arith.muli %min3A_688, %mul3A_690 : vector<16xi32>
      %add3A_692 = arith.addi %mul3A_691, %add3A_5 : vector<16xi32>
      %select_n3A_693 = arith.select %and3A_681, %add3A_692, %add3A_8 : vector<16xi1>, vector<16xi32>
      %swap3A_694 = arith.constant 1 : i32
      %swap3A_695 = arith.index_cast %swap3A_694 : i32 to index
      %swap3A_696 = arith.constant 96 : index
      %swap3A_697 = tpu.vector_load %arg9[%swap3A_695, %swap3A_696] {strides = array<i32>} : memref<2x128xi32, #tpu.memory_space<vmem>>, vector<1x16xi32>,
      %swap3A_698 = vector.shape_cast %swap3A_697 : vector<1x16xi32> to vector<16xi32>
      %swap3A_699 = vector.shape_cast %add3A_685 : vector<16xi32> to vector<1x16xi32>
      tpu.vector_store %arg9[%swap3A_695, %swap3A_696], %swap3A_699 {strides = array<i32>} : memref<2x128xi32, #tpu.memory_space<vmem>>, vector<1x16xi32>,
      %swap3A_700 = arith.constant 1 : i32
      %swap3A_701 = arith.index_cast %swap3A_700 : i32 to index
      %swap3A_702 = arith.constant 96 : index
      %swap3A_703 = tpu.vector_load %arg10[%swap3A_701, %swap3A_702] {strides = array<i32>} : memref<2x128xi32, #tpu.memory_space<vmem>>, vector<1x16xi32>,
      %swap3A_704 = vector.shape_cast %swap3A_703 : vector<1x16xi32> to vector<16xi32>
      %swap3A_705 = vector.shape_cast %select_n3A_693 : vector<16xi32> to vector<1x16xi32>
      tpu.vector_store %arg10[%swap3A_701, %swap3A_702], %swap3A_705 {strides = array<i32>} : memref<2x128xi32, #tpu.memory_space<vmem>>, vector<1x16xi32>,
      %select_n3A_706 = arith.select %and3A_681, %broadcast_in_dim3A_10, %broadcast_in_dim3A_12 : vector<16xi1>, vector<16xi32>
      %add3A_707 = arith.addi %add3A_662, %select_n3A_706 : vector<16xi32>
      %get3A_708 = arith.constant 1 : i32
      %get3A_709 = arith.index_cast %get3A_708 : i32 to index
      %get3A_710 = arith.constant 112 : index
      %get3A_711 = tpu.vector_load %arg7[%get3A_709, %get3A_710] {strides = array<i32>} : memref<2x128xi32, #tpu.memory_space<vmem>>, vector<1x16xi32>,
      %get3A_712 = vector.shape_cast %get3A_711 : vector<1x16xi32> to vector<16xi32>
      %get3A_713 = arith.constant 1 : i32
      %get3A_714 = arith.index_cast %get3A_713 : i32 to index
      %get3A_715 = arith.constant 112 : index
      %get3A_716 = tpu.vector_load %arg8[%get3A_714, %get3A_715] {strides = array<i32>} : memref<2x128xi32, #tpu.memory_space<vmem>>, vector<1x16xi32>,
      %get3A_717 = vector.shape_cast %get3A_716 : vector<1x16xi32> to vector<16xi32>
      %sub3A_718 = vector.broadcast %mul3A_2 : i32 to vector<16xi32>
      %sub3A_719 = arith.subi %get3A_717, %sub3A_718 : vector<16xi32>
      %ge3A_720 = arith.constant 0 : i32
      %ge3A_721 = vector.broadcast %ge3A_720 : i32 to vector<16xi32>
      %ge3A_722 = arith.cmpi sge, %sub3A_719, %ge3A_721 : vector<16xi32>
      %lt3A_723 = arith.constant 5000 : i32
      %lt3A_724 = vector.broadcast %lt3A_723 : i32 to vector<16xi32>
      %lt3A_725 = arith.cmpi slt, %sub3A_719, %lt3A_724 : vector<16xi32>
      %and3A_726 = arith.andi %ge3A_722, %lt3A_725 : vector<16xi1>
      %mul3A_727 = arith.constant 8192 : i32
      %mul3A_728 = vector.broadcast %mul3A_727 : i32 to vector<16xi32>
      %mul3A_729 = arith.muli %get3A_712, %mul3A_728 : vector<16xi32>
      %add3A_730 = arith.addi %mul3A_729, %sub3A_719 : vector<16xi32>
      %min3A_731 = arith.constant 895 : i32
      %min3A_732 = vector.broadcast %min3A_731 : i32 to vector<16xi32>
      %min3A_733 = arith.minsi %add3A_707, %min3A_732 : vector<16xi32>
      %mul3A_734 = arith.constant 16 : i32
      %mul3A_735 = vector.broadcast %mul3A_734 : i32 to vector<16xi32>
      %mul3A_736 = arith.muli %min3A_733, %mul3A_735 : vector<16xi32>
      %add3A_737 = arith.addi %mul3A_736, %add3A_5 : vector<16xi32>
      %select_n3A_738 = arith.select %and3A_726, %add3A_737, %add3A_8 : vector<16xi1>, vector<16xi32>
      %swap3A_739 = arith.constant 1 : i32
      %swap3A_740 = arith.index_cast %swap3A_739 : i32 to index
      %swap3A_741 = arith.constant 112 : index
      %swap3A_742 = tpu.vector_load %arg9[%swap3A_740, %swap3A_741] {strides = array<i32>} : memref<2x128xi32, #tpu.memory_space<vmem>>, vector<1x16xi32>,
      %swap3A_743 = vector.shape_cast %swap3A_742 : vector<1x16xi32> to vector<16xi32>
      %swap3A_744 = vector.shape_cast %add3A_730 : vector<16xi32> to vector<1x16xi32>
      tpu.vector_store %arg9[%swap3A_740, %swap3A_741], %swap3A_744 {strides = array<i32>} : memref<2x128xi32, #tpu.memory_space<vmem>>, vector<1x16xi32>,
      %swap3A_745 = arith.constant 1 : i32
      %swap3A_746 = arith.index_cast %swap3A_745 : i32 to index
      %swap3A_747 = arith.constant 112 : index
      %swap3A_748 = tpu.vector_load %arg10[%swap3A_746, %swap3A_747] {strides = array<i32>} : memref<2x128xi32, #tpu.memory_space<vmem>>, vector<1x16xi32>,
      %swap3A_749 = vector.shape_cast %swap3A_748 : vector<1x16xi32> to vector<16xi32>
      %swap3A_750 = vector.shape_cast %select_n3A_738 : vector<16xi32> to vector<1x16xi32>
      tpu.vector_store %arg10[%swap3A_746, %swap3A_747], %swap3A_750 {strides = array<i32>} : memref<2x128xi32, #tpu.memory_space<vmem>>, vector<1x16xi32>,
      %select_n3A_751 = arith.select %and3A_726, %broadcast_in_dim3A_10, %broadcast_in_dim3A_12 : vector<16xi1>, vector<16xi32>
      %add3A_752 = arith.addi %add3A_707, %select_n3A_751 : vector<16xi32>
      %run_scoped3A_753 = arith.constant 1 : i32
      %run_scoped3A_754 = arith.constant 1 : i32
      "tpu.region"() ({
        %run_scoped3A_755 = tpu.sem_alloc : memref<!tpu.dma_semaphore, #tpu.memory_space<semaphore_mem>>
        %dma_start3A = arith.constant 0 : i32
        %dma_start3A_756 = tpu.memref_slice %arg9[%run_scoped3A_753, %dma_start3A] : memref<2x128xi32, #tpu.memory_space<vmem>> -> memref<1x128xi32, #tpu.memory_space<vmem>>
        %dma_start3A_757 = tpu.memref_squeeze %dma_start3A_756 : memref<1x128xi32, #tpu.memory_space<vmem>> -> memref<128xi32, #tpu.memory_space<vmem>>
        %dma_start3A_758 = arith.constant 0 : i32
        %dma_start3A_759 = tpu.memref_slice %arg10[%run_scoped3A_754, %dma_start3A_758] : memref<2x128xi32, #tpu.memory_space<vmem>> -> memref<1x128xi32, #tpu.memory_space<vmem>>
        %dma_start3A_760 = tpu.memref_squeeze %dma_start3A_759 : memref<1x128xi32, #tpu.memory_space<vmem>> -> memref<128xi32, #tpu.memory_space<vmem>>
        %dma_start3A_761 = arith.constant 0 : i32
        %dma_start3A_762 = tpu.memref_slice %arg6[%dma_start3A_761] : memref<229392xi32, #tpu.memory_space<vmem_shared>> -> memref<229392xi32, #tpu.memory_space<vmem_shared>>
        tpu.enqueue_indirect_dma source(%dma_start3A_757 : memref<128xi32, #tpu.memory_space<vmem>>) target(%dma_start3A_762 : memref<229392xi32, #tpu.memory_space<vmem_shared>>) offsets(%dma_start3A_760 : memref<128xi32, #tpu.memory_space<vmem>>) semaphore(%run_scoped3A_755 : memref<!tpu.dma_semaphore, #tpu.memory_space<semaphore_mem>>)
        %dma_wait3A = arith.constant 0 : i32
        %dma_wait3A_763 = tpu.memref_slice %arg9[%run_scoped3A_753, %dma_wait3A] : memref<2x128xi32, #tpu.memory_space<vmem>> -> memref<1x128xi32, #tpu.memory_space<vmem>>
        %dma_wait3A_764 = tpu.memref_squeeze %dma_wait3A_763 : memref<1x128xi32, #tpu.memory_space<vmem>> -> memref<128xi32, #tpu.memory_space<vmem>>
        %dma_wait3A_765 = arith.constant 0 : i32
        %dma_wait3A_766 = tpu.memref_slice %arg10[%run_scoped3A_754, %dma_wait3A_765] : memref<2x128xi32, #tpu.memory_space<vmem>> -> memref<1x128xi32, #tpu.memory_space<vmem>>
        %dma_wait3A_767 = tpu.memref_squeeze %dma_wait3A_766 : memref<1x128xi32, #tpu.memory_space<vmem>> -> memref<128xi32, #tpu.memory_space<vmem>>
        %dma_wait3A_768 = arith.constant 0 : i32
        %dma_wait3A_769 = tpu.memref_slice %arg6[%dma_wait3A_768] : memref<229392xi32, #tpu.memory_space<vmem_shared>> -> memref<229392xi32, #tpu.memory_space<vmem_shared>>
        tpu.wait_indirect_dma semaphore(%run_scoped3A_755 : memref<!tpu.dma_semaphore, #tpu.memory_space<semaphore_mem>>) src(%dma_wait3A_764 : memref<128xi32, #tpu.memory_space<vmem>>) dst(%dma_wait3A_769 : memref<229392xi32, #tpu.memory_space<vmem_shared>>)
        tpu.yield
      }) : () -> ()
      scf.yield %add3A_752 : vector<16xi32>
    }
    %scan3A_17 = arith.constant 80 : i32
    %min3A = arith.constant 896 : i32
    %min3A_18 = vector.broadcast %min3A : i32 to vector<16xi32>
    %min3A_19 = arith.minsi %scan3A_16, %min3A_18 : vector<16xi32>
    %swap3A = arith.constant 0 : index
    %swap3A_20 = tpu.vector_load %arg12[%swap3A] {strides = array<i32>} : memref<16xi32, #tpu.memory_space<vmem>>, vector<16xi32>,
    %swap3A_21 = vector.shape_cast %swap3A_20 : vector<16xi32> to vector<16xi32>
    %swap3A_22 = vector.shape_cast %min3A_19 : vector<16xi32> to vector<16xi32>
    tpu.vector_store %arg12[%swap3A], %swap3A_22 {strides = array<i32>} : memref<16xi32, #tpu.memory_space<vmem>>, vector<16xi32>,
    %scan3A_23 = arith.constant 0 : i32
    %scan3A_24 = arith.constant 0 : i32
    %scan3A_25 = arith.constant 7 : i32
    %scan3A_26 = arith.addi %scan3A_24, %scan3A_25 : i32
    %scan3A_27 = arith.constant 1 : i32
    scf.for %scan3A_29 = %scan3A_24 to %scan3A_26 step %scan3A_27  : i32 {
      %mul3A_30 = arith.constant 2048 : i32
      %mul3A_31 = arith.muli %scan3A_29, %mul3A_30 : i32
      %add3A_32 = arith.addi %mul3A_4, %mul3A_31 : i32
      "tpu.region"() ({
        %run_scoped3A = tpu.sem_alloc : memref<!tpu.dma_semaphore, #tpu.memory_space<semaphore_mem>>
        %dma_start3A = tpu.memref_slice %arg6[%add3A_32] : memref<229392xi32, #tpu.memory_space<vmem_shared>> -> memref<2048xi32, #tpu.memory_space<vmem_shared>>
        %dma_start3A_47 = tpu.memref_slice %arg6[%add3A_32] : memref<229392xi32, #tpu.memory_space<vmem_shared>> -> memref<2048xi32, #tpu.memory_space<vmem_shared>>
        tpu.enqueue_dma source(%dma_start3A_47 : memref<2048xi32, #tpu.memory_space<vmem_shared>>) target(%arg11 : memref<2048xi32, #tpu.memory_space<vmem>>) target_semaphore(%run_scoped3A : memref<!tpu.dma_semaphore, #tpu.memory_space<semaphore_mem>>)
        %dma_wait3A = tpu.memref_slice %arg6[%add3A_32] : memref<229392xi32, #tpu.memory_space<vmem_shared>> -> memref<2048xi32, #tpu.memory_space<vmem_shared>>
        %dma_wait3A_48 = tpu.memref_slice %arg6[%add3A_32] : memref<229392xi32, #tpu.memory_space<vmem_shared>> -> memref<2048xi32, #tpu.memory_space<vmem_shared>>
        tpu.wait_dma2 semaphore(%run_scoped3A : memref<!tpu.dma_semaphore, #tpu.memory_space<semaphore_mem>>) src(%dma_wait3A_48 : memref<2048xi32, #tpu.memory_space<vmem_shared>>) dst(%arg11 : memref<2048xi32, #tpu.memory_space<vmem>>)
        tpu.yield
      }) : () -> ()
      %mul3A_33 = arith.constant 128 : i32
      %mul3A_34 = arith.muli %scan3A_29, %mul3A_33 : i32
      %broadcast_in_dim3A_35 = vector.broadcast %mul3A_34 : i32 to vector<16xi32>
      %scan3A_36 = arith.constant 0 : i32
      %scan3A_37 = arith.constant 128 : i32
      %scan3A_38 = arith.addi %scan3A_36, %scan3A_37 : i32
      %scan3A_39 = arith.constant 1 : i32
      %scan3A_40 = scf.for %scan3A_47 = %scan3A_36 to %scan3A_38 step %scan3A_39 iter_args(%scan3A_48 = %broadcast_in_dim3A_35) -> (vector<16xi32>)  : i32 {
        %mul3A_49 = arith.constant 16 : i32
        %mul3A_50 = arith.muli %scan3A_47, %mul3A_49 : i32
        %get3A = arith.index_cast %mul3A_50 : i32 to index
        %get3A_51 = tpu.vector_load %arg11[%get3A] {strides = array<i32>} : memref<2048xi32, #tpu.memory_space<vmem>>, vector<16xi32>,
        %get3A_52 = vector.shape_cast %get3A_51 : vector<16xi32> to vector<16xi32>
        %mul3A_53 = arith.constant 64 : i32
        %mul3A_54 = vector.broadcast %mul3A_53 : i32 to vector<16xi32>
        %mul3A_55 = arith.muli %iota3A, %mul3A_54 : vector<16xi32>
        %add3A_56 = arith.addi %scan3A_48, %mul3A_55 : vector<16xi32>
        %mul3A_57 = arith.constant 8192 : i32
        %mul3A_58 = vector.broadcast %mul3A_57 : i32 to vector<16xi32>
        %mul3A_59 = arith.muli %add3A_56, %mul3A_58 : vector<16xi32>
        %add3A_60 = arith.constant 5000 : i32
        %add3A_61 = vector.broadcast %add3A_60 : i32 to vector<16xi32>
        %add3A_62 = arith.addi %mul3A_59, %add3A_61 : vector<16xi32>
        %mul3A_63 = arith.constant 57 : i32
        %mul3A_64 = vector.broadcast %mul3A_63 : i32 to vector<16xi32>
        %mul3A_65 = arith.muli %iota3A, %mul3A_64 : vector<16xi32>
        %add3A_66 = arith.addi %scan3A_48, %mul3A_65 : vector<16xi32>
        %and3A = arith.constant 1023 : i32
        %and3A_67 = vector.broadcast %and3A : i32 to vector<16xi32>
        %and3A_68 = arith.andi %add3A_66, %and3A_67 : vector<16xi32>
        %add3A_69 = arith.addi %add3A_62, %and3A_68 : vector<16xi32>
        %ge3A = arith.cmpi sge, %scan3A_48, %min3A_19 : vector<16xi32>
        %select_n3A = arith.select %ge3A, %add3A_69, %get3A_52 : vector<16xi1>, vector<16xi32>
        %mul3A_70 = arith.constant 16 : i32
        %mul3A_71 = arith.muli %scan3A_47, %mul3A_70 : i32
        %swap3A_72 = arith.index_cast %mul3A_71 : i32 to index
        %swap3A_73 = tpu.vector_load %arg11[%swap3A_72] {strides = array<i32>} : memref<2048xi32, #tpu.memory_space<vmem>>, vector<16xi32>,
        %swap3A_74 = vector.shape_cast %swap3A_73 : vector<16xi32> to vector<16xi32>
        %swap3A_75 = vector.shape_cast %select_n3A : vector<16xi32> to vector<16xi32>
        tpu.vector_store %arg11[%swap3A_72], %swap3A_75 {strides = array<i32>} : memref<2048xi32, #tpu.memory_space<vmem>>, vector<16xi32>,
        %add3A_76 = arith.addi %scan3A_48, %broadcast_in_dim3A_10 : vector<16xi32>
        scf.yield %add3A_76 : vector<16xi32>
      }
      %scan3A_41 = arith.constant 128 : i32
      %mul3A_42 = arith.constant 14336 : i32
      %mul3A_43 = arith.muli %add3A, %mul3A_42 : i32
      %mul3A_44 = arith.constant 2048 : i32
      %mul3A_45 = arith.muli %scan3A_29, %mul3A_44 : i32
      %add3A_46 = arith.addi %mul3A_43, %mul3A_45 : i32
      "tpu.region"() ({
        %run_scoped3A = tpu.sem_alloc : memref<!tpu.dma_semaphore, #tpu.memory_space<semaphore_mem>>
        %dma_start3A = tpu.memref_slice %arg4[%add3A_46] : memref<458752xi32, #tpu.memory_space<hbm>> -> memref<2048xi32, #tpu.memory_space<hbm>>
        %dma_start3A_47 = tpu.memref_slice %arg4[%add3A_46] : memref<458752xi32, #tpu.memory_space<hbm>> -> memref<2048xi32, #tpu.memory_space<hbm>>
        tpu.enqueue_dma source(%arg11 : memref<2048xi32, #tpu.memory_space<vmem>>) target(%dma_start3A_47 : memref<2048xi32, #tpu.memory_space<hbm>>) target_semaphore(%run_scoped3A : memref<!tpu.dma_semaphore, #tpu.memory_space<semaphore_mem>>)
        %dma_wait3A = tpu.memref_slice %arg4[%add3A_46] : memref<458752xi32, #tpu.memory_space<hbm>> -> memref<2048xi32, #tpu.memory_space<hbm>>
        %dma_wait3A_48 = tpu.memref_slice %arg4[%add3A_46] : memref<458752xi32, #tpu.memory_space<hbm>> -> memref<2048xi32, #tpu.memory_space<hbm>>
        tpu.wait_dma2 semaphore(%run_scoped3A : memref<!tpu.dma_semaphore, #tpu.memory_space<semaphore_mem>>) src(%arg11 : memref<2048xi32, #tpu.memory_space<vmem>>) dst(%dma_wait3A_48 : memref<2048xi32, #tpu.memory_space<hbm>>)
        tpu.yield
      }) : () -> ()
    }
    %scan3A_28 = arith.constant 7 : i32
    return
  }
}

module attributes {stable_mosaic.version = 14 : i64} {
  func.func @_layer_body(%arg0: i32, %arg1: memref<1000x128xf32, #tpu.memory_space<vmem>>, %arg2: memref<1000x128xf32, #tpu.memory_space<vmem>>, %arg3: memref<1000x128xf32, #tpu.memory_space<vmem>>, %arg4: memref<1000x1xf32, #tpu.memory_space<vmem>>, %arg5: memref<128x128xf32, #tpu.memory_space<vmem>>, %arg6: memref<128x128xf32, #tpu.memory_space<vmem>>, %arg7: memref<1x128xf32, #tpu.memory_space<vmem>>, %arg8: memref<1x1xf32, #tpu.memory_space<vmem>>, %arg9: memref<1000x128xf32, #tpu.memory_space<vmem>>, %arg10: memref<1000x128xf32, #tpu.memory_space<vmem>>) attributes {dimension_semantics = [#tpu.dimension_semantics<arbitrary>], iteration_bounds = array<i64: 10>, scalar_prefetch = 0 : i64, scratch_operands = 0 : i64, tpu.core_type = #tpu.core_type<tc>, window_params = [{transform_indices = @transform_0, window_bounds = array<i64: 1000, 128>}, {transform_indices = @transform_1, window_bounds = array<i64: 1000, 128>}, {transform_indices = @transform_2, window_bounds = array<i64: 1000, 128>}, {transform_indices = @transform_3, window_bounds = array<i64: 1000, 1>}, {pipeline_mode = #tpu.pipeline_mode<synchronous>, transform_indices = @transform_4, window_bounds = array<i64: 128, 128>}, {pipeline_mode = #tpu.pipeline_mode<synchronous>, transform_indices = @transform_5, window_bounds = array<i64: 128, 128>}, {pipeline_mode = #tpu.pipeline_mode<synchronous>, transform_indices = @transform_6, window_bounds = array<i64: 1, 128>}, {pipeline_mode = #tpu.pipeline_mode<synchronous>, transform_indices = @transform_7, window_bounds = array<i64: 1, 1>}, {transform_indices = @transform_8, window_bounds = array<i64: 1000, 128>}, {transform_indices = @transform_9, window_bounds = array<i64: 1000, 128>}]} {
    %get3A = arith.constant 0 : index
    %get3A_0 = arith.constant 0 : index
    %get3A_1 = vector.load %arg4[%get3A, %get3A_0] : memref<1000x1xf32, #tpu.memory_space<vmem>>, vector<1000x1xf32>
    %gt3A = arith.constant 0.000000e+00 : f32
    %gt3A_2 = vector.broadcast %gt3A : f32 to vector<1000x1xf32>
    %gt3A_3 = arith.cmpf ogt, %get3A_1, %gt3A_2 : vector<1000x1xf32>
    %rsqrt3A = math.rsqrt %get3A_1 : vector<1000x1xf32>
    %jit3A = arith.constant 0.000000e+00 : f32
    %broadcast_in_dim3A = vector.broadcast %jit3A : f32 to vector<1000x1xf32>
    %select_n3A = arith.select %gt3A_3, %rsqrt3A, %broadcast_in_dim3A : vector<1000x1xi1>, vector<1000x1xf32>
    %get3A_4 = arith.constant 0 : index
    %get3A_5 = arith.constant 0 : index
    %get3A_6 = vector.load %arg2[%get3A_4, %get3A_5] : memref<1000x128xf32, #tpu.memory_space<vmem>>, vector<1000x128xf32>
    %mul3A = vector.broadcast %select_n3A : vector<1000x1xf32> to vector<1000x128xf32>
    %mul3A_7 = arith.mulf %get3A_6, %mul3A : vector<1000x128xf32>
    %get3A_8 = arith.constant 0 : index
    %get3A_9 = arith.constant 0 : index
    %get3A_10 = vector.load %arg3[%get3A_8, %get3A_9] : memref<1000x128xf32, #tpu.memory_space<vmem>>, vector<1000x128xf32>
    %add3A = arith.addf %mul3A_7, %get3A_10 : vector<1000x128xf32>
    %max3A = arith.constant 0.000000e+00 : f32
    %max3A_11 = vector.broadcast %max3A : f32 to vector<1000x128xf32>
    %max3A_12 = arith.maximumf %add3A, %max3A_11 : vector<1000x128xf32>
    %get3A_13 = arith.constant 0 : index
    %get3A_14 = arith.constant 0 : index
    %get3A_15 = vector.load %arg8[%get3A_13, %get3A_14] : memref<1x1xf32, #tpu.memory_space<vmem>>, vector<1x1xf32>
    %get3A_16 = vector.extract %get3A_15[0, 0] : f32 from vector<1x1xf32>
    %gt3A_17 = arith.constant 0.000000e+00 : f32
    %gt3A_18 = arith.cmpf ogt, %get3A_16, %gt3A_17 : f32
    %get3A_19 = arith.constant 0 : index
    %get3A_20 = arith.constant 0 : index
    %get3A_21 = vector.load %arg1[%get3A_19, %get3A_20] : memref<1000x128xf32, #tpu.memory_space<vmem>>, vector<1000x128xf32>
    %select_n3A_22 = arith.select %gt3A_18, %get3A_21, %max3A_12 : vector<1000x128xf32>
    %get3A_23 = arith.constant 0 : index
    %get3A_24 = arith.constant 0 : index
    %get3A_25 = vector.load %arg5[%get3A_23, %get3A_24] : memref<128x128xf32, #tpu.memory_space<vmem>>, vector<128x128xf32>
    %dot_general3A = arith.constant dense<0.000000e+00> : vector<1000x128xf32>
    %dot_general3A_26 = tpu.matmul %select_n3A_22, %get3A_25, %dot_general3A {dimension_numbers = #tpu.dot_dimension_numbers<[1], [0], [0], [1], [0, 0, 1, 1], [], []>, transpose_lhs_hint = false} : vector<1000x128xf32>, vector<128x128xf32>, vector<1000x128xf32> -> vector<1000x128xf32>
    %mul3A_27 = vector.broadcast %select_n3A : vector<1000x1xf32> to vector<1000x128xf32>
    %mul3A_28 = arith.mulf %dot_general3A_26, %mul3A_27 : vector<1000x128xf32>
    %swap3A = arith.constant 0 : index
    %swap3A_29 = arith.constant 0 : index
    %swap3A_30 = vector.load %arg9[%swap3A, %swap3A_29] : memref<1000x128xf32, #tpu.memory_space<vmem>>, vector<1000x128xf32>
    tpu.vector_store %arg9[%swap3A, %swap3A_29], %mul3A_28 {strides = array<i32>} : memref<1000x128xf32, #tpu.memory_space<vmem>>, vector<1000x128xf32>,
    %get3A_31 = arith.constant 0 : index
    %get3A_32 = arith.constant 0 : index
    %get3A_33 = vector.load %arg6[%get3A_31, %get3A_32] : memref<128x128xf32, #tpu.memory_space<vmem>>, vector<128x128xf32>
    %dot_general3A_34 = arith.constant dense<0.000000e+00> : vector<1000x128xf32>
    %dot_general3A_35 = tpu.matmul %select_n3A_22, %get3A_33, %dot_general3A_34 {dimension_numbers = #tpu.dot_dimension_numbers<[1], [0], [0], [1], [0, 0, 1, 1], [], []>, transpose_lhs_hint = false} : vector<1000x128xf32>, vector<128x128xf32>, vector<1000x128xf32> -> vector<1000x128xf32>
    %get3A_36 = arith.constant 0 : index
    %get3A_37 = arith.constant 0 : index
    %get3A_38 = vector.load %arg7[%get3A_36, %get3A_37] : memref<1x128xf32, #tpu.memory_space<vmem>>, vector<1x128xf32>
    %add3A_39 = vector.broadcast %get3A_38 : vector<1x128xf32> to vector<1000x128xf32>
    %add3A_40 = arith.addf %dot_general3A_35, %add3A_39 : vector<1000x128xf32>
    %swap3A_41 = arith.constant 0 : index
    %swap3A_42 = arith.constant 0 : index
    %swap3A_43 = vector.load %arg10[%swap3A_41, %swap3A_42] : memref<1000x128xf32, #tpu.memory_space<vmem>>, vector<1000x128xf32>
    tpu.vector_store %arg10[%swap3A_41, %swap3A_42], %add3A_40 {strides = array<i32>} : memref<1000x128xf32, #tpu.memory_space<vmem>>, vector<1000x128xf32>,
    return
  }
  func.func @transform_0(%arg0: i32) -> (i32, i32) {
    %c0_i32 = arith.constant 0 : i32
    %c0_i32_0 = arith.constant 0 : i32
    return %arg0, %c0_i32 : i32, i32
  }
  func.func @transform_1(%arg0: i32) -> (i32, i32) {
    %c0_i32 = arith.constant 0 : i32
    %c0_i32_0 = arith.constant 0 : i32
    return %arg0, %c0_i32 : i32, i32
  }
  func.func @transform_2(%arg0: i32) -> (i32, i32) {
    %c0_i32 = arith.constant 0 : i32
    %c0_i32_0 = arith.constant 0 : i32
    return %arg0, %c0_i32 : i32, i32
  }
  func.func @transform_3(%arg0: i32) -> (i32, i32) {
    %c0_i32 = arith.constant 0 : i32
    %c0_i32_0 = arith.constant 0 : i32
    return %arg0, %c0_i32 : i32, i32
  }
  func.func @transform_4(%arg0: i32) -> (i32, i32) {
    %c0_i32 = arith.constant 0 : i32
    %c0_i32_0 = arith.constant 0 : i32
    %c0_i32_1 = arith.constant 0 : i32
    return %c0_i32, %c0_i32_0 : i32, i32
  }
  func.func @transform_5(%arg0: i32) -> (i32, i32) {
    %c0_i32 = arith.constant 0 : i32
    %c0_i32_0 = arith.constant 0 : i32
    %c0_i32_1 = arith.constant 0 : i32
    return %c0_i32, %c0_i32_0 : i32, i32
  }
  func.func @transform_6(%arg0: i32) -> (i32, i32) {
    %c0_i32 = arith.constant 0 : i32
    %c0_i32_0 = arith.constant 0 : i32
    %c0_i32_1 = arith.constant 0 : i32
    return %c0_i32, %c0_i32_0 : i32, i32
  }
  func.func @transform_7(%arg0: i32) -> (i32, i32) {
    %c0_i32 = arith.constant 0 : i32
    %c0_i32_0 = arith.constant 0 : i32
    %c0_i32_1 = arith.constant 0 : i32
    return %c0_i32, %c0_i32_0 : i32, i32
  }
  func.func @transform_8(%arg0: i32) -> (i32, i32) {
    %c0_i32 = arith.constant 0 : i32
    %c0_i32_0 = arith.constant 0 : i32
    return %arg0, %c0_i32 : i32, i32
  }
  func.func @transform_9(%arg0: i32) -> (i32, i32) {
    %c0_i32 = arith.constant 0 : i32
    %c0_i32_0 = arith.constant 0 : i32
    return %arg0, %c0_i32 : i32, i32
  }
}

module attributes {stable_mosaic.version = 14 : i64} {
  func.func @_final_body(%arg0: i32, %arg1: memref<1000x128xf32, #tpu.memory_space<vmem>>, %arg2: memref<1000x128xf32, #tpu.memory_space<vmem>>, %arg3: memref<1000x1xf32, #tpu.memory_space<vmem>>, %arg4: memref<1000x128xf32, #tpu.memory_space<vmem>>) attributes {dimension_semantics = [#tpu.dimension_semantics<arbitrary>], iteration_bounds = array<i64: 10>, scalar_prefetch = 0 : i64, scratch_operands = 0 : i64, tpu.core_type = #tpu.core_type<tc>, window_params = [{transform_indices = @transform_0, window_bounds = array<i64: 1000, 128>}, {transform_indices = @transform_1, window_bounds = array<i64: 1000, 128>}, {transform_indices = @transform_2, window_bounds = array<i64: 1000, 1>}, {transform_indices = @transform_3, window_bounds = array<i64: 1000, 128>}]} {
    %get3A = arith.constant 0 : index
    %get3A_0 = arith.constant 0 : index
    %get3A_1 = vector.load %arg3[%get3A, %get3A_0] : memref<1000x1xf32, #tpu.memory_space<vmem>>, vector<1000x1xf32>
    %gt3A = arith.constant 0.000000e+00 : f32
    %gt3A_2 = vector.broadcast %gt3A : f32 to vector<1000x1xf32>
    %gt3A_3 = arith.cmpf ogt, %get3A_1, %gt3A_2 : vector<1000x1xf32>
    %rsqrt3A = math.rsqrt %get3A_1 : vector<1000x1xf32>
    %jit3A = arith.constant 0.000000e+00 : f32
    %broadcast_in_dim3A = vector.broadcast %jit3A : f32 to vector<1000x1xf32>
    %select_n3A = arith.select %gt3A_3, %rsqrt3A, %broadcast_in_dim3A : vector<1000x1xi1>, vector<1000x1xf32>
    %get3A_4 = arith.constant 0 : index
    %get3A_5 = arith.constant 0 : index
    %get3A_6 = vector.load %arg1[%get3A_4, %get3A_5] : memref<1000x128xf32, #tpu.memory_space<vmem>>, vector<1000x128xf32>
    %mul3A = vector.broadcast %select_n3A : vector<1000x1xf32> to vector<1000x128xf32>
    %mul3A_7 = arith.mulf %get3A_6, %mul3A : vector<1000x128xf32>
    %get3A_8 = arith.constant 0 : index
    %get3A_9 = arith.constant 0 : index
    %get3A_10 = vector.load %arg2[%get3A_8, %get3A_9] : memref<1000x128xf32, #tpu.memory_space<vmem>>, vector<1000x128xf32>
    %add3A = arith.addf %mul3A_7, %get3A_10 : vector<1000x128xf32>
    %max3A = arith.constant 0.000000e+00 : f32
    %max3A_11 = vector.broadcast %max3A : f32 to vector<1000x128xf32>
    %max3A_12 = arith.maximumf %add3A, %max3A_11 : vector<1000x128xf32>
    %swap3A = arith.constant 0 : index
    %swap3A_13 = arith.constant 0 : index
    %swap3A_14 = vector.load %arg4[%swap3A, %swap3A_13] : memref<1000x128xf32, #tpu.memory_space<vmem>>, vector<1000x128xf32>
    tpu.vector_store %arg4[%swap3A, %swap3A_13], %max3A_12 {strides = array<i32>} : memref<1000x128xf32, #tpu.memory_space<vmem>>, vector<1000x128xf32>,
    return
  }
  func.func @transform_0(%arg0: i32) -> (i32, i32) {
    %c0_i32 = arith.constant 0 : i32
    %c0_i32_0 = arith.constant 0 : i32
    return %arg0, %c0_i32 : i32, i32
  }
  func.func @transform_1(%arg0: i32) -> (i32, i32) {
    %c0_i32 = arith.constant 0 : i32
    %c0_i32_0 = arith.constant 0 : i32
    return %arg0, %c0_i32 : i32, i32
  }
  func.func @transform_2(%arg0: i32) -> (i32, i32) {
    %c0_i32 = arith.constant 0 : i32
    %c0_i32_0 = arith.constant 0 : i32
    return %arg0, %c0_i32 : i32, i32
  }
  func.func @transform_3(%arg0: i32) -> (i32, i32) {
    %c0_i32 = arith.constant 0 : i32
    %c0_i32_0 = arith.constant 0 : i32
    return %arg0, %c0_i32 : i32, i32
  }
}

</mosaic_0001>

<sc_bundles>
// kernel: closed_call.12.cloned.1.call-start
scs
__scs_entry_jumppad:
0x0: {  	(pc) =	sbr.rel $0x88, $3  }
0x1: {  	(tag) =	ssettag $0x0;
	lr =	simm.s32 $0x1  }
0x2: {  	[smem:$0x3F96] =	sst lr;
	_ =	strace $0xD0000000  }
0x3: {  	_ = 	snop  }
0x4: {  	_ = 	snop  }
0x5: {  	_ = 	snop  }
0x6: {  	_ = 	snop  }
0x7: {  	_ = 	snop  }
__scs_overlays_trampoline_lowered:
0x8: {  	[smem:$0x3FA5] =	sst s0  }
0x9: {  	[smem:$0x3FA6] =	sst s1  }
0xa: {  	[smem:$0x3FA7] =	sst s2  }
0xb: {  	[smem:$0x3FA8] =	sst s3  }
0xc: {  	[smem:$0x3FA9] =	sst s4  }
0xd: {  	[smem:$0x3FAA] =	sst s5  }
0xe: {  	[smem:$0x3FAB] =	sst s6  }
0xf: {  	[smem:$0x3FAC] =	sst s7  }
0x10: {  	[smem:$0x3FAD] =	sst s8  }
0x11: {  	[smem:$0x3FAE] =	sst s9;
	s0 =	simm.s32 @!p0 $0x0  }
0x12: {  	s1 =	sld [smem:$0x3F94];
	s0 =	simm.s32 @p0 $0x1  }
0x13: {  	[smem:$0x3FAF] =	sst s0;
	s0 =	simm.s32 @!p1 $0x0  }
0x14: {  	s2 =	sld [smem:$0x3F93];
	s0 =	simm.s32 @p1 $0x1  }
0x15: {  	[smem:$0x3FB0] =	sst s0;
	s0 =	simm.s32 @!p2 $0x0  }
0x16: {  	s3 =	sld [smem:$0x3FDB];
	s0 =	simm.s32 @p2 $0x1  }
0x17: {  	s4 =	simm.s32 $0x1BF5;
	[smem:$0x3FB2] =	sst s0  }
0x18: {  	s0 =	sld [smem:$0x3F95];
	_ =	swait.ge [sflag:s4], $0x0  }
0x19: {  	s7 =	sld [smem:$0x3F96]  }
0x1a: {  	s8 =	sadd.s32 $0xFFFFE003, lr  }
0x1b: {  	s9 =	sadd.s32 $0xFFFFFEF7, lr;
	s5 =	simm.s32 $0xFFFFFFFF;
	p2 =	slt.u32 s8, $0xFFFFF086  }
0x1c: {  	p1 =	slt.u32 s9, $0xF7A;
	s5 =	simm.s32 @!p2 $0x0  }
0x1d: {  	s5 =	simm.s32 @p1 $0x1;
	p0 =	seq.s32 s7, s2  }
0x1e: {  	s7 =	smul.u32 @!p0 $0xF7A, s2;
	p2 =	seq.s32 @!p0 s5, $0x0  }
0x1f: {  	s9 =	smul.u32 $0xF7A, s1;
	s8 =	simm.s32 @!p0 $0x1BF5;
	p2 =	por !p2, p0  }
0x20: {  	[sflag:s8] =	ssyncset.s32 @!p0 $0xFFFFF086;
	s6 =	sadd.s32 @!p0 s3, s7;
	s7 =	simm.s32 @!p0 $0x108  }
0x21: {  	s3 =	sadd.s32 s3, s9;
	s6 =	sadd.s32 @!p0 $0x88, s6;
	s7 =	simm.s32 @p2 $0x1082  }
0x22: {  	[simem:s7], [sflag:s8] =	dma.local @!p0 [hbm:s6], $0xF7A  }
0x23: {  	s9 =	sor.u32 $0xD0000000, s2;
	s6 =	simm.s32 $0x108;
	_ =	swait.ge @!p0 [sflag:s8], $0x0  }
0x24: {  	s3 =	sadd.s32 $0x88, s3;
	s6 =	simm.s32 @!p1 $0x1082;
	[sflag:s4] =	ssyncset.s32 $0xFFFFF086  }
0x25: {  	[simem:s6], [sflag:s4] =	dma.local [hbm:s3], $0xF7A  }
0x26: {  	[smem:$0x3F96] =	sst s1;
	(tag) =	ssettag s2;
	_ =	strace s9  }
0x27: {  	s1 =	sld [smem:$0x3FA6]  }
0x28: {  	s2 =	sld [smem:$0x3FA7]  }
0x29: {  	s4 =	sld [smem:$0x3FA9]  }
0x2a: {  	p0 =	seq.s32 s5, $0x0;
	s5 =	sld [smem:$0x3FAA]  }
0x2b: {  	s6 =	sld [smem:$0x3FAB]  }
0x2c: {  	s7 =	sld [smem:$0x3FAC]  }
0x2d: {  	s3 =	simm.s32 $0x108;
	s8 =	sld [smem:$0x3FAD]  }
0x2e: {  	s3 =	simm.s32 @!p0 $0x1082;
	s9 =	sld [smem:$0x3FAE]  }
0x2f: {  	lr =	sadd.s32 s0, s3;
	s0 =	sld [smem:$0x3FA5]  }
0x30: {  	s3 =	sld [smem:$0x3FA8]  }
0x31: {  	[smem:$0x3FB1] =	sst s10  }
0x32: {  	s10 =	sld [smem:$0x3FAF];
	_ =	sdelay $0x3  }
0x33: {  	p0 =	seq.s32 s10, $0x1;
	s10 =	sld [smem:$0x3FB1];
	_ =	sdelay $0x3  }
0x34: {  	[smem:$0x3FB1] =	sst s10  }
0x35: {  	s10 =	sld [smem:$0x3FB0];
	_ =	sdelay $0x3  }
0x36: {  	p1 =	seq.s32 s10, $0x1;
	s10 =	sld [smem:$0x3FB1];
	_ =	sdelay $0x3  }
0x37: {  	[smem:$0x3FB1] =	sst s10  }
0x38: {  	s10 =	sld [smem:$0x3FB2]  }
0x39: {  	_ = 	snop;
	(pc) =	sbr.ind lr, $3  }
0x3a: {  	_ = 	snop  }
0x3b: {  	_ = 	snop  }
0x3c: {  	p2 =	seq.s32 s10, $0x1;
	s10 =	sld [smem:$0x3FB1]  }
0x3d: {  	_ =	shalt  }
0x3e: {  	_ =	shalt  }
0x3f: {  	_ =	shalt  }
0x40: {  	_ =	shalt  }
0x41: {  	_ =	shalt  }
0x42: {  	_ =	shalt  }
0x43: {  	_ =	shalt  }
0x44: {  	_ =	shalt  }
0x45: {  	_ =	shalt  }
0x46: {  	_ =	shalt  }
0x47: {  	_ =	shalt  }
0x48: {  	_ =	shalt  }
0x49: {  	_ =	shalt  }
0x4a: {  	_ =	shalt  }
0x4b: {  	_ =	shalt  }
0x4c: {  	_ =	shalt  }
0x4d: {  	_ =	shalt  }
0x4e: {  	_ =	shalt  }
0x4f: {  	_ =	shalt  }
0x50: {  	_ =	shalt  }
0x51: {  	_ =	shalt  }
0x52: {  	_ =	shalt  }
0x53: {  	_ =	shalt  }
0x54: {  	_ =	shalt  }
0x55: {  	_ =	shalt  }
0x56: {  	_ =	shalt  }
0x57: {  	_ =	shalt  }
0x58: {  	_ =	shalt  }
0x59: {  	_ =	shalt  }
0x5a: {  	_ =	shalt  }
0x5b: {  	_ =	shalt  }
0x5c: {  	_ =	shalt  }
0x5d: {  	_ =	shalt  }
0x5e: {  	_ =	shalt  }
0x5f: {  	_ =	shalt  }
0x60: {  	_ =	shalt  }
0x61: {  	_ =	shalt  }
0x62: {  	_ =	shalt  }
0x63: {  	_ =	shalt  }
0x64: {  	_ =	shalt  }
0x65: {  	_ =	shalt  }
0x66: {  	_ =	shalt  }
0x67: {  	_ =	shalt  }
0x68: {  	_ =	shalt  }
0x69: {  	_ =	shalt  }
0x6a: {  	_ =	shalt  }
0x6b: {  	_ =	shalt  }
0x6c: {  	_ =	shalt  }
0x6d: {  	_ =	shalt  }
0x6e: {  	_ =	shalt  }
0x6f: {  	_ =	shalt  }
0x70: {  	_ =	shalt  }
0x71: {  	_ =	shalt  }
0x72: {  	_ =	shalt  }
0x73: {  	_ =	shalt  }
0x74: {  	_ =	shalt  }
0x75: {  	_ =	shalt  }
0x76: {  	_ =	shalt  }
0x77: {  	_ =	shalt  }
0x78: {  	_ =	shalt  }
0x79: {  	_ =	shalt  }
0x7a: {  	_ =	shalt  }
0x7b: {  	_ =	shalt  }
0x7c: {  	_ =	shalt  }
0x7d: {  	_ =	shalt  }
0x7e: {  	_ =	shalt  }
0x7f: {  	_ =	shalt  }
0x80: {  	_ =	shalt  }
0x81: {  	_ =	shalt  }
0x82: {  	_ =	shalt  }
0x83: {  	_ =	shalt  }
0x84: {  	_ =	shalt  }
0x85: {  	_ =	shalt  }
0x86: {  	_ =	shalt  }
0x87: {  	_ =	shalt  }
.Lfunc_end0:
.L_simem_size_0:
called_computation_lowered:
.L_overlay_start_0:
0x88: {  	s2 =	sld [smem:$0x3FD9]  }
0x89: {  	s3 =	sld [smem:$0x3FFE];
	_ =	sdelay $0x1  }
0x8a: {  	s1 =	srdreg.scid  }
0x8b: {  	s0 =	sand.u32 $0x1, s1  }
0x8c: {  	s17 =	sshll.u32 s0, $0xA;
	s2 =	sadd.s32 s3, s2  }
0x8d: {  	s2 =	sadd.s32 s2, s17  }
0x8e: {  	[smem:$0x3FBD] =	sst s2  }
0x8f: {  	_ = 	snop  }
0x90: {  	s2 =	sld [smem:$0x3FD0];
	(tm) =	ssettm $0x1  }
0x91: {  	s18 =	sld [smem:$0x3FFB];
	_ =	sdelay $0x3  }
0x92: {  	_ =	strace s18  }
0x93: {  	s3 =	sld [smem:$0x3FFC];
	_ =	sdelay $0x3  }
0x94: {  	_ =	strace s3  }
0x95: {  	s3 =	sld [smem:$0x3FFD];
	_ =	sdelay $0x3  }
0x96: {  	_ =	strace s3  }
0x97: {  	_ =	strace $0x8FFFFFFF  }
0x98: {  	s19 =	sld [smem:$0x3FDB];
	_ =	sdelay $0x1  }
0x99: {  	s4 =	simm.s32 $_scs_section_size  }
0x9a: {  	s5 =	simm.s32 $_size__tile_overlayer_lowered;
	s6 =	simm.s32 $_tile_overlayer_lowered  }
0x9b: {  	s22 =	simm.s32 $0x1BFF;
	s21 =	sshll.u32 s6, $0x1;
	s3 =	sadd.s32 s4, s19  }
0x9c: {  	s7 =	simm.s32 $0x0;
	s20 =	sshll.u32 s5, $0x1;
	s5 =	sadd.s32 s21, s3  }
0x9d: {  	[timem:s7], [sflag:s22] =	dma.local [hbm:s5], s20  }
0x9e: {  	_ =	swait.ge [sflag:s22], s20  }
0x9f: {  	s4 =	ssub.s32 $0x0, s20;
	[sflag:s22] =	ssyncset.done $0x0  }
0xa0: {  	[sflag:s22] =	ssyncadd.s32 s4;
	_ =	sdelay $0x1  }
0xa1: {  	s23 =	simm.s32 $0x1B8B  }
0xa2: {  	_ =	swait.ge [sflag:s23], $0x1  }
0xa3: {  	[sflag:s23] =	ssyncset.done $0x0  }
0xa4: {  	s25 =	simm.s32 $0x1B8E;
	s24 =	sld [smem:$0x3FFE];
	[sflag:s23] =	ssyncadd.s32 $0xFFFFFFFF  }
0xa5: {  	s26 =	simm.s32 $execute0_lowered;
	[smem:$0x3FD2] =	sst s25  }
0xa6: {  	s5 =	sshll.u32 s26, $0x1;
	_ =	strace $0x8000004C;
	[dreg:$0x1] =	wrdreg $0xFFFFFFFF  }
0xa7: {  	s28 =	simm.s32 $_size_execute0_lowered;
	s3 =	sadd.s32 s3, s5;
	[dreg:$0x0] =	wrdreg $0x0  }
0xa8: {  	s5 =	sshll.u32 s28, $0x1;
	[dreg:$0x2] =	wrdreg s3  }
0xa9: {  	[dreg:$0x3] =	wrdreg s5  }
0xaa: {  	[dreg:$0x4] =	wrdreg $0xC0  }
0xab: {  	_ =	task [dreg:s7], $0x5FFFF  }
0xac: {  	[dreg:$0x1] =	wrdreg $0xFFFFFFFF  }
0xad: {  	[dreg:$0x0] =	wrdreg $0x60  }
0xae: {  	[dreg:$0x2] =	wrdreg s2  }
0xaf: {  	[dreg:$0x3] =	wrdreg s24  }
0xb0: {  	[dreg:$0x4] =	wrdreg $0x0  }
0xb1: {  	[dreg:$0x5] =	wrdreg $0x9  }
0xb2: {  	_ =	task.clear_ibuf [dreg:s7], $0x6FFFF;
	_ =	strace $0x9000004C  }
0xb3: {  	s29 =	simm.s32 $0x9;
	_ =	strace $0x8000004E  }
0xb4: {  	_ =	swait.ge [sflag:s29], $0x1  }
0xb5: {  	[sflag:s29] =	ssyncadd.s32 $0xFFFFFFFF  }
0xb6: {  	_ =	strace $0x9000004E  }
0xb7: {  	_ =	sfence  }
0xb8: {  	s30 =	sld [smem:$0x0];
	_ =	sdelay $0x2  }
0xb9: {  	s31 =	sshll.u32 s1, $0xD;
	s1 =	sshrl.u32 s1, $0x2  }
0xba: {  	s3 =	sand.u32 $0x4000, s31;
	s1 =	sadd.s32 s1, s30  }
0xbb: {  	s0 =	sor.u32 s3, s0;
	s1 =	sshll.u32 s1, $0x11  }
0xbc: {  	s0 =	sor.u32 s1, s0  }
0xbd: {  	s0 =	sadd.s32 $0x8F2B, s0  }
0xbe: {  	[sflag:s0] =	ssyncadd.remote.s32 $0x1  }
0xbf: {  	_ =	sfence.sel $0xFFFF  }
0xc0: {  	[dreg:$0x0] =	wrdreg $0xFFFFFFFF;
	(pc) =	sbr.abs _section_cstart, $3  }
0xc1: {  	[dreg:$0x1] =	wrdreg $0xFFFFFFFF  }
0xc2: {  	_ =	task.clear_ibuf [dreg:s7], $0x2FFFF;
	_ =	strace $0x9FFFFFFF  }
0xc3: {  	(tm) =	ssettm $0x7FFFFFFF  }
tec
execute0_lowered:
.L_overlay_start_1:
0x0: {  	(tag) =	ssettag $0x1  }
0x1: {  	s1 =	rddreg [dreg:$0x0]  }
0x2: {  	s0 =	rddreg [dreg:$0x1]  }
0x3: {  	s2 =	rddreg [dreg:$0x2];
	s4 =	srdreg.scid;
	s3 =	simm.s32 $0x0  }
0x4: {  	s15 =	stileid.u32;
	s16 =	simm.s32 $0x10600;
	s28 =	simm.s32 $0x2  }
0x5: {  	s29 =	simm.s32 $0x3;
	s30 =	simm.s32 $0x10200;
	s11 =	smul.u32 $0x27000, s15  }
0x6: {  	s31 =	simm.s32 $0x10100;
	s4 =	sand.u32 $0x1, s4;
	s12 =	smul.u32 $0x1380, s15  }
0x7: {  	[smem:$0x7FF] =	sst s3;
	s7 =	sadd.s32 $0xD600, s0;
	s22 =	smul.u32 $0x3800, s15  }
0x8: {  	s0 =	sadd.s32 $0x1B800, s0;
	s17 =	sshll.u32 s15, $0x10;
	s10 =	smul.u32 $0x13880, s4  }
0x9: {  	p0 =	sne.s32 s15, $0x0;
	s5 =	sshll.u32 s4, $0x4;
	s13 =	smul.u32 $0x9C400, s4  }
0xa: {  	_ =	strace $0x8000004D;
	s8 =	ssub.s32 $0x2, s4;
	s4 =	smul.u32 $0x38000, s4  }
0xb: {  	s5 =	sor.u32 s15, s5;
	s9 =	sshrl.u32 s8, $0x1;
	s21 =	sshrl.u32 s11, $0x2  }
0xc: {  	s6 =	smul.u32 $0x3800, s5;
	s5 =	sadd.s32 s17, s2;
	s8 =	ssub.s32 s8, s9  }
0xd: {  	s10 =	sadd.s32 s12, s10;
	s14 =	sadd.s32 s21, s2;
	s24 =	sshrl.u32 s13, $0x3  }
0xe: {  	s4 =	sadd.s32 s22, s4;
	s17 =	simm.s32 $0x4;
	s21 =	simm.s32 $0x80  }
0xf: {  	s22 =	simm.s32 $0x10300;
	s18 =	sadd.s32 $0x4000, s5;
	s19 =	sadd.s32 $0x8000, s5  }
0x10: {  	s20 =	sadd.s32 $0xC000, s5;
	s11 =	sadd.s32 s0, s10;
	s10 =	sadd.s32 $0x9C000, s2  }
0x11: {  	s0 =	sadd.s32 s0, s24;
	s25 =	sor.u32 $0x180, s4;
	[dreg:$0x4] =	wrdreg s18  }
0x12: {  	s4 =	sor.u32 $0x100, s4;
	s13 =	smax.u32 s8, $0x1;
	[dreg:$0x5] =	wrdreg s19  }
0x13: {  	s24 =	sshrl.u32 s14, $0x3;
	s6 =	sshrl.u32 s6, $0x3;
	[dreg:$0x6] =	wrdreg s20  }
.Ltmp0:
0x14: {  	s12 =	sadd.s32 $0x13800, s0;
	s26 =	sshrl.u32 s25, $0x3;
	(pc) =	sbr.rel .LBB2_1-.Ltmp0, $4  }
0x15: {  	s4 =	sshrl.u32 s4, $0x3;
	s20 =	simm.s32 $0x1;
	s25 =	sshrl.u32 @!p0 s10, $0x3  }
0x16: {  	s0 =	simm.s32 $0x10280;
	s18 =	simm.s32 $0x0;
	s9 =	sadd.s32 s7, s6  }
0x17: {  	s6 =	sadd.s32 s26, s7;
	s4 =	sadd.s32 s4, s7;
	s23 =	sadd.s32 $0x10, s9  }
0x18: {  	v0 =	vimm.f32 $0.0e+00;
	s26 =	simm.s32 $0x14600;
	[dreg:$0x7] =	wrdreg s23;
	s23 =	simm.s32 $0x10380  }
.LBB2_9:
0x19: {  	_ =	swait.ge [sflag:s29], $0x4000  }
0x1a: {  	[sflag:s29] =	ssyncset.done $0x0  }
0x1b: {  	[sflag:s29] =	ssyncadd.s32 $0xFFFFC000  }
0x1c: {  	_ =	swait.ge [sflag:s29], $0x4000  }
0x1d: {  	s7 =	stileid.u32;
	[sflag:s29] =	ssyncset.done $0x0  }
0x1e: {  	s7 =	sshll.u32 s7, $0x6;
	[sflag:s29] =	ssyncadd.s32 $0xFFFFC000  }
0x1f: {  	s7 =	sor.u32 $0x1C04, s7;
	[bflag:$0x0] =	sbarrier.arrive $0xFFFF  }
0x20: {  	[hbm:s11], [sflag:s7] =	dma.local [spmem:s24], $0x1380  }
0x21: {  	_ =	swait.ge [sflag:s17], $0x1380  }
0x22: {  	s18 =	sadd.s32 $0x1, s18;
	[sflag:s17] =	ssyncset.done $0x0  }
0x23: {  	p1 =	sne.s32 s18, s13;
	[sflag:s17] =	ssyncadd.s32 $0xFFFFEC80  }
0x24: {  	[hbm:s12], [sflag:s7] =	dma.local @!p0 [spmem:s25], $0x80  }
.Ltmp1:
0x25: {  	_ = 	snop;
	(pc) =	sbr.rel @!p1 .LBB2_10-.Ltmp1, $4  }
0x26: {  	s7 =	simm.s32 @!p0 $0x4  }
0x27: {  	_ =	swait.ge @!p0 [sflag:s7], $0x80  }
0x28: {  	[sflag:s7] =	ssyncset.done @!p0 $0x0  }
0x29: {  	[sflag:s7] =	ssyncadd.s32 @!p0 $0xFFFFFF80  }
.LBB2_1:
0x2a: {  	s7 =	sand.u32 $0xFE00, s3  }
0x2b: {  	s8 =	sand.u32 $0x70, s3;
	s7 =	sshrl.u32 s7, $0x2  }
0x2c: {  	s14 =	simm.s32 $0x40;
	s15 =	simm.s32 $0x0;
	s7 =	sor.u32 s8, s7  }
.LBB2_2:
0x2d: {  	p1 =	sne.s32 s14, $0xFFC0  }
0x2e: {  	[tilespmem:s7+$0x10600] =	vst v0;
	s15 =	sadd.s32 $0x10, s15;
	s7 =	smov.u32 s14;
	s14 =	sadd.s32 $0x40, s14  }
.Ltmp2:
0x2f: {  	(pc) =	sbr.rel @p1 .LBB2_2-.Ltmp2, $4  }
0x30: {  	_ = 	snop  }
0x31: {  	s7 =	sand.u32 $0xFE00, s7  }
0x32: {  	s8 =	sand.u32 $0x70, s15;
	s7 =	sshrl.u32 s7, $0x2  }
0x33: {  	s7 =	sor.u32 s8, s7  }
0x34: {  	[tilespmem:s7+$0x10600] =	vst v0  }
0x35: {  	[spmem:s5] =	stream.linear.scatter [tilespmem:s16], [sflag:$0x4], $0x4000, $0x38;
	[tilespmem:$0x18600] =	vst v63  }
0x36: {  	_ =	swait.ge [sflag:s17], $0x4000  }
0x37: {  	[sflag:s17] =	ssyncset.done $0x0  }
0x38: {  	s19 =	rddreg [dreg:$0x4];
	[sflag:s17] =	ssyncadd.s32 $0xFFFFC000  }
0x39: {  	[spmem:s19] =	stream.linear.scatter [tilespmem:s16], [sflag:$0x4], $0x4000, $0x38;
	[tilespmem:$0x18600] =	vst v63  }
0x3a: {  	_ =	swait.ge [sflag:s17], $0x4000  }
0x3b: {  	[sflag:s17] =	ssyncset.done $0x0  }
0x3c: {  	s8 =	rddreg [dreg:$0x5];
	[sflag:s17] =	ssyncadd.s32 $0xFFFFC000  }
0x3d: {  	[spmem:s8] =	stream.linear.scatter [tilespmem:s16], [sflag:$0x4], $0x4000, $0x38;
	[tilespmem:$0x18600] =	vst v63  }
0x3e: {  	_ =	swait.ge [sflag:s17], $0x4000  }
0x3f: {  	[sflag:s17] =	ssyncset.done $0x0  }
0x40: {  	s10 =	rddreg [dreg:$0x6];
	[sflag:s17] =	ssyncadd.s32 $0xFFFFC000  }
0x41: {  	[spmem:s10] =	stream.linear.scatter [tilespmem:s16], [sflag:$0x4], $0x4000, $0x38;
	[tilespmem:$0x18600] =	vst v63  }
0x42: {  	_ =	swait.ge [sflag:s17], $0x4000  }
0x43: {  	[sflag:s17] =	ssyncset.done $0x0  }
0x44: {  	s14 =	simm.s32 $0x10000;
	[sflag:s17] =	ssyncadd.s32 $0xFFFFC000  }
.Ltmp3:
0x45: {  	s19 =	simm.s32 $0x0;
	[bflag:$0x0] =	sbarrier.arrive $0xFFFF;
	(pc) =	sbr.rel .LBB2_4-.Ltmp3, $4  }
0x46: {  	[tilespmem:s14], [sflag:$0x1] =	stream.linear.gather [hbm4b:s9+s19], $0x80, $0x38;
	[tilespmem:$0x18600] =	vst v63  }
0x47: {  	s8 =	simm.s32 $0x10080;
	s15 =	rddreg [dreg:$0x7]  }
0x48: {  	[tilespmem:s8], [sflag:$0x1] =	stream.linear.gather [hbm4b:s15+s19], $0x80, $0x38;
	[tilespmem:$0x18600] =	vst v63  }
0x49: {  	s14 =	smov.u32 s6;
	s15 =	smov.u32 s4  }
.LBB2_5:
0x4a: {  	v1 =	vld [tilespmem:$0x10000];
	_ =	sdelay $0x1  }
0x4b: {  	v2 =	vld [tilespmem:$0x10010];
	_ =	sdelay $0x1  }
0x4c: {  	v3 =	vld [tilespmem:$0x10020]  }
0x4d: {  	v4 =	vshra.s32 v1, $0xD  }
0x4e: {  	v59 =	vld [tilespmem:$0x10030];
	v1 =	vand.u32 $0x1FFF, v1;
	[tilespmem:$0x10200] =	vst v4  }
0x4f: {  	[tilespmem:$0x10400] =	vst v1;
	v1 =	vshra.s32 v2, $0xD  }
0x50: {  	[tilespmem:$0x10210] =	vst v1;
	v1 =	vand.u32 $0x1FFF, v2;
	v2 =	vld [tilespmem:$0x10040]  }
0x51: {  	[tilespmem:$0x10410] =	vst v1;
	v1 =	vshra.s32 v3, $0xD  }
0x52: {  	[tilespmem:$0x10220] =	vst v1;
	v1 =	vand.u32 $0x1FFF, v3;
	v3 =	vld [tilespmem:$0x10050]  }
0x53: {  	[tilespmem:$0x10420] =	vst v1;
	v1 =	vshra.s32 v59, $0xD  }
0x54: {  	v60 =	vld [tilespmem:$0x10060];
	[tilespmem:$0x10230] =	vst v1;
	v1 =	vand.u32 $0x1FFF, v59  }
0x55: {  	[tilespmem:$0x10430] =	vst v1;
	v1 =	vshra.s32 v2, $0xD  }
0x56: {  	[tilespmem:$0x10240] =	vst v1;
	v1 =	vand.u32 $0x1FFF, v2;
	v2 =	vld [tilespmem:$0x10070]  }
0x57: {  	[tilespmem:$0x10440] =	vst v1;
	v1 =	vshra.s32 v3, $0xD  }
0x58: {  	[tilespmem:$0x10250] =	vst v1;
	v1 =	vand.u32 $0x1FFF, v3  }
0x59: {  	[tilespmem:$0x10450] =	vst v1;
	v1 =	vshra.s32 v60, $0xD  }
0x5a: {  	[tilespmem:$0x10260] =	vst v1;
	v1 =	vand.u32 $0x1FFF, v60  }
0x5b: {  	[tilespmem:$0x10460] =	vst v1;
	v1 =	vshra.s32 v2, $0xD  }
0x5c: {  	[tilespmem:$0x10270] =	vst v1;
	v1 =	vand.u32 $0x1FFF, v2  }
0x5d: {  	[tilespmem:$0x10470] =	vst v1  }
0x5e: {  	[tilespmem:s16], [sflag:$0x2] =	stream.indirect.gather [hbm4b:s1+s21], $0x80, s30, s21, $0xb8;
	[tilespmem:$0x18600] =	vst v63  }
0x5f: {  	_ = 	snop  }
0x60: {  	[tilespmem:s31], [sflag:$0x1] =	stream.linear.gather [hbm4b:s15+s3], $0x80, $0x38;
	[tilespmem:$0x18600] =	vst v63  }
0x61: {  	v1 =	vld [tilespmem:$0x10080];
	_ =	sdelay $0x1  }
0x62: {  	v2 =	vld [tilespmem:$0x10090];
	_ =	sdelay $0x1  }
0x63: {  	v3 =	vld [tilespmem:$0x100A0]  }
0x64: {  	v61 =	vshra.s32 v1, $0xD  }
0x65: {  	v62 =	vld [tilespmem:$0x100B0];
	v1 =	vand.u32 $0x1FFF, v1;
	[tilespmem:$0x10280] =	vst v61  }
0x66: {  	[tilespmem:$0x10480] =	vst v1;
	v1 =	vshra.s32 v2, $0xD  }
0x67: {  	[tilespmem:$0x10290] =	vst v1;
	v1 =	vand.u32 $0x1FFF, v2;
	v2 =	vld [tilespmem:$0x100C0]  }
0x68: {  	[tilespmem:$0x10490] =	vst v1;
	v1 =	vshra.s32 v3, $0xD  }
0x69: {  	[tilespmem:$0x102A0] =	vst v1;
	v1 =	vand.u32 $0x1FFF, v3;
	v3 =	vld [tilespmem:$0x100D0]  }
0x6a: {  	[tilespmem:$0x104A0] =	vst v1;
	v1 =	vshra.s32 v62, $0xD  }
0x6b: {  	v63 =	vld [tilespmem:$0x100E0];
	[tilespmem:$0x102B0] =	vst v1;
	v1 =	vand.u32 $0x1FFF, v62  }
0x6c: {  	[tilespmem:$0x104B0] =	vst v1;
	v1 =	vshra.s32 v2, $0xD  }
0x6d: {  	[tilespmem:$0x102C0] =	vst v1;
	v1 =	vand.u32 $0x1FFF, v2;
	v2 =	vld [tilespmem:$0x100F0]  }
0x6e: {  	[tilespmem:$0x104C0] =	vst v1;
	v1 =	vshra.s32 v3, $0xD  }
0x6f: {  	[tilespmem:$0x102D0] =	vst v1;
	v1 =	vand.u32 $0x1FFF, v3  }
0x70: {  	[tilespmem:$0x104D0] =	vst v1;
	v1 =	vshra.s32 v63, $0xD  }
0x71: {  	[tilespmem:$0x102E0] =	vst v1;
	v1 =	vand.u32 $0x1FFF, v63  }
0x72: {  	[tilespmem:$0x104E0] =	vst v1;
	v1 =	vshra.s32 v2, $0xD  }
0x73: {  	[tilespmem:$0x102F0] =	vst v1;
	v1 =	vand.u32 $0x1FFF, v2  }
0x74: {  	s7 =	simm.s32 $0x10480;
	s8 =	simm.s32 $0x10400;
	s10 =	simm.s32 $0x10180;
	[tilespmem:$0x104F0] =	vst v1  }
0x75: {  	[tilespmem:s26], [sflag:$0x2] =	stream.indirect.gather [hbm4b:s1+s21], $0x80, s0, s21, $0xb8;
	[tilespmem:$0x18600] =	vst v63  }
.LBB2_7:
0x76: {  	[tilespmem:s10], [sflag:$0x1] =	stream.linear.gather [hbm4b:s14+s3], $0x80, $0x38;
	[tilespmem:$0x18600] =	vst v63  }
.LBB2_8:
0x77: {  	_ =	swait.ge [sflag:s28], $0x4000  }
0x78: {  	s19 =	sadd.s32 $0x1, s19;
	[sflag:s28] =	ssyncset.done $0x0  }
0x79: {  	p1 =	sne.s32 s19, $0x38;
	[sflag:s28] =	ssyncadd.s32 $0xFFFFC000  }
0x7a: {  	[spmem:s2] =	stream.indirect.scatter.add.f32 [tilespmem:s16], [sflag:$0x3], $0x80, s8, s21, $0xb8;
	[tilespmem:$0x18600] =	vst v63  }
.Ltmp4:
0x7b: {  	_ = 	snop;
	(pc) =	sbr.rel @!p1 .LBB2_9-.Ltmp4, $4  }
0x7c: {  	_ =	swait.ge [sflag:s28], $0x4000  }
0x7d: {  	[sflag:s28] =	ssyncset.done $0x0  }
0x7e: {  	s14 =	sadd.s32 $0x20, s14;
	s15 =	sadd.s32 $0x20, s15;
	[sflag:s28] =	ssyncadd.s32 $0xFFFFC000  }
0x7f: {  	[spmem:s2] =	stream.indirect.scatter.add.f32 [tilespmem:s26], [sflag:$0x3], $0x80, s7, s21, $0xb8;
	[tilespmem:$0x18600] =	vst v63  }
.LBB2_4:
0x80: {  	p1 =	seq.s32 s19, $0x0  }
0x81: {  	s7 =	simm.s32 @!p1 $0x3  }
0x82: {  	_ =	swait.ge @!p1 [sflag:s7], $0x4000  }
0x83: {  	[sflag:s7] =	ssyncset.done @!p1 $0x0  }
0x84: {  	[sflag:s7] =	ssyncadd.s32 @!p1 $0xFFFFC000  }
0x85: {  	_ =	swait.ge @!p1 [sflag:s7], $0x4000  }
0x86: {  	[sflag:s7] =	ssyncset.done @!p1 $0x0  }
0x87: {  	s10 =	sand.u32 $0x1, s19;
	[sflag:s7] =	ssyncadd.s32 @!p1 $0xFFFFC000  }
0x88: {  	p1 =	seq.s32 s10, $0x1;
	_ =	swait.ge [sflag:s20], $0x80  }
.Ltmp5:
0x89: {  	[sflag:s20] =	ssyncset.done $0x0;
	(pc) =	sbr.rel @!p1 .LBB2_5-.Ltmp5, $4  }
0x8a: {  	[sflag:s20] =	ssyncadd.s32 $0xFFFFFF80  }
0x8b: {  	_ =	swait.ge [sflag:s20], $0x80  }
0x8c: {  	[sflag:s20] =	ssyncset.done $0x0  }
0x8d: {  	[sflag:s20] =	ssyncadd.s32 $0xFFFFFF80  }
0x8e: {  	v1 =	vld [tilespmem:$0x10100];
	_ =	sdelay $0x1  }
0x8f: {  	v2 =	vld [tilespmem:$0x10110];
	_ =	sdelay $0x1  }
0x90: {  	v3 =	vld [tilespmem:$0x10120]  }
0x91: {  	v4 =	vshra.s32 v1, $0xD  }
0x92: {  	v59 =	vld [tilespmem:$0x10130];
	v1 =	vand.u32 $0x1FFF, v1;
	[tilespmem:$0x10300] =	vst v4  }
0x93: {  	[tilespmem:$0x10500] =	vst v1;
	v1 =	vshra.s32 v2, $0xD  }
0x94: {  	[tilespmem:$0x10310] =	vst v1;
	v1 =	vand.u32 $0x1FFF, v2;
	v2 =	vld [tilespmem:$0x10140]  }
0x95: {  	[tilespmem:$0x10510] =	vst v1;
	v1 =	vshra.s32 v3, $0xD  }
0x96: {  	[tilespmem:$0x10320] =	vst v1;
	v1 =	vand.u32 $0x1FFF, v3;
	v3 =	vld [tilespmem:$0x10150]  }
0x97: {  	[tilespmem:$0x10520] =	vst v1;
	v1 =	vshra.s32 v59, $0xD  }
0x98: {  	v60 =	vld [tilespmem:$0x10160];
	[tilespmem:$0x10330] =	vst v1;
	v1 =	vand.u32 $0x1FFF, v59  }
0x99: {  	[tilespmem:$0x10530] =	vst v1;
	v1 =	vshra.s32 v2, $0xD  }
0x9a: {  	[tilespmem:$0x10340] =	vst v1;
	v1 =	vand.u32 $0x1FFF, v2;
	v2 =	vld [tilespmem:$0x10170]  }
0x9b: {  	[tilespmem:$0x10540] =	vst v1;
	v1 =	vshra.s32 v3, $0xD  }
0x9c: {  	[tilespmem:$0x10350] =	vst v1;
	v1 =	vand.u32 $0x1FFF, v3  }
0x9d: {  	[tilespmem:$0x10550] =	vst v1;
	v1 =	vshra.s32 v60, $0xD  }
0x9e: {  	[tilespmem:$0x10360] =	vst v1;
	v1 =	vand.u32 $0x1FFF, v60  }
0x9f: {  	[tilespmem:$0x10560] =	vst v1;
	v1 =	vshra.s32 v2, $0xD  }
0xa0: {  	[tilespmem:$0x10370] =	vst v1;
	v1 =	vand.u32 $0x1FFF, v2  }
0xa1: {  	p1 =	seq.s32 s19, $0x37;
	[tilespmem:$0x10570] =	vst v1  }
0xa2: {  	[tilespmem:s16], [sflag:$0x2] =	stream.indirect.gather [hbm4b:s1+s21], $0x80, s22, s21, $0xb8;
	[tilespmem:$0x18600] =	vst v63  }
0xa3: {  	s7 =	simm.s32 @!p1 $0x0;
	s8 =	simm.s32 @!p1 $0x10000  }
0xa4: {  	[tilespmem:s8], [sflag:$0x1] =	stream.linear.gather @!p1 [hbm4b:s15+s7], $0x80, $0x38;
	[tilespmem:$0x18600] =	vst v63  }
0xa5: {  	v1 =	vld [tilespmem:$0x10180];
	_ =	sdelay $0x1  }
0xa6: {  	v2 =	vld [tilespmem:$0x10190];
	_ =	sdelay $0x1  }
0xa7: {  	v3 =	vld [tilespmem:$0x101A0]  }
0xa8: {  	v61 =	vshra.s32 v1, $0xD  }
0xa9: {  	v62 =	vld [tilespmem:$0x101B0];
	v1 =	vand.u32 $0x1FFF, v1;
	[tilespmem:$0x10380] =	vst v61  }
0xaa: {  	[tilespmem:$0x10580] =	vst v1;
	v1 =	vshra.s32 v2, $0xD  }
0xab: {  	[tilespmem:$0x10390] =	vst v1;
	v1 =	vand.u32 $0x1FFF, v2;
	v2 =	vld [tilespmem:$0x101C0]  }
0xac: {  	[tilespmem:$0x10590] =	vst v1;
	v1 =	vshra.s32 v3, $0xD  }
0xad: {  	[tilespmem:$0x103A0] =	vst v1;
	v1 =	vand.u32 $0x1FFF, v3;
	v3 =	vld [tilespmem:$0x101D0]  }
0xae: {  	[tilespmem:$0x105A0] =	vst v1;
	v1 =	vshra.s32 v62, $0xD  }
0xaf: {  	v63 =	vld [tilespmem:$0x101E0];
	[tilespmem:$0x103B0] =	vst v1;
	v1 =	vand.u32 $0x1FFF, v62  }
0xb0: {  	[tilespmem:$0x105B0] =	vst v1;
	v1 =	vshra.s32 v2, $0xD  }
0xb1: {  	[tilespmem:$0x103C0] =	vst v1;
	v1 =	vand.u32 $0x1FFF, v2;
	v2 =	vld [tilespmem:$0x101F0]  }
0xb2: {  	[tilespmem:$0x105C0] =	vst v1;
	v1 =	vshra.s32 v3, $0xD  }
0xb3: {  	[tilespmem:$0x103D0] =	vst v1;
	v1 =	vand.u32 $0x1FFF, v3  }
0xb4: {  	[tilespmem:$0x105D0] =	vst v1;
	v1 =	vshra.s32 v63, $0xD  }
.Ltmp6:
0xb5: {  	[tilespmem:$0x103E0] =	vst v1;
	v1 =	vand.u32 $0x1FFF, v63;
	(pc) =	sbr.rel @p1 .LBB2_8-.Ltmp6, $4  }
.Ltmp7:
0xb6: {  	[tilespmem:$0x105E0] =	vst v1;
	v1 =	vshra.s32 v2, $0xD;
	(pc) =	sbr.rel @!p1 .LBB2_7-.Ltmp7, $4  }
0xb7: {  	[tilespmem:$0x103F0] =	vst v1;
	v1 =	vand.u32 $0x1FFF, v2  }
0xb8: {  	s10 =	simm.s32 $0x10080;
	s7 =	simm.s32 $0x10580;
	s8 =	simm.s32 $0x10500;
	[tilespmem:$0x105F0] =	vst v1  }
0xb9: {  	[tilespmem:s26], [sflag:$0x2] =	stream.indirect.gather [hbm4b:s1+s21], $0x80, s23, s21, $0xb8;
	[tilespmem:$0x18600] =	vst v63  }
0xba: {  	_ = 	snop  }
.LBB2_10:
0xbb: {  	_ =	sfence.sel $0x180000  }
0xbc: {  	[bflag:$0x0] =	sbarrier.arrive $0xFFFF  }
0xbd: {  	_ =	strace $0x9000004D  }
0xbe: {  	[bflag:$0x2] =	sbarrier.arrive $0xFFFF  }
0xbf: {  	s0 =	rddreg [dreg:$0x3]  }
0xc0: {  	s0 =	sadd.s32 @!p0 $0x100000, s0  }
0xc1: {  	[sflag:s0] =	ssyncadd.tile.s32 @!p0 $0x1;
	_ =	shalt  }
.Lfunc_end2:
_tile_overlayer_lowered:
.L_overlay_start_2:
0xc2: {  	(tag) =	ssettag $0x2  }
0xc3: {  	s0 =	rddreg [dreg:$0x0];
	s2 =	stileid.u32  }
0xc4: {  	s1 =	rddreg [dreg:$0x1];
	p0 =	sne.s32 s2, $0x0  }
0xc5: {  	s3 =	rddreg [dreg:$0x2];
	[bflag:$0x3] =	sbarrier.arrive $0xFFFF;
	s2 =	simm.s32 @!p0 $0x1C04  }
0xc6: {  	[timem:s3], [sflag:s2] =	dma.local @!p0 [hbm:s0], s1  }
0xc7: {  	s0 =	simm.s32 @!p0 $0x4  }
0xc8: {  	_ =	swait.ge @!p0 [sflag:s0], s1  }
0xc9: {  	s1 =	ssub.s32 @!p0 $0x0, s1;
	[sflag:s0] =	ssyncset.done @!p0 $0x0  }
0xca: {  	[sflag:s0] =	ssyncadd.s32 @!p0 s1  }
0xcb: {  	[bflag:$0x3] =	sbarrier.arrive $0xFFFF  }
0xcc: {  	_ =	shalt  }

// kernel: kernel.5.cloned.1.call-start
scs
__scs_entry_jumppad:
0x0: {  	(pc) =	sbr.rel $0x88, $3  }
0x1: {  	(tag) =	ssettag $0x0;
	lr =	simm.s32 $0x1  }
0x2: {  	[smem:$0x3F96] =	sst lr;
	_ =	strace $0xD0000000  }
0x3: {  	_ = 	snop  }
0x4: {  	_ = 	snop  }
0x5: {  	_ = 	snop  }
0x6: {  	_ = 	snop  }
0x7: {  	_ = 	snop  }
__scs_overlays_trampoline_lowered:
0x8: {  	[smem:$0x3FA5] =	sst s0  }
0x9: {  	[smem:$0x3FA6] =	sst s1  }
0xa: {  	[smem:$0x3FA7] =	sst s2  }
0xb: {  	[smem:$0x3FA8] =	sst s3  }
0xc: {  	[smem:$0x3FA9] =	sst s4  }
0xd: {  	[smem:$0x3FAA] =	sst s5  }
0xe: {  	[smem:$0x3FAB] =	sst s6  }
0xf: {  	[smem:$0x3FAC] =	sst s7  }
0x10: {  	[smem:$0x3FAD] =	sst s8  }
0x11: {  	[smem:$0x3FAE] =	sst s9;
	s0 =	simm.s32 @!p0 $0x0  }
0x12: {  	s1 =	sld [smem:$0x3F94];
	s0 =	simm.s32 @p0 $0x1  }
0x13: {  	[smem:$0x3FAF] =	sst s0;
	s0 =	simm.s32 @!p1 $0x0  }
0x14: {  	s2 =	sld [smem:$0x3F93];
	s0 =	simm.s32 @p1 $0x1  }
0x15: {  	[smem:$0x3FB0] =	sst s0;
	s0 =	simm.s32 @!p2 $0x0  }
0x16: {  	s3 =	sld [smem:$0x3FDB];
	s0 =	simm.s32 @p2 $0x1  }
0x17: {  	s4 =	simm.s32 $0x1BF5;
	[smem:$0x3FB2] =	sst s0  }
0x18: {  	s0 =	sld [smem:$0x3F95];
	_ =	swait.ge [sflag:s4], $0x0  }
0x19: {  	s7 =	sld [smem:$0x3F96]  }
0x1a: {  	s8 =	sadd.s32 $0xFFFFE003, lr  }
0x1b: {  	s9 =	sadd.s32 $0xFFFFFEF7, lr;
	s5 =	simm.s32 $0xFFFFFFFF;
	p2 =	slt.u32 s8, $0xFFFFF086  }
0x1c: {  	p1 =	slt.u32 s9, $0xF7A;
	s5 =	simm.s32 @!p2 $0x0  }
0x1d: {  	s5 =	simm.s32 @p1 $0x1;
	p0 =	seq.s32 s7, s2  }
0x1e: {  	s7 =	smul.u32 @!p0 $0xF7A, s2;
	p2 =	seq.s32 @!p0 s5, $0x0  }
0x1f: {  	s9 =	smul.u32 $0xF7A, s1;
	s8 =	simm.s32 @!p0 $0x1BF5;
	p2 =	por !p2, p0  }
0x20: {  	[sflag:s8] =	ssyncset.s32 @!p0 $0xFFFFF086;
	s6 =	sadd.s32 @!p0 s3, s7;
	s7 =	simm.s32 @!p0 $0x108  }
0x21: {  	s3 =	sadd.s32 s3, s9;
	s6 =	sadd.s32 @!p0 $0x88, s6;
	s7 =	simm.s32 @p2 $0x1082  }
0x22: {  	[simem:s7], [sflag:s8] =	dma.local @!p0 [hbm:s6], $0xF7A  }
0x23: {  	s9 =	sor.u32 $0xD0000000, s2;
	s6 =	simm.s32 $0x108;
	_ =	swait.ge @!p0 [sflag:s8], $0x0  }
0x24: {  	s3 =	sadd.s32 $0x88, s3;
	s6 =	simm.s32 @!p1 $0x1082;
	[sflag:s4] =	ssyncset.s32 $0xFFFFF086  }
0x25: {  	[simem:s6], [sflag:s4] =	dma.local [hbm:s3], $0xF7A  }
0x26: {  	[smem:$0x3F96] =	sst s1;
	(tag) =	ssettag s2;
	_ =	strace s9  }
0x27: {  	s1 =	sld [smem:$0x3FA6]  }
0x28: {  	s2 =	sld [smem:$0x3FA7]  }
0x29: {  	s4 =	sld [smem:$0x3FA9]  }
0x2a: {  	p0 =	seq.s32 s5, $0x0;
	s5 =	sld [smem:$0x3FAA]  }
0x2b: {  	s6 =	sld [smem:$0x3FAB]  }
0x2c: {  	s7 =	sld [smem:$0x3FAC]  }
0x2d: {  	s3 =	simm.s32 $0x108;
	s8 =	sld [smem:$0x3FAD]  }
0x2e: {  	s3 =	simm.s32 @!p0 $0x1082;
	s9 =	sld [smem:$0x3FAE]  }
0x2f: {  	lr =	sadd.s32 s0, s3;
	s0 =	sld [smem:$0x3FA5]  }
0x30: {  	s3 =	sld [smem:$0x3FA8]  }
0x31: {  	[smem:$0x3FB1] =	sst s10  }
0x32: {  	s10 =	sld [smem:$0x3FAF];
	_ =	sdelay $0x3  }
0x33: {  	p0 =	seq.s32 s10, $0x1;
	s10 =	sld [smem:$0x3FB1];
	_ =	sdelay $0x3  }
0x34: {  	[smem:$0x3FB1] =	sst s10  }
0x35: {  	s10 =	sld [smem:$0x3FB0];
	_ =	sdelay $0x3  }
0x36: {  	p1 =	seq.s32 s10, $0x1;
	s10 =	sld [smem:$0x3FB1];
	_ =	sdelay $0x3  }
0x37: {  	[smem:$0x3FB1] =	sst s10  }
0x38: {  	s10 =	sld [smem:$0x3FB2]  }
0x39: {  	_ = 	snop;
	(pc) =	sbr.ind lr, $3  }
0x3a: {  	_ = 	snop  }
0x3b: {  	_ = 	snop  }
0x3c: {  	p2 =	seq.s32 s10, $0x1;
	s10 =	sld [smem:$0x3FB1]  }
0x3d: {  	_ =	shalt  }
0x3e: {  	_ =	shalt  }
0x3f: {  	_ =	shalt  }
0x40: {  	_ =	shalt  }
0x41: {  	_ =	shalt  }
0x42: {  	_ =	shalt  }
0x43: {  	_ =	shalt  }
0x44: {  	_ =	shalt  }
0x45: {  	_ =	shalt  }
0x46: {  	_ =	shalt  }
0x47: {  	_ =	shalt  }
0x48: {  	_ =	shalt  }
0x49: {  	_ =	shalt  }
0x4a: {  	_ =	shalt  }
0x4b: {  	_ =	shalt  }
0x4c: {  	_ =	shalt  }
0x4d: {  	_ =	shalt  }
0x4e: {  	_ =	shalt  }
0x4f: {  	_ =	shalt  }
0x50: {  	_ =	shalt  }
0x51: {  	_ =	shalt  }
0x52: {  	_ =	shalt  }
0x53: {  	_ =	shalt  }
0x54: {  	_ =	shalt  }
0x55: {  	_ =	shalt  }
0x56: {  	_ =	shalt  }
0x57: {  	_ =	shalt  }
0x58: {  	_ =	shalt  }
0x59: {  	_ =	shalt  }
0x5a: {  	_ =	shalt  }
0x5b: {  	_ =	shalt  }
0x5c: {  	_ =	shalt  }
0x5d: {  	_ =	shalt  }
0x5e: {  	_ =	shalt  }
0x5f: {  	_ =	shalt  }
0x60: {  	_ =	shalt  }
0x61: {  	_ =	shalt  }
0x62: {  	_ =	shalt  }
0x63: {  	_ =	shalt  }
0x64: {  	_ =	shalt  }
0x65: {  	_ =	shalt  }
0x66: {  	_ =	shalt  }
0x67: {  	_ =	shalt  }
0x68: {  	_ =	shalt  }
0x69: {  	_ =	shalt  }
0x6a: {  	_ =	shalt  }
0x6b: {  	_ =	shalt  }
0x6c: {  	_ =	shalt  }
0x6d: {  	_ =	shalt  }
0x6e: {  	_ =	shalt  }
0x6f: {  	_ =	shalt  }
0x70: {  	_ =	shalt  }
0x71: {  	_ =	shalt  }
0x72: {  	_ =	shalt  }
0x73: {  	_ =	shalt  }
0x74: {  	_ =	shalt  }
0x75: {  	_ =	shalt  }
0x76: {  	_ =	shalt  }
0x77: {  	_ =	shalt  }
0x78: {  	_ =	shalt  }
0x79: {  	_ =	shalt  }
0x7a: {  	_ =	shalt  }
0x7b: {  	_ =	shalt  }
0x7c: {  	_ =	shalt  }
0x7d: {  	_ =	shalt  }
0x7e: {  	_ =	shalt  }
0x7f: {  	_ =	shalt  }
0x80: {  	_ =	shalt  }
0x81: {  	_ =	shalt  }
0x82: {  	_ =	shalt  }
0x83: {  	_ =	shalt  }
0x84: {  	_ =	shalt  }
0x85: {  	_ =	shalt  }
0x86: {  	_ =	shalt  }
0x87: {  	_ =	shalt  }
.Lfunc_end0:
.L_simem_size_0:
called_computation.1_lowered:
.L_overlay_start_0:
0x88: {  	s2 =	sld [smem:$0x3FD9]  }
0x89: {  	s3 =	sld [smem:$0x3FFE];
	_ =	sdelay $0x1  }
0x8a: {  	s1 =	srdreg.scid  }
0x8b: {  	s0 =	sand.u32 $0x1, s1  }
0x8c: {  	s17 =	sshll.u32 s0, $0xA;
	s2 =	sadd.s32 s3, s2  }
0x8d: {  	s2 =	sadd.s32 s2, s17  }
0x8e: {  	[smem:$0x3FBD] =	sst s2  }
0x8f: {  	_ = 	snop  }
0x90: {  	s2 =	sld [smem:$0x3FD0];
	(tm) =	ssettm $0x1  }
0x91: {  	s18 =	sld [smem:$0x3FFB];
	_ =	sdelay $0x3  }
0x92: {  	_ =	strace s18  }
0x93: {  	s3 =	sld [smem:$0x3FFC];
	_ =	sdelay $0x3  }
0x94: {  	_ =	strace s3  }
0x95: {  	s3 =	sld [smem:$0x3FFD];
	_ =	sdelay $0x3  }
0x96: {  	_ =	strace s3  }
0x97: {  	_ =	strace $0x8FFFFFFF  }
0x98: {  	s19 =	sld [smem:$0x3FDB];
	_ =	sdelay $0x1  }
0x99: {  	s4 =	simm.s32 $_scs_section_size  }
0x9a: {  	s5 =	simm.s32 $_size__tile_overlayer_lowered;
	s6 =	simm.s32 $_tile_overlayer_lowered  }
0x9b: {  	s22 =	simm.s32 $0x1BFF;
	s21 =	sshll.u32 s6, $0x1;
	s3 =	sadd.s32 s4, s19  }
0x9c: {  	s7 =	simm.s32 $0x0;
	s20 =	sshll.u32 s5, $0x1;
	s5 =	sadd.s32 s21, s3  }
0x9d: {  	[timem:s7], [sflag:s22] =	dma.local [hbm:s5], s20  }
0x9e: {  	_ =	swait.ge [sflag:s22], s20  }
0x9f: {  	s4 =	ssub.s32 $0x0, s20;
	[sflag:s22] =	ssyncset.done $0x0  }
0xa0: {  	[sflag:s22] =	ssyncadd.s32 s4;
	_ =	sdelay $0x1  }
0xa1: {  	s23 =	simm.s32 $0x1B8B  }
0xa2: {  	_ =	swait.ge [sflag:s23], $0x1  }
0xa3: {  	[sflag:s23] =	ssyncset.done $0x0  }
0xa4: {  	s25 =	simm.s32 $0x1B8E;
	s24 =	sld [smem:$0x3FFE];
	[sflag:s23] =	ssyncadd.s32 $0xFFFFFFFF  }
0xa5: {  	s26 =	simm.s32 $execute0_lowered;
	[smem:$0x3FD2] =	sst s25  }
0xa6: {  	s5 =	sshll.u32 s26, $0x1;
	_ =	strace $0x80000046;
	[dreg:$0x1] =	wrdreg $0xFFFFFFFF  }
0xa7: {  	s28 =	simm.s32 $_size_execute0_lowered;
	s3 =	sadd.s32 s3, s5;
	[dreg:$0x0] =	wrdreg $0x0  }
0xa8: {  	s5 =	sshll.u32 s28, $0x1;
	[dreg:$0x2] =	wrdreg s3  }
0xa9: {  	[dreg:$0x3] =	wrdreg s5  }
0xaa: {  	[dreg:$0x4] =	wrdreg $0xC0  }
0xab: {  	_ =	task [dreg:s7], $0x5FFFF  }
0xac: {  	[dreg:$0x1] =	wrdreg $0xFFFFFFFF  }
0xad: {  	[dreg:$0x0] =	wrdreg $0x60  }
0xae: {  	[dreg:$0x2] =	wrdreg s2  }
0xaf: {  	[dreg:$0x3] =	wrdreg s24  }
0xb0: {  	[dreg:$0x4] =	wrdreg $0x0  }
0xb1: {  	[dreg:$0x5] =	wrdreg $0x9  }
0xb2: {  	_ =	task.clear_ibuf [dreg:s7], $0x6FFFF;
	_ =	strace $0x90000046  }
0xb3: {  	s29 =	simm.s32 $0x9;
	_ =	strace $0x80000048  }
0xb4: {  	_ =	swait.ge [sflag:s29], $0x1  }
0xb5: {  	[sflag:s29] =	ssyncadd.s32 $0xFFFFFFFF  }
0xb6: {  	_ =	strace $0x90000048  }
0xb7: {  	_ =	sfence  }
0xb8: {  	s30 =	sld [smem:$0x0];
	_ =	sdelay $0x2  }
0xb9: {  	s31 =	sshll.u32 s1, $0xD;
	s1 =	sshrl.u32 s1, $0x2  }
0xba: {  	s3 =	sand.u32 $0x4000, s31;
	s1 =	sadd.s32 s1, s30  }
0xbb: {  	s0 =	sor.u32 s3, s0;
	s1 =	sshll.u32 s1, $0x11  }
0xbc: {  	s0 =	sor.u32 s1, s0  }
0xbd: {  	s0 =	sadd.s32 $0x8F2B, s0  }
0xbe: {  	[sflag:s0] =	ssyncadd.remote.s32 $0x1  }
0xbf: {  	_ =	sfence.sel $0xFFFF  }
0xc0: {  	[dreg:$0x0] =	wrdreg $0xFFFFFFFF;
	(pc) =	sbr.abs _section_cstart, $3  }
0xc1: {  	[dreg:$0x1] =	wrdreg $0xFFFFFFFF  }
0xc2: {  	_ =	task.clear_ibuf [dreg:s7], $0x2FFFF;
	_ =	strace $0x9FFFFFFF  }
0xc3: {  	(tm) =	ssettm $0x7FFFFFFF  }
tec
execute0_lowered:
.L_overlay_start_1:
0x0: {  	(tag) =	ssettag $0x1  }
0x1: {  	s1 =	rddreg [dreg:$0x0]  }
0x2: {  	s12 =	rddreg [dreg:$0x1]  }
0x3: {  	s2 =	rddreg [dreg:$0x2]  }
0x4: {  	s4 =	srdreg.scid;
	s0 =	rddreg [dreg:$0x3];
	s3 =	simm.s32 $0x0  }
0x5: {  	s15 =	stileid.u32;
	s16 =	simm.s32 $0x1;
	s17 =	simm.s32 $0x80  }
0x6: {  	s18 =	simm.s32 $0x380;
	s19 =	simm.s32 $0x300;
	s9 =	sand.u32 $0x1, s4  }
0x7: {  	[smem:$0x7FF] =	sst s3;
	s4 =	sadd.s32 $0xCE00, s12;
	s7 =	sadd.s32 $0x1800, s2  }
0x8: {  	s8 =	sadd.s32 $0x2000, s2;
	s10 =	sadd.s32 $0xD000, s12;
	s11 =	sadd.s32 $0xD100, s12  }
0x9: {  	s14 =	smul.u32 $0xA00, s15;
	p0 =	sne.s32 s15, $0x0;
	s5 =	ssub.s32 $0x2, s9  }
0xa: {  	_ =	strace $0x80000047;
	s20 =	sor.u32 s9, s15;
	s9 =	sadd.s32 $0xCF00, s12  }
0xb: {  	s12 =	sadd.s32 $0xD200, s12;
	s15 =	simm.s32 $0x280;
	s6 =	sshrl.u32 s5, $0x1  }
0xc: {  	p1 =	sne.s32 s20, $0x0;
	s20 =	simm.s32 $0x0;
	s13 =	ssub.s32 s5, s6  }
0xd: {  	v0 =	vimm.f32 $0.0e+00;
	v1 =	vimm.f32 $1.000000000e+00;
	s5 =	sadd.s32 $0x800, s2;
	s6 =	sadd.s32 $0x1000, s2;
	s13 =	smax.u32 s13, $0x1  }
.LBB2_1:
0xe: {  	s21 =	simm.s32 $0x40;
	s22 =	simm.s32 $0x0  }
.LBB2_2:
0xf: {  	p2 =	sne.s32 s21, $0x1FC0;
	[tilespmem:s22+$0x400] =	vst v0;
	s22 =	smov.u32 s21;
	s21 =	sadd.s32 $0x40, s21  }
.Ltmp0:
0x10: {  	(pc) =	sbr.rel @p2 .LBB2_2-.Ltmp0, $2  }
0x11: {  	_ =	sdelay $0x2  }
0x12: {  	s22 =	sshra.s32 s22, $0x2  }
0x13: {  	[tilespmem:s22+$0x400] =	vst v0;
	s21 =	simm.s32 @!p0 $0x400;
	s22 =	simm.s32 @!p0 $0x1  }
0x14: {  	[spmem:s2] =	stream.linear.scatter @!p0 [tilespmem:s21], [sflag:$0x1], $0x800, $0x38;
	[tilespmem:$0xC00] =	vst v63  }
0x15: {  	_ =	swait.ge @!p0 [sflag:s22], $0x800  }
0x16: {  	[sflag:s22] =	ssyncset.done @!p0 $0x0  }
0x17: {  	[sflag:s22] =	ssyncadd.s32 @!p0 $0xFFFFF800  }
0x18: {  	[spmem:s5] =	stream.linear.scatter @!p0 [tilespmem:s21], [sflag:$0x1], $0x800, $0x38;
	[tilespmem:$0xC00] =	vst v63  }
0x19: {  	_ =	swait.ge @!p0 [sflag:s22], $0x800  }
0x1a: {  	[sflag:s22] =	ssyncset.done @!p0 $0x0  }
0x1b: {  	[sflag:s22] =	ssyncadd.s32 @!p0 $0xFFFFF800  }
0x1c: {  	[spmem:s6] =	stream.linear.scatter @!p0 [tilespmem:s21], [sflag:$0x1], $0x800, $0x38;
	[tilespmem:$0xC00] =	vst v63  }
0x1d: {  	_ =	swait.ge @!p0 [sflag:s22], $0x800  }
0x1e: {  	[sflag:s22] =	ssyncset.done @!p0 $0x0  }
0x1f: {  	[sflag:s22] =	ssyncadd.s32 @!p0 $0xFFFFF800  }
0x20: {  	[spmem:s7] =	stream.linear.scatter @!p0 [tilespmem:s21], [sflag:$0x1], $0x800, $0x38;
	[tilespmem:$0xC00] =	vst v63  }
0x21: {  	_ =	swait.ge @!p0 [sflag:s22], $0x800  }
0x22: {  	[sflag:s22] =	ssyncset.done @!p0 $0x0  }
0x23: {  	[sflag:s22] =	ssyncadd.s32 @!p0 $0xFFFFF800  }
0x24: {  	[spmem:s8] =	stream.linear.scatter @!p0 [tilespmem:s21], [sflag:$0x1], $0x800, $0x38;
	[tilespmem:$0xC00] =	vst v63  }
0x25: {  	_ =	swait.ge @!p0 [sflag:s22], $0x800  }
0x26: {  	[sflag:s22] =	ssyncset.done @!p0 $0x0  }
0x27: {  	[sflag:s22] =	ssyncadd.s32 @!p0 $0xFFFFF800  }
0x28: {  	[tilespmem:$0x380] =	vst v1  }
0x29: {  	[tilespmem:$0x390] =	vst v1  }
0x2a: {  	[tilespmem:$0x3A0] =	vst v1  }
0x2b: {  	[tilespmem:$0x3B0] =	vst v1  }
0x2c: {  	[tilespmem:$0x3C0] =	vst v1  }
0x2d: {  	s29 =	simm.s32 $0x0;
	[tilespmem:$0x3D0] =	vst v1  }
0x2e: {  	s30 =	sadd.s32 $0x0, s14;
	s21 =	sand.u32 $0x60, s29;
	[tilespmem:$0x3E0] =	vst v1  }
0x2f: {  	s21 =	sadd.s32 s1, s21;
	s22 =	sand.u32 $0x1FF80, s30;
	[tilespmem:$0x3F0] =	vst v1  }
0x30: {  	s21 =	sadd.s32 s22, s21;
	[bflag:$0x0] =	sbarrier.arrive $0xFFFF  }
0x31: {  	[tilespmem:s15], [sflag:$0x1] =	stream.linear.gather [hbm4b:s21+s3], $0x100, $0x38;
	[tilespmem:$0xC00] =	vst v63  }
0x32: {  	_ =	swait.ge [sflag:s16], $0x100  }
0x33: {  	[sflag:s16] =	ssyncset.done $0x0  }
0x34: {  	[sflag:s16] =	ssyncadd.s32 $0xFFFFFF00  }
0x35: {  	[spmem:s2] =	stream.indirect.scatter.add.f32 [tilespmem:s18], [sflag:$0x1], $0x1, s15, s17, $0xb8;
	[tilespmem:$0xC00] =	vst v63  }
0x36: {  	_ =	swait.ge [sflag:s16], $0x80  }
0x37: {  	[sflag:s16] =	ssyncset.done $0x0  }
0x38: {  	s31 =	simm.s32 $0x20;
	s23 =	sadd.s32 $0x20, s14;
	[sflag:s16] =	ssyncadd.s32 $0xFFFFFF80  }
0x39: {  	[spmem:s2] =	stream.indirect.scatter.add.f32 [tilespmem:s18], [sflag:$0x1], $0x1, s19, s17, $0xb8;
	[tilespmem:$0xC00] =	vst v63  }
0x3a: {  	s24 =	sand.u32 $0x60, s31;
	s22 =	sand.u32 $0x1FF80, s23;
	_ =	swait.ge [sflag:s16], $0x80  }
0x3b: {  	s23 =	sadd.s32 s1, s24;
	s21 =	simm.s32 $0x40;
	[sflag:s16] =	ssyncset.done $0x0  }
.LBB2_4:
0x3c: {  	s22 =	sadd.s32 s22, s23  }
0x3d: {  	[sflag:s16] =	ssyncadd.s32 $0xFFFFFF80;
	s23 =	smov.u32 s21;
	s24 =	sadd.s32 $0x20, s21  }
0x3e: {  	[tilespmem:s15], [sflag:$0x1] =	stream.linear.gather [hbm4b:s22+s3], $0x100, $0x38;
	[tilespmem:$0xC00] =	vst v63  }
0x3f: {  	p2 =	sne.s32 s21, $0x9E0;
	_ =	swait.ge [sflag:s16], $0x100  }
0x40: {  	[sflag:s16] =	ssyncset.done $0x0  }
0x41: {  	[sflag:s16] =	ssyncadd.s32 $0xFFFFFF00  }
0x42: {  	[spmem:s2] =	stream.indirect.scatter.add.f32 [tilespmem:s18], [sflag:$0x1], $0x1, s15, s17, $0xb8;
	[tilespmem:$0xC00] =	vst v63  }
0x43: {  	_ =	swait.ge [sflag:s16], $0x80  }
.Ltmp1:
0x44: {  	[sflag:s16] =	ssyncset.done $0x0;
	(pc) =	sbr.rel @p2 .LBB2_4-.Ltmp1, $4  }
0x45: {  	s21 =	sadd.s32 s23, s14;
	[sflag:s16] =	ssyncadd.s32 $0xFFFFFF80  }
0x46: {  	[spmem:s2] =	stream.indirect.scatter.add.f32 [tilespmem:s18], [sflag:$0x1], $0x1, s19, s17, $0xb8;
	[tilespmem:$0xC00] =	vst v63  }
0x47: {  	s23 =	sand.u32 $0x60, s23;
	s22 =	sand.u32 $0x1FF80, s21;
	_ =	swait.ge [sflag:s16], $0x80  }
0x48: {  	s23 =	sadd.s32 s1, s23;
	s21 =	smov.u32 s24;
	[sflag:s16] =	ssyncset.done $0x0  }
0x49: {  	s21 =	sadd.s32 s22, s23;
	[sflag:s16] =	ssyncadd.s32 $0xFFFFFF80  }
0x4a: {  	[tilespmem:s15], [sflag:$0x1] =	stream.linear.gather [hbm4b:s21+s3], $0x100, $0x38;
	[tilespmem:$0xC00] =	vst v63  }
0x4b: {  	_ =	swait.ge [sflag:s16], $0x100  }
0x4c: {  	[sflag:s16] =	ssyncset.done $0x0  }
0x4d: {  	[sflag:s16] =	ssyncadd.s32 $0xFFFFFF00  }
0x4e: {  	[spmem:s2] =	stream.indirect.scatter.add.f32 [tilespmem:s18], [sflag:$0x1], $0x1, s15, s17, $0xb8;
	[tilespmem:$0xC00] =	vst v63  }
0x4f: {  	_ =	swait.ge [sflag:s16], $0x80  }
0x50: {  	[sflag:s16] =	ssyncset.done $0x0  }
0x51: {  	[sflag:s16] =	ssyncadd.s32 $0xFFFFFF80  }
0x52: {  	[spmem:s2] =	stream.indirect.scatter.add.f32 [tilespmem:s18], [sflag:$0x1], $0x1, s19, s17, $0xb8;
	[tilespmem:$0xC00] =	vst v63  }
0x53: {  	_ =	swait.ge [sflag:s16], $0x80  }
0x54: {  	[sflag:s16] =	ssyncset.done $0x0  }
0x55: {  	[sflag:s16] =	ssyncadd.s32 $0xFFFFFF80  }
0x56: {  	s22 =	simm.s32 @!p1 $0x1;
	s21 =	simm.s32 @!p1 $0x400;
	[bflag:$0x0] =	sbarrier.arrive $0xFFFF  }
0x57: {  	[tilespmem:s21], [sflag:$0x1] =	stream.linear.gather @!p1 [spmem:s2], $0x800, $0x38;
	[tilespmem:$0xC00] =	vst v63  }
0x58: {  	_ =	swait.ge @!p1 [sflag:s22], $0x800  }
0x59: {  	[sflag:s22] =	ssyncset.done @!p1 $0x0  }
0x5a: {  	s23 =	simm.s32 @!p1 $0x0;
	[sflag:s22] =	ssyncadd.s32 @!p1 $0xFFFFF800  }
0x5b: {  	[hbm4b:s4+s23] =	stream.linear.scatter @!p1 [tilespmem:s21], [sflag:$0x1], $0x800, $0x38;
	[tilespmem:$0xC00] =	vst v63  }
0x5c: {  	_ =	swait.ge @!p1 [sflag:s22], $0x800  }
0x5d: {  	[sflag:s22] =	ssyncset.done @!p1 $0x0  }
0x5e: {  	[sflag:s22] =	ssyncadd.s32 @!p1 $0xFFFFF800  }
0x5f: {  	[tilespmem:s21], [sflag:$0x1] =	stream.linear.gather @!p1 [spmem:s5], $0x800, $0x38;
	[tilespmem:$0xC00] =	vst v63  }
0x60: {  	_ =	swait.ge @!p1 [sflag:s22], $0x800  }
0x61: {  	[sflag:s22] =	ssyncset.done @!p1 $0x0  }
0x62: {  	[sflag:s22] =	ssyncadd.s32 @!p1 $0xFFFFF800  }
0x63: {  	[hbm4b:s9+s23] =	stream.linear.scatter @!p1 [tilespmem:s21], [sflag:$0x1], $0x800, $0x38;
	[tilespmem:$0xC00] =	vst v63  }
0x64: {  	_ =	swait.ge @!p1 [sflag:s22], $0x800  }
0x65: {  	[sflag:s22] =	ssyncset.done @!p1 $0x0  }
0x66: {  	[sflag:s22] =	ssyncadd.s32 @!p1 $0xFFFFF800  }
0x67: {  	[tilespmem:s21], [sflag:$0x1] =	stream.linear.gather @!p1 [spmem:s6], $0x800, $0x38;
	[tilespmem:$0xC00] =	vst v63  }
0x68: {  	_ =	swait.ge @!p1 [sflag:s22], $0x800  }
0x69: {  	[sflag:s22] =	ssyncset.done @!p1 $0x0  }
0x6a: {  	[sflag:s22] =	ssyncadd.s32 @!p1 $0xFFFFF800  }
0x6b: {  	[hbm4b:s10+s23] =	stream.linear.scatter @!p1 [tilespmem:s21], [sflag:$0x1], $0x800, $0x38;
	[tilespmem:$0xC00] =	vst v63  }
0x6c: {  	_ =	swait.ge @!p1 [sflag:s22], $0x800  }
0x6d: {  	[sflag:s22] =	ssyncset.done @!p1 $0x0  }
0x6e: {  	[sflag:s22] =	ssyncadd.s32 @!p1 $0xFFFFF800  }
0x6f: {  	[tilespmem:s21], [sflag:$0x1] =	stream.linear.gather @!p1 [spmem:s7], $0x800, $0x38;
	[tilespmem:$0xC00] =	vst v63  }
0x70: {  	_ =	swait.ge @!p1 [sflag:s22], $0x800  }
0x71: {  	[sflag:s22] =	ssyncset.done @!p1 $0x0  }
0x72: {  	[sflag:s22] =	ssyncadd.s32 @!p1 $0xFFFFF800  }
0x73: {  	[hbm4b:s11+s23] =	stream.linear.scatter @!p1 [tilespmem:s21], [sflag:$0x1], $0x800, $0x38;
	[tilespmem:$0xC00] =	vst v63  }
0x74: {  	_ =	swait.ge @!p1 [sflag:s22], $0x800  }
0x75: {  	[sflag:s22] =	ssyncset.done @!p1 $0x0  }
0x76: {  	[sflag:s22] =	ssyncadd.s32 @!p1 $0xFFFFF800  }
0x77: {  	[tilespmem:s21], [sflag:$0x1] =	stream.linear.gather @!p1 [spmem:s8], $0x800, $0x38;
	[tilespmem:$0xC00] =	vst v63  }
0x78: {  	s20 =	sadd.s32 $0x1, s20;
	_ =	swait.ge @!p1 [sflag:s22], $0x800  }
0x79: {  	p2 =	sne.s32 s20, s13;
	[sflag:s22] =	ssyncset.done @!p1 $0x0  }
.Ltmp2:
0x7a: {  	[sflag:s22] =	ssyncadd.s32 @!p1 $0xFFFFF800;
	(pc) =	sbr.rel @p2 .LBB2_1-.Ltmp2, $4  }
0x7b: {  	[hbm4b:s12+s23] =	stream.linear.scatter @!p1 [tilespmem:s21], [sflag:$0x1], $0x800, $0x38;
	[tilespmem:$0xC00] =	vst v63  }
0x7c: {  	_ =	swait.ge @!p1 [sflag:s22], $0x800  }
0x7d: {  	[sflag:s22] =	ssyncset.done @!p1 $0x0  }
0x7e: {  	[sflag:s22] =	ssyncadd.s32 @!p1 $0xFFFFF800  }
0x7f: {  	_ =	sfence.sel $0x180000  }
0x80: {  	[bflag:$0x0] =	sbarrier.arrive $0xFFFF  }
0x81: {  	_ =	strace $0x90000047  }
0x82: {  	s0 =	sadd.s32 @!p0 $0x100000, s0;
	[bflag:$0x2] =	sbarrier.arrive $0xFFFF  }
0x83: {  	[sflag:s0] =	ssyncadd.tile.s32 @!p0 $0x1;
	_ =	shalt  }
.Lfunc_end2:
_tile_overlayer_lowered:
.L_overlay_start_2:
0x84: {  	(tag) =	ssettag $0x2  }
0x85: {  	s0 =	rddreg [dreg:$0x0];
	s2 =	stileid.u32  }
0x86: {  	s1 =	rddreg [dreg:$0x1];
	p0 =	sne.s32 s2, $0x0  }
0x87: {  	s3 =	rddreg [dreg:$0x2];
	[bflag:$0x3] =	sbarrier.arrive $0xFFFF;
	s2 =	simm.s32 @!p0 $0x1C01  }
0x88: {  	[timem:s3], [sflag:s2] =	dma.local @!p0 [hbm:s0], s1  }
0x89: {  	s0 =	simm.s32 @!p0 $0x1  }
0x8a: {  	_ =	swait.ge @!p0 [sflag:s0], s1  }
0x8b: {  	s1 =	ssub.s32 @!p0 $0x0, s1;
	[sflag:s0] =	ssyncset.done @!p0 $0x0  }
0x8c: {  	[sflag:s0] =	ssyncadd.s32 @!p0 s1  }
0x8d: {  	[bflag:$0x3] =	sbarrier.arrive $0xFFFF  }
0x8e: {  	_ =	shalt  }

// kernel: kernel.8.cloned.1.call-start
scs
__scs_entry_jumppad:
0x0: {  	(pc) =	sbr.rel $0x88, $3  }
0x1: {  	(tag) =	ssettag $0x0;
	lr =	simm.s32 $0x1  }
0x2: {  	[smem:$0x3F96] =	sst lr;
	_ =	strace $0xD0000000  }
0x3: {  	_ = 	snop  }
0x4: {  	_ = 	snop  }
0x5: {  	_ = 	snop  }
0x6: {  	_ = 	snop  }
0x7: {  	_ = 	snop  }
__scs_overlays_trampoline_lowered:
0x8: {  	[smem:$0x3FA5] =	sst s0  }
0x9: {  	[smem:$0x3FA6] =	sst s1  }
0xa: {  	[smem:$0x3FA7] =	sst s2  }
0xb: {  	[smem:$0x3FA8] =	sst s3  }
0xc: {  	[smem:$0x3FA9] =	sst s4  }
0xd: {  	[smem:$0x3FAA] =	sst s5  }
0xe: {  	[smem:$0x3FAB] =	sst s6  }
0xf: {  	[smem:$0x3FAC] =	sst s7  }
0x10: {  	[smem:$0x3FAD] =	sst s8  }
0x11: {  	[smem:$0x3FAE] =	sst s9;
	s0 =	simm.s32 @!p0 $0x0  }
0x12: {  	s1 =	sld [smem:$0x3F94];
	s0 =	simm.s32 @p0 $0x1  }
0x13: {  	[smem:$0x3FAF] =	sst s0;
	s0 =	simm.s32 @!p1 $0x0  }
0x14: {  	s2 =	sld [smem:$0x3F93];
	s0 =	simm.s32 @p1 $0x1  }
0x15: {  	[smem:$0x3FB0] =	sst s0;
	s0 =	simm.s32 @!p2 $0x0  }
0x16: {  	s3 =	sld [smem:$0x3FDB];
	s0 =	simm.s32 @p2 $0x1  }
0x17: {  	s4 =	simm.s32 $0x1BF5;
	[smem:$0x3FB2] =	sst s0  }
0x18: {  	s0 =	sld [smem:$0x3F95];
	_ =	swait.ge [sflag:s4], $0x0  }
0x19: {  	s7 =	sld [smem:$0x3F96]  }
0x1a: {  	s8 =	sadd.s32 $0xFFFFE003, lr  }
0x1b: {  	s9 =	sadd.s32 $0xFFFFFEF7, lr;
	s5 =	simm.s32 $0xFFFFFFFF;
	p2 =	slt.u32 s8, $0xFFFFF086  }
0x1c: {  	p1 =	slt.u32 s9, $0xF7A;
	s5 =	simm.s32 @!p2 $0x0  }
0x1d: {  	s5 =	simm.s32 @p1 $0x1;
	p0 =	seq.s32 s7, s2  }
0x1e: {  	s7 =	smul.u32 @!p0 $0xF7A, s2;
	p2 =	seq.s32 @!p0 s5, $0x0  }
0x1f: {  	s9 =	smul.u32 $0xF7A, s1;
	s8 =	simm.s32 @!p0 $0x1BF5;
	p2 =	por !p2, p0  }
0x20: {  	[sflag:s8] =	ssyncset.s32 @!p0 $0xFFFFF086;
	s6 =	sadd.s32 @!p0 s3, s7;
	s7 =	simm.s32 @!p0 $0x108  }
0x21: {  	s3 =	sadd.s32 s3, s9;
	s6 =	sadd.s32 @!p0 $0x88, s6;
	s7 =	simm.s32 @p2 $0x1082  }
0x22: {  	[simem:s7], [sflag:s8] =	dma.local @!p0 [hbm:s6], $0xF7A  }
0x23: {  	s9 =	sor.u32 $0xD0000000, s2;
	s6 =	simm.s32 $0x108;
	_ =	swait.ge @!p0 [sflag:s8], $0x0  }
0x24: {  	s3 =	sadd.s32 $0x88, s3;
	s6 =	simm.s32 @!p1 $0x1082;
	[sflag:s4] =	ssyncset.s32 $0xFFFFF086  }
0x25: {  	[simem:s6], [sflag:s4] =	dma.local [hbm:s3], $0xF7A  }
0x26: {  	[smem:$0x3F96] =	sst s1;
	(tag) =	ssettag s2;
	_ =	strace s9  }
0x27: {  	s1 =	sld [smem:$0x3FA6]  }
0x28: {  	s2 =	sld [smem:$0x3FA7]  }
0x29: {  	s4 =	sld [smem:$0x3FA9]  }
0x2a: {  	p0 =	seq.s32 s5, $0x0;
	s5 =	sld [smem:$0x3FAA]  }
0x2b: {  	s6 =	sld [smem:$0x3FAB]  }
0x2c: {  	s7 =	sld [smem:$0x3FAC]  }
0x2d: {  	s3 =	simm.s32 $0x108;
	s8 =	sld [smem:$0x3FAD]  }
0x2e: {  	s3 =	simm.s32 @!p0 $0x1082;
	s9 =	sld [smem:$0x3FAE]  }
0x2f: {  	lr =	sadd.s32 s0, s3;
	s0 =	sld [smem:$0x3FA5]  }
0x30: {  	s3 =	sld [smem:$0x3FA8]  }
0x31: {  	[smem:$0x3FB1] =	sst s10  }
0x32: {  	s10 =	sld [smem:$0x3FAF];
	_ =	sdelay $0x3  }
0x33: {  	p0 =	seq.s32 s10, $0x1;
	s10 =	sld [smem:$0x3FB1];
	_ =	sdelay $0x3  }
0x34: {  	[smem:$0x3FB1] =	sst s10  }
0x35: {  	s10 =	sld [smem:$0x3FB0];
	_ =	sdelay $0x3  }
0x36: {  	p1 =	seq.s32 s10, $0x1;
	s10 =	sld [smem:$0x3FB1];
	_ =	sdelay $0x3  }
0x37: {  	[smem:$0x3FB1] =	sst s10  }
0x38: {  	s10 =	sld [smem:$0x3FB2]  }
0x39: {  	_ = 	snop;
	(pc) =	sbr.ind lr, $3  }
0x3a: {  	_ = 	snop  }
0x3b: {  	_ = 	snop  }
0x3c: {  	p2 =	seq.s32 s10, $0x1;
	s10 =	sld [smem:$0x3FB1]  }
0x3d: {  	_ =	shalt  }
0x3e: {  	_ =	shalt  }
0x3f: {  	_ =	shalt  }
0x40: {  	_ =	shalt  }
0x41: {  	_ =	shalt  }
0x42: {  	_ =	shalt  }
0x43: {  	_ =	shalt  }
0x44: {  	_ =	shalt  }
0x45: {  	_ =	shalt  }
0x46: {  	_ =	shalt  }
0x47: {  	_ =	shalt  }
0x48: {  	_ =	shalt  }
0x49: {  	_ =	shalt  }
0x4a: {  	_ =	shalt  }
0x4b: {  	_ =	shalt  }
0x4c: {  	_ =	shalt  }
0x4d: {  	_ =	shalt  }
0x4e: {  	_ =	shalt  }
0x4f: {  	_ =	shalt  }
0x50: {  	_ =	shalt  }
0x51: {  	_ =	shalt  }
0x52: {  	_ =	shalt  }
0x53: {  	_ =	shalt  }
0x54: {  	_ =	shalt  }
0x55: {  	_ =	shalt  }
0x56: {  	_ =	shalt  }
0x57: {  	_ =	shalt  }
0x58: {  	_ =	shalt  }
0x59: {  	_ =	shalt  }
0x5a: {  	_ =	shalt  }
0x5b: {  	_ =	shalt  }
0x5c: {  	_ =	shalt  }
0x5d: {  	_ =	shalt  }
0x5e: {  	_ =	shalt  }
0x5f: {  	_ =	shalt  }
0x60: {  	_ =	shalt  }
0x61: {  	_ =	shalt  }
0x62: {  	_ =	shalt  }
0x63: {  	_ =	shalt  }
0x64: {  	_ =	shalt  }
0x65: {  	_ =	shalt  }
0x66: {  	_ =	shalt  }
0x67: {  	_ =	shalt  }
0x68: {  	_ =	shalt  }
0x69: {  	_ =	shalt  }
0x6a: {  	_ =	shalt  }
0x6b: {  	_ =	shalt  }
0x6c: {  	_ =	shalt  }
0x6d: {  	_ =	shalt  }
0x6e: {  	_ =	shalt  }
0x6f: {  	_ =	shalt  }
0x70: {  	_ =	shalt  }
0x71: {  	_ =	shalt  }
0x72: {  	_ =	shalt  }
0x73: {  	_ =	shalt  }
0x74: {  	_ =	shalt  }
0x75: {  	_ =	shalt  }
0x76: {  	_ =	shalt  }
0x77: {  	_ =	shalt  }
0x78: {  	_ =	shalt  }
0x79: {  	_ =	shalt  }
0x7a: {  	_ =	shalt  }
0x7b: {  	_ =	shalt  }
0x7c: {  	_ =	shalt  }
0x7d: {  	_ =	shalt  }
0x7e: {  	_ =	shalt  }
0x7f: {  	_ =	shalt  }
0x80: {  	_ =	shalt  }
0x81: {  	_ =	shalt  }
0x82: {  	_ =	shalt  }
0x83: {  	_ =	shalt  }
0x84: {  	_ =	shalt  }
0x85: {  	_ =	shalt  }
0x86: {  	_ =	shalt  }
0x87: {  	_ =	shalt  }
.Lfunc_end0:
.L_simem_size_0:
called_computation.2_lowered:
.L_overlay_start_0:
0x88: {  	s2 =	sld [smem:$0x3FD9]  }
0x89: {  	s3 =	sld [smem:$0x3FFE];
	_ =	sdelay $0x1  }
0x8a: {  	s1 =	srdreg.scid  }
0x8b: {  	s0 =	sand.u32 $0x1, s1  }
0x8c: {  	s17 =	sshll.u32 s0, $0xA;
	s2 =	sadd.s32 s3, s2  }
0x8d: {  	s2 =	sadd.s32 s2, s17  }
0x8e: {  	[smem:$0x3FBD] =	sst s2  }
0x8f: {  	_ = 	snop  }
0x90: {  	s18 =	sld [smem:$0x3FD0];
	(tm) =	ssettm $0x1  }
0x91: {  	s19 =	sld [smem:$0x3FFB];
	_ =	sdelay $0x3  }
0x92: {  	_ =	strace s19  }
0x93: {  	s2 =	sld [smem:$0x3FFC];
	_ =	sdelay $0x3  }
0x94: {  	_ =	strace s2  }
0x95: {  	s2 =	sld [smem:$0x3FFD];
	_ =	sdelay $0x3  }
0x96: {  	_ =	strace s2  }
0x97: {  	_ =	strace $0x8FFFFFFF  }
0x98: {  	s20 =	sld [smem:$0x3FDB];
	_ =	sdelay $0x1  }
0x99: {  	s4 =	simm.s32 $_scs_section_size  }
0x9a: {  	s5 =	simm.s32 $_size__tile_overlayer_lowered;
	s6 =	simm.s32 $_tile_overlayer_lowered  }
0x9b: {  	s7 =	simm.s32 $0x1BFF;
	s21 =	sshll.u32 s6, $0x1;
	s4 =	sadd.s32 s4, s20  }
0x9c: {  	s22 =	simm.s32 $0x0;
	s5 =	sshll.u32 s5, $0x1;
	s6 =	sadd.s32 s21, s4  }
0x9d: {  	[timem:s22], [sflag:s7] =	dma.local [hbm:s6], s5  }
0x9e: {  	_ =	swait.ge [sflag:s7], s5  }
0x9f: {  	s5 =	ssub.s32 $0x0, s5;
	[sflag:s7] =	ssyncset.done $0x0  }
0xa0: {  	[sflag:s7] =	ssyncadd.s32 s5;
	_ =	sdelay $0x1  }
0xa1: {  	s23 =	simm.s32 $0x1B8B  }
0xa2: {  	_ =	swait.ge [sflag:s23], $0x1  }
0xa3: {  	[sflag:s23] =	ssyncset.done $0x0  }
0xa4: {  	[sflag:s23] =	ssyncadd.s32 $0xFFFFFFFF  }
0xa5: {  	s5 =	sld [smem:$0x0]  }
0xa6: {  	s6 =	sand.u32 $0xFFFFFFFE, s1  }
0xa7: {  	p0 =	sne.s32 s1, s6  }
0xa8: {  	s6 =	sshll.u32 @p0 s6, $0xE  }
0xa9: {  	s6 =	sadd.s32 @p0 $0x11B8D, s6;
	s7 =	sshll.u32 @p0 s5, $0x11  }
0xaa: {  	s6 =	sor.u32 @p0 s7, s6  }
0xab: {  	[sflag:s6] =	ssyncadd.remote.s32 @p0 $0x1;
	_ =	sdelay $0x1  }
0xac: {  	s6 =	simm.s32 @p0 $0x1B8D  }
0xad: {  	_ =	swait.eq @p0 [sflag:s6], $0x1  }
0xae: {  	[sflag:s6] =	ssyncadd.s32 @p0 $0xFFFFFFFF  }
0xaf: {  	s7 =	sshll.u32 @!p0 s1, $0xE  }
0xb0: {  	s7 =	sor.u32 @!p0 $0x4000, s7;
	s6 =	simm.s32 @!p0 $0x1B8D  }
0xb1: {  	s5 =	sshll.u32 @!p0 s5, $0x11;
	s7 =	sadd.s32 @!p0 $0x11B8D, s7;
	_ =	swait.eq @!p0 [sflag:s6], $0x1  }
0xb2: {  	s5 =	sor.u32 @!p0 s5, s7;
	[sflag:s6] =	ssyncadd.s32 @!p0 $0xFFFFFFFF  }
0xb3: {  	s25 =	simm.s32 $0x1B8E;
	s24 =	sld [smem:$0x3FFE];
	[sflag:s5] =	ssyncadd.remote.s32 @!p0 $0x1  }
0xb4: {  	s26 =	simm.s32 $execute0_lowered;
	[smem:$0x3FD2] =	sst s25  }
0xb5: {  	s6 =	sshll.u32 s26, $0x1;
	_ =	strace $0x80000049;
	[dreg:$0x1] =	wrdreg $0xFFFFFFFF  }
0xb6: {  	s28 =	simm.s32 $_size_execute0_lowered;
	s4 =	sadd.s32 s4, s6;
	[dreg:$0x0] =	wrdreg $0x0  }
0xb7: {  	s6 =	sshll.u32 s28, $0x1;
	[dreg:$0x2] =	wrdreg s4  }
0xb8: {  	[dreg:$0x3] =	wrdreg s6  }
0xb9: {  	[dreg:$0x4] =	wrdreg $0xC0  }
0xba: {  	_ =	task [dreg:s22], $0x5FFFF  }
0xbb: {  	[dreg:$0x1] =	wrdreg $0xFFFFFFFF  }
0xbc: {  	[dreg:$0x0] =	wrdreg $0x60  }
0xbd: {  	[dreg:$0x2] =	wrdreg s24  }
0xbe: {  	[dreg:$0x3] =	wrdreg s18  }
0xbf: {  	[dreg:$0x4] =	wrdreg $0x0  }
0xc0: {  	[dreg:$0x5] =	wrdreg $0xA  }
0xc1: {  	_ =	task.clear_ibuf [dreg:s22], $0x6FFFF;
	_ =	strace $0x90000049  }
0xc2: {  	s29 =	simm.s32 $0xA;
	_ =	strace $0x8000004B  }
0xc3: {  	_ =	swait.ge [sflag:s29], $0x1  }
0xc4: {  	[sflag:s29] =	ssyncadd.s32 $0xFFFFFFFF  }
0xc5: {  	_ =	strace $0x9000004B  }
0xc6: {  	_ =	sfence  }
0xc7: {  	s30 =	sld [smem:$0x0];
	_ =	sdelay $0x2  }
0xc8: {  	s31 =	sshll.u32 s1, $0xD;
	s1 =	sshrl.u32 s1, $0x2  }
0xc9: {  	s4 =	sand.u32 $0x4000, s31;
	s1 =	sadd.s32 s1, s30  }
0xca: {  	s0 =	sor.u32 s4, s0;
	s1 =	sshll.u32 s1, $0x11  }
0xcb: {  	s0 =	sor.u32 s1, s0  }
0xcc: {  	s0 =	sadd.s32 $0x8F2B, s0  }
0xcd: {  	[sflag:s0] =	ssyncadd.remote.s32 $0x1  }
0xce: {  	_ =	sfence.sel $0xFFFF  }
0xcf: {  	[dreg:$0x0] =	wrdreg $0xFFFFFFFF;
	(pc) =	sbr.abs _section_cstart, $3  }
0xd0: {  	[dreg:$0x1] =	wrdreg $0xFFFFFFFF  }
0xd1: {  	_ =	task.clear_ibuf [dreg:s22], $0x2FFFF;
	_ =	strace $0x9FFFFFFF  }
0xd2: {  	(tm) =	ssettm $0x7FFFFFFF  }
0xd3: {  	_ =	shalt  }
tec
execute0_lowered:
.L_overlay_start_1:
0x0: {  	(tag) =	ssettag $0x1  }
0x1: {  	s4 =	rddreg [dreg:$0x0]  }
0x2: {  	s1 =	rddreg [dreg:$0x1]  }
0x3: {  	s2 =	rddreg [dreg:$0x2]  }
0x4: {  	s0 =	rddreg [dreg:$0x3]  }
0x5: {  	s3 =	simm.s32 $0x0;
	s7 =	srdreg.scid;
	s11 =	simm.s32 $0x3808  }
0x6: {  	s12 =	simm.s32 $0x1;
	s13 =	simm.s32 $0x3908;
	s14 =	simm.s32 $0x80  }
0x7: {  	s17 =	simm.s32 $0x3B88;
	s18 =	simm.s32 $0x3A88;
	s19 =	simm.s32 $0x3C08  }
0x8: {  	s20 =	simm.s32 $0x0;
	s25 =	simm.s32 $0x0;
	[smem:$0x7FF] =	sst s3  }
0x9: {  	s5 =	sadd.s32 $0x2E00, s4;
	s6 =	sadd.s32 $0xD600, s4;
	s7 =	sand.u32 $0x1, s7  }
0xa: {  	s4 =	stileid.u32;
	_ =	strace $0x8000004A;
	s8 =	ssub.s32 $0x2, s7  }
0xb: {  	s9 =	sshll.u32 s7, $0x4;
	s15 =	smul.u32 $0x3800, s4;
	s10 =	sshrl.u32 s8, $0x1  }
0xc: {  	v5 =	vlaneseq.u32;
	s16 =	smul.u32 $0x1388, s7;
	s9 =	sor.u32 s4, s9;
	s10 =	ssub.s32 s8, s10  }
0xd: {  	v3 =	vimm.s32 $0x0;
	v2 =	vor.u32 $0x38000, v5;
	s7 =	sadd.s32 s15, s2;
	s8 =	smul.u32 $0x3800, s9;
	v0 =	vor.u32 s15, v5;
	s15 =	simm.s32 $0x3B08  }
0xe: {  	v4 =	vmul.u32 $0x80000, v5;
	v1 =	vmov s16;
	s16 =	simm.s32 $0x3A08;
	v5 =	vmul.u32 $0x39, v5;
	s9 =	smax.u32 s10, $0x1;
	s10 =	smul.u32 $0xA00, s4  }
.LBB2_1:
0xf: {  	_ = 	snop  }
0x10: {  	s21 =	sadd.s32 $0x0, s10  }
0x11: {  	s22 =	sand.u32 $0x60, s3;
	s21 =	sand.u32 $0x1FF80, s21  }
0x12: {  	s21 =	sor.u32 s22, s21  }
0x13: {  	s22 =	sadd.s32 s5, s21  }
0x14: {  	[tilespmem:s11], [sflag:$0x1] =	stream.linear.gather [hbm4b:s22+s3], $0x100, $0x38;
	[tilespmem:$0x4488] =	vst v63  }
0x15: {  	_ =	swait.ge [sflag:s12], $0x100  }
0x16: {  	[sflag:s12] =	ssyncset.done $0x0  }
0x17: {  	s21 =	sadd.s32 s1, s21;
	[sflag:s12] =	ssyncadd.s32 $0xFFFFFF00  }
0x18: {  	[tilespmem:s13], [sflag:$0x1] =	stream.linear.gather [hbm4b:s21+s3], $0x100, $0x38;
	[tilespmem:$0x4488] =	vst v63  }
0x19: {  	_ =	swait.ge [sflag:s12], $0x100  }
0x1a: {  	[sflag:s12] =	ssyncset.done $0x0  }
0x1b: {  	[sflag:s12] =	ssyncadd.s32 $0xFFFFFF00  }
0x1c: {  	v6 =	vld [tilespmem:$0x3968]  }
0x1d: {  	v7 =	vld [tilespmem:$0x3958]  }
0x1e: {  	v8 =	vld [tilespmem:$0x3948]  }
0x1f: {  	v9 =	vld [tilespmem:$0x3938]  }
0x20: {  	v10 =	vld [tilespmem:$0x3928]  }
0x21: {  	v11 =	vld [tilespmem:$0x3908]  }
0x22: {  	v12 =	vld [tilespmem:$0x3858]  }
0x23: {  	v13 =	vld [tilespmem:$0x3978]  }
0x24: {  	v15 =	vld [tilespmem:$0x3848]  }
0x25: {  	v16 =	vld [tilespmem:$0x3878]  }
0x26: {  	vm0 =	vlt.s32 v3, $0x37F;
	v17 =	vld [tilespmem:$0x3838]  }
0x27: {  	v14 =	vnsel vm0, $0x37F, v3;
	v18 =	vld [tilespmem:$0x3918]  }
0x28: {  	v14 =	vshll.u32 v14, $0x4;
	v20 =	vld [tilespmem:$0x3818]  }
0x29: {  	v14 =	vadd.s32 v0, v14;
	v23 =	vld [tilespmem:$0x3808];
	v9 =	vsub.s32 v9, v1  }
0x2a: {  	v10 =	vsub.s32 v10, v1;
	v8 =	vsub.s32 v8, v1;
	v11 =	vsub.s32 v11, v1  }
0x2b: {  	v7 =	vsub.s32 v7, v1;
	v12 =	vshll.u32 v12, $0xD;
	v13 =	vsub.s32 v13, v1  }
0x2c: {  	v54 =	vld [tilespmem:$0x3868];
	v15 =	vshll.u32 v15, $0xD;
	v16 =	vshll.u32 v16, $0xD;
	v17 =	vshll.u32 v17, $0xD  }
0x2d: {  	v6 =	vsub.s32 v6, v1;
	v53 =	vsub.s32 v18, v1;
	v55 =	vshll.u32 v20, $0xD  }
0x2e: {  	v23 =	vshll.u32 v23, $0xD;
	vm2 =	vlt.u32 v9, $0x1388;
	vm0 =	vlt.u32 v10, $0x1388  }
0x2f: {  	vm3 =	vlt.u32 v11, $0x1388;
	vm1 =	vlt.u32 v7, $0x1388;
	v9 =	vadd.s32 v17, v9  }
0x30: {  	v7 =	vadd.s32 v12, v7;
	vm4 =	vlt.u32 v53, $0x1388;
	v17 =	vadd.s32 v55, v53  }
0x31: {  	v11 =	vadd.s32 v23, v11;
	vm6 =	vlt.u32 v6, $0x1388;
	v12 =	vshll.u32 v54, $0xD  }
0x32: {  	vm12 =	vlt.u32 v13, $0x1388;
	v13 =	vadd.s32 v16, v13;
	v19 =	vsel vm2, $0x1, v3  }
0x33: {  	v14 =	vsel vm3, v14, v2;
	v21 =	vsel vm3, $0x1, v3;
	v22 =	vsel vm0, $0x1, v3  }
0x34: {  	vm3 =	vlt.u32 v8, $0x1388;
	v56 =	vsel vm4, $0x1, v3;
	v58 =	vsel vm1, $0x1, v3  }
0x35: {  	v59 =	vsel vm6, $0x1, v3;
	v6 =	vadd.s32 v12, v6;
	v21 =	vadd.s32 v21, v3  }
0x36: {  	v8 =	vadd.s32 v15, v8;
	vm5 =	vlt.s32 v21, $0x37F;
	v20 =	vadd.s32 v56, v21  }
0x37: {  	[tilespmem:$0x3A58] =	vst v7;
	v24 =	vsel vm3, $0x1, v3;
	v57 =	vnsel vm5, $0x37F, v21;
	v22 =	vadd.s32 v22, v20  }
0x38: {  	[tilespmem:$0x3A38] =	vst v9;
	vm15 =	vlt.s32 v20, $0x37F;
	vm14 =	vlt.s32 v22, $0x37F;
	v19 =	vadd.s32 v19, v22  }
0x39: {  	[tilespmem:$0x3A18] =	vst v17;
	v18 =	vshll.u32 v57, $0x4;
	v63 =	vnsel vm15, $0x37F, v20;
	v60 =	vadd.s32 v24, v19  }
0x3a: {  	[tilespmem:$0x3A08] =	vst v11;
	v22 =	vnsel vm14, $0x37F, v22;
	v7 =	vadd.s32 v0, v18;
	v9 =	vadd.s32 v58, v60  }
0x3b: {  	[tilespmem:$0x3A78] =	vst v13;
	vm7 =	vlt.s32 v19, $0x37F;
	v7 =	vsel vm4, v7, v2;
	vm13 =	vlt.s32 v9, $0x37F  }
0x3c: {  	[tilespmem:$0x3A68] =	vst v6;
	v61 =	vshll.u32 v22, $0x4;
	v6 =	vadd.s32 v59, v9;
	v9 =	vnsel vm13, $0x37F, v9  }
0x3d: {  	v62 =	vld [tilespmem:$0x3828];
	v11 =	vnsel vm7, $0x37F, v19;
	vm14 =	vlt.s32 v60, $0x37F;
	[tilespmem:$0x3B18] =	vst v7;
	v7 =	vshll.u32 v9, $0x4  }
0x3e: {  	[tilespmem:$0x3B08] =	vst v14;
	vm8 =	vlt.s32 v6, $0x37F;
	v9 =	vshll.u32 v11, $0x4;
	v7 =	vadd.s32 v0, v7  }
0x3f: {  	[tilespmem:$0x3A48] =	vst v8;
	v11 =	vnsel vm8, $0x37F, v6;
	v9 =	vadd.s32 v0, v9;
	v7 =	vsel vm6, v7, v2  }
0x40: {  	v12 =	vadd.s32 v0, v61;
	v11 =	vshll.u32 v11, $0x4;
	v9 =	vsel vm3, v9, v2;
	[tilespmem:$0x3B68] =	vst v7  }
0x41: {  	v8 =	vnsel vm14, $0x37F, v60;
	v11 =	vadd.s32 v0, v11;
	v7 =	vsel vm2, v12, v2;
	[tilespmem:$0x3B48] =	vst v9  }
0x42: {  	v9 =	vsel vm12, v11, v2;
	v11 =	vshll.u32 v62, $0xD;
	v12 =	vshll.u32 v63, $0x4;
	[tilespmem:$0x3B38] =	vst v7  }
0x43: {  	v7 =	vshll.u32 v8, $0x4;
	v8 =	vadd.s32 v11, v10;
	v10 =	vadd.s32 v0, v12;
	[tilespmem:$0x3B78] =	vst v9  }
0x44: {  	v7 =	vadd.s32 v0, v7;
	v9 =	vsel vm0, v10, v2;
	[tilespmem:$0x3A28] =	vst v8  }
0x45: {  	v7 =	vsel vm1, v7, v2;
	[tilespmem:$0x3B28] =	vst v9  }
0x46: {  	[tilespmem:$0x3B58] =	vst v7  }
0x47: {  	[spmem:s2] =	stream.indirect.scatter [tilespmem:s16], [sflag:$0x1], $0x1, s15, s14, $0xb8;
	[tilespmem:$0x4488] =	vst v63  }
0x48: {  	_ =	swait.ge [sflag:s12], $0x80  }
0x49: {  	v7 =	vsel vm12, $0x1, v3;
	[sflag:s12] =	ssyncset.done $0x0  }
0x4a: {  	v8 =	vadd.s32 v7, v6;
	[sflag:s12] =	ssyncadd.s32 $0xFFFFFF80  }
0x4b: {  	vm15 =	vlt.s32 v8, $0x37F;
	v9 =	vld [tilespmem:$0x39D8]  }
0x4c: {  	v6 =	vnsel vm15, $0x37F, v8;
	v7 =	vld [tilespmem:$0x38D8]  }
0x4d: {  	s21 =	simm.s32 $0x20;
	v6 =	vshll.u32 v6, $0x4;
	v10 =	vld [tilespmem:$0x39B8]  }
.LBB2_2:
0x4e: {  	p0 =	sne.s32 s21, $0x9E0;
	v11 =	vld [tilespmem:$0x39C8];
	s22 =	smov.u32 s21;
	s21 =	sadd.s32 $0x20, s21  }
0x4f: {  	v12 =	vld [tilespmem:$0x3988]  }
0x50: {  	v13 =	vld [tilespmem:$0x3998]  }
0x51: {  	v14 =	vld [tilespmem:$0x39E8]  }
0x52: {  	v15 =	vld [tilespmem:$0x39F8]  }
0x53: {  	v11 =	vsub.s32 v11, v1;
	v16 =	vld [tilespmem:$0x38F8]  }
0x54: {  	v10 =	vsub.s32 v10, v1;
	v12 =	vsub.s32 v12, v1;
	v17 =	vld [tilespmem:$0x38C8]  }
0x55: {  	vm4 =	vlt.u32 v11, $0x1388;
	vm1 =	vlt.u32 v12, $0x1388;
	v13 =	vsub.s32 v13, v1;
	v18 =	vld [tilespmem:$0x39A8]  }
0x56: {  	v21 =	vsel vm4, $0x1, v3;
	v19 =	vsel vm1, $0x1, v3;
	v20 =	vld [tilespmem:$0x38A8];
	v14 =	vsub.s32 v14, v1  }
0x57: {  	v9 =	vsub.s32 v9, v1;
	vm3 =	vlt.u32 v10, $0x1388;
	vm2 =	vlt.u32 v13, $0x1388;
	v22 =	vld [tilespmem:$0x38E8]  }
0x58: {  	v24 =	vsel vm3, $0x1, v3;
	vm5 =	vlt.u32 v14, $0x1388;
	v23 =	vld [tilespmem:$0x3898];
	v16 =	vshll.u32 v16, $0xD  }
0x59: {  	vm0 =	vlt.u32 v9, $0x1388;
	v8 =	vadd.s32 v19, v8;
	v19 =	vsel vm2, $0x1, v3;
	v25 =	vld [tilespmem:$0x3888]  }
0x5a: {  	v27 =	vsel vm0, $0x1, v3;
	v15 =	vsub.s32 v15, v1;
	v17 =	vshll.u32 v17, $0xD;
	v26 =	vld [tilespmem:$0x38B8]  }
0x5b: {  	vm7 =	vlt.u32 v15, $0x1388;
	v15 =	vadd.s32 v16, v15;
	v20 =	vshll.u32 v20, $0xD  }
0x5c: {  	v16 =	vadd.s32 v19, v8;
	v18 =	vsub.s32 v18, v1;
	v11 =	vadd.s32 v17, v11  }
0x5d: {  	vm8 =	vlt.s32 v16, $0x37F;
	vm6 =	vlt.u32 v18, $0x1388;
	v17 =	vshll.u32 v22, $0xD;
	[tilespmem:$0x3AF8] =	vst v15  }
0x5e: {  	v19 =	vnsel vm8, $0x37F, v16;
	v22 =	vsel vm7, $0x1, v3;
	v15 =	vshll.u32 v25, $0xD  }
0x5f: {  	vm8 =	vlt.s32 v8, $0x37F;
	v19 =	vshll.u32 v19, $0x4;
	v25 =	vshll.u32 v26, $0xD;
	[tilespmem:$0x3AC8] =	vst v11  }
0x60: {  	v11 =	vadd.s32 v20, v18;
	v18 =	vadd.s32 v0, v19;
	v19 =	vsel vm6, $0x1, v3  }
0x61: {  	v8 =	vnsel vm8, $0x37F, v8;
	v14 =	vadd.s32 v17, v14;
	[tilespmem:$0x3AA8] =	vst v11;
	v11 =	vadd.s32 v19, v16  }
0x62: {  	v10 =	vadd.s32 v25, v10;
	vm8 =	vlt.s32 v11, $0x37F;
	v16 =	vadd.s32 v24, v11;
	[tilespmem:$0x3AE8] =	vst v14  }
0x63: {  	v14 =	vsel vm5, $0x1, v3;
	[tilespmem:$0x3AB8] =	vst v10;
	vm9 =	vlt.s32 v16, $0x37F;
	v10 =	vadd.s32 v21, v16  }
0x64: {  	v11 =	vnsel vm8, $0x37F, v11;
	v16 =	vnsel vm9, $0x37F, v16;
	v17 =	vadd.s32 v27, v10  }
0x65: {  	v7 =	vshll.u32 v7, $0xD;
	vm8 =	vlt.s32 v17, $0x37F;
	v14 =	vadd.s32 v14, v17  }
0x66: {  	v7 =	vadd.s32 v7, v9;
	v9 =	vnsel vm8, $0x37F, v17;
	vm8 =	vlt.s32 v14, $0x37F  }
0x67: {  	v16 =	vshll.u32 v16, $0x4;
	[tilespmem:$0x3AD8] =	vst v7;
	v7 =	vshll.u32 v9, $0x4;
	v9 =	vnsel vm8, $0x37F, v14  }
0x68: {  	v16 =	vadd.s32 v0, v16;
	v7 =	vadd.s32 v0, v7;
	v9 =	vshll.u32 v9, $0x4  }
0x69: {  	v16 =	vsel vm4, v16, v2;
	v7 =	vsel vm5, v7, v2;
	v9 =	vadd.s32 v0, v9  }
0x6a: {  	v8 =	vshll.u32 v8, $0x4;
	[tilespmem:$0x3BE8] =	vst v7;
	v9 =	vsel vm7, v9, v2;
	v7 =	vadd.s32 v22, v14  }
0x6b: {  	v8 =	vadd.s32 v0, v8;
	v11 =	vshll.u32 v11, $0x4;
	v14 =	vshll.u32 v23, $0xD;
	[tilespmem:$0x3BF8] =	vst v9  }
0x6c: {  	v6 =	vadd.s32 v0, v6;
	v11 =	vadd.s32 v0, v11;
	v9 =	vsel vm6, v18, v2;
	[tilespmem:$0x3BC8] =	vst v16  }
0x6d: {  	v6 =	vsel vm1, v6, v2;
	v11 =	vsel vm3, v11, v2;
	v13 =	vadd.s32 v14, v13  }
0x6e: {  	v12 =	vadd.s32 v15, v12;
	v8 =	vsel vm2, v8, v2;
	[tilespmem:$0x3BB8] =	vst v11  }
0x6f: {  	[tilespmem:$0x3BA8] =	vst v9  }
0x70: {  	[tilespmem:$0x3B88] =	vst v6  }
0x71: {  	[tilespmem:$0x3A98] =	vst v13  }
0x72: {  	[tilespmem:$0x3A88] =	vst v12  }
0x73: {  	[tilespmem:$0x3B98] =	vst v8;
	_ =	sdelay $0x2  }
0x74: {  	vm1 =	vlt.s32 v7, $0x37F  }
0x75: {  	v6 =	vnsel vm1, $0x37F, v7  }
0x76: {  	vm1 =	vlt.s32 v10, $0x37F;
	v6 =	vshll.u32 v6, $0x4  }
0x77: {  	v8 =	vnsel vm1, $0x37F, v10  }
0x78: {  	v8 =	vshll.u32 v8, $0x4  }
0x79: {  	v8 =	vadd.s32 v0, v8  }
0x7a: {  	v8 =	vsel vm0, v8, v2  }
0x7b: {  	s23 =	sadd.s32 s22, s10;
	[tilespmem:$0x3BD8] =	vst v8  }
0x7c: {  	[spmem:s2] =	stream.indirect.scatter [tilespmem:s18], [sflag:$0x1], $0x1, s17, s14, $0xb8;
	[tilespmem:$0x4488] =	vst v63  }
0x7d: {  	s22 =	sand.u32 $0x60, s22;
	s23 =	sand.u32 $0x1FF80, s23;
	_ =	swait.ge [sflag:s12], $0x80  }
0x7e: {  	s22 =	sor.u32 s22, s23;
	[sflag:s12] =	ssyncset.done $0x0  }
0x7f: {  	s23 =	sadd.s32 s5, s22;
	[sflag:s12] =	ssyncadd.s32 $0xFFFFFF80;
	_ =	sdelay $0x1  }
0x80: {  	[tilespmem:s11], [sflag:$0x1] =	stream.linear.gather [hbm4b:s23+s3], $0x100, $0x38;
	[tilespmem:$0x4488] =	vst v63  }
0x81: {  	_ =	swait.ge [sflag:s12], $0x100  }
0x82: {  	s22 =	sadd.s32 s1, s22;
	[sflag:s12] =	ssyncset.done $0x0  }
0x83: {  	[sflag:s12] =	ssyncadd.s32 $0xFFFFFF00  }
0x84: {  	[tilespmem:s13], [sflag:$0x1] =	stream.linear.gather [hbm4b:s22+s3], $0x100, $0x38;
	[tilespmem:$0x4488] =	vst v63  }
0x85: {  	_ =	swait.ge [sflag:s12], $0x100  }
0x86: {  	[sflag:s12] =	ssyncset.done $0x0  }
0x87: {  	[sflag:s12] =	ssyncadd.s32 $0xFFFFFF00  }
0x88: {  	v8 =	vld [tilespmem:$0x3968]  }
0x89: {  	v9 =	vld [tilespmem:$0x3958]  }
0x8a: {  	v10 =	vld [tilespmem:$0x3948]  }
0x8b: {  	v11 =	vld [tilespmem:$0x3938]  }
0x8c: {  	v12 =	vld [tilespmem:$0x3928]  }
0x8d: {  	v6 =	vadd.s32 v0, v6;
	v13 =	vld [tilespmem:$0x3918]  }
0x8e: {  	v14 =	vld [tilespmem:$0x3908]  }
0x8f: {  	v15 =	vld [tilespmem:$0x3858]  }
0x90: {  	v11 =	vsub.s32 v11, v1;
	v16 =	vld [tilespmem:$0x3978]  }
0x91: {  	v12 =	vsub.s32 v12, v1;
	vm1 =	vlt.u32 v11, $0x1388;
	v17 =	vld [tilespmem:$0x3848]  }
0x92: {  	v10 =	vsub.s32 v10, v1;
	vm0 =	vlt.u32 v12, $0x1388;
	v18 =	vld [tilespmem:$0x3878]  }
0x93: {  	v9 =	vsub.s32 v9, v1;
	v20 =	vsel vm1, $0x1, v3;
	v14 =	vsub.s32 v14, v1;
	v19 =	vld [tilespmem:$0x3838]  }
0x94: {  	vm3 =	vlt.u32 v14, $0x1388;
	v21 =	vld [tilespmem:$0x3828];
	v15 =	vshll.u32 v15, $0xD  }
0x95: {  	vm2 =	vlt.u32 v9, $0x1388;
	v6 =	vsel vm3, v6, v2;
	v22 =	vld [tilespmem:$0x3818];
	v16 =	vsub.s32 v16, v1  }
0x96: {  	v23 =	vld [tilespmem:$0x3808];
	[tilespmem:$0x3B08] =	vst v6;
	v6 =	vshll.u32 v17, $0xD  }
0x97: {  	v24 =	vsel vm0, $0x1, v3;
	v17 =	vsel vm3, $0x1, v3;
	v25 =	vld [tilespmem:$0x3868];
	v18 =	vshll.u32 v18, $0xD  }
0x98: {  	v8 =	vsub.s32 v8, v1;
	v7 =	vadd.s32 v17, v7;
	v17 =	vshll.u32 v19, $0xD  }
0x99: {  	v9 =	vadd.s32 v15, v9;
	vm3 =	vlt.u32 v10, $0x1388;
	v11 =	vadd.s32 v17, v11  }
0x9a: {  	v13 =	vsub.s32 v13, v1;
	vm4 =	vlt.s32 v7, $0x37F;
	v15 =	vshll.u32 v22, $0xD;
	[tilespmem:$0x3A58] =	vst v9  }
0x9b: {  	v9 =	vadd.s32 v15, v13;
	v15 =	vnsel vm4, $0x37F, v7;
	[tilespmem:$0x3A38] =	vst v11;
	v11 =	vsel vm2, $0x1, v3  }
0x9c: {  	vm6 =	vlt.u32 v13, $0x1388;
	vm4 =	vlt.u32 v8, $0x1388;
	[tilespmem:$0x3A18] =	vst v9;
	v9 =	vsel vm3, $0x1, v3  }
0x9d: {  	v17 =	vsel vm6, $0x1, v3;
	v13 =	vshll.u32 v23, $0xD;
	v19 =	vsel vm4, $0x1, v3  }
0x9e: {  	v7 =	vadd.s32 v17, v7;
	v13 =	vadd.s32 v13, v14;
	v14 =	vshll.u32 v25, $0xD  }
0x9f: {  	vm5 =	vlt.s32 v7, $0x37F;
	[tilespmem:$0x3A08] =	vst v13;
	v13 =	vshll.u32 v15, $0x4;
	v15 =	vadd.s32 v24, v7  }
0xa0: {  	v13 =	vadd.s32 v0, v13;
	vm7 =	vlt.s32 v15, $0x37F;
	v17 =	vadd.s32 v20, v15  }
0xa1: {  	v8 =	vadd.s32 v14, v8;
	v15 =	vnsel vm7, $0x37F, v15;
	v9 =	vadd.s32 v9, v17  }
0xa2: {  	v13 =	vsel vm6, v13, v2;
	vm7 =	vlt.s32 v17, $0x37F;
	v11 =	vadd.s32 v11, v9;
	[tilespmem:$0x3A68] =	vst v8  }
0xa3: {  	v6 =	vadd.s32 v6, v10;
	vm6 =	vlt.u32 v16, $0x1388;
	v8 =	vshll.u32 v15, $0x4;
	[tilespmem:$0x3B18] =	vst v13  }
0xa4: {  	v10 =	vnsel vm7, $0x37F, v17;
	v13 =	vadd.s32 v18, v16;
	[tilespmem:$0x3A48] =	vst v6;
	v6 =	vadd.s32 v19, v11  }
0xa5: {  	vm7 =	vlt.s32 v9, $0x37F;
	vm8 =	vlt.s32 v11, $0x37F;
	vm9 =	vlt.s32 v6, $0x37F;
	[tilespmem:$0x3A78] =	vst v13  }
0xa6: {  	v9 =	vnsel vm7, $0x37F, v9;
	v11 =	vnsel vm8, $0x37F, v11;
	v13 =	vsel vm6, $0x1, v3  }
0xa7: {  	v10 =	vshll.u32 v10, $0x4;
	v11 =	vshll.u32 v11, $0x4;
	v14 =	vnsel vm9, $0x37F, v6  }
0xa8: {  	v10 =	vadd.s32 v0, v10;
	v9 =	vshll.u32 v9, $0x4;
	v11 =	vadd.s32 v0, v11  }
0xa9: {  	v8 =	vadd.s32 v0, v8;
	v11 =	vsel vm4, v11, v2;
	v14 =	vshll.u32 v14, $0x4  }
0xaa: {  	v8 =	vsel vm1, v8, v2;
	v10 =	vsel vm3, v10, v2;
	[tilespmem:$0x3B68] =	vst v11;
	v11 =	vadd.s32 v0, v14  }
0xab: {  	v7 =	vnsel vm5, $0x37F, v7;
	v9 =	vadd.s32 v0, v9;
	[tilespmem:$0x3B48] =	vst v10;
	v10 =	vsel vm6, v11, v2  }
0xac: {  	v7 =	vshll.u32 v7, $0x4;
	v9 =	vsel vm2, v9, v2;
	v11 =	vshll.u32 v21, $0xD;
	[tilespmem:$0x3B38] =	vst v8  }
0xad: {  	v7 =	vadd.s32 v0, v7;
	v11 =	vadd.s32 v11, v12;
	v8 =	vadd.s32 v13, v6;
	[tilespmem:$0x3B78] =	vst v10  }
0xae: {  	v6 =	vsel vm0, v7, v2;
	vm0 =	vlt.s32 v8, $0x37F;
	[tilespmem:$0x3A28] =	vst v11  }
0xaf: {  	[tilespmem:$0x3B28] =	vst v6;
	v6 =	vnsel vm0, $0x37F, v8  }
0xb0: {  	[tilespmem:$0x3B58] =	vst v9;
	v6 =	vshll.u32 v6, $0x4  }
0xb1: {  	[spmem:s2] =	stream.indirect.scatter [tilespmem:s16], [sflag:$0x1], $0x1, s15, s14, $0xb8;
	[tilespmem:$0x4488] =	vst v63  }
0xb2: {  	_ =	swait.ge [sflag:s12], $0x80  }
.Ltmp0:
0xb3: {  	[sflag:s12] =	ssyncset.done $0x0;
	(pc) =	sbr.rel @p0 .LBB2_2-.Ltmp0, $4  }
0xb4: {  	[sflag:s12] =	ssyncadd.s32 $0xFFFFFF80  }
0xb5: {  	v9 =	vld [tilespmem:$0x39D8]  }
0xb6: {  	v7 =	vld [tilespmem:$0x38D8]  }
0xb7: {  	v10 =	vld [tilespmem:$0x39B8]  }
0xb8: {  	v11 =	vld [tilespmem:$0x39C8]  }
0xb9: {  	v12 =	vld [tilespmem:$0x3988]  }
0xba: {  	v13 =	vld [tilespmem:$0x3998]  }
0xbb: {  	v14 =	vld [tilespmem:$0x39E8]  }
0xbc: {  	v15 =	vld [tilespmem:$0x39F8]  }
0xbd: {  	v16 =	vld [tilespmem:$0x38F8]  }
0xbe: {  	v17 =	vld [tilespmem:$0x38C8]  }
0xbf: {  	v19 =	vld [tilespmem:$0x38A8]  }
0xc0: {  	v21 =	vld [tilespmem:$0x39A8]  }
0xc1: {  	v22 =	vld [tilespmem:$0x38E8]  }
0xc2: {  	v24 =	vld [tilespmem:$0x3888];
	v6 =	vadd.s32 v0, v6;
	v9 =	vsub.s32 v9, v1  }
0xc3: {  	v25 =	vld [tilespmem:$0x38B8];
	vm2 =	vlt.u32 v9, $0x1388;
	v7 =	vshll.u32 v7, $0xD;
	v10 =	vsub.s32 v10, v1  }
0xc4: {  	v26 =	vsel vm2, $0x1, v3;
	v7 =	vadd.s32 v7, v9;
	v11 =	vsub.s32 v11, v1  }
0xc5: {  	v12 =	vsub.s32 v12, v1;
	v13 =	vsub.s32 v13, v1;
	v14 =	vsub.s32 v14, v1  }
0xc6: {  	vm5 =	vlt.u32 v10, $0x1388;
	v16 =	vshll.u32 v16, $0xD;
	v17 =	vshll.u32 v17, $0xD  }
0xc7: {  	v15 =	vsub.s32 v15, v1;
	v19 =	vshll.u32 v19, $0xD;
	v42 =	vsub.s32 v21, v1  }
0xc8: {  	v43 =	vshll.u32 v22, $0xD;
	v44 =	vshll.u32 v24, $0xD;
	v25 =	vshll.u32 v25, $0xD  }
0xc9: {  	vm1 =	vlt.u32 v12, $0x1388;
	vm4 =	vlt.u32 v11, $0x1388;
	vm0 =	vlt.u32 v13, $0x1388  }
0xca: {  	v23 =	vsel vm5, $0x1, v3;
	vm6 =	vlt.u32 v14, $0x1388;
	vm3 =	vlt.u32 v15, $0x1388  }
0xcb: {  	v15 =	vadd.s32 v16, v15;
	v11 =	vadd.s32 v17, v11;
	vm7 =	vlt.u32 v42, $0x1388  }
0xcc: {  	v14 =	vadd.s32 v43, v14;
	v10 =	vadd.s32 v25, v10;
	v63 =	vadd.s32 v44, v12  }
0xcd: {  	v18 =	vsel vm1, $0x1, v3;
	v20 =	vsel vm4, $0x1, v3;
	v40 =	vsel vm0, $0x1, v3  }
0xce: {  	v45 =	vsel vm7, $0x1, v3;
	v49 =	vsel vm6, $0x1, v3;
	v8 =	vadd.s32 v18, v8  }
0xcf: {  	v6 =	vsel vm1, v6, v2;
	v18 =	vadd.s32 v19, v42;
	v41 =	vadd.s32 v40, v8  }
0xd0: {  	[tilespmem:$0x3AD8] =	vst v7;
	vm13 =	vlt.s32 v8, $0x37F;
	vm8 =	vlt.s32 v41, $0x37F;
	v16 =	vadd.s32 v45, v41  }
0xd1: {  	[tilespmem:$0x3AF8] =	vst v15;
	v46 =	vnsel vm8, $0x37F, v41;
	v47 =	vadd.s32 v23, v16;
	vm14 =	vlt.s32 v16, $0x37F  }
0xd2: {  	[tilespmem:$0x3AC8] =	vst v11;
	v48 =	vadd.s32 v20, v47;
	vm9 =	vlt.s32 v47, $0x37F;
	v50 =	vnsel vm14, $0x37F, v16  }
0xd3: {  	[tilespmem:$0x3AE8] =	vst v14;
	v61 =	vshll.u32 v46, $0x4;
	v20 =	vadd.s32 v26, v48;
	v51 =	vnsel vm9, $0x37F, v47  }
0xd4: {  	[tilespmem:$0x3AB8] =	vst v10;
	v60 =	vshll.u32 v50, $0x4;
	vm15 =	vlt.s32 v20, $0x37F;
	v15 =	vadd.s32 v49, v20  }
0xd5: {  	[tilespmem:$0x3A88] =	vst v63;
	v62 =	vadd.s32 v0, v61;
	v52 =	vnsel vm15, $0x37F, v20;
	vm12 =	vlt.s32 v15, $0x37F  }
0xd6: {  	[tilespmem:$0x3B88] =	vst v6;
	vm14 =	vlt.s32 v48, $0x37F;
	v53 =	vshll.u32 v52, $0x4;
	v54 =	vnsel vm12, $0x37F, v15  }
0xd7: {  	v57 =	vld [tilespmem:$0x3898];
	[tilespmem:$0x3AA8] =	vst v18;
	v9 =	vsel vm7, v62, v2;
	v55 =	vadd.s32 v0, v53;
	v56 =	vshll.u32 v54, $0x4  }
0xd8: {  	v16 =	vshll.u32 v51, $0x4;
	[tilespmem:$0x3BA8] =	vst v9;
	v7 =	vsel vm6, v55, v2;
	v58 =	vadd.s32 v0, v56  }
0xd9: {  	v6 =	vnsel vm14, $0x37F, v48;
	v59 =	vadd.s32 v0, v16;
	[tilespmem:$0x3BE8] =	vst v7;
	v7 =	vsel vm3, v58, v2  }
0xda: {  	v6 =	vshll.u32 v6, $0x4;
	v10 =	vsel vm4, v59, v2;
	[tilespmem:$0x3BF8] =	vst v7;
	v7 =	vadd.s32 v0, v60  }
0xdb: {  	v8 =	vnsel vm13, $0x37F, v8;
	v6 =	vadd.s32 v0, v6;
	[tilespmem:$0x3BC8] =	vst v10;
	v7 =	vsel vm5, v7, v2  }
0xdc: {  	v8 =	vshll.u32 v8, $0x4;
	v6 =	vsel vm2, v6, v2;
	[tilespmem:$0x3BB8] =	vst v7;
	v7 =	vshll.u32 v57, $0xD  }
0xdd: {  	v8 =	vadd.s32 v0, v8;
	[tilespmem:$0x3BD8] =	vst v6;
	v7 =	vadd.s32 v7, v13  }
0xde: {  	[tilespmem:$0x3A98] =	vst v7;
	v7 =	vsel vm0, v8, v2  }
0xdf: {  	[tilespmem:$0x3B98] =	vst v7  }
0xe0: {  	v6 =	vsel vm3, $0x1, v3;
	[spmem:s2] =	stream.indirect.scatter [tilespmem:s18], [sflag:$0x1], $0x1, s17, s14, $0xb8;
	[tilespmem:$0x4488] =	vst v63  }
0xe1: {  	v6 =	vadd.s32 v6, v15;
	_ =	swait.ge [sflag:s12], $0x80  }
0xe2: {  	vm15 =	vlt.s32 v6, $0x380;
	[sflag:s12] =	ssyncset.done $0x0  }
0xe3: {  	v6 =	vnsel vm15, $0x380, v6;
	[sflag:s12] =	ssyncadd.s32 $0xFFFFFF80  }
0xe4: {  	s21 =	simm.s32 $0x0;
	[tilespmem:$0x4408] =	vst v6  }
.LBB2_4:
0xe5: {  	s22 =	sshll.u32 s21, $0xB  }
0xe6: {  	s23 =	sadd.s32 s22, s7  }
0xe7: {  	[tilespmem:s19], [sflag:$0x1] =	stream.linear.gather [spmem:s23], $0x800, $0x38;
	[tilespmem:$0x4488] =	vst v63  }
0xe8: {  	_ =	swait.ge [sflag:s12], $0x800  }
0xe9: {  	[sflag:s12] =	ssyncset.done $0x0  }
0xea: {  	s31 =	sshll.u32 s21, $0x7;
	[sflag:s12] =	ssyncadd.s32 $0xFFFFF800  }
0xeb: {  	v7 =	vmov s31;
	v8 =	vld [tilespmem:s25+$0x3C08]  }
0xec: {  	v9 =	vshll.u32 v7, $0xD;
	v10 =	vadd.s32 v5, v7  }
0xed: {  	v9 =	vadd.s32 v4, v9;
	v10 =	vand.u32 $0x3FF, v10  }
0xee: {  	v9 =	vor.u32 v9, v10  }
0xef: {  	vm0 =	vlt.s32 v7, v6;
	v9 =	vadd.s32 $0x1388, v9  }
0xf0: {  	v8 =	vsel vm0, v8, v9  }
0xf1: {  	s24 =	simm.s32 $0x80;
	s23 =	simm.s32 $0x10;
	[tilespmem:s25+$0x3C08] =	vst v8  }
.LBB2_5:
0xf2: {  	p0 =	sne.s32 s24, $0x1FC0;
	v8 =	vld [tilespmem:s23+$0x3C08];
	v7 =	vadd.s32 $0x1, v7  }
0xf3: {  	v9 =	vshll.u32 v7, $0xD;
	v10 =	vadd.s32 v5, v7  }
.Ltmp1:
0xf4: {  	v9 =	vadd.s32 v4, v9;
	v10 =	vand.u32 $0x3FF, v10;
	(pc) =	sbr.rel @p0 .LBB2_5-.Ltmp1, $4  }
0xf5: {  	v9 =	vor.u32 v9, v10  }
0xf6: {  	vm0 =	vlt.s32 v7, v6;
	v9 =	vadd.s32 $0x1388, v9  }
0xf7: {  	v8 =	vsel vm0, v8, v9  }
0xf8: {  	[tilespmem:s23+$0x3C08] =	vst v8;
	s23 =	sshra.s32 s24, $0x2;
	s24 =	sadd.s32 $0x40, s24  }
0xf9: {  	v8 =	vld [tilespmem:s23+$0x3C08];
	v7 =	vadd.s32 $0x1, v7  }
0xfa: {  	v9 =	vshll.u32 v7, $0xD;
	v10 =	vadd.s32 v5, v7  }
0xfb: {  	v9 =	vadd.s32 v4, v9;
	v10 =	vand.u32 $0x3FF, v10  }
0xfc: {  	v9 =	vor.u32 v9, v10  }
0xfd: {  	s22 =	sadd.s32 s8, s22;
	s21 =	sadd.s32 $0x1, s21;
	vm0 =	vlt.s32 v7, v6;
	v9 =	vadd.s32 $0x1388, v9  }
0xfe: {  	s22 =	sshrl.u32 s22, $0x3;
	p0 =	sne.s32 s21, $0x7;
	v7 =	vsel vm0, v8, v9  }
.Ltmp2:
0xff: {  	s22 =	sadd.s32 s6, s22;
	[tilespmem:s23+$0x3C08] =	vst v7;
	(pc) =	sbr.rel @p0 .LBB2_4-.Ltmp2, $4  }
0x100: {  	[hbm4b:s22+s3] =	stream.linear.scatter [tilespmem:s19], [sflag:$0x1], $0x800, $0x38;
	[tilespmem:$0x4488] =	vst v63  }
0x101: {  	_ =	swait.ge [sflag:s12], $0x800  }
0x102: {  	[sflag:s12] =	ssyncset.done $0x0  }
0x103: {  	[sflag:s12] =	ssyncadd.s32 $0xFFFFF800  }
0x104: {  	s20 =	sadd.s32 $0x1, s20  }
0x105: {  	p0 =	sne.s32 s20, s9  }
.Ltmp3:
0x106: {  	_ = 	snop;
	(pc) =	sbr.rel @p0 .LBB2_1-.Ltmp3, $1  }
0x107: {  	_ =	sdelay $0x3  }
0x108: {  	_ =	sfence.sel $0x180000  }
0x109: {  	[bflag:$0x0] =	sbarrier.arrive $0xFFFF  }
0x10a: {  	p0 =	sne.s32 s4, $0x0;
	_ =	strace $0x9000004A  }
0x10b: {  	s0 =	sadd.s32 @!p0 $0x100000, s0;
	[bflag:$0x2] =	sbarrier.arrive $0xFFFF  }
0x10c: {  	[sflag:s0] =	ssyncadd.tile.s32 @!p0 $0x1;
	_ =	shalt  }
.Lfunc_end2:
_tile_overlayer_lowered:
.L_overlay_start_2:
0x10d: {  	(tag) =	ssettag $0x2  }
0x10e: {  	s0 =	rddreg [dreg:$0x0];
	s2 =	stileid.u32  }
0x10f: {  	s1 =	rddreg [dreg:$0x1];
	p0 =	sne.s32 s2, $0x0  }
0x110: {  	s3 =	rddreg [dreg:$0x2];
	[bflag:$0x3] =	sbarrier.arrive $0xFFFF;
	s2 =	simm.s32 @!p0 $0x1C01  }
0x111: {  	[timem:s3], [sflag:s2] =	dma.local @!p0 [hbm:s0], s1  }
0x112: {  	s0 =	simm.s32 @!p0 $0x1  }
0x113: {  	_ =	swait.ge @!p0 [sflag:s0], s1  }
0x114: {  	s1 =	ssub.s32 @!p0 $0x0, s1;
	[sflag:s0] =	ssyncset.done @!p0 $0x0  }
0x115: {  	[sflag:s0] =	ssyncadd.s32 @!p0 s1  }
0x116: {  	[bflag:$0x3] =	sbarrier.arrive $0xFFFF  }
0x117: {  	_ =	shalt  }

</sc_bundles>
